<compile_context>
chip_gen: v7x
topology: tpu7x:2x2x1
jax: 0.10.2.dev20260603
libtpu: 0.0.44.dev20260713+nightly
codegen_flags: <defaults>
</compile_context>

<pallas_src>
import functools

import jax
import jax.numpy as jnp
from jax import lax
from jax.experimental import pallas as pl
from jax.experimental.pallas import tpu as pltpu
from jax.experimental.pallas import tpu_sc as plsc

NC = 2
NS = 16
NW = NC * NS
CHUNK = 128
NB = 8
NBW = 4


def _pipeline(table, sblk, dblk, rows, acc, gs, ss, nchunks, nb):
    for j in range(nb):
        pltpu.async_copy(table.at[sblk.at[j]], rows.at[j], gs[j])

    @pl.loop(0, nchunks, step=nb)
    def _(i):
        for j in range(nb):
            pltpu.make_async_copy(table.at[sblk.at[0]],
                                  rows.at[j], gs[j]).wait()
            pltpu.async_copy(rows.at[j], acc.at[dblk.at[i + j]], ss[j],
                             add=True)
        for j in range(nb):
            @pl.when(i + nb + j < nchunks)
            def _():
                pltpu.make_async_copy(rows.at[j], acc.at[dblk.at[0]],
                                      ss[j]).wait()
                pltpu.async_copy(table.at[sblk.at[i + nb + j]],
                                 rows.at[j], gs[j])

    for j in range(nb):
        pltpu.make_async_copy(rows.at[j], acc.at[dblk.at[0]], ss[j]).wait()


def _writeout(acc, out_hbm, c, s, sub_rows, last_rows):
    @pl.when(s < NS - 1)
    def _():
        pltpu.sync_copy(acc.at[pl.ds(s * sub_rows, sub_rows)],
                        out_hbm.at[c, pl.ds(s * sub_rows, sub_rows)])

    @pl.when(s == NS - 1)
    def _():
        pltpu.sync_copy(acc.at[pl.ds((NS - 1) * sub_rows, last_rows)],
                        out_hbm.at[c, pl.ds((NS - 1) * sub_rows, last_rows)])


def _segment_sum_sc(p, eip, zblk, n_nodes, acc_rows, cpw):
    H = p.shape[1]
    sub_rows = acc_rows // NS
    last_rows = n_nodes - (NS - 1) * sub_rows
    mesh = plsc.VectorSubcoreMesh(core_axis_name="c", subcore_axis_name="s")

    @functools.partial(
        pl.kernel,
        out_type=jax.ShapeDtypeStruct((NC, n_nodes, H), jnp.float32),
        mesh=mesh,
        compiler_params=pltpu.CompilerParams(use_tc_tiling_on_sc=False),
        scratch_types=[
            pltpu.VMEM((cpw, CHUNK), jnp.int32),
            pltpu.VMEM((cpw, CHUNK), jnp.int32),
            pltpu.VMEM((NB, CHUNK, H), jnp.float32),
            pltpu.VMEM_SHARED((n_nodes, H), jnp.float32),
            pltpu.VMEM_SHARED((acc_rows, H), jnp.float32),
        ] + [pltpu.SemaphoreType.DMA] * (2 * NB),
    )
    def seg_kernel(p_hbm, e_hbm, z_hbm, out_hbm, sblk, dblk, rows, table,
                   acc, *sems):
        c = lax.axis_index("c")
        s = lax.axis_index("s")
        w = c * NS + s

        pltpu.sync_copy(z_hbm, acc.at[pl.ds(s * sub_rows, sub_rows)])

        @pl.when(s < NS - 1)
        def _():
            pltpu.sync_copy(p_hbm.at[pl.ds(s * sub_rows, sub_rows)],
                            table.at[pl.ds(s * sub_rows, sub_rows)])

        @pl.when(s == NS - 1)
        def _():
            pltpu.sync_copy(p_hbm.at[pl.ds((NS - 1) * sub_rows, last_rows)],
                            table.at[pl.ds((NS - 1) * sub_rows, last_rows)])

        pltpu.sync_copy(e_hbm.at[0, w], sblk)
        pltpu.sync_copy(e_hbm.at[1, w], dblk)
        plsc.subcore_barrier()
        _pipeline(table, sblk, dblk, rows, acc, sems[:NB], sems[NB:], cpw,
                  NB)
        plsc.subcore_barrier()
        _writeout(acc, out_hbm, c, s, sub_rows, last_rows)

    return seg_kernel(p, eip, zblk)


def _segment_sum_wide_sc(x2, eip, zblk, n_nodes, acc_rows, cpw):
    HW = x2.shape[2]
    sub_rows = acc_rows // NS
    last_rows = n_nodes - (NS - 1) * sub_rows
    cp2 = 2 * cpw
    mesh = plsc.VectorSubcoreMesh(core_axis_name="c", subcore_axis_name="s")

    @functools.partial(
        pl.kernel,
        out_type=jax.ShapeDtypeStruct((NC, n_nodes, HW), jnp.float32),
        mesh=mesh,
        compiler_params=pltpu.CompilerParams(use_tc_tiling_on_sc=False),
        scratch_types=[
            pltpu.VMEM((cp2, CHUNK), jnp.int32),
            pltpu.VMEM((cp2, CHUNK), jnp.int32),
            pltpu.VMEM((NBW, CHUNK, HW), jnp.float32),
            pltpu.VMEM_SHARED((acc_rows, HW), jnp.float32),
        ] + [pltpu.SemaphoreType.DMA] * (2 * NBW),
    )
    def seg_kernel(x2_hbm, e_hbm, z_hbm, out_hbm, sblk, dblk, rows, acc,
                   *sems):
        c = lax.axis_index("c")
        s = lax.axis_index("s")

        pltpu.sync_copy(z_hbm, acc.at[pl.ds(s * sub_rows, sub_rows)])
        pltpu.sync_copy(e_hbm.at[0, 2 * s], sblk.at[pl.ds(0, cpw)])
        pltpu.sync_copy(e_hbm.at[0, 2 * s + 1], sblk.at[pl.ds(cpw, cpw)])
        pltpu.sync_copy(e_hbm.at[1, 2 * s], dblk.at[pl.ds(0, cpw)])
        pltpu.sync_copy(e_hbm.at[1, 2 * s + 1], dblk.at[pl.ds(cpw, cpw)])
        plsc.subcore_barrier()
        table = x2_hbm.at[c]
        _pipeline(table, sblk, dblk, rows, acc, sems[:NBW], sems[NBW:], cp2,
                  NBW)
        plsc.subcore_barrier()
        _writeout(acc, out_hbm, c, s, sub_rows, last_rows)

    return seg_kernel(x2, eip, zblk)


def _layer_dense(h, agg, w1, b1, w2, b2, blk, split_cols):
    n, hw = h.shape
    k = w1.shape[1]
    ho = w2.shape[1]
    gw = hw // NC if split_cols else hw

    def body(h_ref, g_ref, w1_ref, b1_ref, w2_ref, b2_ref, o_ref):
        if split_cols:
            z = h_ref[...] + jnp.concatenate([g_ref[0], g_ref[1]], axis=1)
        else:
            z = h_ref[...] + g_ref[0] + g_ref[1]
        t = jnp.maximum(
            jnp.dot(z, w1_ref[...], preferred_element_type=jnp.float32)
            + b1_ref[...], 0.0)
        o_ref[...] = jnp.dot(
            t, w2_ref[...], preferred_element_type=jnp.float32) + b2_ref[...]

    return pl.pallas_call(
        body,
        grid=(n // blk,),
        in_specs=[pl.BlockSpec((blk, hw), lambda i: (i, 0)),
                  pl.BlockSpec((NC, blk, gw), lambda i: (0, i, 0)),
                  pl.BlockSpec((hw, k), lambda i: (0, 0)),
                  pl.BlockSpec((1, k), lambda i: (0, 0)),
                  pl.BlockSpec((k, ho), lambda i: (0, 0)),
                  pl.BlockSpec((1, ho), lambda i: (0, 0))],
        out_specs=pl.BlockSpec((blk, ho), lambda i: (i, 0)),
        out_shape=jax.ShapeDtypeStruct((n, ho), jnp.float32),
    )(h, agg, w1, b1.reshape(1, k), w2, b2.reshape(1, ho))


def kernel(x, edge_index, W11, b11, W12, b12, W21, b21, W22, b22, W31, b31,
           W32, b32):
    n, d = x.shape
    h = W11.shape[1]
    e = edge_index.shape[1]

    cpw = 4 * (-(-e // (NW * CHUNK * 4)))
    e_pad = cpw * NW * CHUNK
    sub_rows = 8 * (-(-(n + 1) // (NS * 8)))
    acc_rows = NS * sub_rows
    blk = 1000 if n % 1000 == 0 else 8 * (n // 8)

    pad = e_pad - e
    eip = jnp.stack([
        jnp.concatenate([edge_index[0], jnp.zeros((pad,), jnp.int32)]),
        jnp.concatenate([edge_index[1], jnp.full((pad,), n, jnp.int32)]),
    ]).reshape(2, NW, cpw, CHUNK)
    dw = d // NC
    x2 = jnp.stack([x[:, :dw], x[:, dw:]])
    zwide = jnp.zeros((acc_rows // NS, dw), jnp.float32)
    zblk = jnp.zeros((acc_rows // NS, h), jnp.float32)

    g1 = _segment_sum_wide_sc(x2, eip, zwide, n, acc_rows, cpw)
    h1 = _layer_dense(x, g1, W11, b11, W12, b12, blk, split_cols=True)
    g2 = _segment_sum_sc(h1, eip, zblk, n, acc_rows, cpw)
    h2 = _layer_dense(h1, g2, W21, b21, W22, b22, blk, split_cols=False)
    g3 = _segment_sum_sc(h2, eip, zblk, n, acc_rows, cpw)
    return _layer_dense(h2, g3, W31, b31, W32, b32, blk, split_cols=False)

# --- scband reference (transcript-rebuilt; emitter-appended) ---
"""Pipeline reference for scband-net-66640712565218 (READ-ONLY COPY).

The authoritative reference and input builder live on the scoring server;
editing this copy changes nothing except your own understanding.
"""

import jax, jax.numpy as jnp
import numpy as np

N = 10000
E = 320000
D = 128
H = 32


def _lin(k, fan_in, fan_out):
    return jax.random.normal(k, (fan_in, fan_out), dtype=jnp.float32) * (1.0 / np.sqrt(fan_in))


def setup_inputs(seed: int = 0):
    key = jax.random.key(seed)
    ks = jax.random.split(key, 10)
    x = jax.random.normal(ks[0], (N, D), dtype=jnp.float32)
    edge_index = jax.random.randint(ks[1], (2, E), 0, N, dtype=jnp.int32)
    inp = {
        "x": x,
        "edge_index": edge_index,
        "W11": _lin(ks[2], D, H), "b11": jnp.zeros((H,), jnp.float32),
        "W12": _lin(ks[3], H, H), "b12": jnp.zeros((H,), jnp.float32),
        "W21": _lin(ks[4], H, H), "b21": jnp.zeros((H,), jnp.float32),
        "W22": _lin(ks[5], H, H), "b22": jnp.zeros((H,), jnp.float32),
        "W31": _lin(ks[6], H, H), "b31": jnp.zeros((H,), jnp.float32),
        "W32": _lin(ks[7], H, 1), "b32": jnp.zeros((1,), jnp.float32),
    }
    return inp


def _gin_layer(h, src, dst, W1, b1, W2, b2):
    # GINConv with eps=0: mlp((1+eps)*x + sum_{j in N(i)} x_j)
    agg = jax.ops.segment_sum(h[src], dst, num_segments=h.shape[0])
    z = h + agg
    z = jnp.maximum(z @ W1 + b1, 0.0)
    z = z @ W2 + b2
    return z


def reference(x, edge_index, W11, b11, W12, b12, W21, b21, W22, b22, W31, b31, W32, b32):
    src = edge_index[0]
    dst = edge_index[1]
    h = _gin_layer(x, src, dst, W11, b11, W12, b12)
    h = _gin_layer(h, src, dst, W21, b21, W22, b22)
    h = _gin_layer(h, src, dst, W31, b31, W32, b32)
    return h

if __name__ == "__main__":
    import jax
    _d = setup_inputs()
    print(jax.jit(kernel)(*tuple(_d.values())))

</pallas_src>

<mosaic_0001>
#map = affine_map<(d0, d1) -> (0, 0, 0)>
#map1 = affine_map<(d0, d1) -> (0, 0, 0, 0)>
#map2 = affine_map<(d0, d1) -> (0, 0)>
module attributes {stable_mosaic.version = 14 : i64} {
  func.func @seg_kernel(%arg0: i32, %arg1: i32, %arg2: memref<2x10000x64xf32, #tpu.memory_space<hbm>>, %arg3: memref<2x32x80x128xi32, #tpu.memory_space<hbm>>, %arg4: memref<632x64xf32, #tpu.memory_space<hbm>>, %arg5: memref<2x10000x64xf32, #tpu.memory_space<hbm>>, %arg6: memref<160x128xi32, #tpu.memory_space<vmem>>, %arg7: memref<160x128xi32, #tpu.memory_space<vmem>>, %arg8: memref<4x128x64xf32, #tpu.memory_space<vmem>>, %arg9: memref<10112x64xf32, #tpu.memory_space<vmem_shared>>, %arg10: memref<!tpu.dma_semaphore, #tpu.memory_space<semaphore_mem>>, %arg11: memref<!tpu.dma_semaphore, #tpu.memory_space<semaphore_mem>>, %arg12: memref<!tpu.dma_semaphore, #tpu.memory_space<semaphore_mem>>, %arg13: memref<!tpu.dma_semaphore, #tpu.memory_space<semaphore_mem>>, %arg14: memref<!tpu.dma_semaphore, #tpu.memory_space<semaphore_mem>>, %arg15: memref<!tpu.dma_semaphore, #tpu.memory_space<semaphore_mem>>, %arg16: memref<!tpu.dma_semaphore, #tpu.memory_space<semaphore_mem>>, %arg17: memref<!tpu.dma_semaphore, #tpu.memory_space<semaphore_mem>>) attributes {dimension_semantics = [#tpu.dimension_semantics<core_parallel>, #tpu.dimension_semantics<subcore_parallel>], iteration_bounds = array<i64: 2, 16>, scalar_prefetch = 0 : i64, scratch_operands = 12 : i64, tpu.core_type = #tpu.core_type<sc_vector_subcore>, window_params = [{transform_indices = #map}, {transform_indices = #map1}, {transform_indices = #map2}, {transform_indices = #map}]} {
    %mul3A = arith.constant 632 : i32
    %mul3A_0 = arith.muli %arg1, %mul3A : i32
    "tpu.region"() ({
      %run_scoped3A_136 = tpu.sem_alloc : memref<!tpu.dma_semaphore, #tpu.memory_space<semaphore_mem>>
      %dma_start3A_137 = arith.constant 0 : i32
      %dma_start3A_138 = tpu.memref_slice %arg9[%mul3A_0, %dma_start3A_137] : memref<10112x64xf32, #tpu.memory_space<vmem_shared>> -> memref<632x64xf32, #tpu.memory_space<vmem_shared>>
      tpu.enqueue_dma source(%arg4 : memref<632x64xf32, #tpu.memory_space<hbm>>) target(%dma_start3A_138 : memref<632x64xf32, #tpu.memory_space<vmem_shared>>) target_semaphore(%run_scoped3A_136 : memref<!tpu.dma_semaphore, #tpu.memory_space<semaphore_mem>>)
      %dma_wait3A_139 = arith.constant 0 : i32
      %dma_wait3A_140 = tpu.memref_slice %arg9[%mul3A_0, %dma_wait3A_139] : memref<10112x64xf32, #tpu.memory_space<vmem_shared>> -> memref<632x64xf32, #tpu.memory_space<vmem_shared>>
      tpu.wait_dma2 semaphore(%run_scoped3A_136 : memref<!tpu.dma_semaphore, #tpu.memory_space<semaphore_mem>>) src(%arg4 : memref<632x64xf32, #tpu.memory_space<hbm>>) dst(%dma_wait3A_140 : memref<632x64xf32, #tpu.memory_space<vmem_shared>>)
      tpu.yield
    }) : () -> ()
    %mul3A_1 = arith.constant 2 : i32
    %mul3A_2 = arith.muli %mul3A_1, %arg1 : i32
    %run_scoped3A = arith.constant 0 : i32
    "tpu.region"() ({
      %run_scoped3A_136 = tpu.sem_alloc : memref<!tpu.dma_semaphore, #tpu.memory_space<semaphore_mem>>
      %dma_start3A_137 = arith.constant 0 : i32
      %dma_start3A_138 = arith.constant 0 : i32
      %dma_start3A_139 = tpu.memref_slice %arg6[%dma_start3A_137, %dma_start3A_138] : memref<160x128xi32, #tpu.memory_space<vmem>> -> memref<80x128xi32, #tpu.memory_space<vmem>>
      %dma_start3A_140 = arith.constant 0 : i32
      %dma_start3A_141 = arith.constant 0 : i32
      %dma_start3A_142 = tpu.memref_slice %arg3[%run_scoped3A, %mul3A_2, %dma_start3A_140, %dma_start3A_141] : memref<2x32x80x128xi32, #tpu.memory_space<hbm>> -> memref<1x1x80x128xi32, #tpu.memory_space<hbm>>
      %dma_start3A_143 = tpu.memref_squeeze %dma_start3A_142 : memref<1x1x80x128xi32, #tpu.memory_space<hbm>> -> memref<80x128xi32, #tpu.memory_space<hbm>>
      %dma_start3A_144 = arith.constant 0 : i32
      %dma_start3A_145 = arith.constant 0 : i32
      %dma_start3A_146 = tpu.memref_slice %arg6[%dma_start3A_144, %dma_start3A_145] : memref<160x128xi32, #tpu.memory_space<vmem>> -> memref<80x128xi32, #tpu.memory_space<vmem>>
      %dma_start3A_147 = arith.constant 0 : i32
      %dma_start3A_148 = arith.constant 0 : i32
      %dma_start3A_149 = tpu.memref_slice %arg3[%run_scoped3A, %mul3A_2, %dma_start3A_147, %dma_start3A_148] : memref<2x32x80x128xi32, #tpu.memory_space<hbm>> -> memref<1x1x80x128xi32, #tpu.memory_space<hbm>>
      %dma_start3A_150 = tpu.memref_squeeze %dma_start3A_149 : memref<1x1x80x128xi32, #tpu.memory_space<hbm>> -> memref<80x128xi32, #tpu.memory_space<hbm>>
      tpu.enqueue_dma source(%dma_start3A_150 : memref<80x128xi32, #tpu.memory_space<hbm>>) target(%dma_start3A_146 : memref<80x128xi32, #tpu.memory_space<vmem>>) target_semaphore(%run_scoped3A_136 : memref<!tpu.dma_semaphore, #tpu.memory_space<semaphore_mem>>)
      %dma_wait3A_151 = arith.constant 0 : i32
      %dma_wait3A_152 = arith.constant 0 : i32
      %dma_wait3A_153 = tpu.memref_slice %arg6[%dma_wait3A_151, %dma_wait3A_152] : memref<160x128xi32, #tpu.memory_space<vmem>> -> memref<80x128xi32, #tpu.memory_space<vmem>>
      %dma_wait3A_154 = arith.constant 0 : i32
      %dma_wait3A_155 = arith.constant 0 : i32
      %dma_wait3A_156 = tpu.memref_slice %arg3[%run_scoped3A, %mul3A_2, %dma_wait3A_154, %dma_wait3A_155] : memref<2x32x80x128xi32, #tpu.memory_space<hbm>> -> memref<1x1x80x128xi32, #tpu.memory_space<hbm>>
      %dma_wait3A_157 = tpu.memref_squeeze %dma_wait3A_156 : memref<1x1x80x128xi32, #tpu.memory_space<hbm>> -> memref<80x128xi32, #tpu.memory_space<hbm>>
      %dma_wait3A_158 = arith.constant 0 : i32
      %dma_wait3A_159 = arith.constant 0 : i32
      %dma_wait3A_160 = tpu.memref_slice %arg6[%dma_wait3A_158, %dma_wait3A_159] : memref<160x128xi32, #tpu.memory_space<vmem>> -> memref<80x128xi32, #tpu.memory_space<vmem>>
      %dma_wait3A_161 = arith.constant 0 : i32
      %dma_wait3A_162 = arith.constant 0 : i32
      %dma_wait3A_163 = tpu.memref_slice %arg3[%run_scoped3A, %mul3A_2, %dma_wait3A_161, %dma_wait3A_162] : memref<2x32x80x128xi32, #tpu.memory_space<hbm>> -> memref<1x1x80x128xi32, #tpu.memory_space<hbm>>
      %dma_wait3A_164 = tpu.memref_squeeze %dma_wait3A_163 : memref<1x1x80x128xi32, #tpu.memory_space<hbm>> -> memref<80x128xi32, #tpu.memory_space<hbm>>
      tpu.wait_dma2 semaphore(%run_scoped3A_136 : memref<!tpu.dma_semaphore, #tpu.memory_space<semaphore_mem>>) src(%dma_wait3A_164 : memref<80x128xi32, #tpu.memory_space<hbm>>) dst(%dma_wait3A_160 : memref<80x128xi32, #tpu.memory_space<vmem>>)
      tpu.yield
    }) : () -> ()
    %mul3A_3 = arith.constant 2 : i32
    %mul3A_4 = arith.muli %mul3A_3, %arg1 : i32
    %add3A = arith.constant 1 : i32
    %add3A_5 = arith.addi %mul3A_4, %add3A : i32
    %run_scoped3A_6 = arith.constant 0 : i32
    "tpu.region"() ({
      %run_scoped3A_136 = tpu.sem_alloc : memref<!tpu.dma_semaphore, #tpu.memory_space<semaphore_mem>>
      %dma_start3A_137 = arith.constant 80 : i32
      %dma_start3A_138 = arith.constant 0 : i32
      %dma_start3A_139 = tpu.memref_slice %arg6[%dma_start3A_137, %dma_start3A_138] : memref<160x128xi32, #tpu.memory_space<vmem>> -> memref<80x128xi32, #tpu.memory_space<vmem>>
      %dma_start3A_140 = arith.constant 0 : i32
      %dma_start3A_141 = arith.constant 0 : i32
      %dma_start3A_142 = tpu.memref_slice %arg3[%run_scoped3A_6, %add3A_5, %dma_start3A_140, %dma_start3A_141] : memref<2x32x80x128xi32, #tpu.memory_space<hbm>> -> memref<1x1x80x128xi32, #tpu.memory_space<hbm>>
      %dma_start3A_143 = tpu.memref_squeeze %dma_start3A_142 : memref<1x1x80x128xi32, #tpu.memory_space<hbm>> -> memref<80x128xi32, #tpu.memory_space<hbm>>
      %dma_start3A_144 = arith.constant 80 : i32
      %dma_start3A_145 = arith.constant 0 : i32
      %dma_start3A_146 = tpu.memref_slice %arg6[%dma_start3A_144, %dma_start3A_145] : memref<160x128xi32, #tpu.memory_space<vmem>> -> memref<80x128xi32, #tpu.memory_space<vmem>>
      %dma_start3A_147 = arith.constant 0 : i32
      %dma_start3A_148 = arith.constant 0 : i32
      %dma_start3A_149 = tpu.memref_slice %arg3[%run_scoped3A_6, %add3A_5, %dma_start3A_147, %dma_start3A_148] : memref<2x32x80x128xi32, #tpu.memory_space<hbm>> -> memref<1x1x80x128xi32, #tpu.memory_space<hbm>>
      %dma_start3A_150 = tpu.memref_squeeze %dma_start3A_149 : memref<1x1x80x128xi32, #tpu.memory_space<hbm>> -> memref<80x128xi32, #tpu.memory_space<hbm>>
      tpu.enqueue_dma source(%dma_start3A_150 : memref<80x128xi32, #tpu.memory_space<hbm>>) target(%dma_start3A_146 : memref<80x128xi32, #tpu.memory_space<vmem>>) target_semaphore(%run_scoped3A_136 : memref<!tpu.dma_semaphore, #tpu.memory_space<semaphore_mem>>)
      %dma_wait3A_151 = arith.constant 80 : i32
      %dma_wait3A_152 = arith.constant 0 : i32
      %dma_wait3A_153 = tpu.memref_slice %arg6[%dma_wait3A_151, %dma_wait3A_152] : memref<160x128xi32, #tpu.memory_space<vmem>> -> memref<80x128xi32, #tpu.memory_space<vmem>>
      %dma_wait3A_154 = arith.constant 0 : i32
      %dma_wait3A_155 = arith.constant 0 : i32
      %dma_wait3A_156 = tpu.memref_slice %arg3[%run_scoped3A_6, %add3A_5, %dma_wait3A_154, %dma_wait3A_155] : memref<2x32x80x128xi32, #tpu.memory_space<hbm>> -> memref<1x1x80x128xi32, #tpu.memory_space<hbm>>
      %dma_wait3A_157 = tpu.memref_squeeze %dma_wait3A_156 : memref<1x1x80x128xi32, #tpu.memory_space<hbm>> -> memref<80x128xi32, #tpu.memory_space<hbm>>
      %dma_wait3A_158 = arith.constant 80 : i32
      %dma_wait3A_159 = arith.constant 0 : i32
      %dma_wait3A_160 = tpu.memref_slice %arg6[%dma_wait3A_158, %dma_wait3A_159] : memref<160x128xi32, #tpu.memory_space<vmem>> -> memref<80x128xi32, #tpu.memory_space<vmem>>
      %dma_wait3A_161 = arith.constant 0 : i32
      %dma_wait3A_162 = arith.constant 0 : i32
      %dma_wait3A_163 = tpu.memref_slice %arg3[%run_scoped3A_6, %add3A_5, %dma_wait3A_161, %dma_wait3A_162] : memref<2x32x80x128xi32, #tpu.memory_space<hbm>> -> memref<1x1x80x128xi32, #tpu.memory_space<hbm>>
      %dma_wait3A_164 = tpu.memref_squeeze %dma_wait3A_163 : memref<1x1x80x128xi32, #tpu.memory_space<hbm>> -> memref<80x128xi32, #tpu.memory_space<hbm>>
      tpu.wait_dma2 semaphore(%run_scoped3A_136 : memref<!tpu.dma_semaphore, #tpu.memory_space<semaphore_mem>>) src(%dma_wait3A_164 : memref<80x128xi32, #tpu.memory_space<hbm>>) dst(%dma_wait3A_160 : memref<80x128xi32, #tpu.memory_space<vmem>>)
      tpu.yield
    }) : () -> ()
    %mul3A_7 = arith.constant 2 : i32
    %mul3A_8 = arith.muli %mul3A_7, %arg1 : i32
    %run_scoped3A_9 = arith.constant 1 : i32
    "tpu.region"() ({
      %run_scoped3A_136 = tpu.sem_alloc : memref<!tpu.dma_semaphore, #tpu.memory_space<semaphore_mem>>
      %dma_start3A_137 = arith.constant 0 : i32
      %dma_start3A_138 = arith.constant 0 : i32
      %dma_start3A_139 = tpu.memref_slice %arg7[%dma_start3A_137, %dma_start3A_138] : memref<160x128xi32, #tpu.memory_space<vmem>> -> memref<80x128xi32, #tpu.memory_space<vmem>>
      %dma_start3A_140 = arith.constant 0 : i32
      %dma_start3A_141 = arith.constant 0 : i32
      %dma_start3A_142 = tpu.memref_slice %arg3[%run_scoped3A_9, %mul3A_8, %dma_start3A_140, %dma_start3A_141] : memref<2x32x80x128xi32, #tpu.memory_space<hbm>> -> memref<1x1x80x128xi32, #tpu.memory_space<hbm>>
      %dma_start3A_143 = tpu.memref_squeeze %dma_start3A_142 : memref<1x1x80x128xi32, #tpu.memory_space<hbm>> -> memref<80x128xi32, #tpu.memory_space<hbm>>
      %dma_start3A_144 = arith.constant 0 : i32
      %dma_start3A_145 = arith.constant 0 : i32
      %dma_start3A_146 = tpu.memref_slice %arg7[%dma_start3A_144, %dma_start3A_145] : memref<160x128xi32, #tpu.memory_space<vmem>> -> memref<80x128xi32, #tpu.memory_space<vmem>>
      %dma_start3A_147 = arith.constant 0 : i32
      %dma_start3A_148 = arith.constant 0 : i32
      %dma_start3A_149 = tpu.memref_slice %arg3[%run_scoped3A_9, %mul3A_8, %dma_start3A_147, %dma_start3A_148] : memref<2x32x80x128xi32, #tpu.memory_space<hbm>> -> memref<1x1x80x128xi32, #tpu.memory_space<hbm>>
      %dma_start3A_150 = tpu.memref_squeeze %dma_start3A_149 : memref<1x1x80x128xi32, #tpu.memory_space<hbm>> -> memref<80x128xi32, #tpu.memory_space<hbm>>
      tpu.enqueue_dma source(%dma_start3A_150 : memref<80x128xi32, #tpu.memory_space<hbm>>) target(%dma_start3A_146 : memref<80x128xi32, #tpu.memory_space<vmem>>) target_semaphore(%run_scoped3A_136 : memref<!tpu.dma_semaphore, #tpu.memory_space<semaphore_mem>>)
      %dma_wait3A_151 = arith.constant 0 : i32
      %dma_wait3A_152 = arith.constant 0 : i32
      %dma_wait3A_153 = tpu.memref_slice %arg7[%dma_wait3A_151, %dma_wait3A_152] : memref<160x128xi32, #tpu.memory_space<vmem>> -> memref<80x128xi32, #tpu.memory_space<vmem>>
      %dma_wait3A_154 = arith.constant 0 : i32
      %dma_wait3A_155 = arith.constant 0 : i32
      %dma_wait3A_156 = tpu.memref_slice %arg3[%run_scoped3A_9, %mul3A_8, %dma_wait3A_154, %dma_wait3A_155] : memref<2x32x80x128xi32, #tpu.memory_space<hbm>> -> memref<1x1x80x128xi32, #tpu.memory_space<hbm>>
      %dma_wait3A_157 = tpu.memref_squeeze %dma_wait3A_156 : memref<1x1x80x128xi32, #tpu.memory_space<hbm>> -> memref<80x128xi32, #tpu.memory_space<hbm>>
      %dma_wait3A_158 = arith.constant 0 : i32
      %dma_wait3A_159 = arith.constant 0 : i32
      %dma_wait3A_160 = tpu.memref_slice %arg7[%dma_wait3A_158, %dma_wait3A_159] : memref<160x128xi32, #tpu.memory_space<vmem>> -> memref<80x128xi32, #tpu.memory_space<vmem>>
      %dma_wait3A_161 = arith.constant 0 : i32
      %dma_wait3A_162 = arith.constant 0 : i32
      %dma_wait3A_163 = tpu.memref_slice %arg3[%run_scoped3A_9, %mul3A_8, %dma_wait3A_161, %dma_wait3A_162] : memref<2x32x80x128xi32, #tpu.memory_space<hbm>> -> memref<1x1x80x128xi32, #tpu.memory_space<hbm>>
      %dma_wait3A_164 = tpu.memref_squeeze %dma_wait3A_163 : memref<1x1x80x128xi32, #tpu.memory_space<hbm>> -> memref<80x128xi32, #tpu.memory_space<hbm>>
      tpu.wait_dma2 semaphore(%run_scoped3A_136 : memref<!tpu.dma_semaphore, #tpu.memory_space<semaphore_mem>>) src(%dma_wait3A_164 : memref<80x128xi32, #tpu.memory_space<hbm>>) dst(%dma_wait3A_160 : memref<80x128xi32, #tpu.memory_space<vmem>>)
      tpu.yield
    }) : () -> ()
    %mul3A_10 = arith.constant 2 : i32
    %mul3A_11 = arith.muli %mul3A_10, %arg1 : i32
    %add3A_12 = arith.constant 1 : i32
    %add3A_13 = arith.addi %mul3A_11, %add3A_12 : i32
    %run_scoped3A_14 = arith.constant 1 : i32
    "tpu.region"() ({
      %run_scoped3A_136 = tpu.sem_alloc : memref<!tpu.dma_semaphore, #tpu.memory_space<semaphore_mem>>
      %dma_start3A_137 = arith.constant 80 : i32
      %dma_start3A_138 = arith.constant 0 : i32
      %dma_start3A_139 = tpu.memref_slice %arg7[%dma_start3A_137, %dma_start3A_138] : memref<160x128xi32, #tpu.memory_space<vmem>> -> memref<80x128xi32, #tpu.memory_space<vmem>>
      %dma_start3A_140 = arith.constant 0 : i32
      %dma_start3A_141 = arith.constant 0 : i32
      %dma_start3A_142 = tpu.memref_slice %arg3[%run_scoped3A_14, %add3A_13, %dma_start3A_140, %dma_start3A_141] : memref<2x32x80x128xi32, #tpu.memory_space<hbm>> -> memref<1x1x80x128xi32, #tpu.memory_space<hbm>>
      %dma_start3A_143 = tpu.memref_squeeze %dma_start3A_142 : memref<1x1x80x128xi32, #tpu.memory_space<hbm>> -> memref<80x128xi32, #tpu.memory_space<hbm>>
      %dma_start3A_144 = arith.constant 80 : i32
      %dma_start3A_145 = arith.constant 0 : i32
      %dma_start3A_146 = tpu.memref_slice %arg7[%dma_start3A_144, %dma_start3A_145] : memref<160x128xi32, #tpu.memory_space<vmem>> -> memref<80x128xi32, #tpu.memory_space<vmem>>
      %dma_start3A_147 = arith.constant 0 : i32
      %dma_start3A_148 = arith.constant 0 : i32
      %dma_start3A_149 = tpu.memref_slice %arg3[%run_scoped3A_14, %add3A_13, %dma_start3A_147, %dma_start3A_148] : memref<2x32x80x128xi32, #tpu.memory_space<hbm>> -> memref<1x1x80x128xi32, #tpu.memory_space<hbm>>
      %dma_start3A_150 = tpu.memref_squeeze %dma_start3A_149 : memref<1x1x80x128xi32, #tpu.memory_space<hbm>> -> memref<80x128xi32, #tpu.memory_space<hbm>>
      tpu.enqueue_dma source(%dma_start3A_150 : memref<80x128xi32, #tpu.memory_space<hbm>>) target(%dma_start3A_146 : memref<80x128xi32, #tpu.memory_space<vmem>>) target_semaphore(%run_scoped3A_136 : memref<!tpu.dma_semaphore, #tpu.memory_space<semaphore_mem>>)
      %dma_wait3A_151 = arith.constant 80 : i32
      %dma_wait3A_152 = arith.constant 0 : i32
      %dma_wait3A_153 = tpu.memref_slice %arg7[%dma_wait3A_151, %dma_wait3A_152] : memref<160x128xi32, #tpu.memory_space<vmem>> -> memref<80x128xi32, #tpu.memory_space<vmem>>
      %dma_wait3A_154 = arith.constant 0 : i32
      %dma_wait3A_155 = arith.constant 0 : i32
      %dma_wait3A_156 = tpu.memref_slice %arg3[%run_scoped3A_14, %add3A_13, %dma_wait3A_154, %dma_wait3A_155] : memref<2x32x80x128xi32, #tpu.memory_space<hbm>> -> memref<1x1x80x128xi32, #tpu.memory_space<hbm>>
      %dma_wait3A_157 = tpu.memref_squeeze %dma_wait3A_156 : memref<1x1x80x128xi32, #tpu.memory_space<hbm>> -> memref<80x128xi32, #tpu.memory_space<hbm>>
      %dma_wait3A_158 = arith.constant 80 : i32
      %dma_wait3A_159 = arith.constant 0 : i32
      %dma_wait3A_160 = tpu.memref_slice %arg7[%dma_wait3A_158, %dma_wait3A_159] : memref<160x128xi32, #tpu.memory_space<vmem>> -> memref<80x128xi32, #tpu.memory_space<vmem>>
      %dma_wait3A_161 = arith.constant 0 : i32
      %dma_wait3A_162 = arith.constant 0 : i32
      %dma_wait3A_163 = tpu.memref_slice %arg3[%run_scoped3A_14, %add3A_13, %dma_wait3A_161, %dma_wait3A_162] : memref<2x32x80x128xi32, #tpu.memory_space<hbm>> -> memref<1x1x80x128xi32, #tpu.memory_space<hbm>>
      %dma_wait3A_164 = tpu.memref_squeeze %dma_wait3A_163 : memref<1x1x80x128xi32, #tpu.memory_space<hbm>> -> memref<80x128xi32, #tpu.memory_space<hbm>>
      tpu.wait_dma2 semaphore(%run_scoped3A_136 : memref<!tpu.dma_semaphore, #tpu.memory_space<semaphore_mem>>) src(%dma_wait3A_164 : memref<80x128xi32, #tpu.memory_space<hbm>>) dst(%dma_wait3A_160 : memref<80x128xi32, #tpu.memory_space<vmem>>)
      tpu.yield
    }) : () -> ()
    %barrier3A = arith.constant 0 : index
    tpu.barrier barrier_id(%barrier3A)
    %dma_start3A = arith.constant 0 : i32
    %dma_start3A_15 = arith.constant 0 : i32
    %dma_start3A_16 = arith.constant 0 : i32
    %dma_start3A_17 = arith.constant 0 : i32
    %dma_start3A_18 = tpu.memref_slice %arg8[%dma_start3A_15, %dma_start3A_16, %dma_start3A_17] : memref<4x128x64xf32, #tpu.memory_space<vmem>> -> memref<1x128x64xf32, #tpu.memory_space<vmem>>
    %dma_start3A_19 = tpu.memref_squeeze %dma_start3A_18 : memref<1x128x64xf32, #tpu.memory_space<vmem>> -> memref<128x64xf32, #tpu.memory_space<vmem>>
    %dma_start3A_20 = arith.constant 0 : i32
    %dma_start3A_21 = tpu.memref_slice %arg6[%dma_start3A, %dma_start3A_20] : memref<160x128xi32, #tpu.memory_space<vmem>> -> memref<1x128xi32, #tpu.memory_space<vmem>>
    %dma_start3A_22 = tpu.memref_squeeze %dma_start3A_21 : memref<1x128xi32, #tpu.memory_space<vmem>> -> memref<128xi32, #tpu.memory_space<vmem>>
    %dma_start3A_23 = arith.constant 0 : i32
    %dma_start3A_24 = arith.constant 0 : i32
    %dma_start3A_25 = tpu.memref_slice %arg2[%arg0, %dma_start3A_23, %dma_start3A_24] : memref<2x10000x64xf32, #tpu.memory_space<hbm>> -> memref<1x10000x64xf32, #tpu.memory_space<hbm>>
    %dma_start3A_26 = tpu.memref_squeeze %dma_start3A_25 : memref<1x10000x64xf32, #tpu.memory_space<hbm>> -> memref<10000x64xf32, #tpu.memory_space<hbm>>
    %dma_start3A_27 = arith.constant 0 : i32
    %dma_start3A_28 = arith.constant 0 : i32
    %dma_start3A_29 = tpu.memref_slice %dma_start3A_26[%dma_start3A_27, %dma_start3A_28] : memref<10000x64xf32, #tpu.memory_space<hbm>> -> memref<10000x64xf32, #tpu.memory_space<hbm>>
    tpu.enqueue_indirect_dma source(%dma_start3A_29 : memref<10000x64xf32, #tpu.memory_space<hbm>>) target(%dma_start3A_19 : memref<128x64xf32, #tpu.memory_space<vmem>>) offsets(%dma_start3A_22 : memref<128xi32, #tpu.memory_space<vmem>>) semaphore(%arg10 : memref<!tpu.dma_semaphore, #tpu.memory_space<semaphore_mem>>)
    %dma_start3A_30 = arith.constant 1 : i32
    %dma_start3A_31 = arith.constant 1 : i32
    %dma_start3A_32 = arith.constant 0 : i32
    %dma_start3A_33 = arith.constant 0 : i32
    %dma_start3A_34 = tpu.memref_slice %arg8[%dma_start3A_31, %dma_start3A_32, %dma_start3A_33] : memref<4x128x64xf32, #tpu.memory_space<vmem>> -> memref<1x128x64xf32, #tpu.memory_space<vmem>>
    %dma_start3A_35 = tpu.memref_squeeze %dma_start3A_34 : memref<1x128x64xf32, #tpu.memory_space<vmem>> -> memref<128x64xf32, #tpu.memory_space<vmem>>
    %dma_start3A_36 = arith.constant 0 : i32
    %dma_start3A_37 = tpu.memref_slice %arg6[%dma_start3A_30, %dma_start3A_36] : memref<160x128xi32, #tpu.memory_space<vmem>> -> memref<1x128xi32, #tpu.memory_space<vmem>>
    %dma_start3A_38 = tpu.memref_squeeze %dma_start3A_37 : memref<1x128xi32, #tpu.memory_space<vmem>> -> memref<128xi32, #tpu.memory_space<vmem>>
    %dma_start3A_39 = arith.constant 0 : i32
    %dma_start3A_40 = arith.constant 0 : i32
    %dma_start3A_41 = tpu.memref_slice %arg2[%arg0, %dma_start3A_39, %dma_start3A_40] : memref<2x10000x64xf32, #tpu.memory_space<hbm>> -> memref<1x10000x64xf32, #tpu.memory_space<hbm>>
    %dma_start3A_42 = tpu.memref_squeeze %dma_start3A_41 : memref<1x10000x64xf32, #tpu.memory_space<hbm>> -> memref<10000x64xf32, #tpu.memory_space<hbm>>
    %dma_start3A_43 = arith.constant 0 : i32
    %dma_start3A_44 = arith.constant 0 : i32
    %dma_start3A_45 = tpu.memref_slice %dma_start3A_42[%dma_start3A_43, %dma_start3A_44] : memref<10000x64xf32, #tpu.memory_space<hbm>> -> memref<10000x64xf32, #tpu.memory_space<hbm>>
    tpu.enqueue_indirect_dma source(%dma_start3A_45 : memref<10000x64xf32, #tpu.memory_space<hbm>>) target(%dma_start3A_35 : memref<128x64xf32, #tpu.memory_space<vmem>>) offsets(%dma_start3A_38 : memref<128xi32, #tpu.memory_space<vmem>>) semaphore(%arg11 : memref<!tpu.dma_semaphore, #tpu.memory_space<semaphore_mem>>)
    %dma_start3A_46 = arith.constant 2 : i32
    %dma_start3A_47 = arith.constant 2 : i32
    %dma_start3A_48 = arith.constant 0 : i32
    %dma_start3A_49 = arith.constant 0 : i32
    %dma_start3A_50 = tpu.memref_slice %arg8[%dma_start3A_47, %dma_start3A_48, %dma_start3A_49] : memref<4x128x64xf32, #tpu.memory_space<vmem>> -> memref<1x128x64xf32, #tpu.memory_space<vmem>>
    %dma_start3A_51 = tpu.memref_squeeze %dma_start3A_50 : memref<1x128x64xf32, #tpu.memory_space<vmem>> -> memref<128x64xf32, #tpu.memory_space<vmem>>
    %dma_start3A_52 = arith.constant 0 : i32
    %dma_start3A_53 = tpu.memref_slice %arg6[%dma_start3A_46, %dma_start3A_52] : memref<160x128xi32, #tpu.memory_space<vmem>> -> memref<1x128xi32, #tpu.memory_space<vmem>>
    %dma_start3A_54 = tpu.memref_squeeze %dma_start3A_53 : memref<1x128xi32, #tpu.memory_space<vmem>> -> memref<128xi32, #tpu.memory_space<vmem>>
    %dma_start3A_55 = arith.constant 0 : i32
    %dma_start3A_56 = arith.constant 0 : i32
    %dma_start3A_57 = tpu.memref_slice %arg2[%arg0, %dma_start3A_55, %dma_start3A_56] : memref<2x10000x64xf32, #tpu.memory_space<hbm>> -> memref<1x10000x64xf32, #tpu.memory_space<hbm>>
    %dma_start3A_58 = tpu.memref_squeeze %dma_start3A_57 : memref<1x10000x64xf32, #tpu.memory_space<hbm>> -> memref<10000x64xf32, #tpu.memory_space<hbm>>
    %dma_start3A_59 = arith.constant 0 : i32
    %dma_start3A_60 = arith.constant 0 : i32
    %dma_start3A_61 = tpu.memref_slice %dma_start3A_58[%dma_start3A_59, %dma_start3A_60] : memref<10000x64xf32, #tpu.memory_space<hbm>> -> memref<10000x64xf32, #tpu.memory_space<hbm>>
    tpu.enqueue_indirect_dma source(%dma_start3A_61 : memref<10000x64xf32, #tpu.memory_space<hbm>>) target(%dma_start3A_51 : memref<128x64xf32, #tpu.memory_space<vmem>>) offsets(%dma_start3A_54 : memref<128xi32, #tpu.memory_space<vmem>>) semaphore(%arg12 : memref<!tpu.dma_semaphore, #tpu.memory_space<semaphore_mem>>)
    %dma_start3A_62 = arith.constant 3 : i32
    %dma_start3A_63 = arith.constant 3 : i32
    %dma_start3A_64 = arith.constant 0 : i32
    %dma_start3A_65 = arith.constant 0 : i32
    %dma_start3A_66 = tpu.memref_slice %arg8[%dma_start3A_63, %dma_start3A_64, %dma_start3A_65] : memref<4x128x64xf32, #tpu.memory_space<vmem>> -> memref<1x128x64xf32, #tpu.memory_space<vmem>>
    %dma_start3A_67 = tpu.memref_squeeze %dma_start3A_66 : memref<1x128x64xf32, #tpu.memory_space<vmem>> -> memref<128x64xf32, #tpu.memory_space<vmem>>
    %dma_start3A_68 = arith.constant 0 : i32
    %dma_start3A_69 = tpu.memref_slice %arg6[%dma_start3A_62, %dma_start3A_68] : memref<160x128xi32, #tpu.memory_space<vmem>> -> memref<1x128xi32, #tpu.memory_space<vmem>>
    %dma_start3A_70 = tpu.memref_squeeze %dma_start3A_69 : memref<1x128xi32, #tpu.memory_space<vmem>> -> memref<128xi32, #tpu.memory_space<vmem>>
    %dma_start3A_71 = arith.constant 0 : i32
    %dma_start3A_72 = arith.constant 0 : i32
    %dma_start3A_73 = tpu.memref_slice %arg2[%arg0, %dma_start3A_71, %dma_start3A_72] : memref<2x10000x64xf32, #tpu.memory_space<hbm>> -> memref<1x10000x64xf32, #tpu.memory_space<hbm>>
    %dma_start3A_74 = tpu.memref_squeeze %dma_start3A_73 : memref<1x10000x64xf32, #tpu.memory_space<hbm>> -> memref<10000x64xf32, #tpu.memory_space<hbm>>
    %dma_start3A_75 = arith.constant 0 : i32
    %dma_start3A_76 = arith.constant 0 : i32
    %dma_start3A_77 = tpu.memref_slice %dma_start3A_74[%dma_start3A_75, %dma_start3A_76] : memref<10000x64xf32, #tpu.memory_space<hbm>> -> memref<10000x64xf32, #tpu.memory_space<hbm>>
    tpu.enqueue_indirect_dma source(%dma_start3A_77 : memref<10000x64xf32, #tpu.memory_space<hbm>>) target(%dma_start3A_67 : memref<128x64xf32, #tpu.memory_space<vmem>>) offsets(%dma_start3A_70 : memref<128xi32, #tpu.memory_space<vmem>>) semaphore(%arg13 : memref<!tpu.dma_semaphore, #tpu.memory_space<semaphore_mem>>)
    %scan3A = arith.constant 0 : i32
    %scan3A_78 = arith.constant 40 : i32
    %scan3A_79 = arith.addi %scan3A, %scan3A_78 : i32
    %scan3A_80 = arith.constant 1 : i32
    scf.for %scan3A_136 = %scan3A to %scan3A_79 step %scan3A_80  : i32 {
      %mul3A_137 = arith.constant 4 : i32
      %mul3A_138 = arith.muli %scan3A_136, %mul3A_137 : i32
      %add3A_139 = arith.constant 0 : i32
      %add3A_140 = arith.addi %add3A_139, %mul3A_138 : i32
      %dma_wait3A_141 = arith.constant 0 : i32
      %dma_wait3A_142 = arith.constant 0 : i32
      %dma_wait3A_143 = arith.constant 0 : i32
      %dma_wait3A_144 = arith.constant 0 : i32
      %dma_wait3A_145 = tpu.memref_slice %arg8[%dma_wait3A_142, %dma_wait3A_143, %dma_wait3A_144] : memref<4x128x64xf32, #tpu.memory_space<vmem>> -> memref<1x128x64xf32, #tpu.memory_space<vmem>>
      %dma_wait3A_146 = tpu.memref_squeeze %dma_wait3A_145 : memref<1x128x64xf32, #tpu.memory_space<vmem>> -> memref<128x64xf32, #tpu.memory_space<vmem>>
      %dma_wait3A_147 = arith.constant 0 : i32
      %dma_wait3A_148 = tpu.memref_slice %arg6[%dma_wait3A_141, %dma_wait3A_147] : memref<160x128xi32, #tpu.memory_space<vmem>> -> memref<1x128xi32, #tpu.memory_space<vmem>>
      %dma_wait3A_149 = tpu.memref_squeeze %dma_wait3A_148 : memref<1x128xi32, #tpu.memory_space<vmem>> -> memref<128xi32, #tpu.memory_space<vmem>>
      %dma_wait3A_150 = arith.constant 0 : i32
      %dma_wait3A_151 = arith.constant 0 : i32
      %dma_wait3A_152 = tpu.memref_slice %arg2[%arg0, %dma_wait3A_150, %dma_wait3A_151] : memref<2x10000x64xf32, #tpu.memory_space<hbm>> -> memref<1x10000x64xf32, #tpu.memory_space<hbm>>
      %dma_wait3A_153 = tpu.memref_squeeze %dma_wait3A_152 : memref<1x10000x64xf32, #tpu.memory_space<hbm>> -> memref<10000x64xf32, #tpu.memory_space<hbm>>
      %dma_wait3A_154 = arith.constant 0 : i32
      %dma_wait3A_155 = arith.constant 0 : i32
      %dma_wait3A_156 = tpu.memref_slice %dma_wait3A_153[%dma_wait3A_154, %dma_wait3A_155] : memref<10000x64xf32, #tpu.memory_space<hbm>> -> memref<10000x64xf32, #tpu.memory_space<hbm>>
      tpu.wait_indirect_dma semaphore(%arg10 : memref<!tpu.dma_semaphore, #tpu.memory_space<semaphore_mem>>) src(%dma_wait3A_156 : memref<10000x64xf32, #tpu.memory_space<hbm>>) dst(%dma_wait3A_146 : memref<128x64xf32, #tpu.memory_space<vmem>>)
      %add3A_157 = arith.constant 0 : i32
      %add3A_158 = arith.addi %add3A_140, %add3A_157 : i32
      %dma_start3A_159 = arith.constant 0 : i32
      %dma_start3A_160 = arith.constant 0 : i32
      %dma_start3A_161 = arith.constant 0 : i32
      %dma_start3A_162 = tpu.memref_slice %arg8[%dma_start3A_159, %dma_start3A_160, %dma_start3A_161] : memref<4x128x64xf32, #tpu.memory_space<vmem>> -> memref<1x128x64xf32, #tpu.memory_space<vmem>>
      %dma_start3A_163 = tpu.memref_squeeze %dma_start3A_162 : memref<1x128x64xf32, #tpu.memory_space<vmem>> -> memref<128x64xf32, #tpu.memory_space<vmem>>
      %dma_start3A_164 = arith.constant 0 : i32
      %dma_start3A_165 = tpu.memref_slice %arg7[%add3A_158, %dma_start3A_164] : memref<160x128xi32, #tpu.memory_space<vmem>> -> memref<1x128xi32, #tpu.memory_space<vmem>>
      %dma_start3A_166 = tpu.memref_squeeze %dma_start3A_165 : memref<1x128xi32, #tpu.memory_space<vmem>> -> memref<128xi32, #tpu.memory_space<vmem>>
      %dma_start3A_167 = arith.constant 0 : i32
      %dma_start3A_168 = arith.constant 0 : i32
      %dma_start3A_169 = tpu.memref_slice %arg9[%dma_start3A_167, %dma_start3A_168] : memref<10112x64xf32, #tpu.memory_space<vmem_shared>> -> memref<10112x64xf32, #tpu.memory_space<vmem_shared>>
      tpu.enqueue_indirect_dma source(%dma_start3A_163 : memref<128x64xf32, #tpu.memory_space<vmem>>) target(%dma_start3A_169 : memref<10112x64xf32, #tpu.memory_space<vmem_shared>>) offsets(%dma_start3A_166 : memref<128xi32, #tpu.memory_space<vmem>>) semaphore(%arg14 : memref<!tpu.dma_semaphore, #tpu.memory_space<semaphore_mem>>) {add = true}
      %dma_wait3A_170 = arith.constant 0 : i32
      %dma_wait3A_171 = arith.constant 1 : i32
      %dma_wait3A_172 = arith.constant 0 : i32
      %dma_wait3A_173 = arith.constant 0 : i32
      %dma_wait3A_174 = tpu.memref_slice %arg8[%dma_wait3A_171, %dma_wait3A_172, %dma_wait3A_173] : memref<4x128x64xf32, #tpu.memory_space<vmem>> -> memref<1x128x64xf32, #tpu.memory_space<vmem>>
      %dma_wait3A_175 = tpu.memref_squeeze %dma_wait3A_174 : memref<1x128x64xf32, #tpu.memory_space<vmem>> -> memref<128x64xf32, #tpu.memory_space<vmem>>
      %dma_wait3A_176 = arith.constant 0 : i32
      %dma_wait3A_177 = tpu.memref_slice %arg6[%dma_wait3A_170, %dma_wait3A_176] : memref<160x128xi32, #tpu.memory_space<vmem>> -> memref<1x128xi32, #tpu.memory_space<vmem>>
      %dma_wait3A_178 = tpu.memref_squeeze %dma_wait3A_177 : memref<1x128xi32, #tpu.memory_space<vmem>> -> memref<128xi32, #tpu.memory_space<vmem>>
      %dma_wait3A_179 = arith.constant 0 : i32
      %dma_wait3A_180 = arith.constant 0 : i32
      %dma_wait3A_181 = tpu.memref_slice %arg2[%arg0, %dma_wait3A_179, %dma_wait3A_180] : memref<2x10000x64xf32, #tpu.memory_space<hbm>> -> memref<1x10000x64xf32, #tpu.memory_space<hbm>>
      %dma_wait3A_182 = tpu.memref_squeeze %dma_wait3A_181 : memref<1x10000x64xf32, #tpu.memory_space<hbm>> -> memref<10000x64xf32, #tpu.memory_space<hbm>>
      %dma_wait3A_183 = arith.constant 0 : i32
      %dma_wait3A_184 = arith.constant 0 : i32
      %dma_wait3A_185 = tpu.memref_slice %dma_wait3A_182[%dma_wait3A_183, %dma_wait3A_184] : memref<10000x64xf32, #tpu.memory_space<hbm>> -> memref<10000x64xf32, #tpu.memory_space<hbm>>
      tpu.wait_indirect_dma semaphore(%arg11 : memref<!tpu.dma_semaphore, #tpu.memory_space<semaphore_mem>>) src(%dma_wait3A_185 : memref<10000x64xf32, #tpu.memory_space<hbm>>) dst(%dma_wait3A_175 : memref<128x64xf32, #tpu.memory_space<vmem>>)
      %add3A_186 = arith.constant 1 : i32
      %add3A_187 = arith.addi %add3A_140, %add3A_186 : i32
      %dma_start3A_188 = arith.constant 1 : i32
      %dma_start3A_189 = arith.constant 0 : i32
      %dma_start3A_190 = arith.constant 0 : i32
      %dma_start3A_191 = tpu.memref_slice %arg8[%dma_start3A_188, %dma_start3A_189, %dma_start3A_190] : memref<4x128x64xf32, #tpu.memory_space<vmem>> -> memref<1x128x64xf32, #tpu.memory_space<vmem>>
      %dma_start3A_192 = tpu.memref_squeeze %dma_start3A_191 : memref<1x128x64xf32, #tpu.memory_space<vmem>> -> memref<128x64xf32, #tpu.memory_space<vmem>>
      %dma_start3A_193 = arith.constant 0 : i32
      %dma_start3A_194 = tpu.memref_slice %arg7[%add3A_187, %dma_start3A_193] : memref<160x128xi32, #tpu.memory_space<vmem>> -> memref<1x128xi32, #tpu.memory_space<vmem>>
      %dma_start3A_195 = tpu.memref_squeeze %dma_start3A_194 : memref<1x128xi32, #tpu.memory_space<vmem>> -> memref<128xi32, #tpu.memory_space<vmem>>
      %dma_start3A_196 = arith.constant 0 : i32
      %dma_start3A_197 = arith.constant 0 : i32
      %dma_start3A_198 = tpu.memref_slice %arg9[%dma_start3A_196, %dma_start3A_197] : memref<10112x64xf32, #tpu.memory_space<vmem_shared>> -> memref<10112x64xf32, #tpu.memory_space<vmem_shared>>
      tpu.enqueue_indirect_dma source(%dma_start3A_192 : memref<128x64xf32, #tpu.memory_space<vmem>>) target(%dma_start3A_198 : memref<10112x64xf32, #tpu.memory_space<vmem_shared>>) offsets(%dma_start3A_195 : memref<128xi32, #tpu.memory_space<vmem>>) semaphore(%arg15 : memref<!tpu.dma_semaphore, #tpu.memory_space<semaphore_mem>>) {add = true}
      %dma_wait3A_199 = arith.constant 0 : i32
      %dma_wait3A_200 = arith.constant 2 : i32
      %dma_wait3A_201 = arith.constant 0 : i32
      %dma_wait3A_202 = arith.constant 0 : i32
      %dma_wait3A_203 = tpu.memref_slice %arg8[%dma_wait3A_200, %dma_wait3A_201, %dma_wait3A_202] : memref<4x128x64xf32, #tpu.memory_space<vmem>> -> memref<1x128x64xf32, #tpu.memory_space<vmem>>
      %dma_wait3A_204 = tpu.memref_squeeze %dma_wait3A_203 : memref<1x128x64xf32, #tpu.memory_space<vmem>> -> memref<128x64xf32, #tpu.memory_space<vmem>>
      %dma_wait3A_205 = arith.constant 0 : i32
      %dma_wait3A_206 = tpu.memref_slice %arg6[%dma_wait3A_199, %dma_wait3A_205] : memref<160x128xi32, #tpu.memory_space<vmem>> -> memref<1x128xi32, #tpu.memory_space<vmem>>
      %dma_wait3A_207 = tpu.memref_squeeze %dma_wait3A_206 : memref<1x128xi32, #tpu.memory_space<vmem>> -> memref<128xi32, #tpu.memory_space<vmem>>
      %dma_wait3A_208 = arith.constant 0 : i32
      %dma_wait3A_209 = arith.constant 0 : i32
      %dma_wait3A_210 = tpu.memref_slice %arg2[%arg0, %dma_wait3A_208, %dma_wait3A_209] : memref<2x10000x64xf32, #tpu.memory_space<hbm>> -> memref<1x10000x64xf32, #tpu.memory_space<hbm>>
      %dma_wait3A_211 = tpu.memref_squeeze %dma_wait3A_210 : memref<1x10000x64xf32, #tpu.memory_space<hbm>> -> memref<10000x64xf32, #tpu.memory_space<hbm>>
      %dma_wait3A_212 = arith.constant 0 : i32
      %dma_wait3A_213 = arith.constant 0 : i32
      %dma_wait3A_214 = tpu.memref_slice %dma_wait3A_211[%dma_wait3A_212, %dma_wait3A_213] : memref<10000x64xf32, #tpu.memory_space<hbm>> -> memref<10000x64xf32, #tpu.memory_space<hbm>>
      tpu.wait_indirect_dma semaphore(%arg12 : memref<!tpu.dma_semaphore, #tpu.memory_space<semaphore_mem>>) src(%dma_wait3A_214 : memref<10000x64xf32, #tpu.memory_space<hbm>>) dst(%dma_wait3A_204 : memref<128x64xf32, #tpu.memory_space<vmem>>)
      %add3A_215 = arith.constant 2 : i32
      %add3A_216 = arith.addi %add3A_140, %add3A_215 : i32
      %dma_start3A_217 = arith.constant 2 : i32
      %dma_start3A_218 = arith.constant 0 : i32
      %dma_start3A_219 = arith.constant 0 : i32
      %dma_start3A_220 = tpu.memref_slice %arg8[%dma_start3A_217, %dma_start3A_218, %dma_start3A_219] : memref<4x128x64xf32, #tpu.memory_space<vmem>> -> memref<1x128x64xf32, #tpu.memory_space<vmem>>
      %dma_start3A_221 = tpu.memref_squeeze %dma_start3A_220 : memref<1x128x64xf32, #tpu.memory_space<vmem>> -> memref<128x64xf32, #tpu.memory_space<vmem>>
      %dma_start3A_222 = arith.constant 0 : i32
      %dma_start3A_223 = tpu.memref_slice %arg7[%add3A_216, %dma_start3A_222] : memref<160x128xi32, #tpu.memory_space<vmem>> -> memref<1x128xi32, #tpu.memory_space<vmem>>
      %dma_start3A_224 = tpu.memref_squeeze %dma_start3A_223 : memref<1x128xi32, #tpu.memory_space<vmem>> -> memref<128xi32, #tpu.memory_space<vmem>>
      %dma_start3A_225 = arith.constant 0 : i32
      %dma_start3A_226 = arith.constant 0 : i32
      %dma_start3A_227 = tpu.memref_slice %arg9[%dma_start3A_225, %dma_start3A_226] : memref<10112x64xf32, #tpu.memory_space<vmem_shared>> -> memref<10112x64xf32, #tpu.memory_space<vmem_shared>>
      tpu.enqueue_indirect_dma source(%dma_start3A_221 : memref<128x64xf32, #tpu.memory_space<vmem>>) target(%dma_start3A_227 : memref<10112x64xf32, #tpu.memory_space<vmem_shared>>) offsets(%dma_start3A_224 : memref<128xi32, #tpu.memory_space<vmem>>) semaphore(%arg16 : memref<!tpu.dma_semaphore, #tpu.memory_space<semaphore_mem>>) {add = true}
      %dma_wait3A_228 = arith.constant 0 : i32
      %dma_wait3A_229 = arith.constant 3 : i32
      %dma_wait3A_230 = arith.constant 0 : i32
      %dma_wait3A_231 = arith.constant 0 : i32
      %dma_wait3A_232 = tpu.memref_slice %arg8[%dma_wait3A_229, %dma_wait3A_230, %dma_wait3A_231] : memref<4x128x64xf32, #tpu.memory_space<vmem>> -> memref<1x128x64xf32, #tpu.memory_space<vmem>>
      %dma_wait3A_233 = tpu.memref_squeeze %dma_wait3A_232 : memref<1x128x64xf32, #tpu.memory_space<vmem>> -> memref<128x64xf32, #tpu.memory_space<vmem>>
      %dma_wait3A_234 = arith.constant 0 : i32
      %dma_wait3A_235 = tpu.memref_slice %arg6[%dma_wait3A_228, %dma_wait3A_234] : memref<160x128xi32, #tpu.memory_space<vmem>> -> memref<1x128xi32, #tpu.memory_space<vmem>>
      %dma_wait3A_236 = tpu.memref_squeeze %dma_wait3A_235 : memref<1x128xi32, #tpu.memory_space<vmem>> -> memref<128xi32, #tpu.memory_space<vmem>>
      %dma_wait3A_237 = arith.constant 0 : i32
      %dma_wait3A_238 = arith.constant 0 : i32
      %dma_wait3A_239 = tpu.memref_slice %arg2[%arg0, %dma_wait3A_237, %dma_wait3A_238] : memref<2x10000x64xf32, #tpu.memory_space<hbm>> -> memref<1x10000x64xf32, #tpu.memory_space<hbm>>
      %dma_wait3A_240 = tpu.memref_squeeze %dma_wait3A_239 : memref<1x10000x64xf32, #tpu.memory_space<hbm>> -> memref<10000x64xf32, #tpu.memory_space<hbm>>
      %dma_wait3A_241 = arith.constant 0 : i32
      %dma_wait3A_242 = arith.constant 0 : i32
      %dma_wait3A_243 = tpu.memref_slice %dma_wait3A_240[%dma_wait3A_241, %dma_wait3A_242] : memref<10000x64xf32, #tpu.memory_space<hbm>> -> memref<10000x64xf32, #tpu.memory_space<hbm>>
      tpu.wait_indirect_dma semaphore(%arg13 : memref<!tpu.dma_semaphore, #tpu.memory_space<semaphore_mem>>) src(%dma_wait3A_243 : memref<10000x64xf32, #tpu.memory_space<hbm>>) dst(%dma_wait3A_233 : memref<128x64xf32, #tpu.memory_space<vmem>>)
      %add3A_244 = arith.constant 3 : i32
      %add3A_245 = arith.addi %add3A_140, %add3A_244 : i32
      %dma_start3A_246 = arith.constant 3 : i32
      %dma_start3A_247 = arith.constant 0 : i32
      %dma_start3A_248 = arith.constant 0 : i32
      %dma_start3A_249 = tpu.memref_slice %arg8[%dma_start3A_246, %dma_start3A_247, %dma_start3A_248] : memref<4x128x64xf32, #tpu.memory_space<vmem>> -> memref<1x128x64xf32, #tpu.memory_space<vmem>>
      %dma_start3A_250 = tpu.memref_squeeze %dma_start3A_249 : memref<1x128x64xf32, #tpu.memory_space<vmem>> -> memref<128x64xf32, #tpu.memory_space<vmem>>
      %dma_start3A_251 = arith.constant 0 : i32
      %dma_start3A_252 = tpu.memref_slice %arg7[%add3A_245, %dma_start3A_251] : memref<160x128xi32, #tpu.memory_space<vmem>> -> memref<1x128xi32, #tpu.memory_space<vmem>>
      %dma_start3A_253 = tpu.memref_squeeze %dma_start3A_252 : memref<1x128xi32, #tpu.memory_space<vmem>> -> memref<128xi32, #tpu.memory_space<vmem>>
      %dma_start3A_254 = arith.constant 0 : i32
      %dma_start3A_255 = arith.constant 0 : i32
      %dma_start3A_256 = tpu.memref_slice %arg9[%dma_start3A_254, %dma_start3A_255] : memref<10112x64xf32, #tpu.memory_space<vmem_shared>> -> memref<10112x64xf32, #tpu.memory_space<vmem_shared>>
      tpu.enqueue_indirect_dma source(%dma_start3A_250 : memref<128x64xf32, #tpu.memory_space<vmem>>) target(%dma_start3A_256 : memref<10112x64xf32, #tpu.memory_space<vmem_shared>>) offsets(%dma_start3A_253 : memref<128xi32, #tpu.memory_space<vmem>>) semaphore(%arg17 : memref<!tpu.dma_semaphore, #tpu.memory_space<semaphore_mem>>) {add = true}
      %add3A_257 = arith.constant 4 : i32
      %add3A_258 = arith.addi %add3A_140, %add3A_257 : i32
      %add3A_259 = arith.constant 0 : i32
      %add3A_260 = arith.addi %add3A_258, %add3A_259 : i32
      %lt3A_261 = arith.constant 160 : i32
      %lt3A_262 = arith.cmpi slt, %add3A_260, %lt3A_261 : i32
      %convert_element_type3A_263 = arith.extui %lt3A_262 : i1 to i32
      %cond3A_264 = arith.constant 0 : i32
      %cond3A_265 = arith.cmpi ne, %convert_element_type3A_263, %cond3A_264 : i32
      scf.if %cond3A_265 {
        %dma_wait3A_293 = arith.constant 0 : i32
        %dma_wait3A_294 = arith.constant 0 : i32
        %dma_wait3A_295 = arith.constant 0 : i32
        %dma_wait3A_296 = arith.constant 0 : i32
        %dma_wait3A_297 = tpu.memref_slice %arg8[%dma_wait3A_293, %dma_wait3A_295, %dma_wait3A_296] : memref<4x128x64xf32, #tpu.memory_space<vmem>> -> memref<1x128x64xf32, #tpu.memory_space<vmem>>
        %dma_wait3A_298 = tpu.memref_squeeze %dma_wait3A_297 : memref<1x128x64xf32, #tpu.memory_space<vmem>> -> memref<128x64xf32, #tpu.memory_space<vmem>>
        %dma_wait3A_299 = arith.constant 0 : i32
        %dma_wait3A_300 = tpu.memref_slice %arg7[%dma_wait3A_294, %dma_wait3A_299] : memref<160x128xi32, #tpu.memory_space<vmem>> -> memref<1x128xi32, #tpu.memory_space<vmem>>
        %dma_wait3A_301 = tpu.memref_squeeze %dma_wait3A_300 : memref<1x128xi32, #tpu.memory_space<vmem>> -> memref<128xi32, #tpu.memory_space<vmem>>
        %dma_wait3A_302 = arith.constant 0 : i32
        %dma_wait3A_303 = arith.constant 0 : i32
        %dma_wait3A_304 = tpu.memref_slice %arg9[%dma_wait3A_302, %dma_wait3A_303] : memref<10112x64xf32, #tpu.memory_space<vmem_shared>> -> memref<10112x64xf32, #tpu.memory_space<vmem_shared>>
        tpu.wait_indirect_dma semaphore(%arg14 : memref<!tpu.dma_semaphore, #tpu.memory_space<semaphore_mem>>) src(%dma_wait3A_298 : memref<128x64xf32, #tpu.memory_space<vmem>>) dst(%dma_wait3A_304 : memref<10112x64xf32, #tpu.memory_space<vmem_shared>>)
        %add3A_305 = arith.constant 4 : i32
        %add3A_306 = arith.addi %add3A_140, %add3A_305 : i32
        %add3A_307 = arith.constant 0 : i32
        %add3A_308 = arith.addi %add3A_306, %add3A_307 : i32
        %dma_start3A_309 = arith.constant 0 : i32
        %dma_start3A_310 = arith.constant 0 : i32
        %dma_start3A_311 = arith.constant 0 : i32
        %dma_start3A_312 = tpu.memref_slice %arg8[%dma_start3A_309, %dma_start3A_310, %dma_start3A_311] : memref<4x128x64xf32, #tpu.memory_space<vmem>> -> memref<1x128x64xf32, #tpu.memory_space<vmem>>
        %dma_start3A_313 = tpu.memref_squeeze %dma_start3A_312 : memref<1x128x64xf32, #tpu.memory_space<vmem>> -> memref<128x64xf32, #tpu.memory_space<vmem>>
        %dma_start3A_314 = arith.constant 0 : i32
        %dma_start3A_315 = tpu.memref_slice %arg6[%add3A_308, %dma_start3A_314] : memref<160x128xi32, #tpu.memory_space<vmem>> -> memref<1x128xi32, #tpu.memory_space<vmem>>
        %dma_start3A_316 = tpu.memref_squeeze %dma_start3A_315 : memref<1x128xi32, #tpu.memory_space<vmem>> -> memref<128xi32, #tpu.memory_space<vmem>>
        %dma_start3A_317 = arith.constant 0 : i32
        %dma_start3A_318 = arith.constant 0 : i32
        %dma_start3A_319 = tpu.memref_slice %arg2[%arg0, %dma_start3A_317, %dma_start3A_318] : memref<2x10000x64xf32, #tpu.memory_space<hbm>> -> memref<1x10000x64xf32, #tpu.memory_space<hbm>>
        %dma_start3A_320 = tpu.memref_squeeze %dma_start3A_319 : memref<1x10000x64xf32, #tpu.memory_space<hbm>> -> memref<10000x64xf32, #tpu.memory_space<hbm>>
        %dma_start3A_321 = arith.constant 0 : i32
        %dma_start3A_322 = arith.constant 0 : i32
        %dma_start3A_323 = tpu.memref_slice %dma_start3A_320[%dma_start3A_321, %dma_start3A_322] : memref<10000x64xf32, #tpu.memory_space<hbm>> -> memref<10000x64xf32, #tpu.memory_space<hbm>>
        tpu.enqueue_indirect_dma source(%dma_start3A_323 : memref<10000x64xf32, #tpu.memory_space<hbm>>) target(%dma_start3A_313 : memref<128x64xf32, #tpu.memory_space<vmem>>) offsets(%dma_start3A_316 : memref<128xi32, #tpu.memory_space<vmem>>) semaphore(%arg10 : memref<!tpu.dma_semaphore, #tpu.memory_space<semaphore_mem>>)
      } else {
      }
      %add3A_266 = arith.constant 4 : i32
      %add3A_267 = arith.addi %add3A_140, %add3A_266 : i32
      %add3A_268 = arith.constant 1 : i32
      %add3A_269 = arith.addi %add3A_267, %add3A_268 : i32
      %lt3A_270 = arith.constant 160 : i32
      %lt3A_271 = arith.cmpi slt, %add3A_269, %lt3A_270 : i32
      %convert_element_type3A_272 = arith.extui %lt3A_271 : i1 to i32
      %cond3A_273 = arith.constant 0 : i32
      %cond3A_274 = arith.cmpi ne, %convert_element_type3A_272, %cond3A_273 : i32
      scf.if %cond3A_274 {
        %dma_wait3A_293 = arith.constant 1 : i32
        %dma_wait3A_294 = arith.constant 0 : i32
        %dma_wait3A_295 = arith.constant 0 : i32
        %dma_wait3A_296 = arith.constant 0 : i32
        %dma_wait3A_297 = tpu.memref_slice %arg8[%dma_wait3A_293, %dma_wait3A_295, %dma_wait3A_296] : memref<4x128x64xf32, #tpu.memory_space<vmem>> -> memref<1x128x64xf32, #tpu.memory_space<vmem>>
        %dma_wait3A_298 = tpu.memref_squeeze %dma_wait3A_297 : memref<1x128x64xf32, #tpu.memory_space<vmem>> -> memref<128x64xf32, #tpu.memory_space<vmem>>
        %dma_wait3A_299 = arith.constant 0 : i32
        %dma_wait3A_300 = tpu.memref_slice %arg7[%dma_wait3A_294, %dma_wait3A_299] : memref<160x128xi32, #tpu.memory_space<vmem>> -> memref<1x128xi32, #tpu.memory_space<vmem>>
        %dma_wait3A_301 = tpu.memref_squeeze %dma_wait3A_300 : memref<1x128xi32, #tpu.memory_space<vmem>> -> memref<128xi32, #tpu.memory_space<vmem>>
        %dma_wait3A_302 = arith.constant 0 : i32
        %dma_wait3A_303 = arith.constant 0 : i32
        %dma_wait3A_304 = tpu.memref_slice %arg9[%dma_wait3A_302, %dma_wait3A_303] : memref<10112x64xf32, #tpu.memory_space<vmem_shared>> -> memref<10112x64xf32, #tpu.memory_space<vmem_shared>>
        tpu.wait_indirect_dma semaphore(%arg15 : memref<!tpu.dma_semaphore, #tpu.memory_space<semaphore_mem>>) src(%dma_wait3A_298 : memref<128x64xf32, #tpu.memory_space<vmem>>) dst(%dma_wait3A_304 : memref<10112x64xf32, #tpu.memory_space<vmem_shared>>)
        %add3A_305 = arith.constant 4 : i32
        %add3A_306 = arith.addi %add3A_140, %add3A_305 : i32
        %add3A_307 = arith.constant 1 : i32
        %add3A_308 = arith.addi %add3A_306, %add3A_307 : i32
        %dma_start3A_309 = arith.constant 1 : i32
        %dma_start3A_310 = arith.constant 0 : i32
        %dma_start3A_311 = arith.constant 0 : i32
        %dma_start3A_312 = tpu.memref_slice %arg8[%dma_start3A_309, %dma_start3A_310, %dma_start3A_311] : memref<4x128x64xf32, #tpu.memory_space<vmem>> -> memref<1x128x64xf32, #tpu.memory_space<vmem>>
        %dma_start3A_313 = tpu.memref_squeeze %dma_start3A_312 : memref<1x128x64xf32, #tpu.memory_space<vmem>> -> memref<128x64xf32, #tpu.memory_space<vmem>>
        %dma_start3A_314 = arith.constant 0 : i32
        %dma_start3A_315 = tpu.memref_slice %arg6[%add3A_308, %dma_start3A_314] : memref<160x128xi32, #tpu.memory_space<vmem>> -> memref<1x128xi32, #tpu.memory_space<vmem>>
        %dma_start3A_316 = tpu.memref_squeeze %dma_start3A_315 : memref<1x128xi32, #tpu.memory_space<vmem>> -> memref<128xi32, #tpu.memory_space<vmem>>
        %dma_start3A_317 = arith.constant 0 : i32
        %dma_start3A_318 = arith.constant 0 : i32
        %dma_start3A_319 = tpu.memref_slice %arg2[%arg0, %dma_start3A_317, %dma_start3A_318] : memref<2x10000x64xf32, #tpu.memory_space<hbm>> -> memref<1x10000x64xf32, #tpu.memory_space<hbm>>
        %dma_start3A_320 = tpu.memref_squeeze %dma_start3A_319 : memref<1x10000x64xf32, #tpu.memory_space<hbm>> -> memref<10000x64xf32, #tpu.memory_space<hbm>>
        %dma_start3A_321 = arith.constant 0 : i32
        %dma_start3A_322 = arith.constant 0 : i32
        %dma_start3A_323 = tpu.memref_slice %dma_start3A_320[%dma_start3A_321, %dma_start3A_322] : memref<10000x64xf32, #tpu.memory_space<hbm>> -> memref<10000x64xf32, #tpu.memory_space<hbm>>
        tpu.enqueue_indirect_dma source(%dma_start3A_323 : memref<10000x64xf32, #tpu.memory_space<hbm>>) target(%dma_start3A_313 : memref<128x64xf32, #tpu.memory_space<vmem>>) offsets(%dma_start3A_316 : memref<128xi32, #tpu.memory_space<vmem>>) semaphore(%arg11 : memref<!tpu.dma_semaphore, #tpu.memory_space<semaphore_mem>>)
      } else {
      }
      %add3A_275 = arith.constant 4 : i32
      %add3A_276 = arith.addi %add3A_140, %add3A_275 : i32
      %add3A_277 = arith.constant 2 : i32
      %add3A_278 = arith.addi %add3A_276, %add3A_277 : i32
      %lt3A_279 = arith.constant 160 : i32
      %lt3A_280 = arith.cmpi slt, %add3A_278, %lt3A_279 : i32
      %convert_element_type3A_281 = arith.extui %lt3A_280 : i1 to i32
      %cond3A_282 = arith.constant 0 : i32
      %cond3A_283 = arith.cmpi ne, %convert_element_type3A_281, %cond3A_282 : i32
      scf.if %cond3A_283 {
        %dma_wait3A_293 = arith.constant 2 : i32
        %dma_wait3A_294 = arith.constant 0 : i32
        %dma_wait3A_295 = arith.constant 0 : i32
        %dma_wait3A_296 = arith.constant 0 : i32
        %dma_wait3A_297 = tpu.memref_slice %arg8[%dma_wait3A_293, %dma_wait3A_295, %dma_wait3A_296] : memref<4x128x64xf32, #tpu.memory_space<vmem>> -> memref<1x128x64xf32, #tpu.memory_space<vmem>>
        %dma_wait3A_298 = tpu.memref_squeeze %dma_wait3A_297 : memref<1x128x64xf32, #tpu.memory_space<vmem>> -> memref<128x64xf32, #tpu.memory_space<vmem>>
        %dma_wait3A_299 = arith.constant 0 : i32
        %dma_wait3A_300 = tpu.memref_slice %arg7[%dma_wait3A_294, %dma_wait3A_299] : memref<160x128xi32, #tpu.memory_space<vmem>> -> memref<1x128xi32, #tpu.memory_space<vmem>>
        %dma_wait3A_301 = tpu.memref_squeeze %dma_wait3A_300 : memref<1x128xi32, #tpu.memory_space<vmem>> -> memref<128xi32, #tpu.memory_space<vmem>>
        %dma_wait3A_302 = arith.constant 0 : i32
        %dma_wait3A_303 = arith.constant 0 : i32
        %dma_wait3A_304 = tpu.memref_slice %arg9[%dma_wait3A_302, %dma_wait3A_303] : memref<10112x64xf32, #tpu.memory_space<vmem_shared>> -> memref<10112x64xf32, #tpu.memory_space<vmem_shared>>
        tpu.wait_indirect_dma semaphore(%arg16 : memref<!tpu.dma_semaphore, #tpu.memory_space<semaphore_mem>>) src(%dma_wait3A_298 : memref<128x64xf32, #tpu.memory_space<vmem>>) dst(%dma_wait3A_304 : memref<10112x64xf32, #tpu.memory_space<vmem_shared>>)
        %add3A_305 = arith.constant 4 : i32
        %add3A_306 = arith.addi %add3A_140, %add3A_305 : i32
        %add3A_307 = arith.constant 2 : i32
        %add3A_308 = arith.addi %add3A_306, %add3A_307 : i32
        %dma_start3A_309 = arith.constant 2 : i32
        %dma_start3A_310 = arith.constant 0 : i32
        %dma_start3A_311 = arith.constant 0 : i32
        %dma_start3A_312 = tpu.memref_slice %arg8[%dma_start3A_309, %dma_start3A_310, %dma_start3A_311] : memref<4x128x64xf32, #tpu.memory_space<vmem>> -> memref<1x128x64xf32, #tpu.memory_space<vmem>>
        %dma_start3A_313 = tpu.memref_squeeze %dma_start3A_312 : memref<1x128x64xf32, #tpu.memory_space<vmem>> -> memref<128x64xf32, #tpu.memory_space<vmem>>
        %dma_start3A_314 = arith.constant 0 : i32
        %dma_start3A_315 = tpu.memref_slice %arg6[%add3A_308, %dma_start3A_314] : memref<160x128xi32, #tpu.memory_space<vmem>> -> memref<1x128xi32, #tpu.memory_space<vmem>>
        %dma_start3A_316 = tpu.memref_squeeze %dma_start3A_315 : memref<1x128xi32, #tpu.memory_space<vmem>> -> memref<128xi32, #tpu.memory_space<vmem>>
        %dma_start3A_317 = arith.constant 0 : i32
        %dma_start3A_318 = arith.constant 0 : i32
        %dma_start3A_319 = tpu.memref_slice %arg2[%arg0, %dma_start3A_317, %dma_start3A_318] : memref<2x10000x64xf32, #tpu.memory_space<hbm>> -> memref<1x10000x64xf32, #tpu.memory_space<hbm>>
        %dma_start3A_320 = tpu.memref_squeeze %dma_start3A_319 : memref<1x10000x64xf32, #tpu.memory_space<hbm>> -> memref<10000x64xf32, #tpu.memory_space<hbm>>
        %dma_start3A_321 = arith.constant 0 : i32
        %dma_start3A_322 = arith.constant 0 : i32
        %dma_start3A_323 = tpu.memref_slice %dma_start3A_320[%dma_start3A_321, %dma_start3A_322] : memref<10000x64xf32, #tpu.memory_space<hbm>> -> memref<10000x64xf32, #tpu.memory_space<hbm>>
        tpu.enqueue_indirect_dma source(%dma_start3A_323 : memref<10000x64xf32, #tpu.memory_space<hbm>>) target(%dma_start3A_313 : memref<128x64xf32, #tpu.memory_space<vmem>>) offsets(%dma_start3A_316 : memref<128xi32, #tpu.memory_space<vmem>>) semaphore(%arg12 : memref<!tpu.dma_semaphore, #tpu.memory_space<semaphore_mem>>)
      } else {
      }
      %add3A_284 = arith.constant 4 : i32
      %add3A_285 = arith.addi %add3A_140, %add3A_284 : i32
      %add3A_286 = arith.constant 3 : i32
      %add3A_287 = arith.addi %add3A_285, %add3A_286 : i32
      %lt3A_288 = arith.constant 160 : i32
      %lt3A_289 = arith.cmpi slt, %add3A_287, %lt3A_288 : i32
      %convert_element_type3A_290 = arith.extui %lt3A_289 : i1 to i32
      %cond3A_291 = arith.constant 0 : i32
      %cond3A_292 = arith.cmpi ne, %convert_element_type3A_290, %cond3A_291 : i32
      scf.if %cond3A_292 {
        %dma_wait3A_293 = arith.constant 3 : i32
        %dma_wait3A_294 = arith.constant 0 : i32
        %dma_wait3A_295 = arith.constant 0 : i32
        %dma_wait3A_296 = arith.constant 0 : i32
        %dma_wait3A_297 = tpu.memref_slice %arg8[%dma_wait3A_293, %dma_wait3A_295, %dma_wait3A_296] : memref<4x128x64xf32, #tpu.memory_space<vmem>> -> memref<1x128x64xf32, #tpu.memory_space<vmem>>
        %dma_wait3A_298 = tpu.memref_squeeze %dma_wait3A_297 : memref<1x128x64xf32, #tpu.memory_space<vmem>> -> memref<128x64xf32, #tpu.memory_space<vmem>>
        %dma_wait3A_299 = arith.constant 0 : i32
        %dma_wait3A_300 = tpu.memref_slice %arg7[%dma_wait3A_294, %dma_wait3A_299] : memref<160x128xi32, #tpu.memory_space<vmem>> -> memref<1x128xi32, #tpu.memory_space<vmem>>
        %dma_wait3A_301 = tpu.memref_squeeze %dma_wait3A_300 : memref<1x128xi32, #tpu.memory_space<vmem>> -> memref<128xi32, #tpu.memory_space<vmem>>
        %dma_wait3A_302 = arith.constant 0 : i32
        %dma_wait3A_303 = arith.constant 0 : i32
        %dma_wait3A_304 = tpu.memref_slice %arg9[%dma_wait3A_302, %dma_wait3A_303] : memref<10112x64xf32, #tpu.memory_space<vmem_shared>> -> memref<10112x64xf32, #tpu.memory_space<vmem_shared>>
        tpu.wait_indirect_dma semaphore(%arg17 : memref<!tpu.dma_semaphore, #tpu.memory_space<semaphore_mem>>) src(%dma_wait3A_298 : memref<128x64xf32, #tpu.memory_space<vmem>>) dst(%dma_wait3A_304 : memref<10112x64xf32, #tpu.memory_space<vmem_shared>>)
        %add3A_305 = arith.constant 4 : i32
        %add3A_306 = arith.addi %add3A_140, %add3A_305 : i32
        %add3A_307 = arith.constant 3 : i32
        %add3A_308 = arith.addi %add3A_306, %add3A_307 : i32
        %dma_start3A_309 = arith.constant 3 : i32
        %dma_start3A_310 = arith.constant 0 : i32
        %dma_start3A_311 = arith.constant 0 : i32
        %dma_start3A_312 = tpu.memref_slice %arg8[%dma_start3A_309, %dma_start3A_310, %dma_start3A_311] : memref<4x128x64xf32, #tpu.memory_space<vmem>> -> memref<1x128x64xf32, #tpu.memory_space<vmem>>
        %dma_start3A_313 = tpu.memref_squeeze %dma_start3A_312 : memref<1x128x64xf32, #tpu.memory_space<vmem>> -> memref<128x64xf32, #tpu.memory_space<vmem>>
        %dma_start3A_314 = arith.constant 0 : i32
        %dma_start3A_315 = tpu.memref_slice %arg6[%add3A_308, %dma_start3A_314] : memref<160x128xi32, #tpu.memory_space<vmem>> -> memref<1x128xi32, #tpu.memory_space<vmem>>
        %dma_start3A_316 = tpu.memref_squeeze %dma_start3A_315 : memref<1x128xi32, #tpu.memory_space<vmem>> -> memref<128xi32, #tpu.memory_space<vmem>>
        %dma_start3A_317 = arith.constant 0 : i32
        %dma_start3A_318 = arith.constant 0 : i32
        %dma_start3A_319 = tpu.memref_slice %arg2[%arg0, %dma_start3A_317, %dma_start3A_318] : memref<2x10000x64xf32, #tpu.memory_space<hbm>> -> memref<1x10000x64xf32, #tpu.memory_space<hbm>>
        %dma_start3A_320 = tpu.memref_squeeze %dma_start3A_319 : memref<1x10000x64xf32, #tpu.memory_space<hbm>> -> memref<10000x64xf32, #tpu.memory_space<hbm>>
        %dma_start3A_321 = arith.constant 0 : i32
        %dma_start3A_322 = arith.constant 0 : i32
        %dma_start3A_323 = tpu.memref_slice %dma_start3A_320[%dma_start3A_321, %dma_start3A_322] : memref<10000x64xf32, #tpu.memory_space<hbm>> -> memref<10000x64xf32, #tpu.memory_space<hbm>>
        tpu.enqueue_indirect_dma source(%dma_start3A_323 : memref<10000x64xf32, #tpu.memory_space<hbm>>) target(%dma_start3A_313 : memref<128x64xf32, #tpu.memory_space<vmem>>) offsets(%dma_start3A_316 : memref<128xi32, #tpu.memory_space<vmem>>) semaphore(%arg13 : memref<!tpu.dma_semaphore, #tpu.memory_space<semaphore_mem>>)
      } else {
      }
    }
    %scan3A_81 = arith.constant 40 : i32
    %dma_wait3A = arith.constant 0 : i32
    %dma_wait3A_82 = arith.constant 0 : i32
    %dma_wait3A_83 = arith.constant 0 : i32
    %dma_wait3A_84 = arith.constant 0 : i32
    %dma_wait3A_85 = tpu.memref_slice %arg8[%dma_wait3A, %dma_wait3A_83, %dma_wait3A_84] : memref<4x128x64xf32, #tpu.memory_space<vmem>> -> memref<1x128x64xf32, #tpu.memory_space<vmem>>
    %dma_wait3A_86 = tpu.memref_squeeze %dma_wait3A_85 : memref<1x128x64xf32, #tpu.memory_space<vmem>> -> memref<128x64xf32, #tpu.memory_space<vmem>>
    %dma_wait3A_87 = arith.constant 0 : i32
    %dma_wait3A_88 = tpu.memref_slice %arg7[%dma_wait3A_82, %dma_wait3A_87] : memref<160x128xi32, #tpu.memory_space<vmem>> -> memref<1x128xi32, #tpu.memory_space<vmem>>
    %dma_wait3A_89 = tpu.memref_squeeze %dma_wait3A_88 : memref<1x128xi32, #tpu.memory_space<vmem>> -> memref<128xi32, #tpu.memory_space<vmem>>
    %dma_wait3A_90 = arith.constant 0 : i32
    %dma_wait3A_91 = arith.constant 0 : i32
    %dma_wait3A_92 = tpu.memref_slice %arg9[%dma_wait3A_90, %dma_wait3A_91] : memref<10112x64xf32, #tpu.memory_space<vmem_shared>> -> memref<10112x64xf32, #tpu.memory_space<vmem_shared>>
    tpu.wait_indirect_dma semaphore(%arg14 : memref<!tpu.dma_semaphore, #tpu.memory_space<semaphore_mem>>) src(%dma_wait3A_86 : memref<128x64xf32, #tpu.memory_space<vmem>>) dst(%dma_wait3A_92 : memref<10112x64xf32, #tpu.memory_space<vmem_shared>>)
    %dma_wait3A_93 = arith.constant 1 : i32
    %dma_wait3A_94 = arith.constant 0 : i32
    %dma_wait3A_95 = arith.constant 0 : i32
    %dma_wait3A_96 = arith.constant 0 : i32
    %dma_wait3A_97 = tpu.memref_slice %arg8[%dma_wait3A_93, %dma_wait3A_95, %dma_wait3A_96] : memref<4x128x64xf32, #tpu.memory_space<vmem>> -> memref<1x128x64xf32, #tpu.memory_space<vmem>>
    %dma_wait3A_98 = tpu.memref_squeeze %dma_wait3A_97 : memref<1x128x64xf32, #tpu.memory_space<vmem>> -> memref<128x64xf32, #tpu.memory_space<vmem>>
    %dma_wait3A_99 = arith.constant 0 : i32
    %dma_wait3A_100 = tpu.memref_slice %arg7[%dma_wait3A_94, %dma_wait3A_99] : memref<160x128xi32, #tpu.memory_space<vmem>> -> memref<1x128xi32, #tpu.memory_space<vmem>>
    %dma_wait3A_101 = tpu.memref_squeeze %dma_wait3A_100 : memref<1x128xi32, #tpu.memory_space<vmem>> -> memref<128xi32, #tpu.memory_space<vmem>>
    %dma_wait3A_102 = arith.constant 0 : i32
    %dma_wait3A_103 = arith.constant 0 : i32
    %dma_wait3A_104 = tpu.memref_slice %arg9[%dma_wait3A_102, %dma_wait3A_103] : memref<10112x64xf32, #tpu.memory_space<vmem_shared>> -> memref<10112x64xf32, #tpu.memory_space<vmem_shared>>
    tpu.wait_indirect_dma semaphore(%arg15 : memref<!tpu.dma_semaphore, #tpu.memory_space<semaphore_mem>>) src(%dma_wait3A_98 : memref<128x64xf32, #tpu.memory_space<vmem>>) dst(%dma_wait3A_104 : memref<10112x64xf32, #tpu.memory_space<vmem_shared>>)
    %dma_wait3A_105 = arith.constant 2 : i32
    %dma_wait3A_106 = arith.constant 0 : i32
    %dma_wait3A_107 = arith.constant 0 : i32
    %dma_wait3A_108 = arith.constant 0 : i32
    %dma_wait3A_109 = tpu.memref_slice %arg8[%dma_wait3A_105, %dma_wait3A_107, %dma_wait3A_108] : memref<4x128x64xf32, #tpu.memory_space<vmem>> -> memref<1x128x64xf32, #tpu.memory_space<vmem>>
    %dma_wait3A_110 = tpu.memref_squeeze %dma_wait3A_109 : memref<1x128x64xf32, #tpu.memory_space<vmem>> -> memref<128x64xf32, #tpu.memory_space<vmem>>
    %dma_wait3A_111 = arith.constant 0 : i32
    %dma_wait3A_112 = tpu.memref_slice %arg7[%dma_wait3A_106, %dma_wait3A_111] : memref<160x128xi32, #tpu.memory_space<vmem>> -> memref<1x128xi32, #tpu.memory_space<vmem>>
    %dma_wait3A_113 = tpu.memref_squeeze %dma_wait3A_112 : memref<1x128xi32, #tpu.memory_space<vmem>> -> memref<128xi32, #tpu.memory_space<vmem>>
    %dma_wait3A_114 = arith.constant 0 : i32
    %dma_wait3A_115 = arith.constant 0 : i32
    %dma_wait3A_116 = tpu.memref_slice %arg9[%dma_wait3A_114, %dma_wait3A_115] : memref<10112x64xf32, #tpu.memory_space<vmem_shared>> -> memref<10112x64xf32, #tpu.memory_space<vmem_shared>>
    tpu.wait_indirect_dma semaphore(%arg16 : memref<!tpu.dma_semaphore, #tpu.memory_space<semaphore_mem>>) src(%dma_wait3A_110 : memref<128x64xf32, #tpu.memory_space<vmem>>) dst(%dma_wait3A_116 : memref<10112x64xf32, #tpu.memory_space<vmem_shared>>)
    %dma_wait3A_117 = arith.constant 3 : i32
    %dma_wait3A_118 = arith.constant 0 : i32
    %dma_wait3A_119 = arith.constant 0 : i32
    %dma_wait3A_120 = arith.constant 0 : i32
    %dma_wait3A_121 = tpu.memref_slice %arg8[%dma_wait3A_117, %dma_wait3A_119, %dma_wait3A_120] : memref<4x128x64xf32, #tpu.memory_space<vmem>> -> memref<1x128x64xf32, #tpu.memory_space<vmem>>
    %dma_wait3A_122 = tpu.memref_squeeze %dma_wait3A_121 : memref<1x128x64xf32, #tpu.memory_space<vmem>> -> memref<128x64xf32, #tpu.memory_space<vmem>>
    %dma_wait3A_123 = arith.constant 0 : i32
    %dma_wait3A_124 = tpu.memref_slice %arg7[%dma_wait3A_118, %dma_wait3A_123] : memref<160x128xi32, #tpu.memory_space<vmem>> -> memref<1x128xi32, #tpu.memory_space<vmem>>
    %dma_wait3A_125 = tpu.memref_squeeze %dma_wait3A_124 : memref<1x128xi32, #tpu.memory_space<vmem>> -> memref<128xi32, #tpu.memory_space<vmem>>
    %dma_wait3A_126 = arith.constant 0 : i32
    %dma_wait3A_127 = arith.constant 0 : i32
    %dma_wait3A_128 = tpu.memref_slice %arg9[%dma_wait3A_126, %dma_wait3A_127] : memref<10112x64xf32, #tpu.memory_space<vmem_shared>> -> memref<10112x64xf32, #tpu.memory_space<vmem_shared>>
    tpu.wait_indirect_dma semaphore(%arg17 : memref<!tpu.dma_semaphore, #tpu.memory_space<semaphore_mem>>) src(%dma_wait3A_122 : memref<128x64xf32, #tpu.memory_space<vmem>>) dst(%dma_wait3A_128 : memref<10112x64xf32, #tpu.memory_space<vmem_shared>>)
    %barrier3A_129 = arith.constant 0 : index
    tpu.barrier barrier_id(%barrier3A_129)
    %lt3A = arith.constant 15 : i32
    %lt3A_130 = arith.cmpi slt, %arg1, %lt3A : i32
    %convert_element_type3A = arith.extui %lt3A_130 : i1 to i32
    %cond3A = arith.constant 0 : i32
    %cond3A_131 = arith.cmpi ne, %convert_element_type3A, %cond3A : i32
    scf.if %cond3A_131 {
      %mul3A_136 = arith.constant 632 : i32
      %mul3A_137 = arith.muli %arg1, %mul3A_136 : i32
      %mul3A_138 = arith.constant 632 : i32
      %mul3A_139 = arith.muli %arg1, %mul3A_138 : i32
      "tpu.region"() ({
        %run_scoped3A_140 = tpu.sem_alloc : memref<!tpu.dma_semaphore, #tpu.memory_space<semaphore_mem>>
        %dma_start3A_141 = arith.constant 0 : i32
        %dma_start3A_142 = tpu.memref_slice %arg5[%arg0, %mul3A_139, %dma_start3A_141] : memref<2x10000x64xf32, #tpu.memory_space<hbm>> -> memref<1x632x64xf32, #tpu.memory_space<hbm>>
        %dma_start3A_143 = tpu.memref_squeeze %dma_start3A_142 : memref<1x632x64xf32, #tpu.memory_space<hbm>> -> memref<632x64xf32, #tpu.memory_space<hbm>>
        %dma_start3A_144 = arith.constant 0 : i32
        %dma_start3A_145 = tpu.memref_slice %arg9[%mul3A_137, %dma_start3A_144] : memref<10112x64xf32, #tpu.memory_space<vmem_shared>> -> memref<632x64xf32, #tpu.memory_space<vmem_shared>>
        tpu.enqueue_dma source(%dma_start3A_145 : memref<632x64xf32, #tpu.memory_space<vmem_shared>>) target(%dma_start3A_143 : memref<632x64xf32, #tpu.memory_space<hbm>>) target_semaphore(%run_scoped3A_140 : memref<!tpu.dma_semaphore, #tpu.memory_space<semaphore_mem>>)
        %dma_wait3A_146 = arith.constant 0 : i32
        %dma_wait3A_147 = tpu.memref_slice %arg5[%arg0, %mul3A_139, %dma_wait3A_146] : memref<2x10000x64xf32, #tpu.memory_space<hbm>> -> memref<1x632x64xf32, #tpu.memory_space<hbm>>
        %dma_wait3A_148 = tpu.memref_squeeze %dma_wait3A_147 : memref<1x632x64xf32, #tpu.memory_space<hbm>> -> memref<632x64xf32, #tpu.memory_space<hbm>>
        %dma_wait3A_149 = arith.constant 0 : i32
        %dma_wait3A_150 = tpu.memref_slice %arg9[%mul3A_137, %dma_wait3A_149] : memref<10112x64xf32, #tpu.memory_space<vmem_shared>> -> memref<632x64xf32, #tpu.memory_space<vmem_shared>>
        tpu.wait_dma2 semaphore(%run_scoped3A_140 : memref<!tpu.dma_semaphore, #tpu.memory_space<semaphore_mem>>) src(%dma_wait3A_150 : memref<632x64xf32, #tpu.memory_space<vmem_shared>>) dst(%dma_wait3A_148 : memref<632x64xf32, #tpu.memory_space<hbm>>)
        tpu.yield
      }) : () -> ()
    } else {
    }
    %eq3A = arith.constant 15 : i32
    %eq3A_132 = arith.cmpi eq, %arg1, %eq3A : i32
    %convert_element_type3A_133 = arith.extui %eq3A_132 : i1 to i32
    %cond3A_134 = arith.constant 0 : i32
    %cond3A_135 = arith.cmpi ne, %convert_element_type3A_133, %cond3A_134 : i32
    scf.if %cond3A_135 {
      "tpu.region"() ({
        %run_scoped3A_136 = tpu.sem_alloc : memref<!tpu.dma_semaphore, #tpu.memory_space<semaphore_mem>>
        %dma_start3A_137 = arith.constant 9480 : i32
        %dma_start3A_138 = arith.constant 0 : i32
        %dma_start3A_139 = tpu.memref_slice %arg5[%arg0, %dma_start3A_137, %dma_start3A_138] : memref<2x10000x64xf32, #tpu.memory_space<hbm>> -> memref<1x520x64xf32, #tpu.memory_space<hbm>>
        %dma_start3A_140 = tpu.memref_squeeze %dma_start3A_139 : memref<1x520x64xf32, #tpu.memory_space<hbm>> -> memref<520x64xf32, #tpu.memory_space<hbm>>
        %dma_start3A_141 = arith.constant 9480 : i32
        %dma_start3A_142 = arith.constant 0 : i32
        %dma_start3A_143 = tpu.memref_slice %arg9[%dma_start3A_141, %dma_start3A_142] : memref<10112x64xf32, #tpu.memory_space<vmem_shared>> -> memref<520x64xf32, #tpu.memory_space<vmem_shared>>
        tpu.enqueue_dma source(%dma_start3A_143 : memref<520x64xf32, #tpu.memory_space<vmem_shared>>) target(%dma_start3A_140 : memref<520x64xf32, #tpu.memory_space<hbm>>) target_semaphore(%run_scoped3A_136 : memref<!tpu.dma_semaphore, #tpu.memory_space<semaphore_mem>>)
        %dma_wait3A_144 = arith.constant 9480 : i32
        %dma_wait3A_145 = arith.constant 0 : i32
        %dma_wait3A_146 = tpu.memref_slice %arg5[%arg0, %dma_wait3A_144, %dma_wait3A_145] : memref<2x10000x64xf32, #tpu.memory_space<hbm>> -> memref<1x520x64xf32, #tpu.memory_space<hbm>>
        %dma_wait3A_147 = tpu.memref_squeeze %dma_wait3A_146 : memref<1x520x64xf32, #tpu.memory_space<hbm>> -> memref<520x64xf32, #tpu.memory_space<hbm>>
        %dma_wait3A_148 = arith.constant 9480 : i32
        %dma_wait3A_149 = arith.constant 0 : i32
        %dma_wait3A_150 = tpu.memref_slice %arg9[%dma_wait3A_148, %dma_wait3A_149] : memref<10112x64xf32, #tpu.memory_space<vmem_shared>> -> memref<520x64xf32, #tpu.memory_space<vmem_shared>>
        tpu.wait_dma2 semaphore(%run_scoped3A_136 : memref<!tpu.dma_semaphore, #tpu.memory_space<semaphore_mem>>) src(%dma_wait3A_150 : memref<520x64xf32, #tpu.memory_space<vmem_shared>>) dst(%dma_wait3A_147 : memref<520x64xf32, #tpu.memory_space<hbm>>)
        tpu.yield
      }) : () -> ()
    } else {
    }
    return
  }
}

#map = affine_map<(d0, d1) -> (0, 0)>
#map1 = affine_map<(d0, d1) -> (0, 0, 0, 0)>
#map2 = affine_map<(d0, d1) -> (0, 0, 0)>
module attributes {stable_mosaic.version = 14 : i64} {
  func.func @seg_kernel(%arg0: i32, %arg1: i32, %arg2: memref<10000x32xf32, #tpu.memory_space<hbm>>, %arg3: memref<2x32x80x128xi32, #tpu.memory_space<hbm>>, %arg4: memref<632x32xf32, #tpu.memory_space<hbm>>, %arg5: memref<2x10000x32xf32, #tpu.memory_space<hbm>>, %arg6: memref<80x128xi32, #tpu.memory_space<vmem>>, %arg7: memref<80x128xi32, #tpu.memory_space<vmem>>, %arg8: memref<8x128x32xf32, #tpu.memory_space<vmem>>, %arg9: memref<10000x32xf32, #tpu.memory_space<vmem_shared>>, %arg10: memref<10112x32xf32, #tpu.memory_space<vmem_shared>>, %arg11: memref<!tpu.dma_semaphore, #tpu.memory_space<semaphore_mem>>, %arg12: memref<!tpu.dma_semaphore, #tpu.memory_space<semaphore_mem>>, %arg13: memref<!tpu.dma_semaphore, #tpu.memory_space<semaphore_mem>>, %arg14: memref<!tpu.dma_semaphore, #tpu.memory_space<semaphore_mem>>, %arg15: memref<!tpu.dma_semaphore, #tpu.memory_space<semaphore_mem>>, %arg16: memref<!tpu.dma_semaphore, #tpu.memory_space<semaphore_mem>>, %arg17: memref<!tpu.dma_semaphore, #tpu.memory_space<semaphore_mem>>, %arg18: memref<!tpu.dma_semaphore, #tpu.memory_space<semaphore_mem>>, %arg19: memref<!tpu.dma_semaphore, #tpu.memory_space<semaphore_mem>>, %arg20: memref<!tpu.dma_semaphore, #tpu.memory_space<semaphore_mem>>, %arg21: memref<!tpu.dma_semaphore, #tpu.memory_space<semaphore_mem>>, %arg22: memref<!tpu.dma_semaphore, #tpu.memory_space<semaphore_mem>>, %arg23: memref<!tpu.dma_semaphore, #tpu.memory_space<semaphore_mem>>, %arg24: memref<!tpu.dma_semaphore, #tpu.memory_space<semaphore_mem>>, %arg25: memref<!tpu.dma_semaphore, #tpu.memory_space<semaphore_mem>>, %arg26: memref<!tpu.dma_semaphore, #tpu.memory_space<semaphore_mem>>) attributes {dimension_semantics = [#tpu.dimension_semantics<core_parallel>, #tpu.dimension_semantics<subcore_parallel>], iteration_bounds = array<i64: 2, 16>, scalar_prefetch = 0 : i64, scratch_operands = 21 : i64, tpu.core_type = #tpu.core_type<sc_vector_subcore>, window_params = [{transform_indices = #map}, {transform_indices = #map1}, {transform_indices = #map}, {transform_indices = #map2}]} {
    %mul3A = arith.constant 16 : i32
    %mul3A_0 = arith.muli %arg0, %mul3A : i32
    %add3A = arith.addi %mul3A_0, %arg1 : i32
    %mul3A_1 = arith.constant 632 : i32
    %mul3A_2 = arith.muli %arg1, %mul3A_1 : i32
    "tpu.region"() ({
      %run_scoped3A_215 = tpu.sem_alloc : memref<!tpu.dma_semaphore, #tpu.memory_space<semaphore_mem>>
      %dma_start3A_216 = arith.constant 0 : i32
      %dma_start3A_217 = tpu.memref_slice %arg10[%mul3A_2, %dma_start3A_216] : memref<10112x32xf32, #tpu.memory_space<vmem_shared>> -> memref<632x32xf32, #tpu.memory_space<vmem_shared>>
      tpu.enqueue_dma source(%arg4 : memref<632x32xf32, #tpu.memory_space<hbm>>) target(%dma_start3A_217 : memref<632x32xf32, #tpu.memory_space<vmem_shared>>) target_semaphore(%run_scoped3A_215 : memref<!tpu.dma_semaphore, #tpu.memory_space<semaphore_mem>>)
      %dma_wait3A_218 = arith.constant 0 : i32
      %dma_wait3A_219 = tpu.memref_slice %arg10[%mul3A_2, %dma_wait3A_218] : memref<10112x32xf32, #tpu.memory_space<vmem_shared>> -> memref<632x32xf32, #tpu.memory_space<vmem_shared>>
      tpu.wait_dma2 semaphore(%run_scoped3A_215 : memref<!tpu.dma_semaphore, #tpu.memory_space<semaphore_mem>>) src(%arg4 : memref<632x32xf32, #tpu.memory_space<hbm>>) dst(%dma_wait3A_219 : memref<632x32xf32, #tpu.memory_space<vmem_shared>>)
      tpu.yield
    }) : () -> ()
    %lt3A = arith.constant 15 : i32
    %lt3A_3 = arith.cmpi slt, %arg1, %lt3A : i32
    %convert_element_type3A = arith.extui %lt3A_3 : i1 to i32
    %cond3A = arith.constant 0 : i32
    %cond3A_4 = arith.cmpi ne, %convert_element_type3A, %cond3A : i32
    scf.if %cond3A_4 {
      %mul3A_215 = arith.constant 632 : i32
      %mul3A_216 = arith.muli %arg1, %mul3A_215 : i32
      %mul3A_217 = arith.constant 632 : i32
      %mul3A_218 = arith.muli %arg1, %mul3A_217 : i32
      "tpu.region"() ({
        %run_scoped3A_219 = tpu.sem_alloc : memref<!tpu.dma_semaphore, #tpu.memory_space<semaphore_mem>>
        %dma_start3A_220 = arith.constant 0 : i32
        %dma_start3A_221 = tpu.memref_slice %arg9[%mul3A_218, %dma_start3A_220] : memref<10000x32xf32, #tpu.memory_space<vmem_shared>> -> memref<632x32xf32, #tpu.memory_space<vmem_shared>>
        %dma_start3A_222 = arith.constant 0 : i32
        %dma_start3A_223 = tpu.memref_slice %arg2[%mul3A_216, %dma_start3A_222] : memref<10000x32xf32, #tpu.memory_space<hbm>> -> memref<632x32xf32, #tpu.memory_space<hbm>>
        tpu.enqueue_dma source(%dma_start3A_223 : memref<632x32xf32, #tpu.memory_space<hbm>>) target(%dma_start3A_221 : memref<632x32xf32, #tpu.memory_space<vmem_shared>>) target_semaphore(%run_scoped3A_219 : memref<!tpu.dma_semaphore, #tpu.memory_space<semaphore_mem>>)
        %dma_wait3A_224 = arith.constant 0 : i32
        %dma_wait3A_225 = tpu.memref_slice %arg9[%mul3A_218, %dma_wait3A_224] : memref<10000x32xf32, #tpu.memory_space<vmem_shared>> -> memref<632x32xf32, #tpu.memory_space<vmem_shared>>
        %dma_wait3A_226 = arith.constant 0 : i32
        %dma_wait3A_227 = tpu.memref_slice %arg2[%mul3A_216, %dma_wait3A_226] : memref<10000x32xf32, #tpu.memory_space<hbm>> -> memref<632x32xf32, #tpu.memory_space<hbm>>
        tpu.wait_dma2 semaphore(%run_scoped3A_219 : memref<!tpu.dma_semaphore, #tpu.memory_space<semaphore_mem>>) src(%dma_wait3A_227 : memref<632x32xf32, #tpu.memory_space<hbm>>) dst(%dma_wait3A_225 : memref<632x32xf32, #tpu.memory_space<vmem_shared>>)
        tpu.yield
      }) : () -> ()
    } else {
    }
    %eq3A = arith.constant 15 : i32
    %eq3A_5 = arith.cmpi eq, %arg1, %eq3A : i32
    %convert_element_type3A_6 = arith.extui %eq3A_5 : i1 to i32
    %cond3A_7 = arith.constant 0 : i32
    %cond3A_8 = arith.cmpi ne, %convert_element_type3A_6, %cond3A_7 : i32
    scf.if %cond3A_8 {
      "tpu.region"() ({
        %run_scoped3A_215 = tpu.sem_alloc : memref<!tpu.dma_semaphore, #tpu.memory_space<semaphore_mem>>
        %dma_start3A_216 = arith.constant 9480 : i32
        %dma_start3A_217 = arith.constant 0 : i32
        %dma_start3A_218 = tpu.memref_slice %arg9[%dma_start3A_216, %dma_start3A_217] : memref<10000x32xf32, #tpu.memory_space<vmem_shared>> -> memref<520x32xf32, #tpu.memory_space<vmem_shared>>
        %dma_start3A_219 = arith.constant 9480 : i32
        %dma_start3A_220 = arith.constant 0 : i32
        %dma_start3A_221 = tpu.memref_slice %arg2[%dma_start3A_219, %dma_start3A_220] : memref<10000x32xf32, #tpu.memory_space<hbm>> -> memref<520x32xf32, #tpu.memory_space<hbm>>
        tpu.enqueue_dma source(%dma_start3A_221 : memref<520x32xf32, #tpu.memory_space<hbm>>) target(%dma_start3A_218 : memref<520x32xf32, #tpu.memory_space<vmem_shared>>) target_semaphore(%run_scoped3A_215 : memref<!tpu.dma_semaphore, #tpu.memory_space<semaphore_mem>>)
        %dma_wait3A_222 = arith.constant 9480 : i32
        %dma_wait3A_223 = arith.constant 0 : i32
        %dma_wait3A_224 = tpu.memref_slice %arg9[%dma_wait3A_222, %dma_wait3A_223] : memref<10000x32xf32, #tpu.memory_space<vmem_shared>> -> memref<520x32xf32, #tpu.memory_space<vmem_shared>>
        %dma_wait3A_225 = arith.constant 9480 : i32
        %dma_wait3A_226 = arith.constant 0 : i32
        %dma_wait3A_227 = tpu.memref_slice %arg2[%dma_wait3A_225, %dma_wait3A_226] : memref<10000x32xf32, #tpu.memory_space<hbm>> -> memref<520x32xf32, #tpu.memory_space<hbm>>
        tpu.wait_dma2 semaphore(%run_scoped3A_215 : memref<!tpu.dma_semaphore, #tpu.memory_space<semaphore_mem>>) src(%dma_wait3A_227 : memref<520x32xf32, #tpu.memory_space<hbm>>) dst(%dma_wait3A_224 : memref<520x32xf32, #tpu.memory_space<vmem_shared>>)
        tpu.yield
      }) : () -> ()
    } else {
    }
    %run_scoped3A = arith.constant 0 : i32
    "tpu.region"() ({
      %run_scoped3A_215 = tpu.sem_alloc : memref<!tpu.dma_semaphore, #tpu.memory_space<semaphore_mem>>
      %dma_start3A_216 = arith.constant 0 : i32
      %dma_start3A_217 = arith.constant 0 : i32
      %dma_start3A_218 = tpu.memref_slice %arg3[%run_scoped3A, %add3A, %dma_start3A_216, %dma_start3A_217] : memref<2x32x80x128xi32, #tpu.memory_space<hbm>> -> memref<1x1x80x128xi32, #tpu.memory_space<hbm>>
      %dma_start3A_219 = tpu.memref_squeeze %dma_start3A_218 : memref<1x1x80x128xi32, #tpu.memory_space<hbm>> -> memref<80x128xi32, #tpu.memory_space<hbm>>
      %dma_start3A_220 = arith.constant 0 : i32
      %dma_start3A_221 = arith.constant 0 : i32
      %dma_start3A_222 = tpu.memref_slice %arg3[%run_scoped3A, %add3A, %dma_start3A_220, %dma_start3A_221] : memref<2x32x80x128xi32, #tpu.memory_space<hbm>> -> memref<1x1x80x128xi32, #tpu.memory_space<hbm>>
      %dma_start3A_223 = tpu.memref_squeeze %dma_start3A_222 : memref<1x1x80x128xi32, #tpu.memory_space<hbm>> -> memref<80x128xi32, #tpu.memory_space<hbm>>
      tpu.enqueue_dma source(%dma_start3A_223 : memref<80x128xi32, #tpu.memory_space<hbm>>) target(%arg6 : memref<80x128xi32, #tpu.memory_space<vmem>>) target_semaphore(%run_scoped3A_215 : memref<!tpu.dma_semaphore, #tpu.memory_space<semaphore_mem>>)
      %dma_wait3A_224 = arith.constant 0 : i32
      %dma_wait3A_225 = arith.constant 0 : i32
      %dma_wait3A_226 = tpu.memref_slice %arg3[%run_scoped3A, %add3A, %dma_wait3A_224, %dma_wait3A_225] : memref<2x32x80x128xi32, #tpu.memory_space<hbm>> -> memref<1x1x80x128xi32, #tpu.memory_space<hbm>>
      %dma_wait3A_227 = tpu.memref_squeeze %dma_wait3A_226 : memref<1x1x80x128xi32, #tpu.memory_space<hbm>> -> memref<80x128xi32, #tpu.memory_space<hbm>>
      %dma_wait3A_228 = arith.constant 0 : i32
      %dma_wait3A_229 = arith.constant 0 : i32
      %dma_wait3A_230 = tpu.memref_slice %arg3[%run_scoped3A, %add3A, %dma_wait3A_228, %dma_wait3A_229] : memref<2x32x80x128xi32, #tpu.memory_space<hbm>> -> memref<1x1x80x128xi32, #tpu.memory_space<hbm>>
      %dma_wait3A_231 = tpu.memref_squeeze %dma_wait3A_230 : memref<1x1x80x128xi32, #tpu.memory_space<hbm>> -> memref<80x128xi32, #tpu.memory_space<hbm>>
      tpu.wait_dma2 semaphore(%run_scoped3A_215 : memref<!tpu.dma_semaphore, #tpu.memory_space<semaphore_mem>>) src(%dma_wait3A_231 : memref<80x128xi32, #tpu.memory_space<hbm>>) dst(%arg6 : memref<80x128xi32, #tpu.memory_space<vmem>>)
      tpu.yield
    }) : () -> ()
    %run_scoped3A_9 = arith.constant 1 : i32
    "tpu.region"() ({
      %run_scoped3A_215 = tpu.sem_alloc : memref<!tpu.dma_semaphore, #tpu.memory_space<semaphore_mem>>
      %dma_start3A_216 = arith.constant 0 : i32
      %dma_start3A_217 = arith.constant 0 : i32
      %dma_start3A_218 = tpu.memref_slice %arg3[%run_scoped3A_9, %add3A, %dma_start3A_216, %dma_start3A_217] : memref<2x32x80x128xi32, #tpu.memory_space<hbm>> -> memref<1x1x80x128xi32, #tpu.memory_space<hbm>>
      %dma_start3A_219 = tpu.memref_squeeze %dma_start3A_218 : memref<1x1x80x128xi32, #tpu.memory_space<hbm>> -> memref<80x128xi32, #tpu.memory_space<hbm>>
      %dma_start3A_220 = arith.constant 0 : i32
      %dma_start3A_221 = arith.constant 0 : i32
      %dma_start3A_222 = tpu.memref_slice %arg3[%run_scoped3A_9, %add3A, %dma_start3A_220, %dma_start3A_221] : memref<2x32x80x128xi32, #tpu.memory_space<hbm>> -> memref<1x1x80x128xi32, #tpu.memory_space<hbm>>
      %dma_start3A_223 = tpu.memref_squeeze %dma_start3A_222 : memref<1x1x80x128xi32, #tpu.memory_space<hbm>> -> memref<80x128xi32, #tpu.memory_space<hbm>>
      tpu.enqueue_dma source(%dma_start3A_223 : memref<80x128xi32, #tpu.memory_space<hbm>>) target(%arg7 : memref<80x128xi32, #tpu.memory_space<vmem>>) target_semaphore(%run_scoped3A_215 : memref<!tpu.dma_semaphore, #tpu.memory_space<semaphore_mem>>)
      %dma_wait3A_224 = arith.constant 0 : i32
      %dma_wait3A_225 = arith.constant 0 : i32
      %dma_wait3A_226 = tpu.memref_slice %arg3[%run_scoped3A_9, %add3A, %dma_wait3A_224, %dma_wait3A_225] : memref<2x32x80x128xi32, #tpu.memory_space<hbm>> -> memref<1x1x80x128xi32, #tpu.memory_space<hbm>>
      %dma_wait3A_227 = tpu.memref_squeeze %dma_wait3A_226 : memref<1x1x80x128xi32, #tpu.memory_space<hbm>> -> memref<80x128xi32, #tpu.memory_space<hbm>>
      %dma_wait3A_228 = arith.constant 0 : i32
      %dma_wait3A_229 = arith.constant 0 : i32
      %dma_wait3A_230 = tpu.memref_slice %arg3[%run_scoped3A_9, %add3A, %dma_wait3A_228, %dma_wait3A_229] : memref<2x32x80x128xi32, #tpu.memory_space<hbm>> -> memref<1x1x80x128xi32, #tpu.memory_space<hbm>>
      %dma_wait3A_231 = tpu.memref_squeeze %dma_wait3A_230 : memref<1x1x80x128xi32, #tpu.memory_space<hbm>> -> memref<80x128xi32, #tpu.memory_space<hbm>>
      tpu.wait_dma2 semaphore(%run_scoped3A_215 : memref<!tpu.dma_semaphore, #tpu.memory_space<semaphore_mem>>) src(%dma_wait3A_231 : memref<80x128xi32, #tpu.memory_space<hbm>>) dst(%arg7 : memref<80x128xi32, #tpu.memory_space<vmem>>)
      tpu.yield
    }) : () -> ()
    %barrier3A = arith.constant 0 : index
    tpu.barrier barrier_id(%barrier3A)
    %dma_start3A = arith.constant 0 : i32
    %dma_start3A_10 = arith.constant 0 : i32
    %dma_start3A_11 = arith.constant 0 : i32
    %dma_start3A_12 = arith.constant 0 : i32
    %dma_start3A_13 = tpu.memref_slice %arg8[%dma_start3A_10, %dma_start3A_11, %dma_start3A_12] : memref<8x128x32xf32, #tpu.memory_space<vmem>> -> memref<1x128x32xf32, #tpu.memory_space<vmem>>
    %dma_start3A_14 = tpu.memref_squeeze %dma_start3A_13 : memref<1x128x32xf32, #tpu.memory_space<vmem>> -> memref<128x32xf32, #tpu.memory_space<vmem>>
    %dma_start3A_15 = arith.constant 0 : i32
    %dma_start3A_16 = tpu.memref_slice %arg6[%dma_start3A, %dma_start3A_15] : memref<80x128xi32, #tpu.memory_space<vmem>> -> memref<1x128xi32, #tpu.memory_space<vmem>>
    %dma_start3A_17 = tpu.memref_squeeze %dma_start3A_16 : memref<1x128xi32, #tpu.memory_space<vmem>> -> memref<128xi32, #tpu.memory_space<vmem>>
    %dma_start3A_18 = arith.constant 0 : i32
    %dma_start3A_19 = arith.constant 0 : i32
    %dma_start3A_20 = tpu.memref_slice %arg9[%dma_start3A_18, %dma_start3A_19] : memref<10000x32xf32, #tpu.memory_space<vmem_shared>> -> memref<10000x32xf32, #tpu.memory_space<vmem_shared>>
    tpu.enqueue_indirect_dma source(%dma_start3A_20 : memref<10000x32xf32, #tpu.memory_space<vmem_shared>>) target(%dma_start3A_14 : memref<128x32xf32, #tpu.memory_space<vmem>>) offsets(%dma_start3A_17 : memref<128xi32, #tpu.memory_space<vmem>>) semaphore(%arg11 : memref<!tpu.dma_semaphore, #tpu.memory_space<semaphore_mem>>)
    %dma_start3A_21 = arith.constant 1 : i32
    %dma_start3A_22 = arith.constant 1 : i32
    %dma_start3A_23 = arith.constant 0 : i32
    %dma_start3A_24 = arith.constant 0 : i32
    %dma_start3A_25 = tpu.memref_slice %arg8[%dma_start3A_22, %dma_start3A_23, %dma_start3A_24] : memref<8x128x32xf32, #tpu.memory_space<vmem>> -> memref<1x128x32xf32, #tpu.memory_space<vmem>>
    %dma_start3A_26 = tpu.memref_squeeze %dma_start3A_25 : memref<1x128x32xf32, #tpu.memory_space<vmem>> -> memref<128x32xf32, #tpu.memory_space<vmem>>
    %dma_start3A_27 = arith.constant 0 : i32
    %dma_start3A_28 = tpu.memref_slice %arg6[%dma_start3A_21, %dma_start3A_27] : memref<80x128xi32, #tpu.memory_space<vmem>> -> memref<1x128xi32, #tpu.memory_space<vmem>>
    %dma_start3A_29 = tpu.memref_squeeze %dma_start3A_28 : memref<1x128xi32, #tpu.memory_space<vmem>> -> memref<128xi32, #tpu.memory_space<vmem>>
    %dma_start3A_30 = arith.constant 0 : i32
    %dma_start3A_31 = arith.constant 0 : i32
    %dma_start3A_32 = tpu.memref_slice %arg9[%dma_start3A_30, %dma_start3A_31] : memref<10000x32xf32, #tpu.memory_space<vmem_shared>> -> memref<10000x32xf32, #tpu.memory_space<vmem_shared>>
    tpu.enqueue_indirect_dma source(%dma_start3A_32 : memref<10000x32xf32, #tpu.memory_space<vmem_shared>>) target(%dma_start3A_26 : memref<128x32xf32, #tpu.memory_space<vmem>>) offsets(%dma_start3A_29 : memref<128xi32, #tpu.memory_space<vmem>>) semaphore(%arg12 : memref<!tpu.dma_semaphore, #tpu.memory_space<semaphore_mem>>)
    %dma_start3A_33 = arith.constant 2 : i32
    %dma_start3A_34 = arith.constant 2 : i32
    %dma_start3A_35 = arith.constant 0 : i32
    %dma_start3A_36 = arith.constant 0 : i32
    %dma_start3A_37 = tpu.memref_slice %arg8[%dma_start3A_34, %dma_start3A_35, %dma_start3A_36] : memref<8x128x32xf32, #tpu.memory_space<vmem>> -> memref<1x128x32xf32, #tpu.memory_space<vmem>>
    %dma_start3A_38 = tpu.memref_squeeze %dma_start3A_37 : memref<1x128x32xf32, #tpu.memory_space<vmem>> -> memref<128x32xf32, #tpu.memory_space<vmem>>
    %dma_start3A_39 = arith.constant 0 : i32
    %dma_start3A_40 = tpu.memref_slice %arg6[%dma_start3A_33, %dma_start3A_39] : memref<80x128xi32, #tpu.memory_space<vmem>> -> memref<1x128xi32, #tpu.memory_space<vmem>>
    %dma_start3A_41 = tpu.memref_squeeze %dma_start3A_40 : memref<1x128xi32, #tpu.memory_space<vmem>> -> memref<128xi32, #tpu.memory_space<vmem>>
    %dma_start3A_42 = arith.constant 0 : i32
    %dma_start3A_43 = arith.constant 0 : i32
    %dma_start3A_44 = tpu.memref_slice %arg9[%dma_start3A_42, %dma_start3A_43] : memref<10000x32xf32, #tpu.memory_space<vmem_shared>> -> memref<10000x32xf32, #tpu.memory_space<vmem_shared>>
    tpu.enqueue_indirect_dma source(%dma_start3A_44 : memref<10000x32xf32, #tpu.memory_space<vmem_shared>>) target(%dma_start3A_38 : memref<128x32xf32, #tpu.memory_space<vmem>>) offsets(%dma_start3A_41 : memref<128xi32, #tpu.memory_space<vmem>>) semaphore(%arg13 : memref<!tpu.dma_semaphore, #tpu.memory_space<semaphore_mem>>)
    %dma_start3A_45 = arith.constant 3 : i32
    %dma_start3A_46 = arith.constant 3 : i32
    %dma_start3A_47 = arith.constant 0 : i32
    %dma_start3A_48 = arith.constant 0 : i32
    %dma_start3A_49 = tpu.memref_slice %arg8[%dma_start3A_46, %dma_start3A_47, %dma_start3A_48] : memref<8x128x32xf32, #tpu.memory_space<vmem>> -> memref<1x128x32xf32, #tpu.memory_space<vmem>>
    %dma_start3A_50 = tpu.memref_squeeze %dma_start3A_49 : memref<1x128x32xf32, #tpu.memory_space<vmem>> -> memref<128x32xf32, #tpu.memory_space<vmem>>
    %dma_start3A_51 = arith.constant 0 : i32
    %dma_start3A_52 = tpu.memref_slice %arg6[%dma_start3A_45, %dma_start3A_51] : memref<80x128xi32, #tpu.memory_space<vmem>> -> memref<1x128xi32, #tpu.memory_space<vmem>>
    %dma_start3A_53 = tpu.memref_squeeze %dma_start3A_52 : memref<1x128xi32, #tpu.memory_space<vmem>> -> memref<128xi32, #tpu.memory_space<vmem>>
    %dma_start3A_54 = arith.constant 0 : i32
    %dma_start3A_55 = arith.constant 0 : i32
    %dma_start3A_56 = tpu.memref_slice %arg9[%dma_start3A_54, %dma_start3A_55] : memref<10000x32xf32, #tpu.memory_space<vmem_shared>> -> memref<10000x32xf32, #tpu.memory_space<vmem_shared>>
    tpu.enqueue_indirect_dma source(%dma_start3A_56 : memref<10000x32xf32, #tpu.memory_space<vmem_shared>>) target(%dma_start3A_50 : memref<128x32xf32, #tpu.memory_space<vmem>>) offsets(%dma_start3A_53 : memref<128xi32, #tpu.memory_space<vmem>>) semaphore(%arg14 : memref<!tpu.dma_semaphore, #tpu.memory_space<semaphore_mem>>)
    %dma_start3A_57 = arith.constant 4 : i32
    %dma_start3A_58 = arith.constant 4 : i32
    %dma_start3A_59 = arith.constant 0 : i32
    %dma_start3A_60 = arith.constant 0 : i32
    %dma_start3A_61 = tpu.memref_slice %arg8[%dma_start3A_58, %dma_start3A_59, %dma_start3A_60] : memref<8x128x32xf32, #tpu.memory_space<vmem>> -> memref<1x128x32xf32, #tpu.memory_space<vmem>>
    %dma_start3A_62 = tpu.memref_squeeze %dma_start3A_61 : memref<1x128x32xf32, #tpu.memory_space<vmem>> -> memref<128x32xf32, #tpu.memory_space<vmem>>
    %dma_start3A_63 = arith.constant 0 : i32
    %dma_start3A_64 = tpu.memref_slice %arg6[%dma_start3A_57, %dma_start3A_63] : memref<80x128xi32, #tpu.memory_space<vmem>> -> memref<1x128xi32, #tpu.memory_space<vmem>>
    %dma_start3A_65 = tpu.memref_squeeze %dma_start3A_64 : memref<1x128xi32, #tpu.memory_space<vmem>> -> memref<128xi32, #tpu.memory_space<vmem>>
    %dma_start3A_66 = arith.constant 0 : i32
    %dma_start3A_67 = arith.constant 0 : i32
    %dma_start3A_68 = tpu.memref_slice %arg9[%dma_start3A_66, %dma_start3A_67] : memref<10000x32xf32, #tpu.memory_space<vmem_shared>> -> memref<10000x32xf32, #tpu.memory_space<vmem_shared>>
    tpu.enqueue_indirect_dma source(%dma_start3A_68 : memref<10000x32xf32, #tpu.memory_space<vmem_shared>>) target(%dma_start3A_62 : memref<128x32xf32, #tpu.memory_space<vmem>>) offsets(%dma_start3A_65 : memref<128xi32, #tpu.memory_space<vmem>>) semaphore(%arg15 : memref<!tpu.dma_semaphore, #tpu.memory_space<semaphore_mem>>)
    %dma_start3A_69 = arith.constant 5 : i32
    %dma_start3A_70 = arith.constant 5 : i32
    %dma_start3A_71 = arith.constant 0 : i32
    %dma_start3A_72 = arith.constant 0 : i32
    %dma_start3A_73 = tpu.memref_slice %arg8[%dma_start3A_70, %dma_start3A_71, %dma_start3A_72] : memref<8x128x32xf32, #tpu.memory_space<vmem>> -> memref<1x128x32xf32, #tpu.memory_space<vmem>>
    %dma_start3A_74 = tpu.memref_squeeze %dma_start3A_73 : memref<1x128x32xf32, #tpu.memory_space<vmem>> -> memref<128x32xf32, #tpu.memory_space<vmem>>
    %dma_start3A_75 = arith.constant 0 : i32
    %dma_start3A_76 = tpu.memref_slice %arg6[%dma_start3A_69, %dma_start3A_75] : memref<80x128xi32, #tpu.memory_space<vmem>> -> memref<1x128xi32, #tpu.memory_space<vmem>>
    %dma_start3A_77 = tpu.memref_squeeze %dma_start3A_76 : memref<1x128xi32, #tpu.memory_space<vmem>> -> memref<128xi32, #tpu.memory_space<vmem>>
    %dma_start3A_78 = arith.constant 0 : i32
    %dma_start3A_79 = arith.constant 0 : i32
    %dma_start3A_80 = tpu.memref_slice %arg9[%dma_start3A_78, %dma_start3A_79] : memref<10000x32xf32, #tpu.memory_space<vmem_shared>> -> memref<10000x32xf32, #tpu.memory_space<vmem_shared>>
    tpu.enqueue_indirect_dma source(%dma_start3A_80 : memref<10000x32xf32, #tpu.memory_space<vmem_shared>>) target(%dma_start3A_74 : memref<128x32xf32, #tpu.memory_space<vmem>>) offsets(%dma_start3A_77 : memref<128xi32, #tpu.memory_space<vmem>>) semaphore(%arg16 : memref<!tpu.dma_semaphore, #tpu.memory_space<semaphore_mem>>)
    %dma_start3A_81 = arith.constant 6 : i32
    %dma_start3A_82 = arith.constant 6 : i32
    %dma_start3A_83 = arith.constant 0 : i32
    %dma_start3A_84 = arith.constant 0 : i32
    %dma_start3A_85 = tpu.memref_slice %arg8[%dma_start3A_82, %dma_start3A_83, %dma_start3A_84] : memref<8x128x32xf32, #tpu.memory_space<vmem>> -> memref<1x128x32xf32, #tpu.memory_space<vmem>>
    %dma_start3A_86 = tpu.memref_squeeze %dma_start3A_85 : memref<1x128x32xf32, #tpu.memory_space<vmem>> -> memref<128x32xf32, #tpu.memory_space<vmem>>
    %dma_start3A_87 = arith.constant 0 : i32
    %dma_start3A_88 = tpu.memref_slice %arg6[%dma_start3A_81, %dma_start3A_87] : memref<80x128xi32, #tpu.memory_space<vmem>> -> memref<1x128xi32, #tpu.memory_space<vmem>>
    %dma_start3A_89 = tpu.memref_squeeze %dma_start3A_88 : memref<1x128xi32, #tpu.memory_space<vmem>> -> memref<128xi32, #tpu.memory_space<vmem>>
    %dma_start3A_90 = arith.constant 0 : i32
    %dma_start3A_91 = arith.constant 0 : i32
    %dma_start3A_92 = tpu.memref_slice %arg9[%dma_start3A_90, %dma_start3A_91] : memref<10000x32xf32, #tpu.memory_space<vmem_shared>> -> memref<10000x32xf32, #tpu.memory_space<vmem_shared>>
    tpu.enqueue_indirect_dma source(%dma_start3A_92 : memref<10000x32xf32, #tpu.memory_space<vmem_shared>>) target(%dma_start3A_86 : memref<128x32xf32, #tpu.memory_space<vmem>>) offsets(%dma_start3A_89 : memref<128xi32, #tpu.memory_space<vmem>>) semaphore(%arg17 : memref<!tpu.dma_semaphore, #tpu.memory_space<semaphore_mem>>)
    %dma_start3A_93 = arith.constant 7 : i32
    %dma_start3A_94 = arith.constant 7 : i32
    %dma_start3A_95 = arith.constant 0 : i32
    %dma_start3A_96 = arith.constant 0 : i32
    %dma_start3A_97 = tpu.memref_slice %arg8[%dma_start3A_94, %dma_start3A_95, %dma_start3A_96] : memref<8x128x32xf32, #tpu.memory_space<vmem>> -> memref<1x128x32xf32, #tpu.memory_space<vmem>>
    %dma_start3A_98 = tpu.memref_squeeze %dma_start3A_97 : memref<1x128x32xf32, #tpu.memory_space<vmem>> -> memref<128x32xf32, #tpu.memory_space<vmem>>
    %dma_start3A_99 = arith.constant 0 : i32
    %dma_start3A_100 = tpu.memref_slice %arg6[%dma_start3A_93, %dma_start3A_99] : memref<80x128xi32, #tpu.memory_space<vmem>> -> memref<1x128xi32, #tpu.memory_space<vmem>>
    %dma_start3A_101 = tpu.memref_squeeze %dma_start3A_100 : memref<1x128xi32, #tpu.memory_space<vmem>> -> memref<128xi32, #tpu.memory_space<vmem>>
    %dma_start3A_102 = arith.constant 0 : i32
    %dma_start3A_103 = arith.constant 0 : i32
    %dma_start3A_104 = tpu.memref_slice %arg9[%dma_start3A_102, %dma_start3A_103] : memref<10000x32xf32, #tpu.memory_space<vmem_shared>> -> memref<10000x32xf32, #tpu.memory_space<vmem_shared>>
    tpu.enqueue_indirect_dma source(%dma_start3A_104 : memref<10000x32xf32, #tpu.memory_space<vmem_shared>>) target(%dma_start3A_98 : memref<128x32xf32, #tpu.memory_space<vmem>>) offsets(%dma_start3A_101 : memref<128xi32, #tpu.memory_space<vmem>>) semaphore(%arg18 : memref<!tpu.dma_semaphore, #tpu.memory_space<semaphore_mem>>)
    %scan3A = arith.constant 0 : i32
    %scan3A_105 = arith.constant 10 : i32
    %scan3A_106 = arith.addi %scan3A, %scan3A_105 : i32
    %scan3A_107 = arith.constant 1 : i32
    scf.for %scan3A_215 = %scan3A to %scan3A_106 step %scan3A_107  : i32 {
      %mul3A_216 = arith.constant 8 : i32
      %mul3A_217 = arith.muli %scan3A_215, %mul3A_216 : i32
      %add3A_218 = arith.constant 0 : i32
      %add3A_219 = arith.addi %add3A_218, %mul3A_217 : i32
      %dma_wait3A_220 = arith.constant 0 : i32
      %dma_wait3A_221 = arith.constant 0 : i32
      %dma_wait3A_222 = arith.constant 0 : i32
      %dma_wait3A_223 = arith.constant 0 : i32
      %dma_wait3A_224 = tpu.memref_slice %arg8[%dma_wait3A_221, %dma_wait3A_222, %dma_wait3A_223] : memref<8x128x32xf32, #tpu.memory_space<vmem>> -> memref<1x128x32xf32, #tpu.memory_space<vmem>>
      %dma_wait3A_225 = tpu.memref_squeeze %dma_wait3A_224 : memref<1x128x32xf32, #tpu.memory_space<vmem>> -> memref<128x32xf32, #tpu.memory_space<vmem>>
      %dma_wait3A_226 = arith.constant 0 : i32
      %dma_wait3A_227 = tpu.memref_slice %arg6[%dma_wait3A_220, %dma_wait3A_226] : memref<80x128xi32, #tpu.memory_space<vmem>> -> memref<1x128xi32, #tpu.memory_space<vmem>>
      %dma_wait3A_228 = tpu.memref_squeeze %dma_wait3A_227 : memref<1x128xi32, #tpu.memory_space<vmem>> -> memref<128xi32, #tpu.memory_space<vmem>>
      %dma_wait3A_229 = arith.constant 0 : i32
      %dma_wait3A_230 = arith.constant 0 : i32
      %dma_wait3A_231 = tpu.memref_slice %arg9[%dma_wait3A_229, %dma_wait3A_230] : memref<10000x32xf32, #tpu.memory_space<vmem_shared>> -> memref<10000x32xf32, #tpu.memory_space<vmem_shared>>
      tpu.wait_indirect_dma semaphore(%arg11 : memref<!tpu.dma_semaphore, #tpu.memory_space<semaphore_mem>>) src(%dma_wait3A_231 : memref<10000x32xf32, #tpu.memory_space<vmem_shared>>) dst(%dma_wait3A_225 : memref<128x32xf32, #tpu.memory_space<vmem>>)
      %add3A_232 = arith.constant 0 : i32
      %add3A_233 = arith.addi %add3A_219, %add3A_232 : i32
      %dma_start3A_234 = arith.constant 0 : i32
      %dma_start3A_235 = arith.constant 0 : i32
      %dma_start3A_236 = arith.constant 0 : i32
      %dma_start3A_237 = tpu.memref_slice %arg8[%dma_start3A_234, %dma_start3A_235, %dma_start3A_236] : memref<8x128x32xf32, #tpu.memory_space<vmem>> -> memref<1x128x32xf32, #tpu.memory_space<vmem>>
      %dma_start3A_238 = tpu.memref_squeeze %dma_start3A_237 : memref<1x128x32xf32, #tpu.memory_space<vmem>> -> memref<128x32xf32, #tpu.memory_space<vmem>>
      %dma_start3A_239 = arith.constant 0 : i32
      %dma_start3A_240 = tpu.memref_slice %arg7[%add3A_233, %dma_start3A_239] : memref<80x128xi32, #tpu.memory_space<vmem>> -> memref<1x128xi32, #tpu.memory_space<vmem>>
      %dma_start3A_241 = tpu.memref_squeeze %dma_start3A_240 : memref<1x128xi32, #tpu.memory_space<vmem>> -> memref<128xi32, #tpu.memory_space<vmem>>
      %dma_start3A_242 = arith.constant 0 : i32
      %dma_start3A_243 = arith.constant 0 : i32
      %dma_start3A_244 = tpu.memref_slice %arg10[%dma_start3A_242, %dma_start3A_243] : memref<10112x32xf32, #tpu.memory_space<vmem_shared>> -> memref<10112x32xf32, #tpu.memory_space<vmem_shared>>
      tpu.enqueue_indirect_dma source(%dma_start3A_238 : memref<128x32xf32, #tpu.memory_space<vmem>>) target(%dma_start3A_244 : memref<10112x32xf32, #tpu.memory_space<vmem_shared>>) offsets(%dma_start3A_241 : memref<128xi32, #tpu.memory_space<vmem>>) semaphore(%arg19 : memref<!tpu.dma_semaphore, #tpu.memory_space<semaphore_mem>>) {add = true}
      %dma_wait3A_245 = arith.constant 0 : i32
      %dma_wait3A_246 = arith.constant 1 : i32
      %dma_wait3A_247 = arith.constant 0 : i32
      %dma_wait3A_248 = arith.constant 0 : i32
      %dma_wait3A_249 = tpu.memref_slice %arg8[%dma_wait3A_246, %dma_wait3A_247, %dma_wait3A_248] : memref<8x128x32xf32, #tpu.memory_space<vmem>> -> memref<1x128x32xf32, #tpu.memory_space<vmem>>
      %dma_wait3A_250 = tpu.memref_squeeze %dma_wait3A_249 : memref<1x128x32xf32, #tpu.memory_space<vmem>> -> memref<128x32xf32, #tpu.memory_space<vmem>>
      %dma_wait3A_251 = arith.constant 0 : i32
      %dma_wait3A_252 = tpu.memref_slice %arg6[%dma_wait3A_245, %dma_wait3A_251] : memref<80x128xi32, #tpu.memory_space<vmem>> -> memref<1x128xi32, #tpu.memory_space<vmem>>
      %dma_wait3A_253 = tpu.memref_squeeze %dma_wait3A_252 : memref<1x128xi32, #tpu.memory_space<vmem>> -> memref<128xi32, #tpu.memory_space<vmem>>
      %dma_wait3A_254 = arith.constant 0 : i32
      %dma_wait3A_255 = arith.constant 0 : i32
      %dma_wait3A_256 = tpu.memref_slice %arg9[%dma_wait3A_254, %dma_wait3A_255] : memref<10000x32xf32, #tpu.memory_space<vmem_shared>> -> memref<10000x32xf32, #tpu.memory_space<vmem_shared>>
      tpu.wait_indirect_dma semaphore(%arg12 : memref<!tpu.dma_semaphore, #tpu.memory_space<semaphore_mem>>) src(%dma_wait3A_256 : memref<10000x32xf32, #tpu.memory_space<vmem_shared>>) dst(%dma_wait3A_250 : memref<128x32xf32, #tpu.memory_space<vmem>>)
      %add3A_257 = arith.constant 1 : i32
      %add3A_258 = arith.addi %add3A_219, %add3A_257 : i32
      %dma_start3A_259 = arith.constant 1 : i32
      %dma_start3A_260 = arith.constant 0 : i32
      %dma_start3A_261 = arith.constant 0 : i32
      %dma_start3A_262 = tpu.memref_slice %arg8[%dma_start3A_259, %dma_start3A_260, %dma_start3A_261] : memref<8x128x32xf32, #tpu.memory_space<vmem>> -> memref<1x128x32xf32, #tpu.memory_space<vmem>>
      %dma_start3A_263 = tpu.memref_squeeze %dma_start3A_262 : memref<1x128x32xf32, #tpu.memory_space<vmem>> -> memref<128x32xf32, #tpu.memory_space<vmem>>
      %dma_start3A_264 = arith.constant 0 : i32
      %dma_start3A_265 = tpu.memref_slice %arg7[%add3A_258, %dma_start3A_264] : memref<80x128xi32, #tpu.memory_space<vmem>> -> memref<1x128xi32, #tpu.memory_space<vmem>>
      %dma_start3A_266 = tpu.memref_squeeze %dma_start3A_265 : memref<1x128xi32, #tpu.memory_space<vmem>> -> memref<128xi32, #tpu.memory_space<vmem>>
      %dma_start3A_267 = arith.constant 0 : i32
      %dma_start3A_268 = arith.constant 0 : i32
      %dma_start3A_269 = tpu.memref_slice %arg10[%dma_start3A_267, %dma_start3A_268] : memref<10112x32xf32, #tpu.memory_space<vmem_shared>> -> memref<10112x32xf32, #tpu.memory_space<vmem_shared>>
      tpu.enqueue_indirect_dma source(%dma_start3A_263 : memref<128x32xf32, #tpu.memory_space<vmem>>) target(%dma_start3A_269 : memref<10112x32xf32, #tpu.memory_space<vmem_shared>>) offsets(%dma_start3A_266 : memref<128xi32, #tpu.memory_space<vmem>>) semaphore(%arg20 : memref<!tpu.dma_semaphore, #tpu.memory_space<semaphore_mem>>) {add = true}
      %dma_wait3A_270 = arith.constant 0 : i32
      %dma_wait3A_271 = arith.constant 2 : i32
      %dma_wait3A_272 = arith.constant 0 : i32
      %dma_wait3A_273 = arith.constant 0 : i32
      %dma_wait3A_274 = tpu.memref_slice %arg8[%dma_wait3A_271, %dma_wait3A_272, %dma_wait3A_273] : memref<8x128x32xf32, #tpu.memory_space<vmem>> -> memref<1x128x32xf32, #tpu.memory_space<vmem>>
      %dma_wait3A_275 = tpu.memref_squeeze %dma_wait3A_274 : memref<1x128x32xf32, #tpu.memory_space<vmem>> -> memref<128x32xf32, #tpu.memory_space<vmem>>
      %dma_wait3A_276 = arith.constant 0 : i32
      %dma_wait3A_277 = tpu.memref_slice %arg6[%dma_wait3A_270, %dma_wait3A_276] : memref<80x128xi32, #tpu.memory_space<vmem>> -> memref<1x128xi32, #tpu.memory_space<vmem>>
      %dma_wait3A_278 = tpu.memref_squeeze %dma_wait3A_277 : memref<1x128xi32, #tpu.memory_space<vmem>> -> memref<128xi32, #tpu.memory_space<vmem>>
      %dma_wait3A_279 = arith.constant 0 : i32
      %dma_wait3A_280 = arith.constant 0 : i32
      %dma_wait3A_281 = tpu.memref_slice %arg9[%dma_wait3A_279, %dma_wait3A_280] : memref<10000x32xf32, #tpu.memory_space<vmem_shared>> -> memref<10000x32xf32, #tpu.memory_space<vmem_shared>>
      tpu.wait_indirect_dma semaphore(%arg13 : memref<!tpu.dma_semaphore, #tpu.memory_space<semaphore_mem>>) src(%dma_wait3A_281 : memref<10000x32xf32, #tpu.memory_space<vmem_shared>>) dst(%dma_wait3A_275 : memref<128x32xf32, #tpu.memory_space<vmem>>)
      %add3A_282 = arith.constant 2 : i32
      %add3A_283 = arith.addi %add3A_219, %add3A_282 : i32
      %dma_start3A_284 = arith.constant 2 : i32
      %dma_start3A_285 = arith.constant 0 : i32
      %dma_start3A_286 = arith.constant 0 : i32
      %dma_start3A_287 = tpu.memref_slice %arg8[%dma_start3A_284, %dma_start3A_285, %dma_start3A_286] : memref<8x128x32xf32, #tpu.memory_space<vmem>> -> memref<1x128x32xf32, #tpu.memory_space<vmem>>
      %dma_start3A_288 = tpu.memref_squeeze %dma_start3A_287 : memref<1x128x32xf32, #tpu.memory_space<vmem>> -> memref<128x32xf32, #tpu.memory_space<vmem>>
      %dma_start3A_289 = arith.constant 0 : i32
      %dma_start3A_290 = tpu.memref_slice %arg7[%add3A_283, %dma_start3A_289] : memref<80x128xi32, #tpu.memory_space<vmem>> -> memref<1x128xi32, #tpu.memory_space<vmem>>
      %dma_start3A_291 = tpu.memref_squeeze %dma_start3A_290 : memref<1x128xi32, #tpu.memory_space<vmem>> -> memref<128xi32, #tpu.memory_space<vmem>>
      %dma_start3A_292 = arith.constant 0 : i32
      %dma_start3A_293 = arith.constant 0 : i32
      %dma_start3A_294 = tpu.memref_slice %arg10[%dma_start3A_292, %dma_start3A_293] : memref<10112x32xf32, #tpu.memory_space<vmem_shared>> -> memref<10112x32xf32, #tpu.memory_space<vmem_shared>>
      tpu.enqueue_indirect_dma source(%dma_start3A_288 : memref<128x32xf32, #tpu.memory_space<vmem>>) target(%dma_start3A_294 : memref<10112x32xf32, #tpu.memory_space<vmem_shared>>) offsets(%dma_start3A_291 : memref<128xi32, #tpu.memory_space<vmem>>) semaphore(%arg21 : memref<!tpu.dma_semaphore, #tpu.memory_space<semaphore_mem>>) {add = true}
      %dma_wait3A_295 = arith.constant 0 : i32
      %dma_wait3A_296 = arith.constant 3 : i32
      %dma_wait3A_297 = arith.constant 0 : i32
      %dma_wait3A_298 = arith.constant 0 : i32
      %dma_wait3A_299 = tpu.memref_slice %arg8[%dma_wait3A_296, %dma_wait3A_297, %dma_wait3A_298] : memref<8x128x32xf32, #tpu.memory_space<vmem>> -> memref<1x128x32xf32, #tpu.memory_space<vmem>>
      %dma_wait3A_300 = tpu.memref_squeeze %dma_wait3A_299 : memref<1x128x32xf32, #tpu.memory_space<vmem>> -> memref<128x32xf32, #tpu.memory_space<vmem>>
      %dma_wait3A_301 = arith.constant 0 : i32
      %dma_wait3A_302 = tpu.memref_slice %arg6[%dma_wait3A_295, %dma_wait3A_301] : memref<80x128xi32, #tpu.memory_space<vmem>> -> memref<1x128xi32, #tpu.memory_space<vmem>>
      %dma_wait3A_303 = tpu.memref_squeeze %dma_wait3A_302 : memref<1x128xi32, #tpu.memory_space<vmem>> -> memref<128xi32, #tpu.memory_space<vmem>>
      %dma_wait3A_304 = arith.constant 0 : i32
      %dma_wait3A_305 = arith.constant 0 : i32
      %dma_wait3A_306 = tpu.memref_slice %arg9[%dma_wait3A_304, %dma_wait3A_305] : memref<10000x32xf32, #tpu.memory_space<vmem_shared>> -> memref<10000x32xf32, #tpu.memory_space<vmem_shared>>
      tpu.wait_indirect_dma semaphore(%arg14 : memref<!tpu.dma_semaphore, #tpu.memory_space<semaphore_mem>>) src(%dma_wait3A_306 : memref<10000x32xf32, #tpu.memory_space<vmem_shared>>) dst(%dma_wait3A_300 : memref<128x32xf32, #tpu.memory_space<vmem>>)
      %add3A_307 = arith.constant 3 : i32
      %add3A_308 = arith.addi %add3A_219, %add3A_307 : i32
      %dma_start3A_309 = arith.constant 3 : i32
      %dma_start3A_310 = arith.constant 0 : i32
      %dma_start3A_311 = arith.constant 0 : i32
      %dma_start3A_312 = tpu.memref_slice %arg8[%dma_start3A_309, %dma_start3A_310, %dma_start3A_311] : memref<8x128x32xf32, #tpu.memory_space<vmem>> -> memref<1x128x32xf32, #tpu.memory_space<vmem>>
      %dma_start3A_313 = tpu.memref_squeeze %dma_start3A_312 : memref<1x128x32xf32, #tpu.memory_space<vmem>> -> memref<128x32xf32, #tpu.memory_space<vmem>>
      %dma_start3A_314 = arith.constant 0 : i32
      %dma_start3A_315 = tpu.memref_slice %arg7[%add3A_308, %dma_start3A_314] : memref<80x128xi32, #tpu.memory_space<vmem>> -> memref<1x128xi32, #tpu.memory_space<vmem>>
      %dma_start3A_316 = tpu.memref_squeeze %dma_start3A_315 : memref<1x128xi32, #tpu.memory_space<vmem>> -> memref<128xi32, #tpu.memory_space<vmem>>
      %dma_start3A_317 = arith.constant 0 : i32
      %dma_start3A_318 = arith.constant 0 : i32
      %dma_start3A_319 = tpu.memref_slice %arg10[%dma_start3A_317, %dma_start3A_318] : memref<10112x32xf32, #tpu.memory_space<vmem_shared>> -> memref<10112x32xf32, #tpu.memory_space<vmem_shared>>
      tpu.enqueue_indirect_dma source(%dma_start3A_313 : memref<128x32xf32, #tpu.memory_space<vmem>>) target(%dma_start3A_319 : memref<10112x32xf32, #tpu.memory_space<vmem_shared>>) offsets(%dma_start3A_316 : memref<128xi32, #tpu.memory_space<vmem>>) semaphore(%arg22 : memref<!tpu.dma_semaphore, #tpu.memory_space<semaphore_mem>>) {add = true}
      %dma_wait3A_320 = arith.constant 0 : i32
      %dma_wait3A_321 = arith.constant 4 : i32
      %dma_wait3A_322 = arith.constant 0 : i32
      %dma_wait3A_323 = arith.constant 0 : i32
      %dma_wait3A_324 = tpu.memref_slice %arg8[%dma_wait3A_321, %dma_wait3A_322, %dma_wait3A_323] : memref<8x128x32xf32, #tpu.memory_space<vmem>> -> memref<1x128x32xf32, #tpu.memory_space<vmem>>
      %dma_wait3A_325 = tpu.memref_squeeze %dma_wait3A_324 : memref<1x128x32xf32, #tpu.memory_space<vmem>> -> memref<128x32xf32, #tpu.memory_space<vmem>>
      %dma_wait3A_326 = arith.constant 0 : i32
      %dma_wait3A_327 = tpu.memref_slice %arg6[%dma_wait3A_320, %dma_wait3A_326] : memref<80x128xi32, #tpu.memory_space<vmem>> -> memref<1x128xi32, #tpu.memory_space<vmem>>
      %dma_wait3A_328 = tpu.memref_squeeze %dma_wait3A_327 : memref<1x128xi32, #tpu.memory_space<vmem>> -> memref<128xi32, #tpu.memory_space<vmem>>
      %dma_wait3A_329 = arith.constant 0 : i32
      %dma_wait3A_330 = arith.constant 0 : i32
      %dma_wait3A_331 = tpu.memref_slice %arg9[%dma_wait3A_329, %dma_wait3A_330] : memref<10000x32xf32, #tpu.memory_space<vmem_shared>> -> memref<10000x32xf32, #tpu.memory_space<vmem_shared>>
      tpu.wait_indirect_dma semaphore(%arg15 : memref<!tpu.dma_semaphore, #tpu.memory_space<semaphore_mem>>) src(%dma_wait3A_331 : memref<10000x32xf32, #tpu.memory_space<vmem_shared>>) dst(%dma_wait3A_325 : memref<128x32xf32, #tpu.memory_space<vmem>>)
      %add3A_332 = arith.constant 4 : i32
      %add3A_333 = arith.addi %add3A_219, %add3A_332 : i32
      %dma_start3A_334 = arith.constant 4 : i32
      %dma_start3A_335 = arith.constant 0 : i32
      %dma_start3A_336 = arith.constant 0 : i32
      %dma_start3A_337 = tpu.memref_slice %arg8[%dma_start3A_334, %dma_start3A_335, %dma_start3A_336] : memref<8x128x32xf32, #tpu.memory_space<vmem>> -> memref<1x128x32xf32, #tpu.memory_space<vmem>>
      %dma_start3A_338 = tpu.memref_squeeze %dma_start3A_337 : memref<1x128x32xf32, #tpu.memory_space<vmem>> -> memref<128x32xf32, #tpu.memory_space<vmem>>
      %dma_start3A_339 = arith.constant 0 : i32
      %dma_start3A_340 = tpu.memref_slice %arg7[%add3A_333, %dma_start3A_339] : memref<80x128xi32, #tpu.memory_space<vmem>> -> memref<1x128xi32, #tpu.memory_space<vmem>>
      %dma_start3A_341 = tpu.memref_squeeze %dma_start3A_340 : memref<1x128xi32, #tpu.memory_space<vmem>> -> memref<128xi32, #tpu.memory_space<vmem>>
      %dma_start3A_342 = arith.constant 0 : i32
      %dma_start3A_343 = arith.constant 0 : i32
      %dma_start3A_344 = tpu.memref_slice %arg10[%dma_start3A_342, %dma_start3A_343] : memref<10112x32xf32, #tpu.memory_space<vmem_shared>> -> memref<10112x32xf32, #tpu.memory_space<vmem_shared>>
      tpu.enqueue_indirect_dma source(%dma_start3A_338 : memref<128x32xf32, #tpu.memory_space<vmem>>) target(%dma_start3A_344 : memref<10112x32xf32, #tpu.memory_space<vmem_shared>>) offsets(%dma_start3A_341 : memref<128xi32, #tpu.memory_space<vmem>>) semaphore(%arg23 : memref<!tpu.dma_semaphore, #tpu.memory_space<semaphore_mem>>) {add = true}
      %dma_wait3A_345 = arith.constant 0 : i32
      %dma_wait3A_346 = arith.constant 5 : i32
      %dma_wait3A_347 = arith.constant 0 : i32
      %dma_wait3A_348 = arith.constant 0 : i32
      %dma_wait3A_349 = tpu.memref_slice %arg8[%dma_wait3A_346, %dma_wait3A_347, %dma_wait3A_348] : memref<8x128x32xf32, #tpu.memory_space<vmem>> -> memref<1x128x32xf32, #tpu.memory_space<vmem>>
      %dma_wait3A_350 = tpu.memref_squeeze %dma_wait3A_349 : memref<1x128x32xf32, #tpu.memory_space<vmem>> -> memref<128x32xf32, #tpu.memory_space<vmem>>
      %dma_wait3A_351 = arith.constant 0 : i32
      %dma_wait3A_352 = tpu.memref_slice %arg6[%dma_wait3A_345, %dma_wait3A_351] : memref<80x128xi32, #tpu.memory_space<vmem>> -> memref<1x128xi32, #tpu.memory_space<vmem>>
      %dma_wait3A_353 = tpu.memref_squeeze %dma_wait3A_352 : memref<1x128xi32, #tpu.memory_space<vmem>> -> memref<128xi32, #tpu.memory_space<vmem>>
      %dma_wait3A_354 = arith.constant 0 : i32
      %dma_wait3A_355 = arith.constant 0 : i32
      %dma_wait3A_356 = tpu.memref_slice %arg9[%dma_wait3A_354, %dma_wait3A_355] : memref<10000x32xf32, #tpu.memory_space<vmem_shared>> -> memref<10000x32xf32, #tpu.memory_space<vmem_shared>>
      tpu.wait_indirect_dma semaphore(%arg16 : memref<!tpu.dma_semaphore, #tpu.memory_space<semaphore_mem>>) src(%dma_wait3A_356 : memref<10000x32xf32, #tpu.memory_space<vmem_shared>>) dst(%dma_wait3A_350 : memref<128x32xf32, #tpu.memory_space<vmem>>)
      %add3A_357 = arith.constant 5 : i32
      %add3A_358 = arith.addi %add3A_219, %add3A_357 : i32
      %dma_start3A_359 = arith.constant 5 : i32
      %dma_start3A_360 = arith.constant 0 : i32
      %dma_start3A_361 = arith.constant 0 : i32
      %dma_start3A_362 = tpu.memref_slice %arg8[%dma_start3A_359, %dma_start3A_360, %dma_start3A_361] : memref<8x128x32xf32, #tpu.memory_space<vmem>> -> memref<1x128x32xf32, #tpu.memory_space<vmem>>
      %dma_start3A_363 = tpu.memref_squeeze %dma_start3A_362 : memref<1x128x32xf32, #tpu.memory_space<vmem>> -> memref<128x32xf32, #tpu.memory_space<vmem>>
      %dma_start3A_364 = arith.constant 0 : i32
      %dma_start3A_365 = tpu.memref_slice %arg7[%add3A_358, %dma_start3A_364] : memref<80x128xi32, #tpu.memory_space<vmem>> -> memref<1x128xi32, #tpu.memory_space<vmem>>
      %dma_start3A_366 = tpu.memref_squeeze %dma_start3A_365 : memref<1x128xi32, #tpu.memory_space<vmem>> -> memref<128xi32, #tpu.memory_space<vmem>>
      %dma_start3A_367 = arith.constant 0 : i32
      %dma_start3A_368 = arith.constant 0 : i32
      %dma_start3A_369 = tpu.memref_slice %arg10[%dma_start3A_367, %dma_start3A_368] : memref<10112x32xf32, #tpu.memory_space<vmem_shared>> -> memref<10112x32xf32, #tpu.memory_space<vmem_shared>>
      tpu.enqueue_indirect_dma source(%dma_start3A_363 : memref<128x32xf32, #tpu.memory_space<vmem>>) target(%dma_start3A_369 : memref<10112x32xf32, #tpu.memory_space<vmem_shared>>) offsets(%dma_start3A_366 : memref<128xi32, #tpu.memory_space<vmem>>) semaphore(%arg24 : memref<!tpu.dma_semaphore, #tpu.memory_space<semaphore_mem>>) {add = true}
      %dma_wait3A_370 = arith.constant 0 : i32
      %dma_wait3A_371 = arith.constant 6 : i32
      %dma_wait3A_372 = arith.constant 0 : i32
      %dma_wait3A_373 = arith.constant 0 : i32
      %dma_wait3A_374 = tpu.memref_slice %arg8[%dma_wait3A_371, %dma_wait3A_372, %dma_wait3A_373] : memref<8x128x32xf32, #tpu.memory_space<vmem>> -> memref<1x128x32xf32, #tpu.memory_space<vmem>>
      %dma_wait3A_375 = tpu.memref_squeeze %dma_wait3A_374 : memref<1x128x32xf32, #tpu.memory_space<vmem>> -> memref<128x32xf32, #tpu.memory_space<vmem>>
      %dma_wait3A_376 = arith.constant 0 : i32
      %dma_wait3A_377 = tpu.memref_slice %arg6[%dma_wait3A_370, %dma_wait3A_376] : memref<80x128xi32, #tpu.memory_space<vmem>> -> memref<1x128xi32, #tpu.memory_space<vmem>>
      %dma_wait3A_378 = tpu.memref_squeeze %dma_wait3A_377 : memref<1x128xi32, #tpu.memory_space<vmem>> -> memref<128xi32, #tpu.memory_space<vmem>>
      %dma_wait3A_379 = arith.constant 0 : i32
      %dma_wait3A_380 = arith.constant 0 : i32
      %dma_wait3A_381 = tpu.memref_slice %arg9[%dma_wait3A_379, %dma_wait3A_380] : memref<10000x32xf32, #tpu.memory_space<vmem_shared>> -> memref<10000x32xf32, #tpu.memory_space<vmem_shared>>
      tpu.wait_indirect_dma semaphore(%arg17 : memref<!tpu.dma_semaphore, #tpu.memory_space<semaphore_mem>>) src(%dma_wait3A_381 : memref<10000x32xf32, #tpu.memory_space<vmem_shared>>) dst(%dma_wait3A_375 : memref<128x32xf32, #tpu.memory_space<vmem>>)
      %add3A_382 = arith.constant 6 : i32
      %add3A_383 = arith.addi %add3A_219, %add3A_382 : i32
      %dma_start3A_384 = arith.constant 6 : i32
      %dma_start3A_385 = arith.constant 0 : i32
      %dma_start3A_386 = arith.constant 0 : i32
      %dma_start3A_387 = tpu.memref_slice %arg8[%dma_start3A_384, %dma_start3A_385, %dma_start3A_386] : memref<8x128x32xf32, #tpu.memory_space<vmem>> -> memref<1x128x32xf32, #tpu.memory_space<vmem>>
      %dma_start3A_388 = tpu.memref_squeeze %dma_start3A_387 : memref<1x128x32xf32, #tpu.memory_space<vmem>> -> memref<128x32xf32, #tpu.memory_space<vmem>>
      %dma_start3A_389 = arith.constant 0 : i32
      %dma_start3A_390 = tpu.memref_slice %arg7[%add3A_383, %dma_start3A_389] : memref<80x128xi32, #tpu.memory_space<vmem>> -> memref<1x128xi32, #tpu.memory_space<vmem>>
      %dma_start3A_391 = tpu.memref_squeeze %dma_start3A_390 : memref<1x128xi32, #tpu.memory_space<vmem>> -> memref<128xi32, #tpu.memory_space<vmem>>
      %dma_start3A_392 = arith.constant 0 : i32
      %dma_start3A_393 = arith.constant 0 : i32
      %dma_start3A_394 = tpu.memref_slice %arg10[%dma_start3A_392, %dma_start3A_393] : memref<10112x32xf32, #tpu.memory_space<vmem_shared>> -> memref<10112x32xf32, #tpu.memory_space<vmem_shared>>
      tpu.enqueue_indirect_dma source(%dma_start3A_388 : memref<128x32xf32, #tpu.memory_space<vmem>>) target(%dma_start3A_394 : memref<10112x32xf32, #tpu.memory_space<vmem_shared>>) offsets(%dma_start3A_391 : memref<128xi32, #tpu.memory_space<vmem>>) semaphore(%arg25 : memref<!tpu.dma_semaphore, #tpu.memory_space<semaphore_mem>>) {add = true}
      %dma_wait3A_395 = arith.constant 0 : i32
      %dma_wait3A_396 = arith.constant 7 : i32
      %dma_wait3A_397 = arith.constant 0 : i32
      %dma_wait3A_398 = arith.constant 0 : i32
      %dma_wait3A_399 = tpu.memref_slice %arg8[%dma_wait3A_396, %dma_wait3A_397, %dma_wait3A_398] : memref<8x128x32xf32, #tpu.memory_space<vmem>> -> memref<1x128x32xf32, #tpu.memory_space<vmem>>
      %dma_wait3A_400 = tpu.memref_squeeze %dma_wait3A_399 : memref<1x128x32xf32, #tpu.memory_space<vmem>> -> memref<128x32xf32, #tpu.memory_space<vmem>>
      %dma_wait3A_401 = arith.constant 0 : i32
      %dma_wait3A_402 = tpu.memref_slice %arg6[%dma_wait3A_395, %dma_wait3A_401] : memref<80x128xi32, #tpu.memory_space<vmem>> -> memref<1x128xi32, #tpu.memory_space<vmem>>
      %dma_wait3A_403 = tpu.memref_squeeze %dma_wait3A_402 : memref<1x128xi32, #tpu.memory_space<vmem>> -> memref<128xi32, #tpu.memory_space<vmem>>
      %dma_wait3A_404 = arith.constant 0 : i32
      %dma_wait3A_405 = arith.constant 0 : i32
      %dma_wait3A_406 = tpu.memref_slice %arg9[%dma_wait3A_404, %dma_wait3A_405] : memref<10000x32xf32, #tpu.memory_space<vmem_shared>> -> memref<10000x32xf32, #tpu.memory_space<vmem_shared>>
      tpu.wait_indirect_dma semaphore(%arg18 : memref<!tpu.dma_semaphore, #tpu.memory_space<semaphore_mem>>) src(%dma_wait3A_406 : memref<10000x32xf32, #tpu.memory_space<vmem_shared>>) dst(%dma_wait3A_400 : memref<128x32xf32, #tpu.memory_space<vmem>>)
      %add3A_407 = arith.constant 7 : i32
      %add3A_408 = arith.addi %add3A_219, %add3A_407 : i32
      %dma_start3A_409 = arith.constant 7 : i32
      %dma_start3A_410 = arith.constant 0 : i32
      %dma_start3A_411 = arith.constant 0 : i32
      %dma_start3A_412 = tpu.memref_slice %arg8[%dma_start3A_409, %dma_start3A_410, %dma_start3A_411] : memref<8x128x32xf32, #tpu.memory_space<vmem>> -> memref<1x128x32xf32, #tpu.memory_space<vmem>>
      %dma_start3A_413 = tpu.memref_squeeze %dma_start3A_412 : memref<1x128x32xf32, #tpu.memory_space<vmem>> -> memref<128x32xf32, #tpu.memory_space<vmem>>
      %dma_start3A_414 = arith.constant 0 : i32
      %dma_start3A_415 = tpu.memref_slice %arg7[%add3A_408, %dma_start3A_414] : memref<80x128xi32, #tpu.memory_space<vmem>> -> memref<1x128xi32, #tpu.memory_space<vmem>>
      %dma_start3A_416 = tpu.memref_squeeze %dma_start3A_415 : memref<1x128xi32, #tpu.memory_space<vmem>> -> memref<128xi32, #tpu.memory_space<vmem>>
      %dma_start3A_417 = arith.constant 0 : i32
      %dma_start3A_418 = arith.constant 0 : i32
      %dma_start3A_419 = tpu.memref_slice %arg10[%dma_start3A_417, %dma_start3A_418] : memref<10112x32xf32, #tpu.memory_space<vmem_shared>> -> memref<10112x32xf32, #tpu.memory_space<vmem_shared>>
      tpu.enqueue_indirect_dma source(%dma_start3A_413 : memref<128x32xf32, #tpu.memory_space<vmem>>) target(%dma_start3A_419 : memref<10112x32xf32, #tpu.memory_space<vmem_shared>>) offsets(%dma_start3A_416 : memref<128xi32, #tpu.memory_space<vmem>>) semaphore(%arg26 : memref<!tpu.dma_semaphore, #tpu.memory_space<semaphore_mem>>) {add = true}
      %add3A_420 = arith.constant 8 : i32
      %add3A_421 = arith.addi %add3A_219, %add3A_420 : i32
      %add3A_422 = arith.constant 0 : i32
      %add3A_423 = arith.addi %add3A_421, %add3A_422 : i32
      %lt3A_424 = arith.constant 80 : i32
      %lt3A_425 = arith.cmpi slt, %add3A_423, %lt3A_424 : i32
      %convert_element_type3A_426 = arith.extui %lt3A_425 : i1 to i32
      %cond3A_427 = arith.constant 0 : i32
      %cond3A_428 = arith.cmpi ne, %convert_element_type3A_426, %cond3A_427 : i32
      scf.if %cond3A_428 {
        %dma_wait3A_492 = arith.constant 0 : i32
        %dma_wait3A_493 = arith.constant 0 : i32
        %dma_wait3A_494 = arith.constant 0 : i32
        %dma_wait3A_495 = arith.constant 0 : i32
        %dma_wait3A_496 = tpu.memref_slice %arg8[%dma_wait3A_492, %dma_wait3A_494, %dma_wait3A_495] : memref<8x128x32xf32, #tpu.memory_space<vmem>> -> memref<1x128x32xf32, #tpu.memory_space<vmem>>
        %dma_wait3A_497 = tpu.memref_squeeze %dma_wait3A_496 : memref<1x128x32xf32, #tpu.memory_space<vmem>> -> memref<128x32xf32, #tpu.memory_space<vmem>>
        %dma_wait3A_498 = arith.constant 0 : i32
        %dma_wait3A_499 = tpu.memref_slice %arg7[%dma_wait3A_493, %dma_wait3A_498] : memref<80x128xi32, #tpu.memory_space<vmem>> -> memref<1x128xi32, #tpu.memory_space<vmem>>
        %dma_wait3A_500 = tpu.memref_squeeze %dma_wait3A_499 : memref<1x128xi32, #tpu.memory_space<vmem>> -> memref<128xi32, #tpu.memory_space<vmem>>
        %dma_wait3A_501 = arith.constant 0 : i32
        %dma_wait3A_502 = arith.constant 0 : i32
        %dma_wait3A_503 = tpu.memref_slice %arg10[%dma_wait3A_501, %dma_wait3A_502] : memref<10112x32xf32, #tpu.memory_space<vmem_shared>> -> memref<10112x32xf32, #tpu.memory_space<vmem_shared>>
        tpu.wait_indirect_dma semaphore(%arg19 : memref<!tpu.dma_semaphore, #tpu.memory_space<semaphore_mem>>) src(%dma_wait3A_497 : memref<128x32xf32, #tpu.memory_space<vmem>>) dst(%dma_wait3A_503 : memref<10112x32xf32, #tpu.memory_space<vmem_shared>>)
        %add3A_504 = arith.constant 8 : i32
        %add3A_505 = arith.addi %add3A_219, %add3A_504 : i32
        %add3A_506 = arith.constant 0 : i32
        %add3A_507 = arith.addi %add3A_505, %add3A_506 : i32
        %dma_start3A_508 = arith.constant 0 : i32
        %dma_start3A_509 = arith.constant 0 : i32
        %dma_start3A_510 = arith.constant 0 : i32
        %dma_start3A_511 = tpu.memref_slice %arg8[%dma_start3A_508, %dma_start3A_509, %dma_start3A_510] : memref<8x128x32xf32, #tpu.memory_space<vmem>> -> memref<1x128x32xf32, #tpu.memory_space<vmem>>
        %dma_start3A_512 = tpu.memref_squeeze %dma_start3A_511 : memref<1x128x32xf32, #tpu.memory_space<vmem>> -> memref<128x32xf32, #tpu.memory_space<vmem>>
        %dma_start3A_513 = arith.constant 0 : i32
        %dma_start3A_514 = tpu.memref_slice %arg6[%add3A_507, %dma_start3A_513] : memref<80x128xi32, #tpu.memory_space<vmem>> -> memref<1x128xi32, #tpu.memory_space<vmem>>
        %dma_start3A_515 = tpu.memref_squeeze %dma_start3A_514 : memref<1x128xi32, #tpu.memory_space<vmem>> -> memref<128xi32, #tpu.memory_space<vmem>>
        %dma_start3A_516 = arith.constant 0 : i32
        %dma_start3A_517 = arith.constant 0 : i32
        %dma_start3A_518 = tpu.memref_slice %arg9[%dma_start3A_516, %dma_start3A_517] : memref<10000x32xf32, #tpu.memory_space<vmem_shared>> -> memref<10000x32xf32, #tpu.memory_space<vmem_shared>>
        tpu.enqueue_indirect_dma source(%dma_start3A_518 : memref<10000x32xf32, #tpu.memory_space<vmem_shared>>) target(%dma_start3A_512 : memref<128x32xf32, #tpu.memory_space<vmem>>) offsets(%dma_start3A_515 : memref<128xi32, #tpu.memory_space<vmem>>) semaphore(%arg11 : memref<!tpu.dma_semaphore, #tpu.memory_space<semaphore_mem>>)
      } else {
      }
      %add3A_429 = arith.constant 8 : i32
      %add3A_430 = arith.addi %add3A_219, %add3A_429 : i32
      %add3A_431 = arith.constant 1 : i32
      %add3A_432 = arith.addi %add3A_430, %add3A_431 : i32
      %lt3A_433 = arith.constant 80 : i32
      %lt3A_434 = arith.cmpi slt, %add3A_432, %lt3A_433 : i32
      %convert_element_type3A_435 = arith.extui %lt3A_434 : i1 to i32
      %cond3A_436 = arith.constant 0 : i32
      %cond3A_437 = arith.cmpi ne, %convert_element_type3A_435, %cond3A_436 : i32
      scf.if %cond3A_437 {
        %dma_wait3A_492 = arith.constant 1 : i32
        %dma_wait3A_493 = arith.constant 0 : i32
        %dma_wait3A_494 = arith.constant 0 : i32
        %dma_wait3A_495 = arith.constant 0 : i32
        %dma_wait3A_496 = tpu.memref_slice %arg8[%dma_wait3A_492, %dma_wait3A_494, %dma_wait3A_495] : memref<8x128x32xf32, #tpu.memory_space<vmem>> -> memref<1x128x32xf32, #tpu.memory_space<vmem>>
        %dma_wait3A_497 = tpu.memref_squeeze %dma_wait3A_496 : memref<1x128x32xf32, #tpu.memory_space<vmem>> -> memref<128x32xf32, #tpu.memory_space<vmem>>
        %dma_wait3A_498 = arith.constant 0 : i32
        %dma_wait3A_499 = tpu.memref_slice %arg7[%dma_wait3A_493, %dma_wait3A_498] : memref<80x128xi32, #tpu.memory_space<vmem>> -> memref<1x128xi32, #tpu.memory_space<vmem>>
        %dma_wait3A_500 = tpu.memref_squeeze %dma_wait3A_499 : memref<1x128xi32, #tpu.memory_space<vmem>> -> memref<128xi32, #tpu.memory_space<vmem>>
        %dma_wait3A_501 = arith.constant 0 : i32
        %dma_wait3A_502 = arith.constant 0 : i32
        %dma_wait3A_503 = tpu.memref_slice %arg10[%dma_wait3A_501, %dma_wait3A_502] : memref<10112x32xf32, #tpu.memory_space<vmem_shared>> -> memref<10112x32xf32, #tpu.memory_space<vmem_shared>>
        tpu.wait_indirect_dma semaphore(%arg20 : memref<!tpu.dma_semaphore, #tpu.memory_space<semaphore_mem>>) src(%dma_wait3A_497 : memref<128x32xf32, #tpu.memory_space<vmem>>) dst(%dma_wait3A_503 : memref<10112x32xf32, #tpu.memory_space<vmem_shared>>)
        %add3A_504 = arith.constant 8 : i32
        %add3A_505 = arith.addi %add3A_219, %add3A_504 : i32
        %add3A_506 = arith.constant 1 : i32
        %add3A_507 = arith.addi %add3A_505, %add3A_506 : i32
        %dma_start3A_508 = arith.constant 1 : i32
        %dma_start3A_509 = arith.constant 0 : i32
        %dma_start3A_510 = arith.constant 0 : i32
        %dma_start3A_511 = tpu.memref_slice %arg8[%dma_start3A_508, %dma_start3A_509, %dma_start3A_510] : memref<8x128x32xf32, #tpu.memory_space<vmem>> -> memref<1x128x32xf32, #tpu.memory_space<vmem>>
        %dma_start3A_512 = tpu.memref_squeeze %dma_start3A_511 : memref<1x128x32xf32, #tpu.memory_space<vmem>> -> memref<128x32xf32, #tpu.memory_space<vmem>>
        %dma_start3A_513 = arith.constant 0 : i32
        %dma_start3A_514 = tpu.memref_slice %arg6[%add3A_507, %dma_start3A_513] : memref<80x128xi32, #tpu.memory_space<vmem>> -> memref<1x128xi32, #tpu.memory_space<vmem>>
        %dma_start3A_515 = tpu.memref_squeeze %dma_start3A_514 : memref<1x128xi32, #tpu.memory_space<vmem>> -> memref<128xi32, #tpu.memory_space<vmem>>
        %dma_start3A_516 = arith.constant 0 : i32
        %dma_start3A_517 = arith.constant 0 : i32
        %dma_start3A_518 = tpu.memref_slice %arg9[%dma_start3A_516, %dma_start3A_517] : memref<10000x32xf32, #tpu.memory_space<vmem_shared>> -> memref<10000x32xf32, #tpu.memory_space<vmem_shared>>
        tpu.enqueue_indirect_dma source(%dma_start3A_518 : memref<10000x32xf32, #tpu.memory_space<vmem_shared>>) target(%dma_start3A_512 : memref<128x32xf32, #tpu.memory_space<vmem>>) offsets(%dma_start3A_515 : memref<128xi32, #tpu.memory_space<vmem>>) semaphore(%arg12 : memref<!tpu.dma_semaphore, #tpu.memory_space<semaphore_mem>>)
      } else {
      }
      %add3A_438 = arith.constant 8 : i32
      %add3A_439 = arith.addi %add3A_219, %add3A_438 : i32
      %add3A_440 = arith.constant 2 : i32
      %add3A_441 = arith.addi %add3A_439, %add3A_440 : i32
      %lt3A_442 = arith.constant 80 : i32
      %lt3A_443 = arith.cmpi slt, %add3A_441, %lt3A_442 : i32
      %convert_element_type3A_444 = arith.extui %lt3A_443 : i1 to i32
      %cond3A_445 = arith.constant 0 : i32
      %cond3A_446 = arith.cmpi ne, %convert_element_type3A_444, %cond3A_445 : i32
      scf.if %cond3A_446 {
        %dma_wait3A_492 = arith.constant 2 : i32
        %dma_wait3A_493 = arith.constant 0 : i32
        %dma_wait3A_494 = arith.constant 0 : i32
        %dma_wait3A_495 = arith.constant 0 : i32
        %dma_wait3A_496 = tpu.memref_slice %arg8[%dma_wait3A_492, %dma_wait3A_494, %dma_wait3A_495] : memref<8x128x32xf32, #tpu.memory_space<vmem>> -> memref<1x128x32xf32, #tpu.memory_space<vmem>>
        %dma_wait3A_497 = tpu.memref_squeeze %dma_wait3A_496 : memref<1x128x32xf32, #tpu.memory_space<vmem>> -> memref<128x32xf32, #tpu.memory_space<vmem>>
        %dma_wait3A_498 = arith.constant 0 : i32
        %dma_wait3A_499 = tpu.memref_slice %arg7[%dma_wait3A_493, %dma_wait3A_498] : memref<80x128xi32, #tpu.memory_space<vmem>> -> memref<1x128xi32, #tpu.memory_space<vmem>>
        %dma_wait3A_500 = tpu.memref_squeeze %dma_wait3A_499 : memref<1x128xi32, #tpu.memory_space<vmem>> -> memref<128xi32, #tpu.memory_space<vmem>>
        %dma_wait3A_501 = arith.constant 0 : i32
        %dma_wait3A_502 = arith.constant 0 : i32
        %dma_wait3A_503 = tpu.memref_slice %arg10[%dma_wait3A_501, %dma_wait3A_502] : memref<10112x32xf32, #tpu.memory_space<vmem_shared>> -> memref<10112x32xf32, #tpu.memory_space<vmem_shared>>
        tpu.wait_indirect_dma semaphore(%arg21 : memref<!tpu.dma_semaphore, #tpu.memory_space<semaphore_mem>>) src(%dma_wait3A_497 : memref<128x32xf32, #tpu.memory_space<vmem>>) dst(%dma_wait3A_503 : memref<10112x32xf32, #tpu.memory_space<vmem_shared>>)
        %add3A_504 = arith.constant 8 : i32
        %add3A_505 = arith.addi %add3A_219, %add3A_504 : i32
        %add3A_506 = arith.constant 2 : i32
        %add3A_507 = arith.addi %add3A_505, %add3A_506 : i32
        %dma_start3A_508 = arith.constant 2 : i32
        %dma_start3A_509 = arith.constant 0 : i32
        %dma_start3A_510 = arith.constant 0 : i32
        %dma_start3A_511 = tpu.memref_slice %arg8[%dma_start3A_508, %dma_start3A_509, %dma_start3A_510] : memref<8x128x32xf32, #tpu.memory_space<vmem>> -> memref<1x128x32xf32, #tpu.memory_space<vmem>>
        %dma_start3A_512 = tpu.memref_squeeze %dma_start3A_511 : memref<1x128x32xf32, #tpu.memory_space<vmem>> -> memref<128x32xf32, #tpu.memory_space<vmem>>
        %dma_start3A_513 = arith.constant 0 : i32
        %dma_start3A_514 = tpu.memref_slice %arg6[%add3A_507, %dma_start3A_513] : memref<80x128xi32, #tpu.memory_space<vmem>> -> memref<1x128xi32, #tpu.memory_space<vmem>>
        %dma_start3A_515 = tpu.memref_squeeze %dma_start3A_514 : memref<1x128xi32, #tpu.memory_space<vmem>> -> memref<128xi32, #tpu.memory_space<vmem>>
        %dma_start3A_516 = arith.constant 0 : i32
        %dma_start3A_517 = arith.constant 0 : i32
        %dma_start3A_518 = tpu.memref_slice %arg9[%dma_start3A_516, %dma_start3A_517] : memref<10000x32xf32, #tpu.memory_space<vmem_shared>> -> memref<10000x32xf32, #tpu.memory_space<vmem_shared>>
        tpu.enqueue_indirect_dma source(%dma_start3A_518 : memref<10000x32xf32, #tpu.memory_space<vmem_shared>>) target(%dma_start3A_512 : memref<128x32xf32, #tpu.memory_space<vmem>>) offsets(%dma_start3A_515 : memref<128xi32, #tpu.memory_space<vmem>>) semaphore(%arg13 : memref<!tpu.dma_semaphore, #tpu.memory_space<semaphore_mem>>)
      } else {
      }
      %add3A_447 = arith.constant 8 : i32
      %add3A_448 = arith.addi %add3A_219, %add3A_447 : i32
      %add3A_449 = arith.constant 3 : i32
      %add3A_450 = arith.addi %add3A_448, %add3A_449 : i32
      %lt3A_451 = arith.constant 80 : i32
      %lt3A_452 = arith.cmpi slt, %add3A_450, %lt3A_451 : i32
      %convert_element_type3A_453 = arith.extui %lt3A_452 : i1 to i32
      %cond3A_454 = arith.constant 0 : i32
      %cond3A_455 = arith.cmpi ne, %convert_element_type3A_453, %cond3A_454 : i32
      scf.if %cond3A_455 {
        %dma_wait3A_492 = arith.constant 3 : i32
        %dma_wait3A_493 = arith.constant 0 : i32
        %dma_wait3A_494 = arith.constant 0 : i32
        %dma_wait3A_495 = arith.constant 0 : i32
        %dma_wait3A_496 = tpu.memref_slice %arg8[%dma_wait3A_492, %dma_wait3A_494, %dma_wait3A_495] : memref<8x128x32xf32, #tpu.memory_space<vmem>> -> memref<1x128x32xf32, #tpu.memory_space<vmem>>
        %dma_wait3A_497 = tpu.memref_squeeze %dma_wait3A_496 : memref<1x128x32xf32, #tpu.memory_space<vmem>> -> memref<128x32xf32, #tpu.memory_space<vmem>>
        %dma_wait3A_498 = arith.constant 0 : i32
        %dma_wait3A_499 = tpu.memref_slice %arg7[%dma_wait3A_493, %dma_wait3A_498] : memref<80x128xi32, #tpu.memory_space<vmem>> -> memref<1x128xi32, #tpu.memory_space<vmem>>
        %dma_wait3A_500 = tpu.memref_squeeze %dma_wait3A_499 : memref<1x128xi32, #tpu.memory_space<vmem>> -> memref<128xi32, #tpu.memory_space<vmem>>
        %dma_wait3A_501 = arith.constant 0 : i32
        %dma_wait3A_502 = arith.constant 0 : i32
        %dma_wait3A_503 = tpu.memref_slice %arg10[%dma_wait3A_501, %dma_wait3A_502] : memref<10112x32xf32, #tpu.memory_space<vmem_shared>> -> memref<10112x32xf32, #tpu.memory_space<vmem_shared>>
        tpu.wait_indirect_dma semaphore(%arg22 : memref<!tpu.dma_semaphore, #tpu.memory_space<semaphore_mem>>) src(%dma_wait3A_497 : memref<128x32xf32, #tpu.memory_space<vmem>>) dst(%dma_wait3A_503 : memref<10112x32xf32, #tpu.memory_space<vmem_shared>>)
        %add3A_504 = arith.constant 8 : i32
        %add3A_505 = arith.addi %add3A_219, %add3A_504 : i32
        %add3A_506 = arith.constant 3 : i32
        %add3A_507 = arith.addi %add3A_505, %add3A_506 : i32
        %dma_start3A_508 = arith.constant 3 : i32
        %dma_start3A_509 = arith.constant 0 : i32
        %dma_start3A_510 = arith.constant 0 : i32
        %dma_start3A_511 = tpu.memref_slice %arg8[%dma_start3A_508, %dma_start3A_509, %dma_start3A_510] : memref<8x128x32xf32, #tpu.memory_space<vmem>> -> memref<1x128x32xf32, #tpu.memory_space<vmem>>
        %dma_start3A_512 = tpu.memref_squeeze %dma_start3A_511 : memref<1x128x32xf32, #tpu.memory_space<vmem>> -> memref<128x32xf32, #tpu.memory_space<vmem>>
        %dma_start3A_513 = arith.constant 0 : i32
        %dma_start3A_514 = tpu.memref_slice %arg6[%add3A_507, %dma_start3A_513] : memref<80x128xi32, #tpu.memory_space<vmem>> -> memref<1x128xi32, #tpu.memory_space<vmem>>
        %dma_start3A_515 = tpu.memref_squeeze %dma_start3A_514 : memref<1x128xi32, #tpu.memory_space<vmem>> -> memref<128xi32, #tpu.memory_space<vmem>>
        %dma_start3A_516 = arith.constant 0 : i32
        %dma_start3A_517 = arith.constant 0 : i32
        %dma_start3A_518 = tpu.memref_slice %arg9[%dma_start3A_516, %dma_start3A_517] : memref<10000x32xf32, #tpu.memory_space<vmem_shared>> -> memref<10000x32xf32, #tpu.memory_space<vmem_shared>>
        tpu.enqueue_indirect_dma source(%dma_start3A_518 : memref<10000x32xf32, #tpu.memory_space<vmem_shared>>) target(%dma_start3A_512 : memref<128x32xf32, #tpu.memory_space<vmem>>) offsets(%dma_start3A_515 : memref<128xi32, #tpu.memory_space<vmem>>) semaphore(%arg14 : memref<!tpu.dma_semaphore, #tpu.memory_space<semaphore_mem>>)
      } else {
      }
      %add3A_456 = arith.constant 8 : i32
      %add3A_457 = arith.addi %add3A_219, %add3A_456 : i32
      %add3A_458 = arith.constant 4 : i32
      %add3A_459 = arith.addi %add3A_457, %add3A_458 : i32
      %lt3A_460 = arith.constant 80 : i32
      %lt3A_461 = arith.cmpi slt, %add3A_459, %lt3A_460 : i32
      %convert_element_type3A_462 = arith.extui %lt3A_461 : i1 to i32
      %cond3A_463 = arith.constant 0 : i32
      %cond3A_464 = arith.cmpi ne, %convert_element_type3A_462, %cond3A_463 : i32
      scf.if %cond3A_464 {
        %dma_wait3A_492 = arith.constant 4 : i32
        %dma_wait3A_493 = arith.constant 0 : i32
        %dma_wait3A_494 = arith.constant 0 : i32
        %dma_wait3A_495 = arith.constant 0 : i32
        %dma_wait3A_496 = tpu.memref_slice %arg8[%dma_wait3A_492, %dma_wait3A_494, %dma_wait3A_495] : memref<8x128x32xf32, #tpu.memory_space<vmem>> -> memref<1x128x32xf32, #tpu.memory_space<vmem>>
        %dma_wait3A_497 = tpu.memref_squeeze %dma_wait3A_496 : memref<1x128x32xf32, #tpu.memory_space<vmem>> -> memref<128x32xf32, #tpu.memory_space<vmem>>
        %dma_wait3A_498 = arith.constant 0 : i32
        %dma_wait3A_499 = tpu.memref_slice %arg7[%dma_wait3A_493, %dma_wait3A_498] : memref<80x128xi32, #tpu.memory_space<vmem>> -> memref<1x128xi32, #tpu.memory_space<vmem>>
        %dma_wait3A_500 = tpu.memref_squeeze %dma_wait3A_499 : memref<1x128xi32, #tpu.memory_space<vmem>> -> memref<128xi32, #tpu.memory_space<vmem>>
        %dma_wait3A_501 = arith.constant 0 : i32
        %dma_wait3A_502 = arith.constant 0 : i32
        %dma_wait3A_503 = tpu.memref_slice %arg10[%dma_wait3A_501, %dma_wait3A_502] : memref<10112x32xf32, #tpu.memory_space<vmem_shared>> -> memref<10112x32xf32, #tpu.memory_space<vmem_shared>>
        tpu.wait_indirect_dma semaphore(%arg23 : memref<!tpu.dma_semaphore, #tpu.memory_space<semaphore_mem>>) src(%dma_wait3A_497 : memref<128x32xf32, #tpu.memory_space<vmem>>) dst(%dma_wait3A_503 : memref<10112x32xf32, #tpu.memory_space<vmem_shared>>)
        %add3A_504 = arith.constant 8 : i32
        %add3A_505 = arith.addi %add3A_219, %add3A_504 : i32
        %add3A_506 = arith.constant 4 : i32
        %add3A_507 = arith.addi %add3A_505, %add3A_506 : i32
        %dma_start3A_508 = arith.constant 4 : i32
        %dma_start3A_509 = arith.constant 0 : i32
        %dma_start3A_510 = arith.constant 0 : i32
        %dma_start3A_511 = tpu.memref_slice %arg8[%dma_start3A_508, %dma_start3A_509, %dma_start3A_510] : memref<8x128x32xf32, #tpu.memory_space<vmem>> -> memref<1x128x32xf32, #tpu.memory_space<vmem>>
        %dma_start3A_512 = tpu.memref_squeeze %dma_start3A_511 : memref<1x128x32xf32, #tpu.memory_space<vmem>> -> memref<128x32xf32, #tpu.memory_space<vmem>>
        %dma_start3A_513 = arith.constant 0 : i32
        %dma_start3A_514 = tpu.memref_slice %arg6[%add3A_507, %dma_start3A_513] : memref<80x128xi32, #tpu.memory_space<vmem>> -> memref<1x128xi32, #tpu.memory_space<vmem>>
        %dma_start3A_515 = tpu.memref_squeeze %dma_start3A_514 : memref<1x128xi32, #tpu.memory_space<vmem>> -> memref<128xi32, #tpu.memory_space<vmem>>
        %dma_start3A_516 = arith.constant 0 : i32
        %dma_start3A_517 = arith.constant 0 : i32
        %dma_start3A_518 = tpu.memref_slice %arg9[%dma_start3A_516, %dma_start3A_517] : memref<10000x32xf32, #tpu.memory_space<vmem_shared>> -> memref<10000x32xf32, #tpu.memory_space<vmem_shared>>
        tpu.enqueue_indirect_dma source(%dma_start3A_518 : memref<10000x32xf32, #tpu.memory_space<vmem_shared>>) target(%dma_start3A_512 : memref<128x32xf32, #tpu.memory_space<vmem>>) offsets(%dma_start3A_515 : memref<128xi32, #tpu.memory_space<vmem>>) semaphore(%arg15 : memref<!tpu.dma_semaphore, #tpu.memory_space<semaphore_mem>>)
      } else {
      }
      %add3A_465 = arith.constant 8 : i32
      %add3A_466 = arith.addi %add3A_219, %add3A_465 : i32
      %add3A_467 = arith.constant 5 : i32
      %add3A_468 = arith.addi %add3A_466, %add3A_467 : i32
      %lt3A_469 = arith.constant 80 : i32
      %lt3A_470 = arith.cmpi slt, %add3A_468, %lt3A_469 : i32
      %convert_element_type3A_471 = arith.extui %lt3A_470 : i1 to i32
      %cond3A_472 = arith.constant 0 : i32
      %cond3A_473 = arith.cmpi ne, %convert_element_type3A_471, %cond3A_472 : i32
      scf.if %cond3A_473 {
        %dma_wait3A_492 = arith.constant 5 : i32
        %dma_wait3A_493 = arith.constant 0 : i32
        %dma_wait3A_494 = arith.constant 0 : i32
        %dma_wait3A_495 = arith.constant 0 : i32
        %dma_wait3A_496 = tpu.memref_slice %arg8[%dma_wait3A_492, %dma_wait3A_494, %dma_wait3A_495] : memref<8x128x32xf32, #tpu.memory_space<vmem>> -> memref<1x128x32xf32, #tpu.memory_space<vmem>>
        %dma_wait3A_497 = tpu.memref_squeeze %dma_wait3A_496 : memref<1x128x32xf32, #tpu.memory_space<vmem>> -> memref<128x32xf32, #tpu.memory_space<vmem>>
        %dma_wait3A_498 = arith.constant 0 : i32
        %dma_wait3A_499 = tpu.memref_slice %arg7[%dma_wait3A_493, %dma_wait3A_498] : memref<80x128xi32, #tpu.memory_space<vmem>> -> memref<1x128xi32, #tpu.memory_space<vmem>>
        %dma_wait3A_500 = tpu.memref_squeeze %dma_wait3A_499 : memref<1x128xi32, #tpu.memory_space<vmem>> -> memref<128xi32, #tpu.memory_space<vmem>>
        %dma_wait3A_501 = arith.constant 0 : i32
        %dma_wait3A_502 = arith.constant 0 : i32
        %dma_wait3A_503 = tpu.memref_slice %arg10[%dma_wait3A_501, %dma_wait3A_502] : memref<10112x32xf32, #tpu.memory_space<vmem_shared>> -> memref<10112x32xf32, #tpu.memory_space<vmem_shared>>
        tpu.wait_indirect_dma semaphore(%arg24 : memref<!tpu.dma_semaphore, #tpu.memory_space<semaphore_mem>>) src(%dma_wait3A_497 : memref<128x32xf32, #tpu.memory_space<vmem>>) dst(%dma_wait3A_503 : memref<10112x32xf32, #tpu.memory_space<vmem_shared>>)
        %add3A_504 = arith.constant 8 : i32
        %add3A_505 = arith.addi %add3A_219, %add3A_504 : i32
        %add3A_506 = arith.constant 5 : i32
        %add3A_507 = arith.addi %add3A_505, %add3A_506 : i32
        %dma_start3A_508 = arith.constant 5 : i32
        %dma_start3A_509 = arith.constant 0 : i32
        %dma_start3A_510 = arith.constant 0 : i32
        %dma_start3A_511 = tpu.memref_slice %arg8[%dma_start3A_508, %dma_start3A_509, %dma_start3A_510] : memref<8x128x32xf32, #tpu.memory_space<vmem>> -> memref<1x128x32xf32, #tpu.memory_space<vmem>>
        %dma_start3A_512 = tpu.memref_squeeze %dma_start3A_511 : memref<1x128x32xf32, #tpu.memory_space<vmem>> -> memref<128x32xf32, #tpu.memory_space<vmem>>
        %dma_start3A_513 = arith.constant 0 : i32
        %dma_start3A_514 = tpu.memref_slice %arg6[%add3A_507, %dma_start3A_513] : memref<80x128xi32, #tpu.memory_space<vmem>> -> memref<1x128xi32, #tpu.memory_space<vmem>>
        %dma_start3A_515 = tpu.memref_squeeze %dma_start3A_514 : memref<1x128xi32, #tpu.memory_space<vmem>> -> memref<128xi32, #tpu.memory_space<vmem>>
        %dma_start3A_516 = arith.constant 0 : i32
        %dma_start3A_517 = arith.constant 0 : i32
        %dma_start3A_518 = tpu.memref_slice %arg9[%dma_start3A_516, %dma_start3A_517] : memref<10000x32xf32, #tpu.memory_space<vmem_shared>> -> memref<10000x32xf32, #tpu.memory_space<vmem_shared>>
        tpu.enqueue_indirect_dma source(%dma_start3A_518 : memref<10000x32xf32, #tpu.memory_space<vmem_shared>>) target(%dma_start3A_512 : memref<128x32xf32, #tpu.memory_space<vmem>>) offsets(%dma_start3A_515 : memref<128xi32, #tpu.memory_space<vmem>>) semaphore(%arg16 : memref<!tpu.dma_semaphore, #tpu.memory_space<semaphore_mem>>)
      } else {
      }
      %add3A_474 = arith.constant 8 : i32
      %add3A_475 = arith.addi %add3A_219, %add3A_474 : i32
      %add3A_476 = arith.constant 6 : i32
      %add3A_477 = arith.addi %add3A_475, %add3A_476 : i32
      %lt3A_478 = arith.constant 80 : i32
      %lt3A_479 = arith.cmpi slt, %add3A_477, %lt3A_478 : i32
      %convert_element_type3A_480 = arith.extui %lt3A_479 : i1 to i32
      %cond3A_481 = arith.constant 0 : i32
      %cond3A_482 = arith.cmpi ne, %convert_element_type3A_480, %cond3A_481 : i32
      scf.if %cond3A_482 {
        %dma_wait3A_492 = arith.constant 6 : i32
        %dma_wait3A_493 = arith.constant 0 : i32
        %dma_wait3A_494 = arith.constant 0 : i32
        %dma_wait3A_495 = arith.constant 0 : i32
        %dma_wait3A_496 = tpu.memref_slice %arg8[%dma_wait3A_492, %dma_wait3A_494, %dma_wait3A_495] : memref<8x128x32xf32, #tpu.memory_space<vmem>> -> memref<1x128x32xf32, #tpu.memory_space<vmem>>
        %dma_wait3A_497 = tpu.memref_squeeze %dma_wait3A_496 : memref<1x128x32xf32, #tpu.memory_space<vmem>> -> memref<128x32xf32, #tpu.memory_space<vmem>>
        %dma_wait3A_498 = arith.constant 0 : i32
        %dma_wait3A_499 = tpu.memref_slice %arg7[%dma_wait3A_493, %dma_wait3A_498] : memref<80x128xi32, #tpu.memory_space<vmem>> -> memref<1x128xi32, #tpu.memory_space<vmem>>
        %dma_wait3A_500 = tpu.memref_squeeze %dma_wait3A_499 : memref<1x128xi32, #tpu.memory_space<vmem>> -> memref<128xi32, #tpu.memory_space<vmem>>
        %dma_wait3A_501 = arith.constant 0 : i32
        %dma_wait3A_502 = arith.constant 0 : i32
        %dma_wait3A_503 = tpu.memref_slice %arg10[%dma_wait3A_501, %dma_wait3A_502] : memref<10112x32xf32, #tpu.memory_space<vmem_shared>> -> memref<10112x32xf32, #tpu.memory_space<vmem_shared>>
        tpu.wait_indirect_dma semaphore(%arg25 : memref<!tpu.dma_semaphore, #tpu.memory_space<semaphore_mem>>) src(%dma_wait3A_497 : memref<128x32xf32, #tpu.memory_space<vmem>>) dst(%dma_wait3A_503 : memref<10112x32xf32, #tpu.memory_space<vmem_shared>>)
        %add3A_504 = arith.constant 8 : i32
        %add3A_505 = arith.addi %add3A_219, %add3A_504 : i32
        %add3A_506 = arith.constant 6 : i32
        %add3A_507 = arith.addi %add3A_505, %add3A_506 : i32
        %dma_start3A_508 = arith.constant 6 : i32
        %dma_start3A_509 = arith.constant 0 : i32
        %dma_start3A_510 = arith.constant 0 : i32
        %dma_start3A_511 = tpu.memref_slice %arg8[%dma_start3A_508, %dma_start3A_509, %dma_start3A_510] : memref<8x128x32xf32, #tpu.memory_space<vmem>> -> memref<1x128x32xf32, #tpu.memory_space<vmem>>
        %dma_start3A_512 = tpu.memref_squeeze %dma_start3A_511 : memref<1x128x32xf32, #tpu.memory_space<vmem>> -> memref<128x32xf32, #tpu.memory_space<vmem>>
        %dma_start3A_513 = arith.constant 0 : i32
        %dma_start3A_514 = tpu.memref_slice %arg6[%add3A_507, %dma_start3A_513] : memref<80x128xi32, #tpu.memory_space<vmem>> -> memref<1x128xi32, #tpu.memory_space<vmem>>
        %dma_start3A_515 = tpu.memref_squeeze %dma_start3A_514 : memref<1x128xi32, #tpu.memory_space<vmem>> -> memref<128xi32, #tpu.memory_space<vmem>>
        %dma_start3A_516 = arith.constant 0 : i32
        %dma_start3A_517 = arith.constant 0 : i32
        %dma_start3A_518 = tpu.memref_slice %arg9[%dma_start3A_516, %dma_start3A_517] : memref<10000x32xf32, #tpu.memory_space<vmem_shared>> -> memref<10000x32xf32, #tpu.memory_space<vmem_shared>>
        tpu.enqueue_indirect_dma source(%dma_start3A_518 : memref<10000x32xf32, #tpu.memory_space<vmem_shared>>) target(%dma_start3A_512 : memref<128x32xf32, #tpu.memory_space<vmem>>) offsets(%dma_start3A_515 : memref<128xi32, #tpu.memory_space<vmem>>) semaphore(%arg17 : memref<!tpu.dma_semaphore, #tpu.memory_space<semaphore_mem>>)
      } else {
      }
      %add3A_483 = arith.constant 8 : i32
      %add3A_484 = arith.addi %add3A_219, %add3A_483 : i32
      %add3A_485 = arith.constant 7 : i32
      %add3A_486 = arith.addi %add3A_484, %add3A_485 : i32
      %lt3A_487 = arith.constant 80 : i32
      %lt3A_488 = arith.cmpi slt, %add3A_486, %lt3A_487 : i32
      %convert_element_type3A_489 = arith.extui %lt3A_488 : i1 to i32
      %cond3A_490 = arith.constant 0 : i32
      %cond3A_491 = arith.cmpi ne, %convert_element_type3A_489, %cond3A_490 : i32
      scf.if %cond3A_491 {
        %dma_wait3A_492 = arith.constant 7 : i32
        %dma_wait3A_493 = arith.constant 0 : i32
        %dma_wait3A_494 = arith.constant 0 : i32
        %dma_wait3A_495 = arith.constant 0 : i32
        %dma_wait3A_496 = tpu.memref_slice %arg8[%dma_wait3A_492, %dma_wait3A_494, %dma_wait3A_495] : memref<8x128x32xf32, #tpu.memory_space<vmem>> -> memref<1x128x32xf32, #tpu.memory_space<vmem>>
        %dma_wait3A_497 = tpu.memref_squeeze %dma_wait3A_496 : memref<1x128x32xf32, #tpu.memory_space<vmem>> -> memref<128x32xf32, #tpu.memory_space<vmem>>
        %dma_wait3A_498 = arith.constant 0 : i32
        %dma_wait3A_499 = tpu.memref_slice %arg7[%dma_wait3A_493, %dma_wait3A_498] : memref<80x128xi32, #tpu.memory_space<vmem>> -> memref<1x128xi32, #tpu.memory_space<vmem>>
        %dma_wait3A_500 = tpu.memref_squeeze %dma_wait3A_499 : memref<1x128xi32, #tpu.memory_space<vmem>> -> memref<128xi32, #tpu.memory_space<vmem>>
        %dma_wait3A_501 = arith.constant 0 : i32
        %dma_wait3A_502 = arith.constant 0 : i32
        %dma_wait3A_503 = tpu.memref_slice %arg10[%dma_wait3A_501, %dma_wait3A_502] : memref<10112x32xf32, #tpu.memory_space<vmem_shared>> -> memref<10112x32xf32, #tpu.memory_space<vmem_shared>>
        tpu.wait_indirect_dma semaphore(%arg26 : memref<!tpu.dma_semaphore, #tpu.memory_space<semaphore_mem>>) src(%dma_wait3A_497 : memref<128x32xf32, #tpu.memory_space<vmem>>) dst(%dma_wait3A_503 : memref<10112x32xf32, #tpu.memory_space<vmem_shared>>)
        %add3A_504 = arith.constant 8 : i32
        %add3A_505 = arith.addi %add3A_219, %add3A_504 : i32
        %add3A_506 = arith.constant 7 : i32
        %add3A_507 = arith.addi %add3A_505, %add3A_506 : i32
        %dma_start3A_508 = arith.constant 7 : i32
        %dma_start3A_509 = arith.constant 0 : i32
        %dma_start3A_510 = arith.constant 0 : i32
        %dma_start3A_511 = tpu.memref_slice %arg8[%dma_start3A_508, %dma_start3A_509, %dma_start3A_510] : memref<8x128x32xf32, #tpu.memory_space<vmem>> -> memref<1x128x32xf32, #tpu.memory_space<vmem>>
        %dma_start3A_512 = tpu.memref_squeeze %dma_start3A_511 : memref<1x128x32xf32, #tpu.memory_space<vmem>> -> memref<128x32xf32, #tpu.memory_space<vmem>>
        %dma_start3A_513 = arith.constant 0 : i32
        %dma_start3A_514 = tpu.memref_slice %arg6[%add3A_507, %dma_start3A_513] : memref<80x128xi32, #tpu.memory_space<vmem>> -> memref<1x128xi32, #tpu.memory_space<vmem>>
        %dma_start3A_515 = tpu.memref_squeeze %dma_start3A_514 : memref<1x128xi32, #tpu.memory_space<vmem>> -> memref<128xi32, #tpu.memory_space<vmem>>
        %dma_start3A_516 = arith.constant 0 : i32
        %dma_start3A_517 = arith.constant 0 : i32
        %dma_start3A_518 = tpu.memref_slice %arg9[%dma_start3A_516, %dma_start3A_517] : memref<10000x32xf32, #tpu.memory_space<vmem_shared>> -> memref<10000x32xf32, #tpu.memory_space<vmem_shared>>
        tpu.enqueue_indirect_dma source(%dma_start3A_518 : memref<10000x32xf32, #tpu.memory_space<vmem_shared>>) target(%dma_start3A_512 : memref<128x32xf32, #tpu.memory_space<vmem>>) offsets(%dma_start3A_515 : memref<128xi32, #tpu.memory_space<vmem>>) semaphore(%arg18 : memref<!tpu.dma_semaphore, #tpu.memory_space<semaphore_mem>>)
      } else {
      }
    }
    %scan3A_108 = arith.constant 10 : i32
    %dma_wait3A = arith.constant 0 : i32
    %dma_wait3A_109 = arith.constant 0 : i32
    %dma_wait3A_110 = arith.constant 0 : i32
    %dma_wait3A_111 = arith.constant 0 : i32
    %dma_wait3A_112 = tpu.memref_slice %arg8[%dma_wait3A, %dma_wait3A_110, %dma_wait3A_111] : memref<8x128x32xf32, #tpu.memory_space<vmem>> -> memref<1x128x32xf32, #tpu.memory_space<vmem>>
    %dma_wait3A_113 = tpu.memref_squeeze %dma_wait3A_112 : memref<1x128x32xf32, #tpu.memory_space<vmem>> -> memref<128x32xf32, #tpu.memory_space<vmem>>
    %dma_wait3A_114 = arith.constant 0 : i32
    %dma_wait3A_115 = tpu.memref_slice %arg7[%dma_wait3A_109, %dma_wait3A_114] : memref<80x128xi32, #tpu.memory_space<vmem>> -> memref<1x128xi32, #tpu.memory_space<vmem>>
    %dma_wait3A_116 = tpu.memref_squeeze %dma_wait3A_115 : memref<1x128xi32, #tpu.memory_space<vmem>> -> memref<128xi32, #tpu.memory_space<vmem>>
    %dma_wait3A_117 = arith.constant 0 : i32
    %dma_wait3A_118 = arith.constant 0 : i32
    %dma_wait3A_119 = tpu.memref_slice %arg10[%dma_wait3A_117, %dma_wait3A_118] : memref<10112x32xf32, #tpu.memory_space<vmem_shared>> -> memref<10112x32xf32, #tpu.memory_space<vmem_shared>>
    tpu.wait_indirect_dma semaphore(%arg19 : memref<!tpu.dma_semaphore, #tpu.memory_space<semaphore_mem>>) src(%dma_wait3A_113 : memref<128x32xf32, #tpu.memory_space<vmem>>) dst(%dma_wait3A_119 : memref<10112x32xf32, #tpu.memory_space<vmem_shared>>)
    %dma_wait3A_120 = arith.constant 1 : i32
    %dma_wait3A_121 = arith.constant 0 : i32
    %dma_wait3A_122 = arith.constant 0 : i32
    %dma_wait3A_123 = arith.constant 0 : i32
    %dma_wait3A_124 = tpu.memref_slice %arg8[%dma_wait3A_120, %dma_wait3A_122, %dma_wait3A_123] : memref<8x128x32xf32, #tpu.memory_space<vmem>> -> memref<1x128x32xf32, #tpu.memory_space<vmem>>
    %dma_wait3A_125 = tpu.memref_squeeze %dma_wait3A_124 : memref<1x128x32xf32, #tpu.memory_space<vmem>> -> memref<128x32xf32, #tpu.memory_space<vmem>>
    %dma_wait3A_126 = arith.constant 0 : i32
    %dma_wait3A_127 = tpu.memref_slice %arg7[%dma_wait3A_121, %dma_wait3A_126] : memref<80x128xi32, #tpu.memory_space<vmem>> -> memref<1x128xi32, #tpu.memory_space<vmem>>
    %dma_wait3A_128 = tpu.memref_squeeze %dma_wait3A_127 : memref<1x128xi32, #tpu.memory_space<vmem>> -> memref<128xi32, #tpu.memory_space<vmem>>
    %dma_wait3A_129 = arith.constant 0 : i32
    %dma_wait3A_130 = arith.constant 0 : i32
    %dma_wait3A_131 = tpu.memref_slice %arg10[%dma_wait3A_129, %dma_wait3A_130] : memref<10112x32xf32, #tpu.memory_space<vmem_shared>> -> memref<10112x32xf32, #tpu.memory_space<vmem_shared>>
    tpu.wait_indirect_dma semaphore(%arg20 : memref<!tpu.dma_semaphore, #tpu.memory_space<semaphore_mem>>) src(%dma_wait3A_125 : memref<128x32xf32, #tpu.memory_space<vmem>>) dst(%dma_wait3A_131 : memref<10112x32xf32, #tpu.memory_space<vmem_shared>>)
    %dma_wait3A_132 = arith.constant 2 : i32
    %dma_wait3A_133 = arith.constant 0 : i32
    %dma_wait3A_134 = arith.constant 0 : i32
    %dma_wait3A_135 = arith.constant 0 : i32
    %dma_wait3A_136 = tpu.memref_slice %arg8[%dma_wait3A_132, %dma_wait3A_134, %dma_wait3A_135] : memref<8x128x32xf32, #tpu.memory_space<vmem>> -> memref<1x128x32xf32, #tpu.memory_space<vmem>>
    %dma_wait3A_137 = tpu.memref_squeeze %dma_wait3A_136 : memref<1x128x32xf32, #tpu.memory_space<vmem>> -> memref<128x32xf32, #tpu.memory_space<vmem>>
    %dma_wait3A_138 = arith.constant 0 : i32
    %dma_wait3A_139 = tpu.memref_slice %arg7[%dma_wait3A_133, %dma_wait3A_138] : memref<80x128xi32, #tpu.memory_space<vmem>> -> memref<1x128xi32, #tpu.memory_space<vmem>>
    %dma_wait3A_140 = tpu.memref_squeeze %dma_wait3A_139 : memref<1x128xi32, #tpu.memory_space<vmem>> -> memref<128xi32, #tpu.memory_space<vmem>>
    %dma_wait3A_141 = arith.constant 0 : i32
    %dma_wait3A_142 = arith.constant 0 : i32
    %dma_wait3A_143 = tpu.memref_slice %arg10[%dma_wait3A_141, %dma_wait3A_142] : memref<10112x32xf32, #tpu.memory_space<vmem_shared>> -> memref<10112x32xf32, #tpu.memory_space<vmem_shared>>
    tpu.wait_indirect_dma semaphore(%arg21 : memref<!tpu.dma_semaphore, #tpu.memory_space<semaphore_mem>>) src(%dma_wait3A_137 : memref<128x32xf32, #tpu.memory_space<vmem>>) dst(%dma_wait3A_143 : memref<10112x32xf32, #tpu.memory_space<vmem_shared>>)
    %dma_wait3A_144 = arith.constant 3 : i32
    %dma_wait3A_145 = arith.constant 0 : i32
    %dma_wait3A_146 = arith.constant 0 : i32
    %dma_wait3A_147 = arith.constant 0 : i32
    %dma_wait3A_148 = tpu.memref_slice %arg8[%dma_wait3A_144, %dma_wait3A_146, %dma_wait3A_147] : memref<8x128x32xf32, #tpu.memory_space<vmem>> -> memref<1x128x32xf32, #tpu.memory_space<vmem>>
    %dma_wait3A_149 = tpu.memref_squeeze %dma_wait3A_148 : memref<1x128x32xf32, #tpu.memory_space<vmem>> -> memref<128x32xf32, #tpu.memory_space<vmem>>
    %dma_wait3A_150 = arith.constant 0 : i32
    %dma_wait3A_151 = tpu.memref_slice %arg7[%dma_wait3A_145, %dma_wait3A_150] : memref<80x128xi32, #tpu.memory_space<vmem>> -> memref<1x128xi32, #tpu.memory_space<vmem>>
    %dma_wait3A_152 = tpu.memref_squeeze %dma_wait3A_151 : memref<1x128xi32, #tpu.memory_space<vmem>> -> memref<128xi32, #tpu.memory_space<vmem>>
    %dma_wait3A_153 = arith.constant 0 : i32
    %dma_wait3A_154 = arith.constant 0 : i32
    %dma_wait3A_155 = tpu.memref_slice %arg10[%dma_wait3A_153, %dma_wait3A_154] : memref<10112x32xf32, #tpu.memory_space<vmem_shared>> -> memref<10112x32xf32, #tpu.memory_space<vmem_shared>>
    tpu.wait_indirect_dma semaphore(%arg22 : memref<!tpu.dma_semaphore, #tpu.memory_space<semaphore_mem>>) src(%dma_wait3A_149 : memref<128x32xf32, #tpu.memory_space<vmem>>) dst(%dma_wait3A_155 : memref<10112x32xf32, #tpu.memory_space<vmem_shared>>)
    %dma_wait3A_156 = arith.constant 4 : i32
    %dma_wait3A_157 = arith.constant 0 : i32
    %dma_wait3A_158 = arith.constant 0 : i32
    %dma_wait3A_159 = arith.constant 0 : i32
    %dma_wait3A_160 = tpu.memref_slice %arg8[%dma_wait3A_156, %dma_wait3A_158, %dma_wait3A_159] : memref<8x128x32xf32, #tpu.memory_space<vmem>> -> memref<1x128x32xf32, #tpu.memory_space<vmem>>
    %dma_wait3A_161 = tpu.memref_squeeze %dma_wait3A_160 : memref<1x128x32xf32, #tpu.memory_space<vmem>> -> memref<128x32xf32, #tpu.memory_space<vmem>>
    %dma_wait3A_162 = arith.constant 0 : i32
    %dma_wait3A_163 = tpu.memref_slice %arg7[%dma_wait3A_157, %dma_wait3A_162] : memref<80x128xi32, #tpu.memory_space<vmem>> -> memref<1x128xi32, #tpu.memory_space<vmem>>
    %dma_wait3A_164 = tpu.memref_squeeze %dma_wait3A_163 : memref<1x128xi32, #tpu.memory_space<vmem>> -> memref<128xi32, #tpu.memory_space<vmem>>
    %dma_wait3A_165 = arith.constant 0 : i32
    %dma_wait3A_166 = arith.constant 0 : i32
    %dma_wait3A_167 = tpu.memref_slice %arg10[%dma_wait3A_165, %dma_wait3A_166] : memref<10112x32xf32, #tpu.memory_space<vmem_shared>> -> memref<10112x32xf32, #tpu.memory_space<vmem_shared>>
    tpu.wait_indirect_dma semaphore(%arg23 : memref<!tpu.dma_semaphore, #tpu.memory_space<semaphore_mem>>) src(%dma_wait3A_161 : memref<128x32xf32, #tpu.memory_space<vmem>>) dst(%dma_wait3A_167 : memref<10112x32xf32, #tpu.memory_space<vmem_shared>>)
    %dma_wait3A_168 = arith.constant 5 : i32
    %dma_wait3A_169 = arith.constant 0 : i32
    %dma_wait3A_170 = arith.constant 0 : i32
    %dma_wait3A_171 = arith.constant 0 : i32
    %dma_wait3A_172 = tpu.memref_slice %arg8[%dma_wait3A_168, %dma_wait3A_170, %dma_wait3A_171] : memref<8x128x32xf32, #tpu.memory_space<vmem>> -> memref<1x128x32xf32, #tpu.memory_space<vmem>>
    %dma_wait3A_173 = tpu.memref_squeeze %dma_wait3A_172 : memref<1x128x32xf32, #tpu.memory_space<vmem>> -> memref<128x32xf32, #tpu.memory_space<vmem>>
    %dma_wait3A_174 = arith.constant 0 : i32
    %dma_wait3A_175 = tpu.memref_slice %arg7[%dma_wait3A_169, %dma_wait3A_174] : memref<80x128xi32, #tpu.memory_space<vmem>> -> memref<1x128xi32, #tpu.memory_space<vmem>>
    %dma_wait3A_176 = tpu.memref_squeeze %dma_wait3A_175 : memref<1x128xi32, #tpu.memory_space<vmem>> -> memref<128xi32, #tpu.memory_space<vmem>>
    %dma_wait3A_177 = arith.constant 0 : i32
    %dma_wait3A_178 = arith.constant 0 : i32
    %dma_wait3A_179 = tpu.memref_slice %arg10[%dma_wait3A_177, %dma_wait3A_178] : memref<10112x32xf32, #tpu.memory_space<vmem_shared>> -> memref<10112x32xf32, #tpu.memory_space<vmem_shared>>
    tpu.wait_indirect_dma semaphore(%arg24 : memref<!tpu.dma_semaphore, #tpu.memory_space<semaphore_mem>>) src(%dma_wait3A_173 : memref<128x32xf32, #tpu.memory_space<vmem>>) dst(%dma_wait3A_179 : memref<10112x32xf32, #tpu.memory_space<vmem_shared>>)
    %dma_wait3A_180 = arith.constant 6 : i32
    %dma_wait3A_181 = arith.constant 0 : i32
    %dma_wait3A_182 = arith.constant 0 : i32
    %dma_wait3A_183 = arith.constant 0 : i32
    %dma_wait3A_184 = tpu.memref_slice %arg8[%dma_wait3A_180, %dma_wait3A_182, %dma_wait3A_183] : memref<8x128x32xf32, #tpu.memory_space<vmem>> -> memref<1x128x32xf32, #tpu.memory_space<vmem>>
    %dma_wait3A_185 = tpu.memref_squeeze %dma_wait3A_184 : memref<1x128x32xf32, #tpu.memory_space<vmem>> -> memref<128x32xf32, #tpu.memory_space<vmem>>
    %dma_wait3A_186 = arith.constant 0 : i32
    %dma_wait3A_187 = tpu.memref_slice %arg7[%dma_wait3A_181, %dma_wait3A_186] : memref<80x128xi32, #tpu.memory_space<vmem>> -> memref<1x128xi32, #tpu.memory_space<vmem>>
    %dma_wait3A_188 = tpu.memref_squeeze %dma_wait3A_187 : memref<1x128xi32, #tpu.memory_space<vmem>> -> memref<128xi32, #tpu.memory_space<vmem>>
    %dma_wait3A_189 = arith.constant 0 : i32
    %dma_wait3A_190 = arith.constant 0 : i32
    %dma_wait3A_191 = tpu.memref_slice %arg10[%dma_wait3A_189, %dma_wait3A_190] : memref<10112x32xf32, #tpu.memory_space<vmem_shared>> -> memref<10112x32xf32, #tpu.memory_space<vmem_shared>>
    tpu.wait_indirect_dma semaphore(%arg25 : memref<!tpu.dma_semaphore, #tpu.memory_space<semaphore_mem>>) src(%dma_wait3A_185 : memref<128x32xf32, #tpu.memory_space<vmem>>) dst(%dma_wait3A_191 : memref<10112x32xf32, #tpu.memory_space<vmem_shared>>)
    %dma_wait3A_192 = arith.constant 7 : i32
    %dma_wait3A_193 = arith.constant 0 : i32
    %dma_wait3A_194 = arith.constant 0 : i32
    %dma_wait3A_195 = arith.constant 0 : i32
    %dma_wait3A_196 = tpu.memref_slice %arg8[%dma_wait3A_192, %dma_wait3A_194, %dma_wait3A_195] : memref<8x128x32xf32, #tpu.memory_space<vmem>> -> memref<1x128x32xf32, #tpu.memory_space<vmem>>
    %dma_wait3A_197 = tpu.memref_squeeze %dma_wait3A_196 : memref<1x128x32xf32, #tpu.memory_space<vmem>> -> memref<128x32xf32, #tpu.memory_space<vmem>>
    %dma_wait3A_198 = arith.constant 0 : i32
    %dma_wait3A_199 = tpu.memref_slice %arg7[%dma_wait3A_193, %dma_wait3A_198] : memref<80x128xi32, #tpu.memory_space<vmem>> -> memref<1x128xi32, #tpu.memory_space<vmem>>
    %dma_wait3A_200 = tpu.memref_squeeze %dma_wait3A_199 : memref<1x128xi32, #tpu.memory_space<vmem>> -> memref<128xi32, #tpu.memory_space<vmem>>
    %dma_wait3A_201 = arith.constant 0 : i32
    %dma_wait3A_202 = arith.constant 0 : i32
    %dma_wait3A_203 = tpu.memref_slice %arg10[%dma_wait3A_201, %dma_wait3A_202] : memref<10112x32xf32, #tpu.memory_space<vmem_shared>> -> memref<10112x32xf32, #tpu.memory_space<vmem_shared>>
    tpu.wait_indirect_dma semaphore(%arg26 : memref<!tpu.dma_semaphore, #tpu.memory_space<semaphore_mem>>) src(%dma_wait3A_197 : memref<128x32xf32, #tpu.memory_space<vmem>>) dst(%dma_wait3A_203 : memref<10112x32xf32, #tpu.memory_space<vmem_shared>>)
    %barrier3A_204 = arith.constant 0 : index
    tpu.barrier barrier_id(%barrier3A_204)
    %lt3A_205 = arith.constant 15 : i32
    %lt3A_206 = arith.cmpi slt, %arg1, %lt3A_205 : i32
    %convert_element_type3A_207 = arith.extui %lt3A_206 : i1 to i32
    %cond3A_208 = arith.constant 0 : i32
    %cond3A_209 = arith.cmpi ne, %convert_element_type3A_207, %cond3A_208 : i32
    scf.if %cond3A_209 {
      %mul3A_215 = arith.constant 632 : i32
      %mul3A_216 = arith.muli %arg1, %mul3A_215 : i32
      %mul3A_217 = arith.constant 632 : i32
      %mul3A_218 = arith.muli %arg1, %mul3A_217 : i32
      "tpu.region"() ({
        %run_scoped3A_219 = tpu.sem_alloc : memref<!tpu.dma_semaphore, #tpu.memory_space<semaphore_mem>>
        %dma_start3A_220 = arith.constant 0 : i32
        %dma_start3A_221 = tpu.memref_slice %arg5[%arg0, %mul3A_218, %dma_start3A_220] : memref<2x10000x32xf32, #tpu.memory_space<hbm>> -> memref<1x632x32xf32, #tpu.memory_space<hbm>>
        %dma_start3A_222 = tpu.memref_squeeze %dma_start3A_221 : memref<1x632x32xf32, #tpu.memory_space<hbm>> -> memref<632x32xf32, #tpu.memory_space<hbm>>
        %dma_start3A_223 = arith.constant 0 : i32
        %dma_start3A_224 = tpu.memref_slice %arg10[%mul3A_216, %dma_start3A_223] : memref<10112x32xf32, #tpu.memory_space<vmem_shared>> -> memref<632x32xf32, #tpu.memory_space<vmem_shared>>
        tpu.enqueue_dma source(%dma_start3A_224 : memref<632x32xf32, #tpu.memory_space<vmem_shared>>) target(%dma_start3A_222 : memref<632x32xf32, #tpu.memory_space<hbm>>) target_semaphore(%run_scoped3A_219 : memref<!tpu.dma_semaphore, #tpu.memory_space<semaphore_mem>>)
        %dma_wait3A_225 = arith.constant 0 : i32
        %dma_wait3A_226 = tpu.memref_slice %arg5[%arg0, %mul3A_218, %dma_wait3A_225] : memref<2x10000x32xf32, #tpu.memory_space<hbm>> -> memref<1x632x32xf32, #tpu.memory_space<hbm>>
        %dma_wait3A_227 = tpu.memref_squeeze %dma_wait3A_226 : memref<1x632x32xf32, #tpu.memory_space<hbm>> -> memref<632x32xf32, #tpu.memory_space<hbm>>
        %dma_wait3A_228 = arith.constant 0 : i32
        %dma_wait3A_229 = tpu.memref_slice %arg10[%mul3A_216, %dma_wait3A_228] : memref<10112x32xf32, #tpu.memory_space<vmem_shared>> -> memref<632x32xf32, #tpu.memory_space<vmem_shared>>
        tpu.wait_dma2 semaphore(%run_scoped3A_219 : memref<!tpu.dma_semaphore, #tpu.memory_space<semaphore_mem>>) src(%dma_wait3A_229 : memref<632x32xf32, #tpu.memory_space<vmem_shared>>) dst(%dma_wait3A_227 : memref<632x32xf32, #tpu.memory_space<hbm>>)
        tpu.yield
      }) : () -> ()
    } else {
    }
    %eq3A_210 = arith.constant 15 : i32
    %eq3A_211 = arith.cmpi eq, %arg1, %eq3A_210 : i32
    %convert_element_type3A_212 = arith.extui %eq3A_211 : i1 to i32
    %cond3A_213 = arith.constant 0 : i32
    %cond3A_214 = arith.cmpi ne, %convert_element_type3A_212, %cond3A_213 : i32
    scf.if %cond3A_214 {
      "tpu.region"() ({
        %run_scoped3A_215 = tpu.sem_alloc : memref<!tpu.dma_semaphore, #tpu.memory_space<semaphore_mem>>
        %dma_start3A_216 = arith.constant 9480 : i32
        %dma_start3A_217 = arith.constant 0 : i32
        %dma_start3A_218 = tpu.memref_slice %arg5[%arg0, %dma_start3A_216, %dma_start3A_217] : memref<2x10000x32xf32, #tpu.memory_space<hbm>> -> memref<1x520x32xf32, #tpu.memory_space<hbm>>
        %dma_start3A_219 = tpu.memref_squeeze %dma_start3A_218 : memref<1x520x32xf32, #tpu.memory_space<hbm>> -> memref<520x32xf32, #tpu.memory_space<hbm>>
        %dma_start3A_220 = arith.constant 9480 : i32
        %dma_start3A_221 = arith.constant 0 : i32
        %dma_start3A_222 = tpu.memref_slice %arg10[%dma_start3A_220, %dma_start3A_221] : memref<10112x32xf32, #tpu.memory_space<vmem_shared>> -> memref<520x32xf32, #tpu.memory_space<vmem_shared>>
        tpu.enqueue_dma source(%dma_start3A_222 : memref<520x32xf32, #tpu.memory_space<vmem_shared>>) target(%dma_start3A_219 : memref<520x32xf32, #tpu.memory_space<hbm>>) target_semaphore(%run_scoped3A_215 : memref<!tpu.dma_semaphore, #tpu.memory_space<semaphore_mem>>)
        %dma_wait3A_223 = arith.constant 9480 : i32
        %dma_wait3A_224 = arith.constant 0 : i32
        %dma_wait3A_225 = tpu.memref_slice %arg5[%arg0, %dma_wait3A_223, %dma_wait3A_224] : memref<2x10000x32xf32, #tpu.memory_space<hbm>> -> memref<1x520x32xf32, #tpu.memory_space<hbm>>
        %dma_wait3A_226 = tpu.memref_squeeze %dma_wait3A_225 : memref<1x520x32xf32, #tpu.memory_space<hbm>> -> memref<520x32xf32, #tpu.memory_space<hbm>>
        %dma_wait3A_227 = arith.constant 9480 : i32
        %dma_wait3A_228 = arith.constant 0 : i32
        %dma_wait3A_229 = tpu.memref_slice %arg10[%dma_wait3A_227, %dma_wait3A_228] : memref<10112x32xf32, #tpu.memory_space<vmem_shared>> -> memref<520x32xf32, #tpu.memory_space<vmem_shared>>
        tpu.wait_dma2 semaphore(%run_scoped3A_215 : memref<!tpu.dma_semaphore, #tpu.memory_space<semaphore_mem>>) src(%dma_wait3A_229 : memref<520x32xf32, #tpu.memory_space<vmem_shared>>) dst(%dma_wait3A_226 : memref<520x32xf32, #tpu.memory_space<hbm>>)
        tpu.yield
      }) : () -> ()
    } else {
    }
    return
  }
}

#map = affine_map<(d0, d1) -> (0, 0)>
#map1 = affine_map<(d0, d1) -> (0, 0, 0, 0)>
#map2 = affine_map<(d0, d1) -> (0, 0, 0)>
module attributes {stable_mosaic.version = 14 : i64} {
  func.func @seg_kernel(%arg0: i32, %arg1: i32, %arg2: memref<10000x32xf32, #tpu.memory_space<hbm>>, %arg3: memref<2x32x80x128xi32, #tpu.memory_space<hbm>>, %arg4: memref<632x32xf32, #tpu.memory_space<hbm>>, %arg5: memref<2x10000x32xf32, #tpu.memory_space<hbm>>, %arg6: memref<80x128xi32, #tpu.memory_space<vmem>>, %arg7: memref<80x128xi32, #tpu.memory_space<vmem>>, %arg8: memref<8x128x32xf32, #tpu.memory_space<vmem>>, %arg9: memref<10000x32xf32, #tpu.memory_space<vmem_shared>>, %arg10: memref<10112x32xf32, #tpu.memory_space<vmem_shared>>, %arg11: memref<!tpu.dma_semaphore, #tpu.memory_space<semaphore_mem>>, %arg12: memref<!tpu.dma_semaphore, #tpu.memory_space<semaphore_mem>>, %arg13: memref<!tpu.dma_semaphore, #tpu.memory_space<semaphore_mem>>, %arg14: memref<!tpu.dma_semaphore, #tpu.memory_space<semaphore_mem>>, %arg15: memref<!tpu.dma_semaphore, #tpu.memory_space<semaphore_mem>>, %arg16: memref<!tpu.dma_semaphore, #tpu.memory_space<semaphore_mem>>, %arg17: memref<!tpu.dma_semaphore, #tpu.memory_space<semaphore_mem>>, %arg18: memref<!tpu.dma_semaphore, #tpu.memory_space<semaphore_mem>>, %arg19: memref<!tpu.dma_semaphore, #tpu.memory_space<semaphore_mem>>, %arg20: memref<!tpu.dma_semaphore, #tpu.memory_space<semaphore_mem>>, %arg21: memref<!tpu.dma_semaphore, #tpu.memory_space<semaphore_mem>>, %arg22: memref<!tpu.dma_semaphore, #tpu.memory_space<semaphore_mem>>, %arg23: memref<!tpu.dma_semaphore, #tpu.memory_space<semaphore_mem>>, %arg24: memref<!tpu.dma_semaphore, #tpu.memory_space<semaphore_mem>>, %arg25: memref<!tpu.dma_semaphore, #tpu.memory_space<semaphore_mem>>, %arg26: memref<!tpu.dma_semaphore, #tpu.memory_space<semaphore_mem>>) attributes {dimension_semantics = [#tpu.dimension_semantics<core_parallel>, #tpu.dimension_semantics<subcore_parallel>], iteration_bounds = array<i64: 2, 16>, scalar_prefetch = 0 : i64, scratch_operands = 21 : i64, tpu.core_type = #tpu.core_type<sc_vector_subcore>, window_params = [{transform_indices = #map}, {transform_indices = #map1}, {transform_indices = #map}, {transform_indices = #map2}]} {
    %mul3A = arith.constant 16 : i32
    %mul3A_0 = arith.muli %arg0, %mul3A : i32
    %add3A = arith.addi %mul3A_0, %arg1 : i32
    %mul3A_1 = arith.constant 632 : i32
    %mul3A_2 = arith.muli %arg1, %mul3A_1 : i32
    "tpu.region"() ({
      %run_scoped3A_215 = tpu.sem_alloc : memref<!tpu.dma_semaphore, #tpu.memory_space<semaphore_mem>>
      %dma_start3A_216 = arith.constant 0 : i32
      %dma_start3A_217 = tpu.memref_slice %arg10[%mul3A_2, %dma_start3A_216] : memref<10112x32xf32, #tpu.memory_space<vmem_shared>> -> memref<632x32xf32, #tpu.memory_space<vmem_shared>>
      tpu.enqueue_dma source(%arg4 : memref<632x32xf32, #tpu.memory_space<hbm>>) target(%dma_start3A_217 : memref<632x32xf32, #tpu.memory_space<vmem_shared>>) target_semaphore(%run_scoped3A_215 : memref<!tpu.dma_semaphore, #tpu.memory_space<semaphore_mem>>)
      %dma_wait3A_218 = arith.constant 0 : i32
      %dma_wait3A_219 = tpu.memref_slice %arg10[%mul3A_2, %dma_wait3A_218] : memref<10112x32xf32, #tpu.memory_space<vmem_shared>> -> memref<632x32xf32, #tpu.memory_space<vmem_shared>>
      tpu.wait_dma2 semaphore(%run_scoped3A_215 : memref<!tpu.dma_semaphore, #tpu.memory_space<semaphore_mem>>) src(%arg4 : memref<632x32xf32, #tpu.memory_space<hbm>>) dst(%dma_wait3A_219 : memref<632x32xf32, #tpu.memory_space<vmem_shared>>)
      tpu.yield
    }) : () -> ()
    %lt3A = arith.constant 15 : i32
    %lt3A_3 = arith.cmpi slt, %arg1, %lt3A : i32
    %convert_element_type3A = arith.extui %lt3A_3 : i1 to i32
    %cond3A = arith.constant 0 : i32
    %cond3A_4 = arith.cmpi ne, %convert_element_type3A, %cond3A : i32
    scf.if %cond3A_4 {
      %mul3A_215 = arith.constant 632 : i32
      %mul3A_216 = arith.muli %arg1, %mul3A_215 : i32
      %mul3A_217 = arith.constant 632 : i32
      %mul3A_218 = arith.muli %arg1, %mul3A_217 : i32
      "tpu.region"() ({
        %run_scoped3A_219 = tpu.sem_alloc : memref<!tpu.dma_semaphore, #tpu.memory_space<semaphore_mem>>
        %dma_start3A_220 = arith.constant 0 : i32
        %dma_start3A_221 = tpu.memref_slice %arg9[%mul3A_218, %dma_start3A_220] : memref<10000x32xf32, #tpu.memory_space<vmem_shared>> -> memref<632x32xf32, #tpu.memory_space<vmem_shared>>
        %dma_start3A_222 = arith.constant 0 : i32
        %dma_start3A_223 = tpu.memref_slice %arg2[%mul3A_216, %dma_start3A_222] : memref<10000x32xf32, #tpu.memory_space<hbm>> -> memref<632x32xf32, #tpu.memory_space<hbm>>
        tpu.enqueue_dma source(%dma_start3A_223 : memref<632x32xf32, #tpu.memory_space<hbm>>) target(%dma_start3A_221 : memref<632x32xf32, #tpu.memory_space<vmem_shared>>) target_semaphore(%run_scoped3A_219 : memref<!tpu.dma_semaphore, #tpu.memory_space<semaphore_mem>>)
        %dma_wait3A_224 = arith.constant 0 : i32
        %dma_wait3A_225 = tpu.memref_slice %arg9[%mul3A_218, %dma_wait3A_224] : memref<10000x32xf32, #tpu.memory_space<vmem_shared>> -> memref<632x32xf32, #tpu.memory_space<vmem_shared>>
        %dma_wait3A_226 = arith.constant 0 : i32
        %dma_wait3A_227 = tpu.memref_slice %arg2[%mul3A_216, %dma_wait3A_226] : memref<10000x32xf32, #tpu.memory_space<hbm>> -> memref<632x32xf32, #tpu.memory_space<hbm>>
        tpu.wait_dma2 semaphore(%run_scoped3A_219 : memref<!tpu.dma_semaphore, #tpu.memory_space<semaphore_mem>>) src(%dma_wait3A_227 : memref<632x32xf32, #tpu.memory_space<hbm>>) dst(%dma_wait3A_225 : memref<632x32xf32, #tpu.memory_space<vmem_shared>>)
        tpu.yield
      }) : () -> ()
    } else {
    }
    %eq3A = arith.constant 15 : i32
    %eq3A_5 = arith.cmpi eq, %arg1, %eq3A : i32
    %convert_element_type3A_6 = arith.extui %eq3A_5 : i1 to i32
    %cond3A_7 = arith.constant 0 : i32
    %cond3A_8 = arith.cmpi ne, %convert_element_type3A_6, %cond3A_7 : i32
    scf.if %cond3A_8 {
      "tpu.region"() ({
        %run_scoped3A_215 = tpu.sem_alloc : memref<!tpu.dma_semaphore, #tpu.memory_space<semaphore_mem>>
        %dma_start3A_216 = arith.constant 9480 : i32
        %dma_start3A_217 = arith.constant 0 : i32
        %dma_start3A_218 = tpu.memref_slice %arg9[%dma_start3A_216, %dma_start3A_217] : memref<10000x32xf32, #tpu.memory_space<vmem_shared>> -> memref<520x32xf32, #tpu.memory_space<vmem_shared>>
        %dma_start3A_219 = arith.constant 9480 : i32
        %dma_start3A_220 = arith.constant 0 : i32
        %dma_start3A_221 = tpu.memref_slice %arg2[%dma_start3A_219, %dma_start3A_220] : memref<10000x32xf32, #tpu.memory_space<hbm>> -> memref<520x32xf32, #tpu.memory_space<hbm>>
        tpu.enqueue_dma source(%dma_start3A_221 : memref<520x32xf32, #tpu.memory_space<hbm>>) target(%dma_start3A_218 : memref<520x32xf32, #tpu.memory_space<vmem_shared>>) target_semaphore(%run_scoped3A_215 : memref<!tpu.dma_semaphore, #tpu.memory_space<semaphore_mem>>)
        %dma_wait3A_222 = arith.constant 9480 : i32
        %dma_wait3A_223 = arith.constant 0 : i32
        %dma_wait3A_224 = tpu.memref_slice %arg9[%dma_wait3A_222, %dma_wait3A_223] : memref<10000x32xf32, #tpu.memory_space<vmem_shared>> -> memref<520x32xf32, #tpu.memory_space<vmem_shared>>
        %dma_wait3A_225 = arith.constant 9480 : i32
        %dma_wait3A_226 = arith.constant 0 : i32
        %dma_wait3A_227 = tpu.memref_slice %arg2[%dma_wait3A_225, %dma_wait3A_226] : memref<10000x32xf32, #tpu.memory_space<hbm>> -> memref<520x32xf32, #tpu.memory_space<hbm>>
        tpu.wait_dma2 semaphore(%run_scoped3A_215 : memref<!tpu.dma_semaphore, #tpu.memory_space<semaphore_mem>>) src(%dma_wait3A_227 : memref<520x32xf32, #tpu.memory_space<hbm>>) dst(%dma_wait3A_224 : memref<520x32xf32, #tpu.memory_space<vmem_shared>>)
        tpu.yield
      }) : () -> ()
    } else {
    }
    %run_scoped3A = arith.constant 0 : i32
    "tpu.region"() ({
      %run_scoped3A_215 = tpu.sem_alloc : memref<!tpu.dma_semaphore, #tpu.memory_space<semaphore_mem>>
      %dma_start3A_216 = arith.constant 0 : i32
      %dma_start3A_217 = arith.constant 0 : i32
      %dma_start3A_218 = tpu.memref_slice %arg3[%run_scoped3A, %add3A, %dma_start3A_216, %dma_start3A_217] : memref<2x32x80x128xi32, #tpu.memory_space<hbm>> -> memref<1x1x80x128xi32, #tpu.memory_space<hbm>>
      %dma_start3A_219 = tpu.memref_squeeze %dma_start3A_218 : memref<1x1x80x128xi32, #tpu.memory_space<hbm>> -> memref<80x128xi32, #tpu.memory_space<hbm>>
      %dma_start3A_220 = arith.constant 0 : i32
      %dma_start3A_221 = arith.constant 0 : i32
      %dma_start3A_222 = tpu.memref_slice %arg3[%run_scoped3A, %add3A, %dma_start3A_220, %dma_start3A_221] : memref<2x32x80x128xi32, #tpu.memory_space<hbm>> -> memref<1x1x80x128xi32, #tpu.memory_space<hbm>>
      %dma_start3A_223 = tpu.memref_squeeze %dma_start3A_222 : memref<1x1x80x128xi32, #tpu.memory_space<hbm>> -> memref<80x128xi32, #tpu.memory_space<hbm>>
      tpu.enqueue_dma source(%dma_start3A_223 : memref<80x128xi32, #tpu.memory_space<hbm>>) target(%arg6 : memref<80x128xi32, #tpu.memory_space<vmem>>) target_semaphore(%run_scoped3A_215 : memref<!tpu.dma_semaphore, #tpu.memory_space<semaphore_mem>>)
      %dma_wait3A_224 = arith.constant 0 : i32
      %dma_wait3A_225 = arith.constant 0 : i32
      %dma_wait3A_226 = tpu.memref_slice %arg3[%run_scoped3A, %add3A, %dma_wait3A_224, %dma_wait3A_225] : memref<2x32x80x128xi32, #tpu.memory_space<hbm>> -> memref<1x1x80x128xi32, #tpu.memory_space<hbm>>
      %dma_wait3A_227 = tpu.memref_squeeze %dma_wait3A_226 : memref<1x1x80x128xi32, #tpu.memory_space<hbm>> -> memref<80x128xi32, #tpu.memory_space<hbm>>
      %dma_wait3A_228 = arith.constant 0 : i32
      %dma_wait3A_229 = arith.constant 0 : i32
      %dma_wait3A_230 = tpu.memref_slice %arg3[%run_scoped3A, %add3A, %dma_wait3A_228, %dma_wait3A_229] : memref<2x32x80x128xi32, #tpu.memory_space<hbm>> -> memref<1x1x80x128xi32, #tpu.memory_space<hbm>>
      %dma_wait3A_231 = tpu.memref_squeeze %dma_wait3A_230 : memref<1x1x80x128xi32, #tpu.memory_space<hbm>> -> memref<80x128xi32, #tpu.memory_space<hbm>>
      tpu.wait_dma2 semaphore(%run_scoped3A_215 : memref<!tpu.dma_semaphore, #tpu.memory_space<semaphore_mem>>) src(%dma_wait3A_231 : memref<80x128xi32, #tpu.memory_space<hbm>>) dst(%arg6 : memref<80x128xi32, #tpu.memory_space<vmem>>)
      tpu.yield
    }) : () -> ()
    %run_scoped3A_9 = arith.constant 1 : i32
    "tpu.region"() ({
      %run_scoped3A_215 = tpu.sem_alloc : memref<!tpu.dma_semaphore, #tpu.memory_space<semaphore_mem>>
      %dma_start3A_216 = arith.constant 0 : i32
      %dma_start3A_217 = arith.constant 0 : i32
      %dma_start3A_218 = tpu.memref_slice %arg3[%run_scoped3A_9, %add3A, %dma_start3A_216, %dma_start3A_217] : memref<2x32x80x128xi32, #tpu.memory_space<hbm>> -> memref<1x1x80x128xi32, #tpu.memory_space<hbm>>
      %dma_start3A_219 = tpu.memref_squeeze %dma_start3A_218 : memref<1x1x80x128xi32, #tpu.memory_space<hbm>> -> memref<80x128xi32, #tpu.memory_space<hbm>>
      %dma_start3A_220 = arith.constant 0 : i32
      %dma_start3A_221 = arith.constant 0 : i32
      %dma_start3A_222 = tpu.memref_slice %arg3[%run_scoped3A_9, %add3A, %dma_start3A_220, %dma_start3A_221] : memref<2x32x80x128xi32, #tpu.memory_space<hbm>> -> memref<1x1x80x128xi32, #tpu.memory_space<hbm>>
      %dma_start3A_223 = tpu.memref_squeeze %dma_start3A_222 : memref<1x1x80x128xi32, #tpu.memory_space<hbm>> -> memref<80x128xi32, #tpu.memory_space<hbm>>
      tpu.enqueue_dma source(%dma_start3A_223 : memref<80x128xi32, #tpu.memory_space<hbm>>) target(%arg7 : memref<80x128xi32, #tpu.memory_space<vmem>>) target_semaphore(%run_scoped3A_215 : memref<!tpu.dma_semaphore, #tpu.memory_space<semaphore_mem>>)
      %dma_wait3A_224 = arith.constant 0 : i32
      %dma_wait3A_225 = arith.constant 0 : i32
      %dma_wait3A_226 = tpu.memref_slice %arg3[%run_scoped3A_9, %add3A, %dma_wait3A_224, %dma_wait3A_225] : memref<2x32x80x128xi32, #tpu.memory_space<hbm>> -> memref<1x1x80x128xi32, #tpu.memory_space<hbm>>
      %dma_wait3A_227 = tpu.memref_squeeze %dma_wait3A_226 : memref<1x1x80x128xi32, #tpu.memory_space<hbm>> -> memref<80x128xi32, #tpu.memory_space<hbm>>
      %dma_wait3A_228 = arith.constant 0 : i32
      %dma_wait3A_229 = arith.constant 0 : i32
      %dma_wait3A_230 = tpu.memref_slice %arg3[%run_scoped3A_9, %add3A, %dma_wait3A_228, %dma_wait3A_229] : memref<2x32x80x128xi32, #tpu.memory_space<hbm>> -> memref<1x1x80x128xi32, #tpu.memory_space<hbm>>
      %dma_wait3A_231 = tpu.memref_squeeze %dma_wait3A_230 : memref<1x1x80x128xi32, #tpu.memory_space<hbm>> -> memref<80x128xi32, #tpu.memory_space<hbm>>
      tpu.wait_dma2 semaphore(%run_scoped3A_215 : memref<!tpu.dma_semaphore, #tpu.memory_space<semaphore_mem>>) src(%dma_wait3A_231 : memref<80x128xi32, #tpu.memory_space<hbm>>) dst(%arg7 : memref<80x128xi32, #tpu.memory_space<vmem>>)
      tpu.yield
    }) : () -> ()
    %barrier3A = arith.constant 0 : index
    tpu.barrier barrier_id(%barrier3A)
    %dma_start3A = arith.constant 0 : i32
    %dma_start3A_10 = arith.constant 0 : i32
    %dma_start3A_11 = arith.constant 0 : i32
    %dma_start3A_12 = arith.constant 0 : i32
    %dma_start3A_13 = tpu.memref_slice %arg8[%dma_start3A_10, %dma_start3A_11, %dma_start3A_12] : memref<8x128x32xf32, #tpu.memory_space<vmem>> -> memref<1x128x32xf32, #tpu.memory_space<vmem>>
    %dma_start3A_14 = tpu.memref_squeeze %dma_start3A_13 : memref<1x128x32xf32, #tpu.memory_space<vmem>> -> memref<128x32xf32, #tpu.memory_space<vmem>>
    %dma_start3A_15 = arith.constant 0 : i32
    %dma_start3A_16 = tpu.memref_slice %arg6[%dma_start3A, %dma_start3A_15] : memref<80x128xi32, #tpu.memory_space<vmem>> -> memref<1x128xi32, #tpu.memory_space<vmem>>
    %dma_start3A_17 = tpu.memref_squeeze %dma_start3A_16 : memref<1x128xi32, #tpu.memory_space<vmem>> -> memref<128xi32, #tpu.memory_space<vmem>>
    %dma_start3A_18 = arith.constant 0 : i32
    %dma_start3A_19 = arith.constant 0 : i32
    %dma_start3A_20 = tpu.memref_slice %arg9[%dma_start3A_18, %dma_start3A_19] : memref<10000x32xf32, #tpu.memory_space<vmem_shared>> -> memref<10000x32xf32, #tpu.memory_space<vmem_shared>>
    tpu.enqueue_indirect_dma source(%dma_start3A_20 : memref<10000x32xf32, #tpu.memory_space<vmem_shared>>) target(%dma_start3A_14 : memref<128x32xf32, #tpu.memory_space<vmem>>) offsets(%dma_start3A_17 : memref<128xi32, #tpu.memory_space<vmem>>) semaphore(%arg11 : memref<!tpu.dma_semaphore, #tpu.memory_space<semaphore_mem>>)
    %dma_start3A_21 = arith.constant 1 : i32
    %dma_start3A_22 = arith.constant 1 : i32
    %dma_start3A_23 = arith.constant 0 : i32
    %dma_start3A_24 = arith.constant 0 : i32
    %dma_start3A_25 = tpu.memref_slice %arg8[%dma_start3A_22, %dma_start3A_23, %dma_start3A_24] : memref<8x128x32xf32, #tpu.memory_space<vmem>> -> memref<1x128x32xf32, #tpu.memory_space<vmem>>
    %dma_start3A_26 = tpu.memref_squeeze %dma_start3A_25 : memref<1x128x32xf32, #tpu.memory_space<vmem>> -> memref<128x32xf32, #tpu.memory_space<vmem>>
    %dma_start3A_27 = arith.constant 0 : i32
    %dma_start3A_28 = tpu.memref_slice %arg6[%dma_start3A_21, %dma_start3A_27] : memref<80x128xi32, #tpu.memory_space<vmem>> -> memref<1x128xi32, #tpu.memory_space<vmem>>
    %dma_start3A_29 = tpu.memref_squeeze %dma_start3A_28 : memref<1x128xi32, #tpu.memory_space<vmem>> -> memref<128xi32, #tpu.memory_space<vmem>>
    %dma_start3A_30 = arith.constant 0 : i32
    %dma_start3A_31 = arith.constant 0 : i32
    %dma_start3A_32 = tpu.memref_slice %arg9[%dma_start3A_30, %dma_start3A_31] : memref<10000x32xf32, #tpu.memory_space<vmem_shared>> -> memref<10000x32xf32, #tpu.memory_space<vmem_shared>>
    tpu.enqueue_indirect_dma source(%dma_start3A_32 : memref<10000x32xf32, #tpu.memory_space<vmem_shared>>) target(%dma_start3A_26 : memref<128x32xf32, #tpu.memory_space<vmem>>) offsets(%dma_start3A_29 : memref<128xi32, #tpu.memory_space<vmem>>) semaphore(%arg12 : memref<!tpu.dma_semaphore, #tpu.memory_space<semaphore_mem>>)
    %dma_start3A_33 = arith.constant 2 : i32
    %dma_start3A_34 = arith.constant 2 : i32
    %dma_start3A_35 = arith.constant 0 : i32
    %dma_start3A_36 = arith.constant 0 : i32
    %dma_start3A_37 = tpu.memref_slice %arg8[%dma_start3A_34, %dma_start3A_35, %dma_start3A_36] : memref<8x128x32xf32, #tpu.memory_space<vmem>> -> memref<1x128x32xf32, #tpu.memory_space<vmem>>
    %dma_start3A_38 = tpu.memref_squeeze %dma_start3A_37 : memref<1x128x32xf32, #tpu.memory_space<vmem>> -> memref<128x32xf32, #tpu.memory_space<vmem>>
    %dma_start3A_39 = arith.constant 0 : i32
    %dma_start3A_40 = tpu.memref_slice %arg6[%dma_start3A_33, %dma_start3A_39] : memref<80x128xi32, #tpu.memory_space<vmem>> -> memref<1x128xi32, #tpu.memory_space<vmem>>
    %dma_start3A_41 = tpu.memref_squeeze %dma_start3A_40 : memref<1x128xi32, #tpu.memory_space<vmem>> -> memref<128xi32, #tpu.memory_space<vmem>>
    %dma_start3A_42 = arith.constant 0 : i32
    %dma_start3A_43 = arith.constant 0 : i32
    %dma_start3A_44 = tpu.memref_slice %arg9[%dma_start3A_42, %dma_start3A_43] : memref<10000x32xf32, #tpu.memory_space<vmem_shared>> -> memref<10000x32xf32, #tpu.memory_space<vmem_shared>>
    tpu.enqueue_indirect_dma source(%dma_start3A_44 : memref<10000x32xf32, #tpu.memory_space<vmem_shared>>) target(%dma_start3A_38 : memref<128x32xf32, #tpu.memory_space<vmem>>) offsets(%dma_start3A_41 : memref<128xi32, #tpu.memory_space<vmem>>) semaphore(%arg13 : memref<!tpu.dma_semaphore, #tpu.memory_space<semaphore_mem>>)
    %dma_start3A_45 = arith.constant 3 : i32
    %dma_start3A_46 = arith.constant 3 : i32
    %dma_start3A_47 = arith.constant 0 : i32
    %dma_start3A_48 = arith.constant 0 : i32
    %dma_start3A_49 = tpu.memref_slice %arg8[%dma_start3A_46, %dma_start3A_47, %dma_start3A_48] : memref<8x128x32xf32, #tpu.memory_space<vmem>> -> memref<1x128x32xf32, #tpu.memory_space<vmem>>
    %dma_start3A_50 = tpu.memref_squeeze %dma_start3A_49 : memref<1x128x32xf32, #tpu.memory_space<vmem>> -> memref<128x32xf32, #tpu.memory_space<vmem>>
    %dma_start3A_51 = arith.constant 0 : i32
    %dma_start3A_52 = tpu.memref_slice %arg6[%dma_start3A_45, %dma_start3A_51] : memref<80x128xi32, #tpu.memory_space<vmem>> -> memref<1x128xi32, #tpu.memory_space<vmem>>
    %dma_start3A_53 = tpu.memref_squeeze %dma_start3A_52 : memref<1x128xi32, #tpu.memory_space<vmem>> -> memref<128xi32, #tpu.memory_space<vmem>>
    %dma_start3A_54 = arith.constant 0 : i32
    %dma_start3A_55 = arith.constant 0 : i32
    %dma_start3A_56 = tpu.memref_slice %arg9[%dma_start3A_54, %dma_start3A_55] : memref<10000x32xf32, #tpu.memory_space<vmem_shared>> -> memref<10000x32xf32, #tpu.memory_space<vmem_shared>>
    tpu.enqueue_indirect_dma source(%dma_start3A_56 : memref<10000x32xf32, #tpu.memory_space<vmem_shared>>) target(%dma_start3A_50 : memref<128x32xf32, #tpu.memory_space<vmem>>) offsets(%dma_start3A_53 : memref<128xi32, #tpu.memory_space<vmem>>) semaphore(%arg14 : memref<!tpu.dma_semaphore, #tpu.memory_space<semaphore_mem>>)
    %dma_start3A_57 = arith.constant 4 : i32
    %dma_start3A_58 = arith.constant 4 : i32
    %dma_start3A_59 = arith.constant 0 : i32
    %dma_start3A_60 = arith.constant 0 : i32
    %dma_start3A_61 = tpu.memref_slice %arg8[%dma_start3A_58, %dma_start3A_59, %dma_start3A_60] : memref<8x128x32xf32, #tpu.memory_space<vmem>> -> memref<1x128x32xf32, #tpu.memory_space<vmem>>
    %dma_start3A_62 = tpu.memref_squeeze %dma_start3A_61 : memref<1x128x32xf32, #tpu.memory_space<vmem>> -> memref<128x32xf32, #tpu.memory_space<vmem>>
    %dma_start3A_63 = arith.constant 0 : i32
    %dma_start3A_64 = tpu.memref_slice %arg6[%dma_start3A_57, %dma_start3A_63] : memref<80x128xi32, #tpu.memory_space<vmem>> -> memref<1x128xi32, #tpu.memory_space<vmem>>
    %dma_start3A_65 = tpu.memref_squeeze %dma_start3A_64 : memref<1x128xi32, #tpu.memory_space<vmem>> -> memref<128xi32, #tpu.memory_space<vmem>>
    %dma_start3A_66 = arith.constant 0 : i32
    %dma_start3A_67 = arith.constant 0 : i32
    %dma_start3A_68 = tpu.memref_slice %arg9[%dma_start3A_66, %dma_start3A_67] : memref<10000x32xf32, #tpu.memory_space<vmem_shared>> -> memref<10000x32xf32, #tpu.memory_space<vmem_shared>>
    tpu.enqueue_indirect_dma source(%dma_start3A_68 : memref<10000x32xf32, #tpu.memory_space<vmem_shared>>) target(%dma_start3A_62 : memref<128x32xf32, #tpu.memory_space<vmem>>) offsets(%dma_start3A_65 : memref<128xi32, #tpu.memory_space<vmem>>) semaphore(%arg15 : memref<!tpu.dma_semaphore, #tpu.memory_space<semaphore_mem>>)
    %dma_start3A_69 = arith.constant 5 : i32
    %dma_start3A_70 = arith.constant 5 : i32
    %dma_start3A_71 = arith.constant 0 : i32
    %dma_start3A_72 = arith.constant 0 : i32
    %dma_start3A_73 = tpu.memref_slice %arg8[%dma_start3A_70, %dma_start3A_71, %dma_start3A_72] : memref<8x128x32xf32, #tpu.memory_space<vmem>> -> memref<1x128x32xf32, #tpu.memory_space<vmem>>
    %dma_start3A_74 = tpu.memref_squeeze %dma_start3A_73 : memref<1x128x32xf32, #tpu.memory_space<vmem>> -> memref<128x32xf32, #tpu.memory_space<vmem>>
    %dma_start3A_75 = arith.constant 0 : i32
    %dma_start3A_76 = tpu.memref_slice %arg6[%dma_start3A_69, %dma_start3A_75] : memref<80x128xi32, #tpu.memory_space<vmem>> -> memref<1x128xi32, #tpu.memory_space<vmem>>
    %dma_start3A_77 = tpu.memref_squeeze %dma_start3A_76 : memref<1x128xi32, #tpu.memory_space<vmem>> -> memref<128xi32, #tpu.memory_space<vmem>>
    %dma_start3A_78 = arith.constant 0 : i32
    %dma_start3A_79 = arith.constant 0 : i32
    %dma_start3A_80 = tpu.memref_slice %arg9[%dma_start3A_78, %dma_start3A_79] : memref<10000x32xf32, #tpu.memory_space<vmem_shared>> -> memref<10000x32xf32, #tpu.memory_space<vmem_shared>>
    tpu.enqueue_indirect_dma source(%dma_start3A_80 : memref<10000x32xf32, #tpu.memory_space<vmem_shared>>) target(%dma_start3A_74 : memref<128x32xf32, #tpu.memory_space<vmem>>) offsets(%dma_start3A_77 : memref<128xi32, #tpu.memory_space<vmem>>) semaphore(%arg16 : memref<!tpu.dma_semaphore, #tpu.memory_space<semaphore_mem>>)
    %dma_start3A_81 = arith.constant 6 : i32
    %dma_start3A_82 = arith.constant 6 : i32
    %dma_start3A_83 = arith.constant 0 : i32
    %dma_start3A_84 = arith.constant 0 : i32
    %dma_start3A_85 = tpu.memref_slice %arg8[%dma_start3A_82, %dma_start3A_83, %dma_start3A_84] : memref<8x128x32xf32, #tpu.memory_space<vmem>> -> memref<1x128x32xf32, #tpu.memory_space<vmem>>
    %dma_start3A_86 = tpu.memref_squeeze %dma_start3A_85 : memref<1x128x32xf32, #tpu.memory_space<vmem>> -> memref<128x32xf32, #tpu.memory_space<vmem>>
    %dma_start3A_87 = arith.constant 0 : i32
    %dma_start3A_88 = tpu.memref_slice %arg6[%dma_start3A_81, %dma_start3A_87] : memref<80x128xi32, #tpu.memory_space<vmem>> -> memref<1x128xi32, #tpu.memory_space<vmem>>
    %dma_start3A_89 = tpu.memref_squeeze %dma_start3A_88 : memref<1x128xi32, #tpu.memory_space<vmem>> -> memref<128xi32, #tpu.memory_space<vmem>>
    %dma_start3A_90 = arith.constant 0 : i32
    %dma_start3A_91 = arith.constant 0 : i32
    %dma_start3A_92 = tpu.memref_slice %arg9[%dma_start3A_90, %dma_start3A_91] : memref<10000x32xf32, #tpu.memory_space<vmem_shared>> -> memref<10000x32xf32, #tpu.memory_space<vmem_shared>>
    tpu.enqueue_indirect_dma source(%dma_start3A_92 : memref<10000x32xf32, #tpu.memory_space<vmem_shared>>) target(%dma_start3A_86 : memref<128x32xf32, #tpu.memory_space<vmem>>) offsets(%dma_start3A_89 : memref<128xi32, #tpu.memory_space<vmem>>) semaphore(%arg17 : memref<!tpu.dma_semaphore, #tpu.memory_space<semaphore_mem>>)
    %dma_start3A_93 = arith.constant 7 : i32
    %dma_start3A_94 = arith.constant 7 : i32
    %dma_start3A_95 = arith.constant 0 : i32
    %dma_start3A_96 = arith.constant 0 : i32
    %dma_start3A_97 = tpu.memref_slice %arg8[%dma_start3A_94, %dma_start3A_95, %dma_start3A_96] : memref<8x128x32xf32, #tpu.memory_space<vmem>> -> memref<1x128x32xf32, #tpu.memory_space<vmem>>
    %dma_start3A_98 = tpu.memref_squeeze %dma_start3A_97 : memref<1x128x32xf32, #tpu.memory_space<vmem>> -> memref<128x32xf32, #tpu.memory_space<vmem>>
    %dma_start3A_99 = arith.constant 0 : i32
    %dma_start3A_100 = tpu.memref_slice %arg6[%dma_start3A_93, %dma_start3A_99] : memref<80x128xi32, #tpu.memory_space<vmem>> -> memref<1x128xi32, #tpu.memory_space<vmem>>
    %dma_start3A_101 = tpu.memref_squeeze %dma_start3A_100 : memref<1x128xi32, #tpu.memory_space<vmem>> -> memref<128xi32, #tpu.memory_space<vmem>>
    %dma_start3A_102 = arith.constant 0 : i32
    %dma_start3A_103 = arith.constant 0 : i32
    %dma_start3A_104 = tpu.memref_slice %arg9[%dma_start3A_102, %dma_start3A_103] : memref<10000x32xf32, #tpu.memory_space<vmem_shared>> -> memref<10000x32xf32, #tpu.memory_space<vmem_shared>>
    tpu.enqueue_indirect_dma source(%dma_start3A_104 : memref<10000x32xf32, #tpu.memory_space<vmem_shared>>) target(%dma_start3A_98 : memref<128x32xf32, #tpu.memory_space<vmem>>) offsets(%dma_start3A_101 : memref<128xi32, #tpu.memory_space<vmem>>) semaphore(%arg18 : memref<!tpu.dma_semaphore, #tpu.memory_space<semaphore_mem>>)
    %scan3A = arith.constant 0 : i32
    %scan3A_105 = arith.constant 10 : i32
    %scan3A_106 = arith.addi %scan3A, %scan3A_105 : i32
    %scan3A_107 = arith.constant 1 : i32
    scf.for %scan3A_215 = %scan3A to %scan3A_106 step %scan3A_107  : i32 {
      %mul3A_216 = arith.constant 8 : i32
      %mul3A_217 = arith.muli %scan3A_215, %mul3A_216 : i32
      %add3A_218 = arith.constant 0 : i32
      %add3A_219 = arith.addi %add3A_218, %mul3A_217 : i32
      %dma_wait3A_220 = arith.constant 0 : i32
      %dma_wait3A_221 = arith.constant 0 : i32
      %dma_wait3A_222 = arith.constant 0 : i32
      %dma_wait3A_223 = arith.constant 0 : i32
      %dma_wait3A_224 = tpu.memref_slice %arg8[%dma_wait3A_221, %dma_wait3A_222, %dma_wait3A_223] : memref<8x128x32xf32, #tpu.memory_space<vmem>> -> memref<1x128x32xf32, #tpu.memory_space<vmem>>
      %dma_wait3A_225 = tpu.memref_squeeze %dma_wait3A_224 : memref<1x128x32xf32, #tpu.memory_space<vmem>> -> memref<128x32xf32, #tpu.memory_space<vmem>>
      %dma_wait3A_226 = arith.constant 0 : i32
      %dma_wait3A_227 = tpu.memref_slice %arg6[%dma_wait3A_220, %dma_wait3A_226] : memref<80x128xi32, #tpu.memory_space<vmem>> -> memref<1x128xi32, #tpu.memory_space<vmem>>
      %dma_wait3A_228 = tpu.memref_squeeze %dma_wait3A_227 : memref<1x128xi32, #tpu.memory_space<vmem>> -> memref<128xi32, #tpu.memory_space<vmem>>
      %dma_wait3A_229 = arith.constant 0 : i32
      %dma_wait3A_230 = arith.constant 0 : i32
      %dma_wait3A_231 = tpu.memref_slice %arg9[%dma_wait3A_229, %dma_wait3A_230] : memref<10000x32xf32, #tpu.memory_space<vmem_shared>> -> memref<10000x32xf32, #tpu.memory_space<vmem_shared>>
      tpu.wait_indirect_dma semaphore(%arg11 : memref<!tpu.dma_semaphore, #tpu.memory_space<semaphore_mem>>) src(%dma_wait3A_231 : memref<10000x32xf32, #tpu.memory_space<vmem_shared>>) dst(%dma_wait3A_225 : memref<128x32xf32, #tpu.memory_space<vmem>>)
      %add3A_232 = arith.constant 0 : i32
      %add3A_233 = arith.addi %add3A_219, %add3A_232 : i32
      %dma_start3A_234 = arith.constant 0 : i32
      %dma_start3A_235 = arith.constant 0 : i32
      %dma_start3A_236 = arith.constant 0 : i32
      %dma_start3A_237 = tpu.memref_slice %arg8[%dma_start3A_234, %dma_start3A_235, %dma_start3A_236] : memref<8x128x32xf32, #tpu.memory_space<vmem>> -> memref<1x128x32xf32, #tpu.memory_space<vmem>>
      %dma_start3A_238 = tpu.memref_squeeze %dma_start3A_237 : memref<1x128x32xf32, #tpu.memory_space<vmem>> -> memref<128x32xf32, #tpu.memory_space<vmem>>
      %dma_start3A_239 = arith.constant 0 : i32
      %dma_start3A_240 = tpu.memref_slice %arg7[%add3A_233, %dma_start3A_239] : memref<80x128xi32, #tpu.memory_space<vmem>> -> memref<1x128xi32, #tpu.memory_space<vmem>>
      %dma_start3A_241 = tpu.memref_squeeze %dma_start3A_240 : memref<1x128xi32, #tpu.memory_space<vmem>> -> memref<128xi32, #tpu.memory_space<vmem>>
      %dma_start3A_242 = arith.constant 0 : i32
      %dma_start3A_243 = arith.constant 0 : i32
      %dma_start3A_244 = tpu.memref_slice %arg10[%dma_start3A_242, %dma_start3A_243] : memref<10112x32xf32, #tpu.memory_space<vmem_shared>> -> memref<10112x32xf32, #tpu.memory_space<vmem_shared>>
      tpu.enqueue_indirect_dma source(%dma_start3A_238 : memref<128x32xf32, #tpu.memory_space<vmem>>) target(%dma_start3A_244 : memref<10112x32xf32, #tpu.memory_space<vmem_shared>>) offsets(%dma_start3A_241 : memref<128xi32, #tpu.memory_space<vmem>>) semaphore(%arg19 : memref<!tpu.dma_semaphore, #tpu.memory_space<semaphore_mem>>) {add = true}
      %dma_wait3A_245 = arith.constant 0 : i32
      %dma_wait3A_246 = arith.constant 1 : i32
      %dma_wait3A_247 = arith.constant 0 : i32
      %dma_wait3A_248 = arith.constant 0 : i32
      %dma_wait3A_249 = tpu.memref_slice %arg8[%dma_wait3A_246, %dma_wait3A_247, %dma_wait3A_248] : memref<8x128x32xf32, #tpu.memory_space<vmem>> -> memref<1x128x32xf32, #tpu.memory_space<vmem>>
      %dma_wait3A_250 = tpu.memref_squeeze %dma_wait3A_249 : memref<1x128x32xf32, #tpu.memory_space<vmem>> -> memref<128x32xf32, #tpu.memory_space<vmem>>
      %dma_wait3A_251 = arith.constant 0 : i32
      %dma_wait3A_252 = tpu.memref_slice %arg6[%dma_wait3A_245, %dma_wait3A_251] : memref<80x128xi32, #tpu.memory_space<vmem>> -> memref<1x128xi32, #tpu.memory_space<vmem>>
      %dma_wait3A_253 = tpu.memref_squeeze %dma_wait3A_252 : memref<1x128xi32, #tpu.memory_space<vmem>> -> memref<128xi32, #tpu.memory_space<vmem>>
      %dma_wait3A_254 = arith.constant 0 : i32
      %dma_wait3A_255 = arith.constant 0 : i32
      %dma_wait3A_256 = tpu.memref_slice %arg9[%dma_wait3A_254, %dma_wait3A_255] : memref<10000x32xf32, #tpu.memory_space<vmem_shared>> -> memref<10000x32xf32, #tpu.memory_space<vmem_shared>>
      tpu.wait_indirect_dma semaphore(%arg12 : memref<!tpu.dma_semaphore, #tpu.memory_space<semaphore_mem>>) src(%dma_wait3A_256 : memref<10000x32xf32, #tpu.memory_space<vmem_shared>>) dst(%dma_wait3A_250 : memref<128x32xf32, #tpu.memory_space<vmem>>)
      %add3A_257 = arith.constant 1 : i32
      %add3A_258 = arith.addi %add3A_219, %add3A_257 : i32
      %dma_start3A_259 = arith.constant 1 : i32
      %dma_start3A_260 = arith.constant 0 : i32
      %dma_start3A_261 = arith.constant 0 : i32
      %dma_start3A_262 = tpu.memref_slice %arg8[%dma_start3A_259, %dma_start3A_260, %dma_start3A_261] : memref<8x128x32xf32, #tpu.memory_space<vmem>> -> memref<1x128x32xf32, #tpu.memory_space<vmem>>
      %dma_start3A_263 = tpu.memref_squeeze %dma_start3A_262 : memref<1x128x32xf32, #tpu.memory_space<vmem>> -> memref<128x32xf32, #tpu.memory_space<vmem>>
      %dma_start3A_264 = arith.constant 0 : i32
      %dma_start3A_265 = tpu.memref_slice %arg7[%add3A_258, %dma_start3A_264] : memref<80x128xi32, #tpu.memory_space<vmem>> -> memref<1x128xi32, #tpu.memory_space<vmem>>
      %dma_start3A_266 = tpu.memref_squeeze %dma_start3A_265 : memref<1x128xi32, #tpu.memory_space<vmem>> -> memref<128xi32, #tpu.memory_space<vmem>>
      %dma_start3A_267 = arith.constant 0 : i32
      %dma_start3A_268 = arith.constant 0 : i32
      %dma_start3A_269 = tpu.memref_slice %arg10[%dma_start3A_267, %dma_start3A_268] : memref<10112x32xf32, #tpu.memory_space<vmem_shared>> -> memref<10112x32xf32, #tpu.memory_space<vmem_shared>>
      tpu.enqueue_indirect_dma source(%dma_start3A_263 : memref<128x32xf32, #tpu.memory_space<vmem>>) target(%dma_start3A_269 : memref<10112x32xf32, #tpu.memory_space<vmem_shared>>) offsets(%dma_start3A_266 : memref<128xi32, #tpu.memory_space<vmem>>) semaphore(%arg20 : memref<!tpu.dma_semaphore, #tpu.memory_space<semaphore_mem>>) {add = true}
      %dma_wait3A_270 = arith.constant 0 : i32
      %dma_wait3A_271 = arith.constant 2 : i32
      %dma_wait3A_272 = arith.constant 0 : i32
      %dma_wait3A_273 = arith.constant 0 : i32
      %dma_wait3A_274 = tpu.memref_slice %arg8[%dma_wait3A_271, %dma_wait3A_272, %dma_wait3A_273] : memref<8x128x32xf32, #tpu.memory_space<vmem>> -> memref<1x128x32xf32, #tpu.memory_space<vmem>>
      %dma_wait3A_275 = tpu.memref_squeeze %dma_wait3A_274 : memref<1x128x32xf32, #tpu.memory_space<vmem>> -> memref<128x32xf32, #tpu.memory_space<vmem>>
      %dma_wait3A_276 = arith.constant 0 : i32
      %dma_wait3A_277 = tpu.memref_slice %arg6[%dma_wait3A_270, %dma_wait3A_276] : memref<80x128xi32, #tpu.memory_space<vmem>> -> memref<1x128xi32, #tpu.memory_space<vmem>>
      %dma_wait3A_278 = tpu.memref_squeeze %dma_wait3A_277 : memref<1x128xi32, #tpu.memory_space<vmem>> -> memref<128xi32, #tpu.memory_space<vmem>>
      %dma_wait3A_279 = arith.constant 0 : i32
      %dma_wait3A_280 = arith.constant 0 : i32
      %dma_wait3A_281 = tpu.memref_slice %arg9[%dma_wait3A_279, %dma_wait3A_280] : memref<10000x32xf32, #tpu.memory_space<vmem_shared>> -> memref<10000x32xf32, #tpu.memory_space<vmem_shared>>
      tpu.wait_indirect_dma semaphore(%arg13 : memref<!tpu.dma_semaphore, #tpu.memory_space<semaphore_mem>>) src(%dma_wait3A_281 : memref<10000x32xf32, #tpu.memory_space<vmem_shared>>) dst(%dma_wait3A_275 : memref<128x32xf32, #tpu.memory_space<vmem>>)
      %add3A_282 = arith.constant 2 : i32
      %add3A_283 = arith.addi %add3A_219, %add3A_282 : i32
      %dma_start3A_284 = arith.constant 2 : i32
      %dma_start3A_285 = arith.constant 0 : i32
      %dma_start3A_286 = arith.constant 0 : i32
      %dma_start3A_287 = tpu.memref_slice %arg8[%dma_start3A_284, %dma_start3A_285, %dma_start3A_286] : memref<8x128x32xf32, #tpu.memory_space<vmem>> -> memref<1x128x32xf32, #tpu.memory_space<vmem>>
      %dma_start3A_288 = tpu.memref_squeeze %dma_start3A_287 : memref<1x128x32xf32, #tpu.memory_space<vmem>> -> memref<128x32xf32, #tpu.memory_space<vmem>>
      %dma_start3A_289 = arith.constant 0 : i32
      %dma_start3A_290 = tpu.memref_slice %arg7[%add3A_283, %dma_start3A_289] : memref<80x128xi32, #tpu.memory_space<vmem>> -> memref<1x128xi32, #tpu.memory_space<vmem>>
      %dma_start3A_291 = tpu.memref_squeeze %dma_start3A_290 : memref<1x128xi32, #tpu.memory_space<vmem>> -> memref<128xi32, #tpu.memory_space<vmem>>
      %dma_start3A_292 = arith.constant 0 : i32
      %dma_start3A_293 = arith.constant 0 : i32
      %dma_start3A_294 = tpu.memref_slice %arg10[%dma_start3A_292, %dma_start3A_293] : memref<10112x32xf32, #tpu.memory_space<vmem_shared>> -> memref<10112x32xf32, #tpu.memory_space<vmem_shared>>
      tpu.enqueue_indirect_dma source(%dma_start3A_288 : memref<128x32xf32, #tpu.memory_space<vmem>>) target(%dma_start3A_294 : memref<10112x32xf32, #tpu.memory_space<vmem_shared>>) offsets(%dma_start3A_291 : memref<128xi32, #tpu.memory_space<vmem>>) semaphore(%arg21 : memref<!tpu.dma_semaphore, #tpu.memory_space<semaphore_mem>>) {add = true}
      %dma_wait3A_295 = arith.constant 0 : i32
      %dma_wait3A_296 = arith.constant 3 : i32
      %dma_wait3A_297 = arith.constant 0 : i32
      %dma_wait3A_298 = arith.constant 0 : i32
      %dma_wait3A_299 = tpu.memref_slice %arg8[%dma_wait3A_296, %dma_wait3A_297, %dma_wait3A_298] : memref<8x128x32xf32, #tpu.memory_space<vmem>> -> memref<1x128x32xf32, #tpu.memory_space<vmem>>
      %dma_wait3A_300 = tpu.memref_squeeze %dma_wait3A_299 : memref<1x128x32xf32, #tpu.memory_space<vmem>> -> memref<128x32xf32, #tpu.memory_space<vmem>>
      %dma_wait3A_301 = arith.constant 0 : i32
      %dma_wait3A_302 = tpu.memref_slice %arg6[%dma_wait3A_295, %dma_wait3A_301] : memref<80x128xi32, #tpu.memory_space<vmem>> -> memref<1x128xi32, #tpu.memory_space<vmem>>
      %dma_wait3A_303 = tpu.memref_squeeze %dma_wait3A_302 : memref<1x128xi32, #tpu.memory_space<vmem>> -> memref<128xi32, #tpu.memory_space<vmem>>
      %dma_wait3A_304 = arith.constant 0 : i32
      %dma_wait3A_305 = arith.constant 0 : i32
      %dma_wait3A_306 = tpu.memref_slice %arg9[%dma_wait3A_304, %dma_wait3A_305] : memref<10000x32xf32, #tpu.memory_space<vmem_shared>> -> memref<10000x32xf32, #tpu.memory_space<vmem_shared>>
      tpu.wait_indirect_dma semaphore(%arg14 : memref<!tpu.dma_semaphore, #tpu.memory_space<semaphore_mem>>) src(%dma_wait3A_306 : memref<10000x32xf32, #tpu.memory_space<vmem_shared>>) dst(%dma_wait3A_300 : memref<128x32xf32, #tpu.memory_space<vmem>>)
      %add3A_307 = arith.constant 3 : i32
      %add3A_308 = arith.addi %add3A_219, %add3A_307 : i32
      %dma_start3A_309 = arith.constant 3 : i32
      %dma_start3A_310 = arith.constant 0 : i32
      %dma_start3A_311 = arith.constant 0 : i32
      %dma_start3A_312 = tpu.memref_slice %arg8[%dma_start3A_309, %dma_start3A_310, %dma_start3A_311] : memref<8x128x32xf32, #tpu.memory_space<vmem>> -> memref<1x128x32xf32, #tpu.memory_space<vmem>>
      %dma_start3A_313 = tpu.memref_squeeze %dma_start3A_312 : memref<1x128x32xf32, #tpu.memory_space<vmem>> -> memref<128x32xf32, #tpu.memory_space<vmem>>
      %dma_start3A_314 = arith.constant 0 : i32
      %dma_start3A_315 = tpu.memref_slice %arg7[%add3A_308, %dma_start3A_314] : memref<80x128xi32, #tpu.memory_space<vmem>> -> memref<1x128xi32, #tpu.memory_space<vmem>>
      %dma_start3A_316 = tpu.memref_squeeze %dma_start3A_315 : memref<1x128xi32, #tpu.memory_space<vmem>> -> memref<128xi32, #tpu.memory_space<vmem>>
      %dma_start3A_317 = arith.constant 0 : i32
      %dma_start3A_318 = arith.constant 0 : i32
      %dma_start3A_319 = tpu.memref_slice %arg10[%dma_start3A_317, %dma_start3A_318] : memref<10112x32xf32, #tpu.memory_space<vmem_shared>> -> memref<10112x32xf32, #tpu.memory_space<vmem_shared>>
      tpu.enqueue_indirect_dma source(%dma_start3A_313 : memref<128x32xf32, #tpu.memory_space<vmem>>) target(%dma_start3A_319 : memref<10112x32xf32, #tpu.memory_space<vmem_shared>>) offsets(%dma_start3A_316 : memref<128xi32, #tpu.memory_space<vmem>>) semaphore(%arg22 : memref<!tpu.dma_semaphore, #tpu.memory_space<semaphore_mem>>) {add = true}
      %dma_wait3A_320 = arith.constant 0 : i32
      %dma_wait3A_321 = arith.constant 4 : i32
      %dma_wait3A_322 = arith.constant 0 : i32
      %dma_wait3A_323 = arith.constant 0 : i32
      %dma_wait3A_324 = tpu.memref_slice %arg8[%dma_wait3A_321, %dma_wait3A_322, %dma_wait3A_323] : memref<8x128x32xf32, #tpu.memory_space<vmem>> -> memref<1x128x32xf32, #tpu.memory_space<vmem>>
      %dma_wait3A_325 = tpu.memref_squeeze %dma_wait3A_324 : memref<1x128x32xf32, #tpu.memory_space<vmem>> -> memref<128x32xf32, #tpu.memory_space<vmem>>
      %dma_wait3A_326 = arith.constant 0 : i32
      %dma_wait3A_327 = tpu.memref_slice %arg6[%dma_wait3A_320, %dma_wait3A_326] : memref<80x128xi32, #tpu.memory_space<vmem>> -> memref<1x128xi32, #tpu.memory_space<vmem>>
      %dma_wait3A_328 = tpu.memref_squeeze %dma_wait3A_327 : memref<1x128xi32, #tpu.memory_space<vmem>> -> memref<128xi32, #tpu.memory_space<vmem>>
      %dma_wait3A_329 = arith.constant 0 : i32
      %dma_wait3A_330 = arith.constant 0 : i32
      %dma_wait3A_331 = tpu.memref_slice %arg9[%dma_wait3A_329, %dma_wait3A_330] : memref<10000x32xf32, #tpu.memory_space<vmem_shared>> -> memref<10000x32xf32, #tpu.memory_space<vmem_shared>>
      tpu.wait_indirect_dma semaphore(%arg15 : memref<!tpu.dma_semaphore, #tpu.memory_space<semaphore_mem>>) src(%dma_wait3A_331 : memref<10000x32xf32, #tpu.memory_space<vmem_shared>>) dst(%dma_wait3A_325 : memref<128x32xf32, #tpu.memory_space<vmem>>)
      %add3A_332 = arith.constant 4 : i32
      %add3A_333 = arith.addi %add3A_219, %add3A_332 : i32
      %dma_start3A_334 = arith.constant 4 : i32
      %dma_start3A_335 = arith.constant 0 : i32
      %dma_start3A_336 = arith.constant 0 : i32
      %dma_start3A_337 = tpu.memref_slice %arg8[%dma_start3A_334, %dma_start3A_335, %dma_start3A_336] : memref<8x128x32xf32, #tpu.memory_space<vmem>> -> memref<1x128x32xf32, #tpu.memory_space<vmem>>
      %dma_start3A_338 = tpu.memref_squeeze %dma_start3A_337 : memref<1x128x32xf32, #tpu.memory_space<vmem>> -> memref<128x32xf32, #tpu.memory_space<vmem>>
      %dma_start3A_339 = arith.constant 0 : i32
      %dma_start3A_340 = tpu.memref_slice %arg7[%add3A_333, %dma_start3A_339] : memref<80x128xi32, #tpu.memory_space<vmem>> -> memref<1x128xi32, #tpu.memory_space<vmem>>
      %dma_start3A_341 = tpu.memref_squeeze %dma_start3A_340 : memref<1x128xi32, #tpu.memory_space<vmem>> -> memref<128xi32, #tpu.memory_space<vmem>>
      %dma_start3A_342 = arith.constant 0 : i32
      %dma_start3A_343 = arith.constant 0 : i32
      %dma_start3A_344 = tpu.memref_slice %arg10[%dma_start3A_342, %dma_start3A_343] : memref<10112x32xf32, #tpu.memory_space<vmem_shared>> -> memref<10112x32xf32, #tpu.memory_space<vmem_shared>>
      tpu.enqueue_indirect_dma source(%dma_start3A_338 : memref<128x32xf32, #tpu.memory_space<vmem>>) target(%dma_start3A_344 : memref<10112x32xf32, #tpu.memory_space<vmem_shared>>) offsets(%dma_start3A_341 : memref<128xi32, #tpu.memory_space<vmem>>) semaphore(%arg23 : memref<!tpu.dma_semaphore, #tpu.memory_space<semaphore_mem>>) {add = true}
      %dma_wait3A_345 = arith.constant 0 : i32
      %dma_wait3A_346 = arith.constant 5 : i32
      %dma_wait3A_347 = arith.constant 0 : i32
      %dma_wait3A_348 = arith.constant 0 : i32
      %dma_wait3A_349 = tpu.memref_slice %arg8[%dma_wait3A_346, %dma_wait3A_347, %dma_wait3A_348] : memref<8x128x32xf32, #tpu.memory_space<vmem>> -> memref<1x128x32xf32, #tpu.memory_space<vmem>>
      %dma_wait3A_350 = tpu.memref_squeeze %dma_wait3A_349 : memref<1x128x32xf32, #tpu.memory_space<vmem>> -> memref<128x32xf32, #tpu.memory_space<vmem>>
      %dma_wait3A_351 = arith.constant 0 : i32
      %dma_wait3A_352 = tpu.memref_slice %arg6[%dma_wait3A_345, %dma_wait3A_351] : memref<80x128xi32, #tpu.memory_space<vmem>> -> memref<1x128xi32, #tpu.memory_space<vmem>>
      %dma_wait3A_353 = tpu.memref_squeeze %dma_wait3A_352 : memref<1x128xi32, #tpu.memory_space<vmem>> -> memref<128xi32, #tpu.memory_space<vmem>>
      %dma_wait3A_354 = arith.constant 0 : i32
      %dma_wait3A_355 = arith.constant 0 : i32
      %dma_wait3A_356 = tpu.memref_slice %arg9[%dma_wait3A_354, %dma_wait3A_355] : memref<10000x32xf32, #tpu.memory_space<vmem_shared>> -> memref<10000x32xf32, #tpu.memory_space<vmem_shared>>
      tpu.wait_indirect_dma semaphore(%arg16 : memref<!tpu.dma_semaphore, #tpu.memory_space<semaphore_mem>>) src(%dma_wait3A_356 : memref<10000x32xf32, #tpu.memory_space<vmem_shared>>) dst(%dma_wait3A_350 : memref<128x32xf32, #tpu.memory_space<vmem>>)
      %add3A_357 = arith.constant 5 : i32
      %add3A_358 = arith.addi %add3A_219, %add3A_357 : i32
      %dma_start3A_359 = arith.constant 5 : i32
      %dma_start3A_360 = arith.constant 0 : i32
      %dma_start3A_361 = arith.constant 0 : i32
      %dma_start3A_362 = tpu.memref_slice %arg8[%dma_start3A_359, %dma_start3A_360, %dma_start3A_361] : memref<8x128x32xf32, #tpu.memory_space<vmem>> -> memref<1x128x32xf32, #tpu.memory_space<vmem>>
      %dma_start3A_363 = tpu.memref_squeeze %dma_start3A_362 : memref<1x128x32xf32, #tpu.memory_space<vmem>> -> memref<128x32xf32, #tpu.memory_space<vmem>>
      %dma_start3A_364 = arith.constant 0 : i32
      %dma_start3A_365 = tpu.memref_slice %arg7[%add3A_358, %dma_start3A_364] : memref<80x128xi32, #tpu.memory_space<vmem>> -> memref<1x128xi32, #tpu.memory_space<vmem>>
      %dma_start3A_366 = tpu.memref_squeeze %dma_start3A_365 : memref<1x128xi32, #tpu.memory_space<vmem>> -> memref<128xi32, #tpu.memory_space<vmem>>
      %dma_start3A_367 = arith.constant 0 : i32
      %dma_start3A_368 = arith.constant 0 : i32
      %dma_start3A_369 = tpu.memref_slice %arg10[%dma_start3A_367, %dma_start3A_368] : memref<10112x32xf32, #tpu.memory_space<vmem_shared>> -> memref<10112x32xf32, #tpu.memory_space<vmem_shared>>
      tpu.enqueue_indirect_dma source(%dma_start3A_363 : memref<128x32xf32, #tpu.memory_space<vmem>>) target(%dma_start3A_369 : memref<10112x32xf32, #tpu.memory_space<vmem_shared>>) offsets(%dma_start3A_366 : memref<128xi32, #tpu.memory_space<vmem>>) semaphore(%arg24 : memref<!tpu.dma_semaphore, #tpu.memory_space<semaphore_mem>>) {add = true}
      %dma_wait3A_370 = arith.constant 0 : i32
      %dma_wait3A_371 = arith.constant 6 : i32
      %dma_wait3A_372 = arith.constant 0 : i32
      %dma_wait3A_373 = arith.constant 0 : i32
      %dma_wait3A_374 = tpu.memref_slice %arg8[%dma_wait3A_371, %dma_wait3A_372, %dma_wait3A_373] : memref<8x128x32xf32, #tpu.memory_space<vmem>> -> memref<1x128x32xf32, #tpu.memory_space<vmem>>
      %dma_wait3A_375 = tpu.memref_squeeze %dma_wait3A_374 : memref<1x128x32xf32, #tpu.memory_space<vmem>> -> memref<128x32xf32, #tpu.memory_space<vmem>>
      %dma_wait3A_376 = arith.constant 0 : i32
      %dma_wait3A_377 = tpu.memref_slice %arg6[%dma_wait3A_370, %dma_wait3A_376] : memref<80x128xi32, #tpu.memory_space<vmem>> -> memref<1x128xi32, #tpu.memory_space<vmem>>
      %dma_wait3A_378 = tpu.memref_squeeze %dma_wait3A_377 : memref<1x128xi32, #tpu.memory_space<vmem>> -> memref<128xi32, #tpu.memory_space<vmem>>
      %dma_wait3A_379 = arith.constant 0 : i32
      %dma_wait3A_380 = arith.constant 0 : i32
      %dma_wait3A_381 = tpu.memref_slice %arg9[%dma_wait3A_379, %dma_wait3A_380] : memref<10000x32xf32, #tpu.memory_space<vmem_shared>> -> memref<10000x32xf32, #tpu.memory_space<vmem_shared>>
      tpu.wait_indirect_dma semaphore(%arg17 : memref<!tpu.dma_semaphore, #tpu.memory_space<semaphore_mem>>) src(%dma_wait3A_381 : memref<10000x32xf32, #tpu.memory_space<vmem_shared>>) dst(%dma_wait3A_375 : memref<128x32xf32, #tpu.memory_space<vmem>>)
      %add3A_382 = arith.constant 6 : i32
      %add3A_383 = arith.addi %add3A_219, %add3A_382 : i32
      %dma_start3A_384 = arith.constant 6 : i32
      %dma_start3A_385 = arith.constant 0 : i32
      %dma_start3A_386 = arith.constant 0 : i32
      %dma_start3A_387 = tpu.memref_slice %arg8[%dma_start3A_384, %dma_start3A_385, %dma_start3A_386] : memref<8x128x32xf32, #tpu.memory_space<vmem>> -> memref<1x128x32xf32, #tpu.memory_space<vmem>>
      %dma_start3A_388 = tpu.memref_squeeze %dma_start3A_387 : memref<1x128x32xf32, #tpu.memory_space<vmem>> -> memref<128x32xf32, #tpu.memory_space<vmem>>
      %dma_start3A_389 = arith.constant 0 : i32
      %dma_start3A_390 = tpu.memref_slice %arg7[%add3A_383, %dma_start3A_389] : memref<80x128xi32, #tpu.memory_space<vmem>> -> memref<1x128xi32, #tpu.memory_space<vmem>>
      %dma_start3A_391 = tpu.memref_squeeze %dma_start3A_390 : memref<1x128xi32, #tpu.memory_space<vmem>> -> memref<128xi32, #tpu.memory_space<vmem>>
      %dma_start3A_392 = arith.constant 0 : i32
      %dma_start3A_393 = arith.constant 0 : i32
      %dma_start3A_394 = tpu.memref_slice %arg10[%dma_start3A_392, %dma_start3A_393] : memref<10112x32xf32, #tpu.memory_space<vmem_shared>> -> memref<10112x32xf32, #tpu.memory_space<vmem_shared>>
      tpu.enqueue_indirect_dma source(%dma_start3A_388 : memref<128x32xf32, #tpu.memory_space<vmem>>) target(%dma_start3A_394 : memref<10112x32xf32, #tpu.memory_space<vmem_shared>>) offsets(%dma_start3A_391 : memref<128xi32, #tpu.memory_space<vmem>>) semaphore(%arg25 : memref<!tpu.dma_semaphore, #tpu.memory_space<semaphore_mem>>) {add = true}
      %dma_wait3A_395 = arith.constant 0 : i32
      %dma_wait3A_396 = arith.constant 7 : i32
      %dma_wait3A_397 = arith.constant 0 : i32
      %dma_wait3A_398 = arith.constant 0 : i32
      %dma_wait3A_399 = tpu.memref_slice %arg8[%dma_wait3A_396, %dma_wait3A_397, %dma_wait3A_398] : memref<8x128x32xf32, #tpu.memory_space<vmem>> -> memref<1x128x32xf32, #tpu.memory_space<vmem>>
      %dma_wait3A_400 = tpu.memref_squeeze %dma_wait3A_399 : memref<1x128x32xf32, #tpu.memory_space<vmem>> -> memref<128x32xf32, #tpu.memory_space<vmem>>
      %dma_wait3A_401 = arith.constant 0 : i32
      %dma_wait3A_402 = tpu.memref_slice %arg6[%dma_wait3A_395, %dma_wait3A_401] : memref<80x128xi32, #tpu.memory_space<vmem>> -> memref<1x128xi32, #tpu.memory_space<vmem>>
      %dma_wait3A_403 = tpu.memref_squeeze %dma_wait3A_402 : memref<1x128xi32, #tpu.memory_space<vmem>> -> memref<128xi32, #tpu.memory_space<vmem>>
      %dma_wait3A_404 = arith.constant 0 : i32
      %dma_wait3A_405 = arith.constant 0 : i32
      %dma_wait3A_406 = tpu.memref_slice %arg9[%dma_wait3A_404, %dma_wait3A_405] : memref<10000x32xf32, #tpu.memory_space<vmem_shared>> -> memref<10000x32xf32, #tpu.memory_space<vmem_shared>>
      tpu.wait_indirect_dma semaphore(%arg18 : memref<!tpu.dma_semaphore, #tpu.memory_space<semaphore_mem>>) src(%dma_wait3A_406 : memref<10000x32xf32, #tpu.memory_space<vmem_shared>>) dst(%dma_wait3A_400 : memref<128x32xf32, #tpu.memory_space<vmem>>)
      %add3A_407 = arith.constant 7 : i32
      %add3A_408 = arith.addi %add3A_219, %add3A_407 : i32
      %dma_start3A_409 = arith.constant 7 : i32
      %dma_start3A_410 = arith.constant 0 : i32
      %dma_start3A_411 = arith.constant 0 : i32
      %dma_start3A_412 = tpu.memref_slice %arg8[%dma_start3A_409, %dma_start3A_410, %dma_start3A_411] : memref<8x128x32xf32, #tpu.memory_space<vmem>> -> memref<1x128x32xf32, #tpu.memory_space<vmem>>
      %dma_start3A_413 = tpu.memref_squeeze %dma_start3A_412 : memref<1x128x32xf32, #tpu.memory_space<vmem>> -> memref<128x32xf32, #tpu.memory_space<vmem>>
      %dma_start3A_414 = arith.constant 0 : i32
      %dma_start3A_415 = tpu.memref_slice %arg7[%add3A_408, %dma_start3A_414] : memref<80x128xi32, #tpu.memory_space<vmem>> -> memref<1x128xi32, #tpu.memory_space<vmem>>
      %dma_start3A_416 = tpu.memref_squeeze %dma_start3A_415 : memref<1x128xi32, #tpu.memory_space<vmem>> -> memref<128xi32, #tpu.memory_space<vmem>>
      %dma_start3A_417 = arith.constant 0 : i32
      %dma_start3A_418 = arith.constant 0 : i32
      %dma_start3A_419 = tpu.memref_slice %arg10[%dma_start3A_417, %dma_start3A_418] : memref<10112x32xf32, #tpu.memory_space<vmem_shared>> -> memref<10112x32xf32, #tpu.memory_space<vmem_shared>>
      tpu.enqueue_indirect_dma source(%dma_start3A_413 : memref<128x32xf32, #tpu.memory_space<vmem>>) target(%dma_start3A_419 : memref<10112x32xf32, #tpu.memory_space<vmem_shared>>) offsets(%dma_start3A_416 : memref<128xi32, #tpu.memory_space<vmem>>) semaphore(%arg26 : memref<!tpu.dma_semaphore, #tpu.memory_space<semaphore_mem>>) {add = true}
      %add3A_420 = arith.constant 8 : i32
      %add3A_421 = arith.addi %add3A_219, %add3A_420 : i32
      %add3A_422 = arith.constant 0 : i32
      %add3A_423 = arith.addi %add3A_421, %add3A_422 : i32
      %lt3A_424 = arith.constant 80 : i32
      %lt3A_425 = arith.cmpi slt, %add3A_423, %lt3A_424 : i32
      %convert_element_type3A_426 = arith.extui %lt3A_425 : i1 to i32
      %cond3A_427 = arith.constant 0 : i32
      %cond3A_428 = arith.cmpi ne, %convert_element_type3A_426, %cond3A_427 : i32
      scf.if %cond3A_428 {
        %dma_wait3A_492 = arith.constant 0 : i32
        %dma_wait3A_493 = arith.constant 0 : i32
        %dma_wait3A_494 = arith.constant 0 : i32
        %dma_wait3A_495 = arith.constant 0 : i32
        %dma_wait3A_496 = tpu.memref_slice %arg8[%dma_wait3A_492, %dma_wait3A_494, %dma_wait3A_495] : memref<8x128x32xf32, #tpu.memory_space<vmem>> -> memref<1x128x32xf32, #tpu.memory_space<vmem>>
        %dma_wait3A_497 = tpu.memref_squeeze %dma_wait3A_496 : memref<1x128x32xf32, #tpu.memory_space<vmem>> -> memref<128x32xf32, #tpu.memory_space<vmem>>
        %dma_wait3A_498 = arith.constant 0 : i32
        %dma_wait3A_499 = tpu.memref_slice %arg7[%dma_wait3A_493, %dma_wait3A_498] : memref<80x128xi32, #tpu.memory_space<vmem>> -> memref<1x128xi32, #tpu.memory_space<vmem>>
        %dma_wait3A_500 = tpu.memref_squeeze %dma_wait3A_499 : memref<1x128xi32, #tpu.memory_space<vmem>> -> memref<128xi32, #tpu.memory_space<vmem>>
        %dma_wait3A_501 = arith.constant 0 : i32
        %dma_wait3A_502 = arith.constant 0 : i32
        %dma_wait3A_503 = tpu.memref_slice %arg10[%dma_wait3A_501, %dma_wait3A_502] : memref<10112x32xf32, #tpu.memory_space<vmem_shared>> -> memref<10112x32xf32, #tpu.memory_space<vmem_shared>>
        tpu.wait_indirect_dma semaphore(%arg19 : memref<!tpu.dma_semaphore, #tpu.memory_space<semaphore_mem>>) src(%dma_wait3A_497 : memref<128x32xf32, #tpu.memory_space<vmem>>) dst(%dma_wait3A_503 : memref<10112x32xf32, #tpu.memory_space<vmem_shared>>)
        %add3A_504 = arith.constant 8 : i32
        %add3A_505 = arith.addi %add3A_219, %add3A_504 : i32
        %add3A_506 = arith.constant 0 : i32
        %add3A_507 = arith.addi %add3A_505, %add3A_506 : i32
        %dma_start3A_508 = arith.constant 0 : i32
        %dma_start3A_509 = arith.constant 0 : i32
        %dma_start3A_510 = arith.constant 0 : i32
        %dma_start3A_511 = tpu.memref_slice %arg8[%dma_start3A_508, %dma_start3A_509, %dma_start3A_510] : memref<8x128x32xf32, #tpu.memory_space<vmem>> -> memref<1x128x32xf32, #tpu.memory_space<vmem>>
        %dma_start3A_512 = tpu.memref_squeeze %dma_start3A_511 : memref<1x128x32xf32, #tpu.memory_space<vmem>> -> memref<128x32xf32, #tpu.memory_space<vmem>>
        %dma_start3A_513 = arith.constant 0 : i32
        %dma_start3A_514 = tpu.memref_slice %arg6[%add3A_507, %dma_start3A_513] : memref<80x128xi32, #tpu.memory_space<vmem>> -> memref<1x128xi32, #tpu.memory_space<vmem>>
        %dma_start3A_515 = tpu.memref_squeeze %dma_start3A_514 : memref<1x128xi32, #tpu.memory_space<vmem>> -> memref<128xi32, #tpu.memory_space<vmem>>
        %dma_start3A_516 = arith.constant 0 : i32
        %dma_start3A_517 = arith.constant 0 : i32
        %dma_start3A_518 = tpu.memref_slice %arg9[%dma_start3A_516, %dma_start3A_517] : memref<10000x32xf32, #tpu.memory_space<vmem_shared>> -> memref<10000x32xf32, #tpu.memory_space<vmem_shared>>
        tpu.enqueue_indirect_dma source(%dma_start3A_518 : memref<10000x32xf32, #tpu.memory_space<vmem_shared>>) target(%dma_start3A_512 : memref<128x32xf32, #tpu.memory_space<vmem>>) offsets(%dma_start3A_515 : memref<128xi32, #tpu.memory_space<vmem>>) semaphore(%arg11 : memref<!tpu.dma_semaphore, #tpu.memory_space<semaphore_mem>>)
      } else {
      }
      %add3A_429 = arith.constant 8 : i32
      %add3A_430 = arith.addi %add3A_219, %add3A_429 : i32
      %add3A_431 = arith.constant 1 : i32
      %add3A_432 = arith.addi %add3A_430, %add3A_431 : i32
      %lt3A_433 = arith.constant 80 : i32
      %lt3A_434 = arith.cmpi slt, %add3A_432, %lt3A_433 : i32
      %convert_element_type3A_435 = arith.extui %lt3A_434 : i1 to i32
      %cond3A_436 = arith.constant 0 : i32
      %cond3A_437 = arith.cmpi ne, %convert_element_type3A_435, %cond3A_436 : i32
      scf.if %cond3A_437 {
        %dma_wait3A_492 = arith.constant 1 : i32
        %dma_wait3A_493 = arith.constant 0 : i32
        %dma_wait3A_494 = arith.constant 0 : i32
        %dma_wait3A_495 = arith.constant 0 : i32
        %dma_wait3A_496 = tpu.memref_slice %arg8[%dma_wait3A_492, %dma_wait3A_494, %dma_wait3A_495] : memref<8x128x32xf32, #tpu.memory_space<vmem>> -> memref<1x128x32xf32, #tpu.memory_space<vmem>>
        %dma_wait3A_497 = tpu.memref_squeeze %dma_wait3A_496 : memref<1x128x32xf32, #tpu.memory_space<vmem>> -> memref<128x32xf32, #tpu.memory_space<vmem>>
        %dma_wait3A_498 = arith.constant 0 : i32
        %dma_wait3A_499 = tpu.memref_slice %arg7[%dma_wait3A_493, %dma_wait3A_498] : memref<80x128xi32, #tpu.memory_space<vmem>> -> memref<1x128xi32, #tpu.memory_space<vmem>>
        %dma_wait3A_500 = tpu.memref_squeeze %dma_wait3A_499 : memref<1x128xi32, #tpu.memory_space<vmem>> -> memref<128xi32, #tpu.memory_space<vmem>>
        %dma_wait3A_501 = arith.constant 0 : i32
        %dma_wait3A_502 = arith.constant 0 : i32
        %dma_wait3A_503 = tpu.memref_slice %arg10[%dma_wait3A_501, %dma_wait3A_502] : memref<10112x32xf32, #tpu.memory_space<vmem_shared>> -> memref<10112x32xf32, #tpu.memory_space<vmem_shared>>
        tpu.wait_indirect_dma semaphore(%arg20 : memref<!tpu.dma_semaphore, #tpu.memory_space<semaphore_mem>>) src(%dma_wait3A_497 : memref<128x32xf32, #tpu.memory_space<vmem>>) dst(%dma_wait3A_503 : memref<10112x32xf32, #tpu.memory_space<vmem_shared>>)
        %add3A_504 = arith.constant 8 : i32
        %add3A_505 = arith.addi %add3A_219, %add3A_504 : i32
        %add3A_506 = arith.constant 1 : i32
        %add3A_507 = arith.addi %add3A_505, %add3A_506 : i32
        %dma_start3A_508 = arith.constant 1 : i32
        %dma_start3A_509 = arith.constant 0 : i32
        %dma_start3A_510 = arith.constant 0 : i32
        %dma_start3A_511 = tpu.memref_slice %arg8[%dma_start3A_508, %dma_start3A_509, %dma_start3A_510] : memref<8x128x32xf32, #tpu.memory_space<vmem>> -> memref<1x128x32xf32, #tpu.memory_space<vmem>>
        %dma_start3A_512 = tpu.memref_squeeze %dma_start3A_511 : memref<1x128x32xf32, #tpu.memory_space<vmem>> -> memref<128x32xf32, #tpu.memory_space<vmem>>
        %dma_start3A_513 = arith.constant 0 : i32
        %dma_start3A_514 = tpu.memref_slice %arg6[%add3A_507, %dma_start3A_513] : memref<80x128xi32, #tpu.memory_space<vmem>> -> memref<1x128xi32, #tpu.memory_space<vmem>>
        %dma_start3A_515 = tpu.memref_squeeze %dma_start3A_514 : memref<1x128xi32, #tpu.memory_space<vmem>> -> memref<128xi32, #tpu.memory_space<vmem>>
        %dma_start3A_516 = arith.constant 0 : i32
        %dma_start3A_517 = arith.constant 0 : i32
        %dma_start3A_518 = tpu.memref_slice %arg9[%dma_start3A_516, %dma_start3A_517] : memref<10000x32xf32, #tpu.memory_space<vmem_shared>> -> memref<10000x32xf32, #tpu.memory_space<vmem_shared>>
        tpu.enqueue_indirect_dma source(%dma_start3A_518 : memref<10000x32xf32, #tpu.memory_space<vmem_shared>>) target(%dma_start3A_512 : memref<128x32xf32, #tpu.memory_space<vmem>>) offsets(%dma_start3A_515 : memref<128xi32, #tpu.memory_space<vmem>>) semaphore(%arg12 : memref<!tpu.dma_semaphore, #tpu.memory_space<semaphore_mem>>)
      } else {
      }
      %add3A_438 = arith.constant 8 : i32
      %add3A_439 = arith.addi %add3A_219, %add3A_438 : i32
      %add3A_440 = arith.constant 2 : i32
      %add3A_441 = arith.addi %add3A_439, %add3A_440 : i32
      %lt3A_442 = arith.constant 80 : i32
      %lt3A_443 = arith.cmpi slt, %add3A_441, %lt3A_442 : i32
      %convert_element_type3A_444 = arith.extui %lt3A_443 : i1 to i32
      %cond3A_445 = arith.constant 0 : i32
      %cond3A_446 = arith.cmpi ne, %convert_element_type3A_444, %cond3A_445 : i32
      scf.if %cond3A_446 {
        %dma_wait3A_492 = arith.constant 2 : i32
        %dma_wait3A_493 = arith.constant 0 : i32
        %dma_wait3A_494 = arith.constant 0 : i32
        %dma_wait3A_495 = arith.constant 0 : i32
        %dma_wait3A_496 = tpu.memref_slice %arg8[%dma_wait3A_492, %dma_wait3A_494, %dma_wait3A_495] : memref<8x128x32xf32, #tpu.memory_space<vmem>> -> memref<1x128x32xf32, #tpu.memory_space<vmem>>
        %dma_wait3A_497 = tpu.memref_squeeze %dma_wait3A_496 : memref<1x128x32xf32, #tpu.memory_space<vmem>> -> memref<128x32xf32, #tpu.memory_space<vmem>>
        %dma_wait3A_498 = arith.constant 0 : i32
        %dma_wait3A_499 = tpu.memref_slice %arg7[%dma_wait3A_493, %dma_wait3A_498] : memref<80x128xi32, #tpu.memory_space<vmem>> -> memref<1x128xi32, #tpu.memory_space<vmem>>
        %dma_wait3A_500 = tpu.memref_squeeze %dma_wait3A_499 : memref<1x128xi32, #tpu.memory_space<vmem>> -> memref<128xi32, #tpu.memory_space<vmem>>
        %dma_wait3A_501 = arith.constant 0 : i32
        %dma_wait3A_502 = arith.constant 0 : i32
        %dma_wait3A_503 = tpu.memref_slice %arg10[%dma_wait3A_501, %dma_wait3A_502] : memref<10112x32xf32, #tpu.memory_space<vmem_shared>> -> memref<10112x32xf32, #tpu.memory_space<vmem_shared>>
        tpu.wait_indirect_dma semaphore(%arg21 : memref<!tpu.dma_semaphore, #tpu.memory_space<semaphore_mem>>) src(%dma_wait3A_497 : memref<128x32xf32, #tpu.memory_space<vmem>>) dst(%dma_wait3A_503 : memref<10112x32xf32, #tpu.memory_space<vmem_shared>>)
        %add3A_504 = arith.constant 8 : i32
        %add3A_505 = arith.addi %add3A_219, %add3A_504 : i32
        %add3A_506 = arith.constant 2 : i32
        %add3A_507 = arith.addi %add3A_505, %add3A_506 : i32
        %dma_start3A_508 = arith.constant 2 : i32
        %dma_start3A_509 = arith.constant 0 : i32
        %dma_start3A_510 = arith.constant 0 : i32
        %dma_start3A_511 = tpu.memref_slice %arg8[%dma_start3A_508, %dma_start3A_509, %dma_start3A_510] : memref<8x128x32xf32, #tpu.memory_space<vmem>> -> memref<1x128x32xf32, #tpu.memory_space<vmem>>
        %dma_start3A_512 = tpu.memref_squeeze %dma_start3A_511 : memref<1x128x32xf32, #tpu.memory_space<vmem>> -> memref<128x32xf32, #tpu.memory_space<vmem>>
        %dma_start3A_513 = arith.constant 0 : i32
        %dma_start3A_514 = tpu.memref_slice %arg6[%add3A_507, %dma_start3A_513] : memref<80x128xi32, #tpu.memory_space<vmem>> -> memref<1x128xi32, #tpu.memory_space<vmem>>
        %dma_start3A_515 = tpu.memref_squeeze %dma_start3A_514 : memref<1x128xi32, #tpu.memory_space<vmem>> -> memref<128xi32, #tpu.memory_space<vmem>>
        %dma_start3A_516 = arith.constant 0 : i32
        %dma_start3A_517 = arith.constant 0 : i32
        %dma_start3A_518 = tpu.memref_slice %arg9[%dma_start3A_516, %dma_start3A_517] : memref<10000x32xf32, #tpu.memory_space<vmem_shared>> -> memref<10000x32xf32, #tpu.memory_space<vmem_shared>>
        tpu.enqueue_indirect_dma source(%dma_start3A_518 : memref<10000x32xf32, #tpu.memory_space<vmem_shared>>) target(%dma_start3A_512 : memref<128x32xf32, #tpu.memory_space<vmem>>) offsets(%dma_start3A_515 : memref<128xi32, #tpu.memory_space<vmem>>) semaphore(%arg13 : memref<!tpu.dma_semaphore, #tpu.memory_space<semaphore_mem>>)
      } else {
      }
      %add3A_447 = arith.constant 8 : i32
      %add3A_448 = arith.addi %add3A_219, %add3A_447 : i32
      %add3A_449 = arith.constant 3 : i32
      %add3A_450 = arith.addi %add3A_448, %add3A_449 : i32
      %lt3A_451 = arith.constant 80 : i32
      %lt3A_452 = arith.cmpi slt, %add3A_450, %lt3A_451 : i32
      %convert_element_type3A_453 = arith.extui %lt3A_452 : i1 to i32
      %cond3A_454 = arith.constant 0 : i32
      %cond3A_455 = arith.cmpi ne, %convert_element_type3A_453, %cond3A_454 : i32
      scf.if %cond3A_455 {
        %dma_wait3A_492 = arith.constant 3 : i32
        %dma_wait3A_493 = arith.constant 0 : i32
        %dma_wait3A_494 = arith.constant 0 : i32
        %dma_wait3A_495 = arith.constant 0 : i32
        %dma_wait3A_496 = tpu.memref_slice %arg8[%dma_wait3A_492, %dma_wait3A_494, %dma_wait3A_495] : memref<8x128x32xf32, #tpu.memory_space<vmem>> -> memref<1x128x32xf32, #tpu.memory_space<vmem>>
        %dma_wait3A_497 = tpu.memref_squeeze %dma_wait3A_496 : memref<1x128x32xf32, #tpu.memory_space<vmem>> -> memref<128x32xf32, #tpu.memory_space<vmem>>
        %dma_wait3A_498 = arith.constant 0 : i32
        %dma_wait3A_499 = tpu.memref_slice %arg7[%dma_wait3A_493, %dma_wait3A_498] : memref<80x128xi32, #tpu.memory_space<vmem>> -> memref<1x128xi32, #tpu.memory_space<vmem>>
        %dma_wait3A_500 = tpu.memref_squeeze %dma_wait3A_499 : memref<1x128xi32, #tpu.memory_space<vmem>> -> memref<128xi32, #tpu.memory_space<vmem>>
        %dma_wait3A_501 = arith.constant 0 : i32
        %dma_wait3A_502 = arith.constant 0 : i32
        %dma_wait3A_503 = tpu.memref_slice %arg10[%dma_wait3A_501, %dma_wait3A_502] : memref<10112x32xf32, #tpu.memory_space<vmem_shared>> -> memref<10112x32xf32, #tpu.memory_space<vmem_shared>>
        tpu.wait_indirect_dma semaphore(%arg22 : memref<!tpu.dma_semaphore, #tpu.memory_space<semaphore_mem>>) src(%dma_wait3A_497 : memref<128x32xf32, #tpu.memory_space<vmem>>) dst(%dma_wait3A_503 : memref<10112x32xf32, #tpu.memory_space<vmem_shared>>)
        %add3A_504 = arith.constant 8 : i32
        %add3A_505 = arith.addi %add3A_219, %add3A_504 : i32
        %add3A_506 = arith.constant 3 : i32
        %add3A_507 = arith.addi %add3A_505, %add3A_506 : i32
        %dma_start3A_508 = arith.constant 3 : i32
        %dma_start3A_509 = arith.constant 0 : i32
        %dma_start3A_510 = arith.constant 0 : i32
        %dma_start3A_511 = tpu.memref_slice %arg8[%dma_start3A_508, %dma_start3A_509, %dma_start3A_510] : memref<8x128x32xf32, #tpu.memory_space<vmem>> -> memref<1x128x32xf32, #tpu.memory_space<vmem>>
        %dma_start3A_512 = tpu.memref_squeeze %dma_start3A_511 : memref<1x128x32xf32, #tpu.memory_space<vmem>> -> memref<128x32xf32, #tpu.memory_space<vmem>>
        %dma_start3A_513 = arith.constant 0 : i32
        %dma_start3A_514 = tpu.memref_slice %arg6[%add3A_507, %dma_start3A_513] : memref<80x128xi32, #tpu.memory_space<vmem>> -> memref<1x128xi32, #tpu.memory_space<vmem>>
        %dma_start3A_515 = tpu.memref_squeeze %dma_start3A_514 : memref<1x128xi32, #tpu.memory_space<vmem>> -> memref<128xi32, #tpu.memory_space<vmem>>
        %dma_start3A_516 = arith.constant 0 : i32
        %dma_start3A_517 = arith.constant 0 : i32
        %dma_start3A_518 = tpu.memref_slice %arg9[%dma_start3A_516, %dma_start3A_517] : memref<10000x32xf32, #tpu.memory_space<vmem_shared>> -> memref<10000x32xf32, #tpu.memory_space<vmem_shared>>
        tpu.enqueue_indirect_dma source(%dma_start3A_518 : memref<10000x32xf32, #tpu.memory_space<vmem_shared>>) target(%dma_start3A_512 : memref<128x32xf32, #tpu.memory_space<vmem>>) offsets(%dma_start3A_515 : memref<128xi32, #tpu.memory_space<vmem>>) semaphore(%arg14 : memref<!tpu.dma_semaphore, #tpu.memory_space<semaphore_mem>>)
      } else {
      }
      %add3A_456 = arith.constant 8 : i32
      %add3A_457 = arith.addi %add3A_219, %add3A_456 : i32
      %add3A_458 = arith.constant 4 : i32
      %add3A_459 = arith.addi %add3A_457, %add3A_458 : i32
      %lt3A_460 = arith.constant 80 : i32
      %lt3A_461 = arith.cmpi slt, %add3A_459, %lt3A_460 : i32
      %convert_element_type3A_462 = arith.extui %lt3A_461 : i1 to i32
      %cond3A_463 = arith.constant 0 : i32
      %cond3A_464 = arith.cmpi ne, %convert_element_type3A_462, %cond3A_463 : i32
      scf.if %cond3A_464 {
        %dma_wait3A_492 = arith.constant 4 : i32
        %dma_wait3A_493 = arith.constant 0 : i32
        %dma_wait3A_494 = arith.constant 0 : i32
        %dma_wait3A_495 = arith.constant 0 : i32
        %dma_wait3A_496 = tpu.memref_slice %arg8[%dma_wait3A_492, %dma_wait3A_494, %dma_wait3A_495] : memref<8x128x32xf32, #tpu.memory_space<vmem>> -> memref<1x128x32xf32, #tpu.memory_space<vmem>>
        %dma_wait3A_497 = tpu.memref_squeeze %dma_wait3A_496 : memref<1x128x32xf32, #tpu.memory_space<vmem>> -> memref<128x32xf32, #tpu.memory_space<vmem>>
        %dma_wait3A_498 = arith.constant 0 : i32
        %dma_wait3A_499 = tpu.memref_slice %arg7[%dma_wait3A_493, %dma_wait3A_498] : memref<80x128xi32, #tpu.memory_space<vmem>> -> memref<1x128xi32, #tpu.memory_space<vmem>>
        %dma_wait3A_500 = tpu.memref_squeeze %dma_wait3A_499 : memref<1x128xi32, #tpu.memory_space<vmem>> -> memref<128xi32, #tpu.memory_space<vmem>>
        %dma_wait3A_501 = arith.constant 0 : i32
        %dma_wait3A_502 = arith.constant 0 : i32
        %dma_wait3A_503 = tpu.memref_slice %arg10[%dma_wait3A_501, %dma_wait3A_502] : memref<10112x32xf32, #tpu.memory_space<vmem_shared>> -> memref<10112x32xf32, #tpu.memory_space<vmem_shared>>
        tpu.wait_indirect_dma semaphore(%arg23 : memref<!tpu.dma_semaphore, #tpu.memory_space<semaphore_mem>>) src(%dma_wait3A_497 : memref<128x32xf32, #tpu.memory_space<vmem>>) dst(%dma_wait3A_503 : memref<10112x32xf32, #tpu.memory_space<vmem_shared>>)
        %add3A_504 = arith.constant 8 : i32
        %add3A_505 = arith.addi %add3A_219, %add3A_504 : i32
        %add3A_506 = arith.constant 4 : i32
        %add3A_507 = arith.addi %add3A_505, %add3A_506 : i32
        %dma_start3A_508 = arith.constant 4 : i32
        %dma_start3A_509 = arith.constant 0 : i32
        %dma_start3A_510 = arith.constant 0 : i32
        %dma_start3A_511 = tpu.memref_slice %arg8[%dma_start3A_508, %dma_start3A_509, %dma_start3A_510] : memref<8x128x32xf32, #tpu.memory_space<vmem>> -> memref<1x128x32xf32, #tpu.memory_space<vmem>>
        %dma_start3A_512 = tpu.memref_squeeze %dma_start3A_511 : memref<1x128x32xf32, #tpu.memory_space<vmem>> -> memref<128x32xf32, #tpu.memory_space<vmem>>
        %dma_start3A_513 = arith.constant 0 : i32
        %dma_start3A_514 = tpu.memref_slice %arg6[%add3A_507, %dma_start3A_513] : memref<80x128xi32, #tpu.memory_space<vmem>> -> memref<1x128xi32, #tpu.memory_space<vmem>>
        %dma_start3A_515 = tpu.memref_squeeze %dma_start3A_514 : memref<1x128xi32, #tpu.memory_space<vmem>> -> memref<128xi32, #tpu.memory_space<vmem>>
        %dma_start3A_516 = arith.constant 0 : i32
        %dma_start3A_517 = arith.constant 0 : i32
        %dma_start3A_518 = tpu.memref_slice %arg9[%dma_start3A_516, %dma_start3A_517] : memref<10000x32xf32, #tpu.memory_space<vmem_shared>> -> memref<10000x32xf32, #tpu.memory_space<vmem_shared>>
        tpu.enqueue_indirect_dma source(%dma_start3A_518 : memref<10000x32xf32, #tpu.memory_space<vmem_shared>>) target(%dma_start3A_512 : memref<128x32xf32, #tpu.memory_space<vmem>>) offsets(%dma_start3A_515 : memref<128xi32, #tpu.memory_space<vmem>>) semaphore(%arg15 : memref<!tpu.dma_semaphore, #tpu.memory_space<semaphore_mem>>)
      } else {
      }
      %add3A_465 = arith.constant 8 : i32
      %add3A_466 = arith.addi %add3A_219, %add3A_465 : i32
      %add3A_467 = arith.constant 5 : i32
      %add3A_468 = arith.addi %add3A_466, %add3A_467 : i32
      %lt3A_469 = arith.constant 80 : i32
      %lt3A_470 = arith.cmpi slt, %add3A_468, %lt3A_469 : i32
      %convert_element_type3A_471 = arith.extui %lt3A_470 : i1 to i32
      %cond3A_472 = arith.constant 0 : i32
      %cond3A_473 = arith.cmpi ne, %convert_element_type3A_471, %cond3A_472 : i32
      scf.if %cond3A_473 {
        %dma_wait3A_492 = arith.constant 5 : i32
        %dma_wait3A_493 = arith.constant 0 : i32
        %dma_wait3A_494 = arith.constant 0 : i32
        %dma_wait3A_495 = arith.constant 0 : i32
        %dma_wait3A_496 = tpu.memref_slice %arg8[%dma_wait3A_492, %dma_wait3A_494, %dma_wait3A_495] : memref<8x128x32xf32, #tpu.memory_space<vmem>> -> memref<1x128x32xf32, #tpu.memory_space<vmem>>
        %dma_wait3A_497 = tpu.memref_squeeze %dma_wait3A_496 : memref<1x128x32xf32, #tpu.memory_space<vmem>> -> memref<128x32xf32, #tpu.memory_space<vmem>>
        %dma_wait3A_498 = arith.constant 0 : i32
        %dma_wait3A_499 = tpu.memref_slice %arg7[%dma_wait3A_493, %dma_wait3A_498] : memref<80x128xi32, #tpu.memory_space<vmem>> -> memref<1x128xi32, #tpu.memory_space<vmem>>
        %dma_wait3A_500 = tpu.memref_squeeze %dma_wait3A_499 : memref<1x128xi32, #tpu.memory_space<vmem>> -> memref<128xi32, #tpu.memory_space<vmem>>
        %dma_wait3A_501 = arith.constant 0 : i32
        %dma_wait3A_502 = arith.constant 0 : i32
        %dma_wait3A_503 = tpu.memref_slice %arg10[%dma_wait3A_501, %dma_wait3A_502] : memref<10112x32xf32, #tpu.memory_space<vmem_shared>> -> memref<10112x32xf32, #tpu.memory_space<vmem_shared>>
        tpu.wait_indirect_dma semaphore(%arg24 : memref<!tpu.dma_semaphore, #tpu.memory_space<semaphore_mem>>) src(%dma_wait3A_497 : memref<128x32xf32, #tpu.memory_space<vmem>>) dst(%dma_wait3A_503 : memref<10112x32xf32, #tpu.memory_space<vmem_shared>>)
        %add3A_504 = arith.constant 8 : i32
        %add3A_505 = arith.addi %add3A_219, %add3A_504 : i32
        %add3A_506 = arith.constant 5 : i32
        %add3A_507 = arith.addi %add3A_505, %add3A_506 : i32
        %dma_start3A_508 = arith.constant 5 : i32
        %dma_start3A_509 = arith.constant 0 : i32
        %dma_start3A_510 = arith.constant 0 : i32
        %dma_start3A_511 = tpu.memref_slice %arg8[%dma_start3A_508, %dma_start3A_509, %dma_start3A_510] : memref<8x128x32xf32, #tpu.memory_space<vmem>> -> memref<1x128x32xf32, #tpu.memory_space<vmem>>
        %dma_start3A_512 = tpu.memref_squeeze %dma_start3A_511 : memref<1x128x32xf32, #tpu.memory_space<vmem>> -> memref<128x32xf32, #tpu.memory_space<vmem>>
        %dma_start3A_513 = arith.constant 0 : i32
        %dma_start3A_514 = tpu.memref_slice %arg6[%add3A_507, %dma_start3A_513] : memref<80x128xi32, #tpu.memory_space<vmem>> -> memref<1x128xi32, #tpu.memory_space<vmem>>
        %dma_start3A_515 = tpu.memref_squeeze %dma_start3A_514 : memref<1x128xi32, #tpu.memory_space<vmem>> -> memref<128xi32, #tpu.memory_space<vmem>>
        %dma_start3A_516 = arith.constant 0 : i32
        %dma_start3A_517 = arith.constant 0 : i32
        %dma_start3A_518 = tpu.memref_slice %arg9[%dma_start3A_516, %dma_start3A_517] : memref<10000x32xf32, #tpu.memory_space<vmem_shared>> -> memref<10000x32xf32, #tpu.memory_space<vmem_shared>>
        tpu.enqueue_indirect_dma source(%dma_start3A_518 : memref<10000x32xf32, #tpu.memory_space<vmem_shared>>) target(%dma_start3A_512 : memref<128x32xf32, #tpu.memory_space<vmem>>) offsets(%dma_start3A_515 : memref<128xi32, #tpu.memory_space<vmem>>) semaphore(%arg16 : memref<!tpu.dma_semaphore, #tpu.memory_space<semaphore_mem>>)
      } else {
      }
      %add3A_474 = arith.constant 8 : i32
      %add3A_475 = arith.addi %add3A_219, %add3A_474 : i32
      %add3A_476 = arith.constant 6 : i32
      %add3A_477 = arith.addi %add3A_475, %add3A_476 : i32
      %lt3A_478 = arith.constant 80 : i32
      %lt3A_479 = arith.cmpi slt, %add3A_477, %lt3A_478 : i32
      %convert_element_type3A_480 = arith.extui %lt3A_479 : i1 to i32
      %cond3A_481 = arith.constant 0 : i32
      %cond3A_482 = arith.cmpi ne, %convert_element_type3A_480, %cond3A_481 : i32
      scf.if %cond3A_482 {
        %dma_wait3A_492 = arith.constant 6 : i32
        %dma_wait3A_493 = arith.constant 0 : i32
        %dma_wait3A_494 = arith.constant 0 : i32
        %dma_wait3A_495 = arith.constant 0 : i32
        %dma_wait3A_496 = tpu.memref_slice %arg8[%dma_wait3A_492, %dma_wait3A_494, %dma_wait3A_495] : memref<8x128x32xf32, #tpu.memory_space<vmem>> -> memref<1x128x32xf32, #tpu.memory_space<vmem>>
        %dma_wait3A_497 = tpu.memref_squeeze %dma_wait3A_496 : memref<1x128x32xf32, #tpu.memory_space<vmem>> -> memref<128x32xf32, #tpu.memory_space<vmem>>
        %dma_wait3A_498 = arith.constant 0 : i32
        %dma_wait3A_499 = tpu.memref_slice %arg7[%dma_wait3A_493, %dma_wait3A_498] : memref<80x128xi32, #tpu.memory_space<vmem>> -> memref<1x128xi32, #tpu.memory_space<vmem>>
        %dma_wait3A_500 = tpu.memref_squeeze %dma_wait3A_499 : memref<1x128xi32, #tpu.memory_space<vmem>> -> memref<128xi32, #tpu.memory_space<vmem>>
        %dma_wait3A_501 = arith.constant 0 : i32
        %dma_wait3A_502 = arith.constant 0 : i32
        %dma_wait3A_503 = tpu.memref_slice %arg10[%dma_wait3A_501, %dma_wait3A_502] : memref<10112x32xf32, #tpu.memory_space<vmem_shared>> -> memref<10112x32xf32, #tpu.memory_space<vmem_shared>>
        tpu.wait_indirect_dma semaphore(%arg25 : memref<!tpu.dma_semaphore, #tpu.memory_space<semaphore_mem>>) src(%dma_wait3A_497 : memref<128x32xf32, #tpu.memory_space<vmem>>) dst(%dma_wait3A_503 : memref<10112x32xf32, #tpu.memory_space<vmem_shared>>)
        %add3A_504 = arith.constant 8 : i32
        %add3A_505 = arith.addi %add3A_219, %add3A_504 : i32
        %add3A_506 = arith.constant 6 : i32
        %add3A_507 = arith.addi %add3A_505, %add3A_506 : i32
        %dma_start3A_508 = arith.constant 6 : i32
        %dma_start3A_509 = arith.constant 0 : i32
        %dma_start3A_510 = arith.constant 0 : i32
        %dma_start3A_511 = tpu.memref_slice %arg8[%dma_start3A_508, %dma_start3A_509, %dma_start3A_510] : memref<8x128x32xf32, #tpu.memory_space<vmem>> -> memref<1x128x32xf32, #tpu.memory_space<vmem>>
        %dma_start3A_512 = tpu.memref_squeeze %dma_start3A_511 : memref<1x128x32xf32, #tpu.memory_space<vmem>> -> memref<128x32xf32, #tpu.memory_space<vmem>>
        %dma_start3A_513 = arith.constant 0 : i32
        %dma_start3A_514 = tpu.memref_slice %arg6[%add3A_507, %dma_start3A_513] : memref<80x128xi32, #tpu.memory_space<vmem>> -> memref<1x128xi32, #tpu.memory_space<vmem>>
        %dma_start3A_515 = tpu.memref_squeeze %dma_start3A_514 : memref<1x128xi32, #tpu.memory_space<vmem>> -> memref<128xi32, #tpu.memory_space<vmem>>
        %dma_start3A_516 = arith.constant 0 : i32
        %dma_start3A_517 = arith.constant 0 : i32
        %dma_start3A_518 = tpu.memref_slice %arg9[%dma_start3A_516, %dma_start3A_517] : memref<10000x32xf32, #tpu.memory_space<vmem_shared>> -> memref<10000x32xf32, #tpu.memory_space<vmem_shared>>
        tpu.enqueue_indirect_dma source(%dma_start3A_518 : memref<10000x32xf32, #tpu.memory_space<vmem_shared>>) target(%dma_start3A_512 : memref<128x32xf32, #tpu.memory_space<vmem>>) offsets(%dma_start3A_515 : memref<128xi32, #tpu.memory_space<vmem>>) semaphore(%arg17 : memref<!tpu.dma_semaphore, #tpu.memory_space<semaphore_mem>>)
      } else {
      }
      %add3A_483 = arith.constant 8 : i32
      %add3A_484 = arith.addi %add3A_219, %add3A_483 : i32
      %add3A_485 = arith.constant 7 : i32
      %add3A_486 = arith.addi %add3A_484, %add3A_485 : i32
      %lt3A_487 = arith.constant 80 : i32
      %lt3A_488 = arith.cmpi slt, %add3A_486, %lt3A_487 : i32
      %convert_element_type3A_489 = arith.extui %lt3A_488 : i1 to i32
      %cond3A_490 = arith.constant 0 : i32
      %cond3A_491 = arith.cmpi ne, %convert_element_type3A_489, %cond3A_490 : i32
      scf.if %cond3A_491 {
        %dma_wait3A_492 = arith.constant 7 : i32
        %dma_wait3A_493 = arith.constant 0 : i32
        %dma_wait3A_494 = arith.constant 0 : i32
        %dma_wait3A_495 = arith.constant 0 : i32
        %dma_wait3A_496 = tpu.memref_slice %arg8[%dma_wait3A_492, %dma_wait3A_494, %dma_wait3A_495] : memref<8x128x32xf32, #tpu.memory_space<vmem>> -> memref<1x128x32xf32, #tpu.memory_space<vmem>>
        %dma_wait3A_497 = tpu.memref_squeeze %dma_wait3A_496 : memref<1x128x32xf32, #tpu.memory_space<vmem>> -> memref<128x32xf32, #tpu.memory_space<vmem>>
        %dma_wait3A_498 = arith.constant 0 : i32
        %dma_wait3A_499 = tpu.memref_slice %arg7[%dma_wait3A_493, %dma_wait3A_498] : memref<80x128xi32, #tpu.memory_space<vmem>> -> memref<1x128xi32, #tpu.memory_space<vmem>>
        %dma_wait3A_500 = tpu.memref_squeeze %dma_wait3A_499 : memref<1x128xi32, #tpu.memory_space<vmem>> -> memref<128xi32, #tpu.memory_space<vmem>>
        %dma_wait3A_501 = arith.constant 0 : i32
        %dma_wait3A_502 = arith.constant 0 : i32
        %dma_wait3A_503 = tpu.memref_slice %arg10[%dma_wait3A_501, %dma_wait3A_502] : memref<10112x32xf32, #tpu.memory_space<vmem_shared>> -> memref<10112x32xf32, #tpu.memory_space<vmem_shared>>
        tpu.wait_indirect_dma semaphore(%arg26 : memref<!tpu.dma_semaphore, #tpu.memory_space<semaphore_mem>>) src(%dma_wait3A_497 : memref<128x32xf32, #tpu.memory_space<vmem>>) dst(%dma_wait3A_503 : memref<10112x32xf32, #tpu.memory_space<vmem_shared>>)
        %add3A_504 = arith.constant 8 : i32
        %add3A_505 = arith.addi %add3A_219, %add3A_504 : i32
        %add3A_506 = arith.constant 7 : i32
        %add3A_507 = arith.addi %add3A_505, %add3A_506 : i32
        %dma_start3A_508 = arith.constant 7 : i32
        %dma_start3A_509 = arith.constant 0 : i32
        %dma_start3A_510 = arith.constant 0 : i32
        %dma_start3A_511 = tpu.memref_slice %arg8[%dma_start3A_508, %dma_start3A_509, %dma_start3A_510] : memref<8x128x32xf32, #tpu.memory_space<vmem>> -> memref<1x128x32xf32, #tpu.memory_space<vmem>>
        %dma_start3A_512 = tpu.memref_squeeze %dma_start3A_511 : memref<1x128x32xf32, #tpu.memory_space<vmem>> -> memref<128x32xf32, #tpu.memory_space<vmem>>
        %dma_start3A_513 = arith.constant 0 : i32
        %dma_start3A_514 = tpu.memref_slice %arg6[%add3A_507, %dma_start3A_513] : memref<80x128xi32, #tpu.memory_space<vmem>> -> memref<1x128xi32, #tpu.memory_space<vmem>>
        %dma_start3A_515 = tpu.memref_squeeze %dma_start3A_514 : memref<1x128xi32, #tpu.memory_space<vmem>> -> memref<128xi32, #tpu.memory_space<vmem>>
        %dma_start3A_516 = arith.constant 0 : i32
        %dma_start3A_517 = arith.constant 0 : i32
        %dma_start3A_518 = tpu.memref_slice %arg9[%dma_start3A_516, %dma_start3A_517] : memref<10000x32xf32, #tpu.memory_space<vmem_shared>> -> memref<10000x32xf32, #tpu.memory_space<vmem_shared>>
        tpu.enqueue_indirect_dma source(%dma_start3A_518 : memref<10000x32xf32, #tpu.memory_space<vmem_shared>>) target(%dma_start3A_512 : memref<128x32xf32, #tpu.memory_space<vmem>>) offsets(%dma_start3A_515 : memref<128xi32, #tpu.memory_space<vmem>>) semaphore(%arg18 : memref<!tpu.dma_semaphore, #tpu.memory_space<semaphore_mem>>)
      } else {
      }
    }
    %scan3A_108 = arith.constant 10 : i32
    %dma_wait3A = arith.constant 0 : i32
    %dma_wait3A_109 = arith.constant 0 : i32
    %dma_wait3A_110 = arith.constant 0 : i32
    %dma_wait3A_111 = arith.constant 0 : i32
    %dma_wait3A_112 = tpu.memref_slice %arg8[%dma_wait3A, %dma_wait3A_110, %dma_wait3A_111] : memref<8x128x32xf32, #tpu.memory_space<vmem>> -> memref<1x128x32xf32, #tpu.memory_space<vmem>>
    %dma_wait3A_113 = tpu.memref_squeeze %dma_wait3A_112 : memref<1x128x32xf32, #tpu.memory_space<vmem>> -> memref<128x32xf32, #tpu.memory_space<vmem>>
    %dma_wait3A_114 = arith.constant 0 : i32
    %dma_wait3A_115 = tpu.memref_slice %arg7[%dma_wait3A_109, %dma_wait3A_114] : memref<80x128xi32, #tpu.memory_space<vmem>> -> memref<1x128xi32, #tpu.memory_space<vmem>>
    %dma_wait3A_116 = tpu.memref_squeeze %dma_wait3A_115 : memref<1x128xi32, #tpu.memory_space<vmem>> -> memref<128xi32, #tpu.memory_space<vmem>>
    %dma_wait3A_117 = arith.constant 0 : i32
    %dma_wait3A_118 = arith.constant 0 : i32
    %dma_wait3A_119 = tpu.memref_slice %arg10[%dma_wait3A_117, %dma_wait3A_118] : memref<10112x32xf32, #tpu.memory_space<vmem_shared>> -> memref<10112x32xf32, #tpu.memory_space<vmem_shared>>
    tpu.wait_indirect_dma semaphore(%arg19 : memref<!tpu.dma_semaphore, #tpu.memory_space<semaphore_mem>>) src(%dma_wait3A_113 : memref<128x32xf32, #tpu.memory_space<vmem>>) dst(%dma_wait3A_119 : memref<10112x32xf32, #tpu.memory_space<vmem_shared>>)
    %dma_wait3A_120 = arith.constant 1 : i32
    %dma_wait3A_121 = arith.constant 0 : i32
    %dma_wait3A_122 = arith.constant 0 : i32
    %dma_wait3A_123 = arith.constant 0 : i32
    %dma_wait3A_124 = tpu.memref_slice %arg8[%dma_wait3A_120, %dma_wait3A_122, %dma_wait3A_123] : memref<8x128x32xf32, #tpu.memory_space<vmem>> -> memref<1x128x32xf32, #tpu.memory_space<vmem>>
    %dma_wait3A_125 = tpu.memref_squeeze %dma_wait3A_124 : memref<1x128x32xf32, #tpu.memory_space<vmem>> -> memref<128x32xf32, #tpu.memory_space<vmem>>
    %dma_wait3A_126 = arith.constant 0 : i32
    %dma_wait3A_127 = tpu.memref_slice %arg7[%dma_wait3A_121, %dma_wait3A_126] : memref<80x128xi32, #tpu.memory_space<vmem>> -> memref<1x128xi32, #tpu.memory_space<vmem>>
    %dma_wait3A_128 = tpu.memref_squeeze %dma_wait3A_127 : memref<1x128xi32, #tpu.memory_space<vmem>> -> memref<128xi32, #tpu.memory_space<vmem>>
    %dma_wait3A_129 = arith.constant 0 : i32
    %dma_wait3A_130 = arith.constant 0 : i32
    %dma_wait3A_131 = tpu.memref_slice %arg10[%dma_wait3A_129, %dma_wait3A_130] : memref<10112x32xf32, #tpu.memory_space<vmem_shared>> -> memref<10112x32xf32, #tpu.memory_space<vmem_shared>>
    tpu.wait_indirect_dma semaphore(%arg20 : memref<!tpu.dma_semaphore, #tpu.memory_space<semaphore_mem>>) src(%dma_wait3A_125 : memref<128x32xf32, #tpu.memory_space<vmem>>) dst(%dma_wait3A_131 : memref<10112x32xf32, #tpu.memory_space<vmem_shared>>)
    %dma_wait3A_132 = arith.constant 2 : i32
    %dma_wait3A_133 = arith.constant 0 : i32
    %dma_wait3A_134 = arith.constant 0 : i32
    %dma_wait3A_135 = arith.constant 0 : i32
    %dma_wait3A_136 = tpu.memref_slice %arg8[%dma_wait3A_132, %dma_wait3A_134, %dma_wait3A_135] : memref<8x128x32xf32, #tpu.memory_space<vmem>> -> memref<1x128x32xf32, #tpu.memory_space<vmem>>
    %dma_wait3A_137 = tpu.memref_squeeze %dma_wait3A_136 : memref<1x128x32xf32, #tpu.memory_space<vmem>> -> memref<128x32xf32, #tpu.memory_space<vmem>>
    %dma_wait3A_138 = arith.constant 0 : i32
    %dma_wait3A_139 = tpu.memref_slice %arg7[%dma_wait3A_133, %dma_wait3A_138] : memref<80x128xi32, #tpu.memory_space<vmem>> -> memref<1x128xi32, #tpu.memory_space<vmem>>
    %dma_wait3A_140 = tpu.memref_squeeze %dma_wait3A_139 : memref<1x128xi32, #tpu.memory_space<vmem>> -> memref<128xi32, #tpu.memory_space<vmem>>
    %dma_wait3A_141 = arith.constant 0 : i32
    %dma_wait3A_142 = arith.constant 0 : i32
    %dma_wait3A_143 = tpu.memref_slice %arg10[%dma_wait3A_141, %dma_wait3A_142] : memref<10112x32xf32, #tpu.memory_space<vmem_shared>> -> memref<10112x32xf32, #tpu.memory_space<vmem_shared>>
    tpu.wait_indirect_dma semaphore(%arg21 : memref<!tpu.dma_semaphore, #tpu.memory_space<semaphore_mem>>) src(%dma_wait3A_137 : memref<128x32xf32, #tpu.memory_space<vmem>>) dst(%dma_wait3A_143 : memref<10112x32xf32, #tpu.memory_space<vmem_shared>>)
    %dma_wait3A_144 = arith.constant 3 : i32
    %dma_wait3A_145 = arith.constant 0 : i32
    %dma_wait3A_146 = arith.constant 0 : i32
    %dma_wait3A_147 = arith.constant 0 : i32
    %dma_wait3A_148 = tpu.memref_slice %arg8[%dma_wait3A_144, %dma_wait3A_146, %dma_wait3A_147] : memref<8x128x32xf32, #tpu.memory_space<vmem>> -> memref<1x128x32xf32, #tpu.memory_space<vmem>>
    %dma_wait3A_149 = tpu.memref_squeeze %dma_wait3A_148 : memref<1x128x32xf32, #tpu.memory_space<vmem>> -> memref<128x32xf32, #tpu.memory_space<vmem>>
    %dma_wait3A_150 = arith.constant 0 : i32
    %dma_wait3A_151 = tpu.memref_slice %arg7[%dma_wait3A_145, %dma_wait3A_150] : memref<80x128xi32, #tpu.memory_space<vmem>> -> memref<1x128xi32, #tpu.memory_space<vmem>>
    %dma_wait3A_152 = tpu.memref_squeeze %dma_wait3A_151 : memref<1x128xi32, #tpu.memory_space<vmem>> -> memref<128xi32, #tpu.memory_space<vmem>>
    %dma_wait3A_153 = arith.constant 0 : i32
    %dma_wait3A_154 = arith.constant 0 : i32
    %dma_wait3A_155 = tpu.memref_slice %arg10[%dma_wait3A_153, %dma_wait3A_154] : memref<10112x32xf32, #tpu.memory_space<vmem_shared>> -> memref<10112x32xf32, #tpu.memory_space<vmem_shared>>
    tpu.wait_indirect_dma semaphore(%arg22 : memref<!tpu.dma_semaphore, #tpu.memory_space<semaphore_mem>>) src(%dma_wait3A_149 : memref<128x32xf32, #tpu.memory_space<vmem>>) dst(%dma_wait3A_155 : memref<10112x32xf32, #tpu.memory_space<vmem_shared>>)
    %dma_wait3A_156 = arith.constant 4 : i32
    %dma_wait3A_157 = arith.constant 0 : i32
    %dma_wait3A_158 = arith.constant 0 : i32
    %dma_wait3A_159 = arith.constant 0 : i32
    %dma_wait3A_160 = tpu.memref_slice %arg8[%dma_wait3A_156, %dma_wait3A_158, %dma_wait3A_159] : memref<8x128x32xf32, #tpu.memory_space<vmem>> -> memref<1x128x32xf32, #tpu.memory_space<vmem>>
    %dma_wait3A_161 = tpu.memref_squeeze %dma_wait3A_160 : memref<1x128x32xf32, #tpu.memory_space<vmem>> -> memref<128x32xf32, #tpu.memory_space<vmem>>
    %dma_wait3A_162 = arith.constant 0 : i32
    %dma_wait3A_163 = tpu.memref_slice %arg7[%dma_wait3A_157, %dma_wait3A_162] : memref<80x128xi32, #tpu.memory_space<vmem>> -> memref<1x128xi32, #tpu.memory_space<vmem>>
    %dma_wait3A_164 = tpu.memref_squeeze %dma_wait3A_163 : memref<1x128xi32, #tpu.memory_space<vmem>> -> memref<128xi32, #tpu.memory_space<vmem>>
    %dma_wait3A_165 = arith.constant 0 : i32
    %dma_wait3A_166 = arith.constant 0 : i32
    %dma_wait3A_167 = tpu.memref_slice %arg10[%dma_wait3A_165, %dma_wait3A_166] : memref<10112x32xf32, #tpu.memory_space<vmem_shared>> -> memref<10112x32xf32, #tpu.memory_space<vmem_shared>>
    tpu.wait_indirect_dma semaphore(%arg23 : memref<!tpu.dma_semaphore, #tpu.memory_space<semaphore_mem>>) src(%dma_wait3A_161 : memref<128x32xf32, #tpu.memory_space<vmem>>) dst(%dma_wait3A_167 : memref<10112x32xf32, #tpu.memory_space<vmem_shared>>)
    %dma_wait3A_168 = arith.constant 5 : i32
    %dma_wait3A_169 = arith.constant 0 : i32
    %dma_wait3A_170 = arith.constant 0 : i32
    %dma_wait3A_171 = arith.constant 0 : i32
    %dma_wait3A_172 = tpu.memref_slice %arg8[%dma_wait3A_168, %dma_wait3A_170, %dma_wait3A_171] : memref<8x128x32xf32, #tpu.memory_space<vmem>> -> memref<1x128x32xf32, #tpu.memory_space<vmem>>
    %dma_wait3A_173 = tpu.memref_squeeze %dma_wait3A_172 : memref<1x128x32xf32, #tpu.memory_space<vmem>> -> memref<128x32xf32, #tpu.memory_space<vmem>>
    %dma_wait3A_174 = arith.constant 0 : i32
    %dma_wait3A_175 = tpu.memref_slice %arg7[%dma_wait3A_169, %dma_wait3A_174] : memref<80x128xi32, #tpu.memory_space<vmem>> -> memref<1x128xi32, #tpu.memory_space<vmem>>
    %dma_wait3A_176 = tpu.memref_squeeze %dma_wait3A_175 : memref<1x128xi32, #tpu.memory_space<vmem>> -> memref<128xi32, #tpu.memory_space<vmem>>
    %dma_wait3A_177 = arith.constant 0 : i32
    %dma_wait3A_178 = arith.constant 0 : i32
    %dma_wait3A_179 = tpu.memref_slice %arg10[%dma_wait3A_177, %dma_wait3A_178] : memref<10112x32xf32, #tpu.memory_space<vmem_shared>> -> memref<10112x32xf32, #tpu.memory_space<vmem_shared>>
    tpu.wait_indirect_dma semaphore(%arg24 : memref<!tpu.dma_semaphore, #tpu.memory_space<semaphore_mem>>) src(%dma_wait3A_173 : memref<128x32xf32, #tpu.memory_space<vmem>>) dst(%dma_wait3A_179 : memref<10112x32xf32, #tpu.memory_space<vmem_shared>>)
    %dma_wait3A_180 = arith.constant 6 : i32
    %dma_wait3A_181 = arith.constant 0 : i32
    %dma_wait3A_182 = arith.constant 0 : i32
    %dma_wait3A_183 = arith.constant 0 : i32
    %dma_wait3A_184 = tpu.memref_slice %arg8[%dma_wait3A_180, %dma_wait3A_182, %dma_wait3A_183] : memref<8x128x32xf32, #tpu.memory_space<vmem>> -> memref<1x128x32xf32, #tpu.memory_space<vmem>>
    %dma_wait3A_185 = tpu.memref_squeeze %dma_wait3A_184 : memref<1x128x32xf32, #tpu.memory_space<vmem>> -> memref<128x32xf32, #tpu.memory_space<vmem>>
    %dma_wait3A_186 = arith.constant 0 : i32
    %dma_wait3A_187 = tpu.memref_slice %arg7[%dma_wait3A_181, %dma_wait3A_186] : memref<80x128xi32, #tpu.memory_space<vmem>> -> memref<1x128xi32, #tpu.memory_space<vmem>>
    %dma_wait3A_188 = tpu.memref_squeeze %dma_wait3A_187 : memref<1x128xi32, #tpu.memory_space<vmem>> -> memref<128xi32, #tpu.memory_space<vmem>>
    %dma_wait3A_189 = arith.constant 0 : i32
    %dma_wait3A_190 = arith.constant 0 : i32
    %dma_wait3A_191 = tpu.memref_slice %arg10[%dma_wait3A_189, %dma_wait3A_190] : memref<10112x32xf32, #tpu.memory_space<vmem_shared>> -> memref<10112x32xf32, #tpu.memory_space<vmem_shared>>
    tpu.wait_indirect_dma semaphore(%arg25 : memref<!tpu.dma_semaphore, #tpu.memory_space<semaphore_mem>>) src(%dma_wait3A_185 : memref<128x32xf32, #tpu.memory_space<vmem>>) dst(%dma_wait3A_191 : memref<10112x32xf32, #tpu.memory_space<vmem_shared>>)
    %dma_wait3A_192 = arith.constant 7 : i32
    %dma_wait3A_193 = arith.constant 0 : i32
    %dma_wait3A_194 = arith.constant 0 : i32
    %dma_wait3A_195 = arith.constant 0 : i32
    %dma_wait3A_196 = tpu.memref_slice %arg8[%dma_wait3A_192, %dma_wait3A_194, %dma_wait3A_195] : memref<8x128x32xf32, #tpu.memory_space<vmem>> -> memref<1x128x32xf32, #tpu.memory_space<vmem>>
    %dma_wait3A_197 = tpu.memref_squeeze %dma_wait3A_196 : memref<1x128x32xf32, #tpu.memory_space<vmem>> -> memref<128x32xf32, #tpu.memory_space<vmem>>
    %dma_wait3A_198 = arith.constant 0 : i32
    %dma_wait3A_199 = tpu.memref_slice %arg7[%dma_wait3A_193, %dma_wait3A_198] : memref<80x128xi32, #tpu.memory_space<vmem>> -> memref<1x128xi32, #tpu.memory_space<vmem>>
    %dma_wait3A_200 = tpu.memref_squeeze %dma_wait3A_199 : memref<1x128xi32, #tpu.memory_space<vmem>> -> memref<128xi32, #tpu.memory_space<vmem>>
    %dma_wait3A_201 = arith.constant 0 : i32
    %dma_wait3A_202 = arith.constant 0 : i32
    %dma_wait3A_203 = tpu.memref_slice %arg10[%dma_wait3A_201, %dma_wait3A_202] : memref<10112x32xf32, #tpu.memory_space<vmem_shared>> -> memref<10112x32xf32, #tpu.memory_space<vmem_shared>>
    tpu.wait_indirect_dma semaphore(%arg26 : memref<!tpu.dma_semaphore, #tpu.memory_space<semaphore_mem>>) src(%dma_wait3A_197 : memref<128x32xf32, #tpu.memory_space<vmem>>) dst(%dma_wait3A_203 : memref<10112x32xf32, #tpu.memory_space<vmem_shared>>)
    %barrier3A_204 = arith.constant 0 : index
    tpu.barrier barrier_id(%barrier3A_204)
    %lt3A_205 = arith.constant 15 : i32
    %lt3A_206 = arith.cmpi slt, %arg1, %lt3A_205 : i32
    %convert_element_type3A_207 = arith.extui %lt3A_206 : i1 to i32
    %cond3A_208 = arith.constant 0 : i32
    %cond3A_209 = arith.cmpi ne, %convert_element_type3A_207, %cond3A_208 : i32
    scf.if %cond3A_209 {
      %mul3A_215 = arith.constant 632 : i32
      %mul3A_216 = arith.muli %arg1, %mul3A_215 : i32
      %mul3A_217 = arith.constant 632 : i32
      %mul3A_218 = arith.muli %arg1, %mul3A_217 : i32
      "tpu.region"() ({
        %run_scoped3A_219 = tpu.sem_alloc : memref<!tpu.dma_semaphore, #tpu.memory_space<semaphore_mem>>
        %dma_start3A_220 = arith.constant 0 : i32
        %dma_start3A_221 = tpu.memref_slice %arg5[%arg0, %mul3A_218, %dma_start3A_220] : memref<2x10000x32xf32, #tpu.memory_space<hbm>> -> memref<1x632x32xf32, #tpu.memory_space<hbm>>
        %dma_start3A_222 = tpu.memref_squeeze %dma_start3A_221 : memref<1x632x32xf32, #tpu.memory_space<hbm>> -> memref<632x32xf32, #tpu.memory_space<hbm>>
        %dma_start3A_223 = arith.constant 0 : i32
        %dma_start3A_224 = tpu.memref_slice %arg10[%mul3A_216, %dma_start3A_223] : memref<10112x32xf32, #tpu.memory_space<vmem_shared>> -> memref<632x32xf32, #tpu.memory_space<vmem_shared>>
        tpu.enqueue_dma source(%dma_start3A_224 : memref<632x32xf32, #tpu.memory_space<vmem_shared>>) target(%dma_start3A_222 : memref<632x32xf32, #tpu.memory_space<hbm>>) target_semaphore(%run_scoped3A_219 : memref<!tpu.dma_semaphore, #tpu.memory_space<semaphore_mem>>)
        %dma_wait3A_225 = arith.constant 0 : i32
        %dma_wait3A_226 = tpu.memref_slice %arg5[%arg0, %mul3A_218, %dma_wait3A_225] : memref<2x10000x32xf32, #tpu.memory_space<hbm>> -> memref<1x632x32xf32, #tpu.memory_space<hbm>>
        %dma_wait3A_227 = tpu.memref_squeeze %dma_wait3A_226 : memref<1x632x32xf32, #tpu.memory_space<hbm>> -> memref<632x32xf32, #tpu.memory_space<hbm>>
        %dma_wait3A_228 = arith.constant 0 : i32
        %dma_wait3A_229 = tpu.memref_slice %arg10[%mul3A_216, %dma_wait3A_228] : memref<10112x32xf32, #tpu.memory_space<vmem_shared>> -> memref<632x32xf32, #tpu.memory_space<vmem_shared>>
        tpu.wait_dma2 semaphore(%run_scoped3A_219 : memref<!tpu.dma_semaphore, #tpu.memory_space<semaphore_mem>>) src(%dma_wait3A_229 : memref<632x32xf32, #tpu.memory_space<vmem_shared>>) dst(%dma_wait3A_227 : memref<632x32xf32, #tpu.memory_space<hbm>>)
        tpu.yield
      }) : () -> ()
    } else {
    }
    %eq3A_210 = arith.constant 15 : i32
    %eq3A_211 = arith.cmpi eq, %arg1, %eq3A_210 : i32
    %convert_element_type3A_212 = arith.extui %eq3A_211 : i1 to i32
    %cond3A_213 = arith.constant 0 : i32
    %cond3A_214 = arith.cmpi ne, %convert_element_type3A_212, %cond3A_213 : i32
    scf.if %cond3A_214 {
      "tpu.region"() ({
        %run_scoped3A_215 = tpu.sem_alloc : memref<!tpu.dma_semaphore, #tpu.memory_space<semaphore_mem>>
        %dma_start3A_216 = arith.constant 9480 : i32
        %dma_start3A_217 = arith.constant 0 : i32
        %dma_start3A_218 = tpu.memref_slice %arg5[%arg0, %dma_start3A_216, %dma_start3A_217] : memref<2x10000x32xf32, #tpu.memory_space<hbm>> -> memref<1x520x32xf32, #tpu.memory_space<hbm>>
        %dma_start3A_219 = tpu.memref_squeeze %dma_start3A_218 : memref<1x520x32xf32, #tpu.memory_space<hbm>> -> memref<520x32xf32, #tpu.memory_space<hbm>>
        %dma_start3A_220 = arith.constant 9480 : i32
        %dma_start3A_221 = arith.constant 0 : i32
        %dma_start3A_222 = tpu.memref_slice %arg10[%dma_start3A_220, %dma_start3A_221] : memref<10112x32xf32, #tpu.memory_space<vmem_shared>> -> memref<520x32xf32, #tpu.memory_space<vmem_shared>>
        tpu.enqueue_dma source(%dma_start3A_222 : memref<520x32xf32, #tpu.memory_space<vmem_shared>>) target(%dma_start3A_219 : memref<520x32xf32, #tpu.memory_space<hbm>>) target_semaphore(%run_scoped3A_215 : memref<!tpu.dma_semaphore, #tpu.memory_space<semaphore_mem>>)
        %dma_wait3A_223 = arith.constant 9480 : i32
        %dma_wait3A_224 = arith.constant 0 : i32
        %dma_wait3A_225 = tpu.memref_slice %arg5[%arg0, %dma_wait3A_223, %dma_wait3A_224] : memref<2x10000x32xf32, #tpu.memory_space<hbm>> -> memref<1x520x32xf32, #tpu.memory_space<hbm>>
        %dma_wait3A_226 = tpu.memref_squeeze %dma_wait3A_225 : memref<1x520x32xf32, #tpu.memory_space<hbm>> -> memref<520x32xf32, #tpu.memory_space<hbm>>
        %dma_wait3A_227 = arith.constant 9480 : i32
        %dma_wait3A_228 = arith.constant 0 : i32
        %dma_wait3A_229 = tpu.memref_slice %arg10[%dma_wait3A_227, %dma_wait3A_228] : memref<10112x32xf32, #tpu.memory_space<vmem_shared>> -> memref<520x32xf32, #tpu.memory_space<vmem_shared>>
        tpu.wait_dma2 semaphore(%run_scoped3A_215 : memref<!tpu.dma_semaphore, #tpu.memory_space<semaphore_mem>>) src(%dma_wait3A_229 : memref<520x32xf32, #tpu.memory_space<vmem_shared>>) dst(%dma_wait3A_226 : memref<520x32xf32, #tpu.memory_space<hbm>>)
        tpu.yield
      }) : () -> ()
    } else {
    }
    return
  }
}

module attributes {stable_mosaic.version = 14 : i64} {
  func.func @body(%arg0: i32, %arg1: memref<1000x128xf32, #tpu.memory_space<vmem>>, %arg2: memref<2x1000x64xf32, #tpu.memory_space<vmem>>, %arg3: memref<128x32xf32, #tpu.memory_space<vmem>>, %arg4: memref<1x32xf32, #tpu.memory_space<vmem>>, %arg5: memref<32x32xf32, #tpu.memory_space<vmem>>, %arg6: memref<1x32xf32, #tpu.memory_space<vmem>>, %arg7: memref<1000x32xf32, #tpu.memory_space<vmem>>) attributes {dimension_semantics = [#tpu.dimension_semantics<arbitrary>], iteration_bounds = array<i64: 10>, scalar_prefetch = 0 : i64, scratch_operands = 0 : i64, tpu.core_type = #tpu.core_type<tc>, window_params = [{transform_indices = @transform_0, window_bounds = array<i64: 1000, 128>}, {transform_indices = @transform_1, window_bounds = array<i64: 2, 1000, 64>}, {pipeline_mode = #tpu.pipeline_mode<synchronous>, transform_indices = @transform_2, window_bounds = array<i64: 128, 32>}, {pipeline_mode = #tpu.pipeline_mode<synchronous>, transform_indices = @transform_3, window_bounds = array<i64: 1, 32>}, {pipeline_mode = #tpu.pipeline_mode<synchronous>, transform_indices = @transform_4, window_bounds = array<i64: 32, 32>}, {pipeline_mode = #tpu.pipeline_mode<synchronous>, transform_indices = @transform_5, window_bounds = array<i64: 1, 32>}, {transform_indices = @transform_6, window_bounds = array<i64: 1000, 32>}]} {
    %get3A = arith.constant 0 : index
    %get3A_0 = arith.constant 0 : index
    %get3A_1 = vector.load %arg1[%get3A, %get3A_0] : memref<1000x128xf32, #tpu.memory_space<vmem>>, vector<1000x128xf32>
    %get3A_2 = arith.constant 0 : index
    %get3A_3 = arith.constant 0 : index
    %get3A_4 = arith.constant 0 : index
    %get3A_5 = vector.load %arg2[%get3A_2, %get3A_3, %get3A_4] : memref<2x1000x64xf32, #tpu.memory_space<vmem>>, vector<1x1000x64xf32>
    %get3A_6 = vector.shape_cast %get3A_5 : vector<1x1000x64xf32> to vector<1000x64xf32>
    %get3A_7 = arith.constant 1 : index
    %get3A_8 = arith.constant 0 : index
    %get3A_9 = arith.constant 0 : index
    %get3A_10 = vector.load %arg2[%get3A_7, %get3A_8, %get3A_9] : memref<2x1000x64xf32, #tpu.memory_space<vmem>>, vector<1x1000x64xf32>
    %get3A_11 = vector.shape_cast %get3A_10 : vector<1x1000x64xf32> to vector<1000x64xf32>
    %concatenate3A = tpu.concatenate %get3A_6, %get3A_11 in 1 : vector<1000x64xf32>, vector<1000x64xf32> -> vector<1000x128xf32>
    %add3A = arith.addf %get3A_1, %concatenate3A : vector<1000x128xf32>
    %get3A_12 = arith.constant 0 : index
    %get3A_13 = arith.constant 0 : index
    %get3A_14 = vector.load %arg3[%get3A_12, %get3A_13] : memref<128x32xf32, #tpu.memory_space<vmem>>, vector<128x32xf32>
    %dot_general3A = arith.constant dense<0.000000e+00> : vector<1000x32xf32>
    %dot_general3A_15 = tpu.matmul %add3A, %get3A_14, %dot_general3A {dimension_numbers = #tpu.dot_dimension_numbers<[1], [0], [0], [1], [0, 0, 1, 1], [], []>, transpose_lhs_hint = false} : vector<1000x128xf32>, vector<128x32xf32>, vector<1000x32xf32> -> vector<1000x32xf32>
    %get3A_16 = arith.constant 0 : index
    %get3A_17 = arith.constant 0 : index
    %get3A_18 = vector.load %arg4[%get3A_16, %get3A_17] : memref<1x32xf32, #tpu.memory_space<vmem>>, vector<1x32xf32>
    %add3A_19 = vector.broadcast %get3A_18 : vector<1x32xf32> to vector<1000x32xf32>
    %add3A_20 = arith.addf %dot_general3A_15, %add3A_19 : vector<1000x32xf32>
    %max3A = arith.constant 0.000000e+00 : f32
    %max3A_21 = vector.broadcast %max3A : f32 to vector<1000x32xf32>
    %max3A_22 = arith.maximumf %add3A_20, %max3A_21 : vector<1000x32xf32>
    %get3A_23 = arith.constant 0 : index
    %get3A_24 = arith.constant 0 : index
    %get3A_25 = vector.load %arg5[%get3A_23, %get3A_24] : memref<32x32xf32, #tpu.memory_space<vmem>>, vector<32x32xf32>
    %dot_general3A_26 = arith.constant dense<0.000000e+00> : vector<1000x32xf32>
    %dot_general3A_27 = tpu.matmul %max3A_22, %get3A_25, %dot_general3A_26 {dimension_numbers = #tpu.dot_dimension_numbers<[1], [0], [0], [1], [0, 0, 1, 1], [], []>, transpose_lhs_hint = false} : vector<1000x32xf32>, vector<32x32xf32>, vector<1000x32xf32> -> vector<1000x32xf32>
    %get3A_28 = arith.constant 0 : index
    %get3A_29 = arith.constant 0 : index
    %get3A_30 = vector.load %arg6[%get3A_28, %get3A_29] : memref<1x32xf32, #tpu.memory_space<vmem>>, vector<1x32xf32>
    %add3A_31 = vector.broadcast %get3A_30 : vector<1x32xf32> to vector<1000x32xf32>
    %add3A_32 = arith.addf %dot_general3A_27, %add3A_31 : vector<1000x32xf32>
    %swap3A = arith.constant 0 : index
    %swap3A_33 = arith.constant 0 : index
    %swap3A_34 = vector.load %arg7[%swap3A, %swap3A_33] : memref<1000x32xf32, #tpu.memory_space<vmem>>, vector<1000x32xf32>
    tpu.vector_store %arg7[%swap3A, %swap3A_33], %add3A_32 {strides = array<i32>} : memref<1000x32xf32, #tpu.memory_space<vmem>>, vector<1000x32xf32>,
    return
  }
  func.func @transform_0(%arg0: i32) -> (i32, i32) {
    %c0_i32 = arith.constant 0 : i32
    %c0_i32_0 = arith.constant 0 : i32
    return %arg0, %c0_i32 : i32, i32
  }
  func.func @transform_1(%arg0: i32) -> (i32, i32, i32) {
    %c0_i32 = arith.constant 0 : i32
    %c0_i32_0 = arith.constant 0 : i32
    %c0_i32_1 = arith.constant 0 : i32
    return %c0_i32, %arg0, %c0_i32_0 : i32, i32, i32
  }
  func.func @transform_2(%arg0: i32) -> (i32, i32) {
    %c0_i32 = arith.constant 0 : i32
    %c0_i32_0 = arith.constant 0 : i32
    %c0_i32_1 = arith.constant 0 : i32
    return %c0_i32, %c0_i32_0 : i32, i32
  }
  func.func @transform_3(%arg0: i32) -> (i32, i32) {
    %c0_i32 = arith.constant 0 : i32
    %c0_i32_0 = arith.constant 0 : i32
    %c0_i32_1 = arith.constant 0 : i32
    return %c0_i32, %c0_i32_0 : i32, i32
  }
  func.func @transform_4(%arg0: i32) -> (i32, i32) {
    %c0_i32 = arith.constant 0 : i32
    %c0_i32_0 = arith.constant 0 : i32
    %c0_i32_1 = arith.constant 0 : i32
    return %c0_i32, %c0_i32_0 : i32, i32
  }
  func.func @transform_5(%arg0: i32) -> (i32, i32) {
    %c0_i32 = arith.constant 0 : i32
    %c0_i32_0 = arith.constant 0 : i32
    %c0_i32_1 = arith.constant 0 : i32
    return %c0_i32, %c0_i32_0 : i32, i32
  }
  func.func @transform_6(%arg0: i32) -> (i32, i32) {
    %c0_i32 = arith.constant 0 : i32
    %c0_i32_0 = arith.constant 0 : i32
    return %arg0, %c0_i32 : i32, i32
  }
}

module attributes {stable_mosaic.version = 14 : i64} {
  func.func @body(%arg0: i32, %arg1: memref<1000x32xf32, #tpu.memory_space<vmem>>, %arg2: memref<2x1000x32xf32, #tpu.memory_space<vmem>>, %arg3: memref<32x32xf32, #tpu.memory_space<vmem>>, %arg4: memref<1x32xf32, #tpu.memory_space<vmem>>, %arg5: memref<32x32xf32, #tpu.memory_space<vmem>>, %arg6: memref<1x32xf32, #tpu.memory_space<vmem>>, %arg7: memref<1000x32xf32, #tpu.memory_space<vmem>>) attributes {dimension_semantics = [#tpu.dimension_semantics<arbitrary>], iteration_bounds = array<i64: 10>, scalar_prefetch = 0 : i64, scratch_operands = 0 : i64, tpu.core_type = #tpu.core_type<tc>, window_params = [{transform_indices = @transform_0, window_bounds = array<i64: 1000, 32>}, {transform_indices = @transform_1, window_bounds = array<i64: 2, 1000, 32>}, {pipeline_mode = #tpu.pipeline_mode<synchronous>, transform_indices = @transform_2, window_bounds = array<i64: 32, 32>}, {pipeline_mode = #tpu.pipeline_mode<synchronous>, transform_indices = @transform_3, window_bounds = array<i64: 1, 32>}, {pipeline_mode = #tpu.pipeline_mode<synchronous>, transform_indices = @transform_4, window_bounds = array<i64: 32, 32>}, {pipeline_mode = #tpu.pipeline_mode<synchronous>, transform_indices = @transform_5, window_bounds = array<i64: 1, 32>}, {transform_indices = @transform_6, window_bounds = array<i64: 1000, 32>}]} {
    %get3A = arith.constant 0 : index
    %get3A_0 = arith.constant 0 : index
    %get3A_1 = vector.load %arg1[%get3A, %get3A_0] : memref<1000x32xf32, #tpu.memory_space<vmem>>, vector<1000x32xf32>
    %get3A_2 = arith.constant 0 : index
    %get3A_3 = arith.constant 0 : index
    %get3A_4 = arith.constant 0 : index
    %get3A_5 = vector.load %arg2[%get3A_2, %get3A_3, %get3A_4] : memref<2x1000x32xf32, #tpu.memory_space<vmem>>, vector<1x1000x32xf32>
    %get3A_6 = vector.shape_cast %get3A_5 : vector<1x1000x32xf32> to vector<1000x32xf32>
    %add3A = arith.addf %get3A_1, %get3A_6 : vector<1000x32xf32>
    %get3A_7 = arith.constant 1 : index
    %get3A_8 = arith.constant 0 : index
    %get3A_9 = arith.constant 0 : index
    %get3A_10 = vector.load %arg2[%get3A_7, %get3A_8, %get3A_9] : memref<2x1000x32xf32, #tpu.memory_space<vmem>>, vector<1x1000x32xf32>
    %get3A_11 = vector.shape_cast %get3A_10 : vector<1x1000x32xf32> to vector<1000x32xf32>
    %add3A_12 = arith.addf %add3A, %get3A_11 : vector<1000x32xf32>
    %get3A_13 = arith.constant 0 : index
    %get3A_14 = arith.constant 0 : index
    %get3A_15 = vector.load %arg3[%get3A_13, %get3A_14] : memref<32x32xf32, #tpu.memory_space<vmem>>, vector<32x32xf32>
    %dot_general3A = arith.constant dense<0.000000e+00> : vector<1000x32xf32>
    %dot_general3A_16 = tpu.matmul %add3A_12, %get3A_15, %dot_general3A {dimension_numbers = #tpu.dot_dimension_numbers<[1], [0], [0], [1], [0, 0, 1, 1], [], []>, transpose_lhs_hint = false} : vector<1000x32xf32>, vector<32x32xf32>, vector<1000x32xf32> -> vector<1000x32xf32>
    %get3A_17 = arith.constant 0 : index
    %get3A_18 = arith.constant 0 : index
    %get3A_19 = vector.load %arg4[%get3A_17, %get3A_18] : memref<1x32xf32, #tpu.memory_space<vmem>>, vector<1x32xf32>
    %add3A_20 = vector.broadcast %get3A_19 : vector<1x32xf32> to vector<1000x32xf32>
    %add3A_21 = arith.addf %dot_general3A_16, %add3A_20 : vector<1000x32xf32>
    %max3A = arith.constant 0.000000e+00 : f32
    %max3A_22 = vector.broadcast %max3A : f32 to vector<1000x32xf32>
    %max3A_23 = arith.maximumf %add3A_21, %max3A_22 : vector<1000x32xf32>
    %get3A_24 = arith.constant 0 : index
    %get3A_25 = arith.constant 0 : index
    %get3A_26 = vector.load %arg5[%get3A_24, %get3A_25] : memref<32x32xf32, #tpu.memory_space<vmem>>, vector<32x32xf32>
    %dot_general3A_27 = arith.constant dense<0.000000e+00> : vector<1000x32xf32>
    %dot_general3A_28 = tpu.matmul %max3A_23, %get3A_26, %dot_general3A_27 {dimension_numbers = #tpu.dot_dimension_numbers<[1], [0], [0], [1], [0, 0, 1, 1], [], []>, transpose_lhs_hint = false} : vector<1000x32xf32>, vector<32x32xf32>, vector<1000x32xf32> -> vector<1000x32xf32>
    %get3A_29 = arith.constant 0 : index
    %get3A_30 = arith.constant 0 : index
    %get3A_31 = vector.load %arg6[%get3A_29, %get3A_30] : memref<1x32xf32, #tpu.memory_space<vmem>>, vector<1x32xf32>
    %add3A_32 = vector.broadcast %get3A_31 : vector<1x32xf32> to vector<1000x32xf32>
    %add3A_33 = arith.addf %dot_general3A_28, %add3A_32 : vector<1000x32xf32>
    %swap3A = arith.constant 0 : index
    %swap3A_34 = arith.constant 0 : index
    %swap3A_35 = vector.load %arg7[%swap3A, %swap3A_34] : memref<1000x32xf32, #tpu.memory_space<vmem>>, vector<1000x32xf32>
    tpu.vector_store %arg7[%swap3A, %swap3A_34], %add3A_33 {strides = array<i32>} : memref<1000x32xf32, #tpu.memory_space<vmem>>, vector<1000x32xf32>,
    return
  }
  func.func @transform_0(%arg0: i32) -> (i32, i32) {
    %c0_i32 = arith.constant 0 : i32
    %c0_i32_0 = arith.constant 0 : i32
    return %arg0, %c0_i32 : i32, i32
  }
  func.func @transform_1(%arg0: i32) -> (i32, i32, i32) {
    %c0_i32 = arith.constant 0 : i32
    %c0_i32_0 = arith.constant 0 : i32
    %c0_i32_1 = arith.constant 0 : i32
    return %c0_i32, %arg0, %c0_i32_0 : i32, i32, i32
  }
  func.func @transform_2(%arg0: i32) -> (i32, i32) {
    %c0_i32 = arith.constant 0 : i32
    %c0_i32_0 = arith.constant 0 : i32
    %c0_i32_1 = arith.constant 0 : i32
    return %c0_i32, %c0_i32_0 : i32, i32
  }
  func.func @transform_3(%arg0: i32) -> (i32, i32) {
    %c0_i32 = arith.constant 0 : i32
    %c0_i32_0 = arith.constant 0 : i32
    %c0_i32_1 = arith.constant 0 : i32
    return %c0_i32, %c0_i32_0 : i32, i32
  }
  func.func @transform_4(%arg0: i32) -> (i32, i32) {
    %c0_i32 = arith.constant 0 : i32
    %c0_i32_0 = arith.constant 0 : i32
    %c0_i32_1 = arith.constant 0 : i32
    return %c0_i32, %c0_i32_0 : i32, i32
  }
  func.func @transform_5(%arg0: i32) -> (i32, i32) {
    %c0_i32 = arith.constant 0 : i32
    %c0_i32_0 = arith.constant 0 : i32
    %c0_i32_1 = arith.constant 0 : i32
    return %c0_i32, %c0_i32_0 : i32, i32
  }
  func.func @transform_6(%arg0: i32) -> (i32, i32) {
    %c0_i32 = arith.constant 0 : i32
    %c0_i32_0 = arith.constant 0 : i32
    return %arg0, %c0_i32 : i32, i32
  }
}

module attributes {stable_mosaic.version = 14 : i64} {
  func.func @body(%arg0: i32, %arg1: memref<1000x32xf32, #tpu.memory_space<vmem>>, %arg2: memref<2x1000x32xf32, #tpu.memory_space<vmem>>, %arg3: memref<32x32xf32, #tpu.memory_space<vmem>>, %arg4: memref<1x32xf32, #tpu.memory_space<vmem>>, %arg5: memref<32x1xf32, #tpu.memory_space<vmem>>, %arg6: memref<1x1xf32, #tpu.memory_space<vmem>>, %arg7: memref<1000x1xf32, #tpu.memory_space<vmem>>) attributes {dimension_semantics = [#tpu.dimension_semantics<arbitrary>], iteration_bounds = array<i64: 10>, scalar_prefetch = 0 : i64, scratch_operands = 0 : i64, tpu.core_type = #tpu.core_type<tc>, window_params = [{transform_indices = @transform_0, window_bounds = array<i64: 1000, 32>}, {transform_indices = @transform_1, window_bounds = array<i64: 2, 1000, 32>}, {pipeline_mode = #tpu.pipeline_mode<synchronous>, transform_indices = @transform_2, window_bounds = array<i64: 32, 32>}, {pipeline_mode = #tpu.pipeline_mode<synchronous>, transform_indices = @transform_3, window_bounds = array<i64: 1, 32>}, {pipeline_mode = #tpu.pipeline_mode<synchronous>, transform_indices = @transform_4, window_bounds = array<i64: 32, 1>}, {pipeline_mode = #tpu.pipeline_mode<synchronous>, transform_indices = @transform_5, window_bounds = array<i64: 1, 1>}, {transform_indices = @transform_6, window_bounds = array<i64: 1000, 1>}]} {
    %get3A = arith.constant 0 : index
    %get3A_0 = arith.constant 0 : index
    %get3A_1 = vector.load %arg1[%get3A, %get3A_0] : memref<1000x32xf32, #tpu.memory_space<vmem>>, vector<1000x32xf32>
    %get3A_2 = arith.constant 0 : index
    %get3A_3 = arith.constant 0 : index
    %get3A_4 = arith.constant 0 : index
    %get3A_5 = vector.load %arg2[%get3A_2, %get3A_3, %get3A_4] : memref<2x1000x32xf32, #tpu.memory_space<vmem>>, vector<1x1000x32xf32>
    %get3A_6 = vector.shape_cast %get3A_5 : vector<1x1000x32xf32> to vector<1000x32xf32>
    %add3A = arith.addf %get3A_1, %get3A_6 : vector<1000x32xf32>
    %get3A_7 = arith.constant 1 : index
    %get3A_8 = arith.constant 0 : index
    %get3A_9 = arith.constant 0 : index
    %get3A_10 = vector.load %arg2[%get3A_7, %get3A_8, %get3A_9] : memref<2x1000x32xf32, #tpu.memory_space<vmem>>, vector<1x1000x32xf32>
    %get3A_11 = vector.shape_cast %get3A_10 : vector<1x1000x32xf32> to vector<1000x32xf32>
    %add3A_12 = arith.addf %add3A, %get3A_11 : vector<1000x32xf32>
    %get3A_13 = arith.constant 0 : index
    %get3A_14 = arith.constant 0 : index
    %get3A_15 = vector.load %arg3[%get3A_13, %get3A_14] : memref<32x32xf32, #tpu.memory_space<vmem>>, vector<32x32xf32>
    %dot_general3A = arith.constant dense<0.000000e+00> : vector<1000x32xf32>
    %dot_general3A_16 = tpu.matmul %add3A_12, %get3A_15, %dot_general3A {dimension_numbers = #tpu.dot_dimension_numbers<[1], [0], [0], [1], [0, 0, 1, 1], [], []>, transpose_lhs_hint = false} : vector<1000x32xf32>, vector<32x32xf32>, vector<1000x32xf32> -> vector<1000x32xf32>
    %get3A_17 = arith.constant 0 : index
    %get3A_18 = arith.constant 0 : index
    %get3A_19 = vector.load %arg4[%get3A_17, %get3A_18] : memref<1x32xf32, #tpu.memory_space<vmem>>, vector<1x32xf32>
    %add3A_20 = vector.broadcast %get3A_19 : vector<1x32xf32> to vector<1000x32xf32>
    %add3A_21 = arith.addf %dot_general3A_16, %add3A_20 : vector<1000x32xf32>
    %max3A = arith.constant 0.000000e+00 : f32
    %max3A_22 = vector.broadcast %max3A : f32 to vector<1000x32xf32>
    %max3A_23 = arith.maximumf %add3A_21, %max3A_22 : vector<1000x32xf32>
    %get3A_24 = arith.constant 0 : index
    %get3A_25 = arith.constant 0 : index
    %get3A_26 = vector.load %arg5[%get3A_24, %get3A_25] : memref<32x1xf32, #tpu.memory_space<vmem>>, vector<32x1xf32>
    %dot_general3A_27 = arith.constant dense<0.000000e+00> : vector<1000x1xf32>
    %dot_general3A_28 = tpu.matmul %max3A_23, %get3A_26, %dot_general3A_27 {dimension_numbers = #tpu.dot_dimension_numbers<[1], [0], [0], [1], [0, 0, 1, 1], [], []>, transpose_lhs_hint = false} : vector<1000x32xf32>, vector<32x1xf32>, vector<1000x1xf32> -> vector<1000x1xf32>
    %get3A_29 = arith.constant 0 : index
    %get3A_30 = arith.constant 0 : index
    %get3A_31 = vector.load %arg6[%get3A_29, %get3A_30] : memref<1x1xf32, #tpu.memory_space<vmem>>, vector<1x1xf32>
    %add3A_32 = vector.broadcast %get3A_31 : vector<1x1xf32> to vector<1000x1xf32>
    %add3A_33 = arith.addf %dot_general3A_28, %add3A_32 : vector<1000x1xf32>
    %swap3A = arith.constant 0 : index
    %swap3A_34 = arith.constant 0 : index
    %swap3A_35 = vector.load %arg7[%swap3A, %swap3A_34] : memref<1000x1xf32, #tpu.memory_space<vmem>>, vector<1000x1xf32>
    tpu.vector_store %arg7[%swap3A, %swap3A_34], %add3A_33 {strides = array<i32>} : memref<1000x1xf32, #tpu.memory_space<vmem>>, vector<1000x1xf32>,
    return
  }
  func.func @transform_0(%arg0: i32) -> (i32, i32) {
    %c0_i32 = arith.constant 0 : i32
    %c0_i32_0 = arith.constant 0 : i32
    return %arg0, %c0_i32 : i32, i32
  }
  func.func @transform_1(%arg0: i32) -> (i32, i32, i32) {
    %c0_i32 = arith.constant 0 : i32
    %c0_i32_0 = arith.constant 0 : i32
    %c0_i32_1 = arith.constant 0 : i32
    return %c0_i32, %arg0, %c0_i32_0 : i32, i32, i32
  }
  func.func @transform_2(%arg0: i32) -> (i32, i32) {
    %c0_i32 = arith.constant 0 : i32
    %c0_i32_0 = arith.constant 0 : i32
    %c0_i32_1 = arith.constant 0 : i32
    return %c0_i32, %c0_i32_0 : i32, i32
  }
  func.func @transform_3(%arg0: i32) -> (i32, i32) {
    %c0_i32 = arith.constant 0 : i32
    %c0_i32_0 = arith.constant 0 : i32
    %c0_i32_1 = arith.constant 0 : i32
    return %c0_i32, %c0_i32_0 : i32, i32
  }
  func.func @transform_4(%arg0: i32) -> (i32, i32) {
    %c0_i32 = arith.constant 0 : i32
    %c0_i32_0 = arith.constant 0 : i32
    %c0_i32_1 = arith.constant 0 : i32
    return %c0_i32, %c0_i32_0 : i32, i32
  }
  func.func @transform_5(%arg0: i32) -> (i32, i32) {
    %c0_i32 = arith.constant 0 : i32
    %c0_i32_0 = arith.constant 0 : i32
    %c0_i32_1 = arith.constant 0 : i32
    return %c0_i32, %c0_i32_0 : i32, i32
  }
  func.func @transform_6(%arg0: i32) -> (i32, i32) {
    %c0_i32 = arith.constant 0 : i32
    %c0_i32_0 = arith.constant 0 : i32
    return %arg0, %c0_i32 : i32, i32
  }
}

</mosaic_0001>

<sc_bundles>
// kernel: kernel.11.cloned.1.call-start
scs
__scs_entry_jumppad:
0x0: {  	(pc) =	sbr.rel $0x88, $3  }
0x1: {  	(tag) =	ssettag $0x0;
	lr =	simm.s32 $0x1  }
0x2: {  	[smem:$0x3F93] =	sst lr;
	_ =	strace $0xD0000000  }
0x3: {  	_ = 	snop  }
0x4: {  	_ = 	snop  }
0x5: {  	_ = 	snop  }
0x6: {  	_ = 	snop  }
0x7: {  	_ = 	snop  }
__scs_overlays_trampoline_lowered:
0x8: {  	[smem:$0x3FA2] =	sst s0  }
0x9: {  	[smem:$0x3FA3] =	sst s1  }
0xa: {  	[smem:$0x3FA4] =	sst s2  }
0xb: {  	[smem:$0x3FA5] =	sst s3  }
0xc: {  	[smem:$0x3FA6] =	sst s4  }
0xd: {  	[smem:$0x3FA7] =	sst s5  }
0xe: {  	[smem:$0x3FA8] =	sst s6  }
0xf: {  	[smem:$0x3FA9] =	sst s7  }
0x10: {  	[smem:$0x3FAA] =	sst s8  }
0x11: {  	[smem:$0x3FAB] =	sst s9;
	s0 =	simm.s32 @!p0 $0x0  }
0x12: {  	s1 =	sld [smem:$0x3F91];
	s0 =	simm.s32 @p0 $0x1  }
0x13: {  	[smem:$0x3FAC] =	sst s0;
	s0 =	simm.s32 @!p1 $0x0  }
0x14: {  	s2 =	sld [smem:$0x3F90];
	s0 =	simm.s32 @p1 $0x1  }
0x15: {  	[smem:$0x3FAD] =	sst s0;
	s0 =	simm.s32 @!p2 $0x0  }
0x16: {  	s3 =	sld [smem:$0x3FDB];
	s0 =	simm.s32 @p2 $0x1  }
0x17: {  	s4 =	simm.s32 $0x1BF5;
	[smem:$0x3FAF] =	sst s0  }
0x18: {  	s0 =	sld [smem:$0x3F92];
	_ =	swait.ge [sflag:s4], $0x0  }
0x19: {  	s7 =	sld [smem:$0x3F93]  }
0x1a: {  	s8 =	sadd.s32 $0xFFFFE003, lr  }
0x1b: {  	s9 =	sadd.s32 $0xFFFFFEF7, lr;
	s5 =	simm.s32 $0xFFFFFFFF;
	p2 =	slt.u32 s8, $0xFFFFF086  }
0x1c: {  	p1 =	slt.u32 s9, $0xF7A;
	s5 =	simm.s32 @!p2 $0x0  }
0x1d: {  	s5 =	simm.s32 @p1 $0x1;
	p0 =	seq.s32 s7, s2  }
0x1e: {  	s7 =	smul.u32 @!p0 $0xF7A, s2;
	p2 =	seq.s32 @!p0 s5, $0x0  }
0x1f: {  	s9 =	smul.u32 $0xF7A, s1;
	s8 =	simm.s32 @!p0 $0x1BF5;
	p2 =	por !p2, p0  }
0x20: {  	[sflag:s8] =	ssyncset.s32 @!p0 $0xFFFFF086;
	s6 =	sadd.s32 @!p0 s3, s7;
	s7 =	simm.s32 @!p0 $0x108  }
0x21: {  	s3 =	sadd.s32 s3, s9;
	s6 =	sadd.s32 @!p0 $0x88, s6;
	s7 =	simm.s32 @p2 $0x1082  }
0x22: {  	[simem:s7], [sflag:s8] =	dma.local @!p0 [hbm:s6], $0xF7A  }
0x23: {  	s9 =	sor.u32 $0xD0000000, s2;
	s6 =	simm.s32 $0x108;
	_ =	swait.ge @!p0 [sflag:s8], $0x0  }
0x24: {  	s3 =	sadd.s32 $0x88, s3;
	s6 =	simm.s32 @!p1 $0x1082;
	[sflag:s4] =	ssyncset.s32 $0xFFFFF086  }
0x25: {  	[simem:s6], [sflag:s4] =	dma.local [hbm:s3], $0xF7A  }
0x26: {  	[smem:$0x3F93] =	sst s1;
	(tag) =	ssettag s2;
	_ =	strace s9  }
0x27: {  	s1 =	sld [smem:$0x3FA3]  }
0x28: {  	s2 =	sld [smem:$0x3FA4]  }
0x29: {  	s4 =	sld [smem:$0x3FA6]  }
0x2a: {  	p0 =	seq.s32 s5, $0x0;
	s5 =	sld [smem:$0x3FA7]  }
0x2b: {  	s6 =	sld [smem:$0x3FA8]  }
0x2c: {  	s7 =	sld [smem:$0x3FA9]  }
0x2d: {  	s3 =	simm.s32 $0x108;
	s8 =	sld [smem:$0x3FAA]  }
0x2e: {  	s3 =	simm.s32 @!p0 $0x1082;
	s9 =	sld [smem:$0x3FAB]  }
0x2f: {  	lr =	sadd.s32 s0, s3;
	s0 =	sld [smem:$0x3FA2]  }
0x30: {  	s3 =	sld [smem:$0x3FA5]  }
0x31: {  	[smem:$0x3FAE] =	sst s10  }
0x32: {  	s10 =	sld [smem:$0x3FAC];
	_ =	sdelay $0x3  }
0x33: {  	p0 =	seq.s32 s10, $0x1;
	s10 =	sld [smem:$0x3FAE];
	_ =	sdelay $0x3  }
0x34: {  	[smem:$0x3FAE] =	sst s10  }
0x35: {  	s10 =	sld [smem:$0x3FAD];
	_ =	sdelay $0x3  }
0x36: {  	p1 =	seq.s32 s10, $0x1;
	s10 =	sld [smem:$0x3FAE];
	_ =	sdelay $0x3  }
0x37: {  	[smem:$0x3FAE] =	sst s10  }
0x38: {  	s10 =	sld [smem:$0x3FAF]  }
0x39: {  	_ = 	snop;
	(pc) =	sbr.ind lr, $3  }
0x3a: {  	_ = 	snop  }
0x3b: {  	_ = 	snop  }
0x3c: {  	p2 =	seq.s32 s10, $0x1;
	s10 =	sld [smem:$0x3FAE]  }
0x3d: {  	_ =	shalt  }
0x3e: {  	_ =	shalt  }
0x3f: {  	_ =	shalt  }
0x40: {  	_ =	shalt  }
0x41: {  	_ =	shalt  }
0x42: {  	_ =	shalt  }
0x43: {  	_ =	shalt  }
0x44: {  	_ =	shalt  }
0x45: {  	_ =	shalt  }
0x46: {  	_ =	shalt  }
0x47: {  	_ =	shalt  }
0x48: {  	_ =	shalt  }
0x49: {  	_ =	shalt  }
0x4a: {  	_ =	shalt  }
0x4b: {  	_ =	shalt  }
0x4c: {  	_ =	shalt  }
0x4d: {  	_ =	shalt  }
0x4e: {  	_ =	shalt  }
0x4f: {  	_ =	shalt  }
0x50: {  	_ =	shalt  }
0x51: {  	_ =	shalt  }
0x52: {  	_ =	shalt  }
0x53: {  	_ =	shalt  }
0x54: {  	_ =	shalt  }
0x55: {  	_ =	shalt  }
0x56: {  	_ =	shalt  }
0x57: {  	_ =	shalt  }
0x58: {  	_ =	shalt  }
0x59: {  	_ =	shalt  }
0x5a: {  	_ =	shalt  }
0x5b: {  	_ =	shalt  }
0x5c: {  	_ =	shalt  }
0x5d: {  	_ =	shalt  }
0x5e: {  	_ =	shalt  }
0x5f: {  	_ =	shalt  }
0x60: {  	_ =	shalt  }
0x61: {  	_ =	shalt  }
0x62: {  	_ =	shalt  }
0x63: {  	_ =	shalt  }
0x64: {  	_ =	shalt  }
0x65: {  	_ =	shalt  }
0x66: {  	_ =	shalt  }
0x67: {  	_ =	shalt  }
0x68: {  	_ =	shalt  }
0x69: {  	_ =	shalt  }
0x6a: {  	_ =	shalt  }
0x6b: {  	_ =	shalt  }
0x6c: {  	_ =	shalt  }
0x6d: {  	_ =	shalt  }
0x6e: {  	_ =	shalt  }
0x6f: {  	_ =	shalt  }
0x70: {  	_ =	shalt  }
0x71: {  	_ =	shalt  }
0x72: {  	_ =	shalt  }
0x73: {  	_ =	shalt  }
0x74: {  	_ =	shalt  }
0x75: {  	_ =	shalt  }
0x76: {  	_ =	shalt  }
0x77: {  	_ =	shalt  }
0x78: {  	_ =	shalt  }
0x79: {  	_ =	shalt  }
0x7a: {  	_ =	shalt  }
0x7b: {  	_ =	shalt  }
0x7c: {  	_ =	shalt  }
0x7d: {  	_ =	shalt  }
0x7e: {  	_ =	shalt  }
0x7f: {  	_ =	shalt  }
0x80: {  	_ =	shalt  }
0x81: {  	_ =	shalt  }
0x82: {  	_ =	shalt  }
0x83: {  	_ =	shalt  }
0x84: {  	_ =	shalt  }
0x85: {  	_ =	shalt  }
0x86: {  	_ =	shalt  }
0x87: {  	_ =	shalt  }
.Lfunc_end0:
.L_simem_size_0:
called_computation.1_lowered:
.L_overlay_start_0:
0x88: {  	s2 =	sld [smem:$0x3FD9]  }
0x89: {  	s3 =	sld [smem:$0x3FFE];
	_ =	sdelay $0x1  }
0x8a: {  	s1 =	srdreg.scid  }
0x8b: {  	s0 =	sand.u32 $0x1, s1  }
0x8c: {  	s16 =	sshll.u32 s0, $0xA;
	s2 =	sadd.s32 s3, s2  }
0x8d: {  	s2 =	sadd.s32 s2, s16  }
0x8e: {  	[smem:$0x3FBA] =	sst s2  }
0x8f: {  	_ = 	snop  }
0x90: {  	(tm) =	ssettm $0x1  }
0x91: {  	s17 =	sld [smem:$0x3FFB];
	_ =	sdelay $0x3  }
0x92: {  	_ =	strace s17  }
0x93: {  	s2 =	sld [smem:$0x3FFC];
	_ =	sdelay $0x3  }
0x94: {  	_ =	strace s2  }
0x95: {  	s2 =	sld [smem:$0x3FFD];
	_ =	sdelay $0x3  }
0x96: {  	_ =	strace s2  }
0x97: {  	_ =	strace $0x8FFFFFFF  }
0x98: {  	s18 =	sld [smem:$0x3FDB];
	_ =	sdelay $0x1  }
0x99: {  	s19 =	simm.s32 $_scs_section_size  }
0x9a: {  	s4 =	simm.s32 $_size__tile_overlayer_lowered;
	s5 =	simm.s32 $_tile_overlayer_lowered  }
0x9b: {  	s22 =	simm.s32 $0x1BFF;
	s21 =	sshll.u32 s5, $0x1;
	s2 =	sadd.s32 s19, s18  }
0x9c: {  	s6 =	simm.s32 $0x0;
	s20 =	sshll.u32 s4, $0x1;
	s4 =	sadd.s32 s21, s2  }
0x9d: {  	[timem:s6], [sflag:s22] =	dma.local [hbm:s4], s20  }
0x9e: {  	_ =	swait.ge [sflag:s22], s20  }
0x9f: {  	s3 =	ssub.s32 $0x0, s20;
	[sflag:s22] =	ssyncset.done $0x0  }
0xa0: {  	[sflag:s22] =	ssyncadd.s32 s3;
	_ =	sdelay $0x1  }
0xa1: {  	s23 =	simm.s32 $0x1B8B  }
0xa2: {  	_ =	swait.ge [sflag:s23], $0x1  }
0xa3: {  	[sflag:s23] =	ssyncset.done $0x0  }
0xa4: {  	s25 =	simm.s32 $0x1B8E;
	s24 =	sld [smem:$0x3FFE];
	[sflag:s23] =	ssyncadd.s32 $0xFFFFFFFF  }
0xa5: {  	s26 =	simm.s32 $execute0_lowered;
	[smem:$0x3FD2] =	sst s25  }
0xa6: {  	s4 =	sshll.u32 s26, $0x1;
	_ =	strace $0x80000049;
	[dreg:$0x1] =	wrdreg $0xFFFFFFFF  }
0xa7: {  	s28 =	simm.s32 $_size_execute0_lowered;
	s2 =	sadd.s32 s2, s4;
	[dreg:$0x0] =	wrdreg $0x0  }
0xa8: {  	s4 =	sshll.u32 s28, $0x1;
	[dreg:$0x2] =	wrdreg s2  }
0xa9: {  	[dreg:$0x3] =	wrdreg s4  }
0xaa: {  	[dreg:$0x4] =	wrdreg $0xC0  }
0xab: {  	_ =	task [dreg:s6], $0x5FFFF  }
0xac: {  	[dreg:$0x1] =	wrdreg $0xFFFFFFFF  }
0xad: {  	[dreg:$0x0] =	wrdreg $0x60  }
0xae: {  	[dreg:$0x2] =	wrdreg s24  }
0xaf: {  	[dreg:$0x3] =	wrdreg $0x11E200  }
0xb0: {  	[dreg:$0x4] =	wrdreg $0xD0000  }
0xb1: {  	[dreg:$0x5] =	wrdreg $0x9  }
0xb2: {  	_ =	task.clear_ibuf [dreg:s6], $0x6FFFF;
	_ =	strace $0x90000049  }
0xb3: {  	s29 =	simm.s32 $0x9;
	_ =	strace $0x8000004B  }
0xb4: {  	_ =	swait.ge [sflag:s29], $0x1  }
0xb5: {  	[sflag:s29] =	ssyncadd.s32 $0xFFFFFFFF  }
0xb6: {  	_ =	strace $0x9000004B  }
0xb7: {  	_ =	sfence  }
0xb8: {  	s30 =	sld [smem:$0x0];
	_ =	sdelay $0x2  }
0xb9: {  	s31 =	sshll.u32 s1, $0xD;
	s1 =	sshrl.u32 s1, $0x2  }
0xba: {  	s3 =	sand.u32 $0x4000, s31;
	s1 =	sadd.s32 s1, s30  }
0xbb: {  	s0 =	sor.u32 s3, s0;
	s1 =	sshll.u32 s1, $0x11  }
0xbc: {  	s0 =	sor.u32 s1, s0  }
0xbd: {  	s0 =	sadd.s32 $0x8F2B, s0  }
0xbe: {  	[sflag:s0] =	ssyncadd.remote.s32 $0x1  }
0xbf: {  	_ =	sfence.sel $0xFFFF  }
0xc0: {  	[dreg:$0x0] =	wrdreg $0xFFFFFFFF;
	(pc) =	sbr.abs _section_cstart, $3  }
0xc1: {  	[dreg:$0x1] =	wrdreg $0xFFFFFFFF  }
0xc2: {  	_ =	task.clear_ibuf [dreg:s6], $0x2FFFF;
	_ =	strace $0x9FFFFFFF  }
0xc3: {  	(tm) =	ssettm $0x7FFFFFFF  }
tec
execute0_lowered:
.L_overlay_start_1:
0x0: {  	(tag) =	ssettag $0x1  }
0x1: {  	s0 =	srdreg.scid;
	s1 =	rddreg [dreg:$0x0]  }
0x2: {  	s2 =	rddreg [dreg:$0x1];
	s11 =	stileid.u32  }
0x3: {  	s3 =	rddreg [dreg:$0x2];
	s6 =	simm.s32 $0x0;
	s28 =	simm.s32 $0x8000  }
0x4: {  	s30 =	simm.s32 $0x9000;
	s19 =	simm.s32 $0xB000;
	s29 =	simm.s32 $0x1  }
0x5: {  	s31 =	simm.s32 $0x2;
	s13 =	simm.s32 $0xC;
	s14 =	simm.s32 $0xD  }
0x6: {  	s15 =	simm.s32 $0xE;
	s17 =	simm.s32 $0xF;
	s18 =	simm.s32 $0x10  }
0x7: {  	s0 =	sand.u32 $0x1, s0;
	s5 =	smul.u32 $0x4F00, s11;
	[smem:$0x7FF] =	sst s6  }
0x8: {  	s8 =	sadd.s32 $0xBC00, s1;
	s21 =	sadd.s32 $0xC600, s1;
	s22 =	sshll.u32 s11, $0x6  }
0x9: {  	p0 =	seq.s32 s11, $0xF;
	s4 =	sshll.u32 s0, $0x4;
	_ =	strace $0x8000004A  }
0xa: {  	s7 =	ssub.s32 $0x2, s0;
	[dreg:$0x4] =	wrdreg s8;
	s0 =	smul.u32 $0x4E200, s0  }
0xb: {  	s8 =	simm.s32 $0x6;
	s4 =	sor.u32 s11, s4;
	s20 =	sshrl.u32 s5, $0x3  }
0xc: {  	s9 =	sshrl.u32 s7, $0x1;
	s12 =	sadd.s32 s5, s2;
	s10 =	sadd.s32 s5, s3  }
0xd: {  	s11 =	simm.s32 $0x9;
	s4 =	smul.u32 $0x2800, s4;
	s6 =	sadd.s32 s20, s1  }
0xe: {  	s9 =	ssub.s32 s7, s9;
	s7 =	sor.u32 $0x1C11, s22;
	s24 =	sadd.s32 s5, s0  }
0xf: {  	s0 =	sshrl.u32 s0, $0x3;
	[dreg:$0x5] =	wrdreg s12;
	s26 =	sshrl.u32 s12, $0x3  }
0x10: {  	s20 =	simm.s32 $0x80;
	s22 =	simm.s32 $0x6000;
	s5 =	simm.s32 $0x5  }
0x11: {  	s12 =	simm.s32 $0xB;
	s6 =	sadd.s32 $0x1E00, s6;
	s0 =	sadd.s32 s21, s0  }
0x12: {  	s25 =	smax.u32 s9, $0x1;
	[dreg:$0xe] =	wrdreg s26;
	s26 =	simm.s32 $0xC000  }
0x13: {  	s9 =	simm.s32 $0x7;
	[dreg:$0x6] =	wrdreg s7;
	s4 =	sshrl.u32 s4, $0x3  }
0x14: {  	[dreg:$0x7] =	wrdreg s6;
	s6 =	sadd.s32 $0x4A100, s3;
	s0 =	sadd.s32 $0x9420, s0  }
0x15: {  	[dreg:$0xd] =	wrdreg s25;
	s25 =	simm.s32 $0x0;
	s4 =	sadd.s32 s4, s1  }
0x16: {  	s1 =	sadd.s32 $0xB220, s1;
	[dreg:$0xc] =	wrdreg s0;
	s0 =	sadd.s32 $0x4A100, s2  }
0x17: {  	[dreg:$0x8] =	wrdreg s1;
	s23 =	sadd.s32 $0x29000, s4;
	s4 =	sadd.s32 $0x33000, s4  }
0x18: {  	s1 =	sshrl.u32 s24, $0x3;
	s24 =	simm.s32 $0x7000;
	[dreg:$0x9] =	wrdreg s23  }
0x19: {  	s0 =	sshrl.u32 @p0 s0, $0x3;
	[dreg:$0xa] =	wrdreg s4;
	s1 =	sadd.s32 s21, s1  }
0x1a: {  	s21 =	simm.s32 $0x5000;
	[dreg:$0x11] =	wrdreg s0;
	s0 =	simm.s32 $0x3  }
0x1b: {  	s23 =	simm.s32 $0x4;
	[dreg:$0xb] =	wrdreg s1;
	s1 =	sshrl.u32 @p0 s6, $0x3  }
0x1c: {  	s6 =	simm.s32 $0xA;
	[dreg:$0xf] =	wrdreg s1;
	s1 =	sshrl.u32 @!p0 s10, $0x3  }
0x1d: {  	s10 =	simm.s32 $0x8;
	[dreg:$0x10] =	wrdreg s1;
	s1 =	simm.s32 $0xA000  }
.LBB2_1:
0x1e: {  	[dreg:$0x12] =	wrdreg s25  }
0x1f: {  	s4 =	rddreg [dreg:$0x4]  }
0x20: {  	s16 =	rddreg [dreg:$0xe]  }
0x21: {  	[spmem:s16], [sflag:s7] =	dma.local [hbm:s4], $0x9E0  }
0x22: {  	s16 =	simm.s32 $0x11  }
0x23: {  	_ =	swait.ge [sflag:s16], $0x9E0  }
0x24: {  	[sflag:s16] =	ssyncset.done $0x0;
	s4 =	rddreg [dreg:$0x8]  }
0x25: {  	s25 =	rddreg [dreg:$0xf];
	[sflag:s16] =	ssyncadd.s32 $0xFFFFF620  }
0x26: {  	[spmem:s25], [sflag:s7] =	dma.local @p0 [hbm:s4], $0x820  }
0x27: {  	s4 =	simm.s32 @p0 $0x11  }
0x28: {  	_ =	swait.ge @p0 [sflag:s4], $0x820  }
0x29: {  	[sflag:s4] =	ssyncset.done @p0 $0x0;
	s25 =	rddreg [dreg:$0x10]  }
0x2a: {  	[sflag:s4] =	ssyncadd.s32 @p0 $0xFFFFF7E0;
	s4 =	rddreg [dreg:$0x7]  }
0x2b: {  	[spmem:s25], [sflag:s7] =	dma.local @!p0 [hbm:s4], $0x9E0  }
0x2c: {  	s4 =	simm.s32 @!p0 $0x11  }
0x2d: {  	_ =	swait.ge @!p0 [sflag:s4], $0x9E0  }
0x2e: {  	[sflag:s4] =	ssyncset.done @!p0 $0x0  }
0x2f: {  	s25 =	rddreg [dreg:$0x9];
	[sflag:s4] =	ssyncadd.s32 @!p0 $0xFFFFF620;
	s4 =	simm.s32 $0x0  }
0x30: {  	[tilespmem:s4], [sflag:$0x11] =	stream.linear.gather [hbm4b:s25+s4], $0x2800, $0x38;
	[tilespmem:$0x16D20] =	vst v63  }
0x31: {  	_ =	swait.ge [sflag:s16], $0x2800  }
0x32: {  	[sflag:s16] =	ssyncset.done $0x0  }
0x33: {  	s25 =	simm.s32 $0x2800;
	s7 =	rddreg [dreg:$0xa];
	[sflag:s16] =	ssyncadd.s32 $0xFFFFD800  }
0x34: {  	[tilespmem:s25], [sflag:$0x11] =	stream.linear.gather [hbm4b:s7+s4], $0x2800, $0x38;
	[tilespmem:$0x16D20] =	vst v63  }
0x35: {  	_ =	swait.ge [sflag:s16], $0x2800  }
0x36: {  	[sflag:s16] =	ssyncset.done $0x0  }
0x37: {  	[sflag:s16] =	ssyncadd.s32 $0xFFFFD800  }
0x38: {  	[bflag:$0x0] =	sbarrier.arrive $0xFFFF  }
0x39: {  	[tilespmem:s21], [sflag:$0x1] =	stream.indirect.gather [spmem:s3], $0x20, s4, s20, $0xb8;
	[tilespmem:$0x16D20] =	vst v63  }
0x3a: {  	_ = 	snop  }
0x3b: {  	[tilespmem:s22], [sflag:$0x2] =	stream.indirect.gather [spmem:s3], $0x20, s20, s20, $0xb8;
	[tilespmem:$0x16D20] =	vst v63  }
0x3c: {  	s7 =	simm.s32 $0x100  }
0x3d: {  	[tilespmem:s24], [sflag:$0x3] =	stream.indirect.gather [spmem:s3], $0x20, s7, s20, $0xb8;
	[tilespmem:$0x16D20] =	vst v63  }
0x3e: {  	s16 =	simm.s32 $0x180  }
0x3f: {  	[tilespmem:s28], [sflag:$0x4] =	stream.indirect.gather [spmem:s3], $0x20, s16, s20, $0xb8;
	[tilespmem:$0x16D20] =	vst v63  }
0x40: {  	s25 =	simm.s32 $0x200  }
0x41: {  	[tilespmem:s30], [sflag:$0x5] =	stream.indirect.gather [spmem:s3], $0x20, s25, s20, $0xb8;
	[tilespmem:$0x16D20] =	vst v63  }
0x42: {  	s7 =	simm.s32 $0x280  }
0x43: {  	[tilespmem:s1], [sflag:$0x6] =	stream.indirect.gather [spmem:s3], $0x20, s7, s20, $0xb8;
	[tilespmem:$0x16D20] =	vst v63  }
0x44: {  	s16 =	simm.s32 $0x300  }
0x45: {  	[tilespmem:s19], [sflag:$0x7] =	stream.indirect.gather [spmem:s3], $0x20, s16, s20, $0xb8;
	[tilespmem:$0x16D20] =	vst v63  }
0x46: {  	s25 =	simm.s32 $0x380  }
0x47: {  	[tilespmem:s26], [sflag:$0x8] =	stream.indirect.gather [spmem:s3], $0x20, s25, s20, $0xb8;
	[tilespmem:$0x16D20] =	vst v63  }
0x48: {  	_ =	swait.ge [sflag:s29], $0x1000  }
0x49: {  	[sflag:s29] =	ssyncset.done $0x0  }
0x4a: {  	s7 =	simm.s32 $0x2800;
	[sflag:s29] =	ssyncadd.s32 $0xFFFFF000  }
0x4b: {  	[spmem:s2] =	stream.indirect.scatter.add.f32 [tilespmem:s21], [sflag:$0x9], $0x20, s7, s20, $0xb8;
	[tilespmem:$0x16D20] =	vst v63  }
0x4c: {  	_ =	swait.ge [sflag:s31], $0x1000  }
0x4d: {  	[sflag:s31] =	ssyncset.done $0x0  }
0x4e: {  	s16 =	simm.s32 $0x2880;
	[sflag:s31] =	ssyncadd.s32 $0xFFFFF000  }
0x4f: {  	[spmem:s2] =	stream.indirect.scatter.add.f32 [tilespmem:s22], [sflag:$0xA], $0x20, s16, s20, $0xb8;
	[tilespmem:$0x16D20] =	vst v63  }
0x50: {  	_ =	swait.ge [sflag:s0], $0x1000  }
0x51: {  	[sflag:s0] =	ssyncset.done $0x0  }
0x52: {  	s25 =	simm.s32 $0x2900;
	[sflag:s0] =	ssyncadd.s32 $0xFFFFF000  }
0x53: {  	[spmem:s2] =	stream.indirect.scatter.add.f32 [tilespmem:s24], [sflag:$0xB], $0x20, s25, s20, $0xb8;
	[tilespmem:$0x16D20] =	vst v63  }
0x54: {  	_ =	swait.ge [sflag:s23], $0x1000  }
0x55: {  	[sflag:s23] =	ssyncset.done $0x0  }
0x56: {  	s7 =	simm.s32 $0x2980;
	[sflag:s23] =	ssyncadd.s32 $0xFFFFF000  }
0x57: {  	[spmem:s2] =	stream.indirect.scatter.add.f32 [tilespmem:s28], [sflag:$0xC], $0x20, s7, s20, $0xb8;
	[tilespmem:$0x16D20] =	vst v63  }
0x58: {  	_ =	swait.ge [sflag:s5], $0x1000  }
0x59: {  	[sflag:s5] =	ssyncset.done $0x0  }
0x5a: {  	s16 =	simm.s32 $0x2A00;
	[sflag:s5] =	ssyncadd.s32 $0xFFFFF000  }
0x5b: {  	[spmem:s2] =	stream.indirect.scatter.add.f32 [tilespmem:s30], [sflag:$0xD], $0x20, s16, s20, $0xb8;
	[tilespmem:$0x16D20] =	vst v63  }
0x5c: {  	_ =	swait.ge [sflag:s8], $0x1000  }
0x5d: {  	[sflag:s8] =	ssyncset.done $0x0  }
0x5e: {  	s25 =	simm.s32 $0x2A80;
	[sflag:s8] =	ssyncadd.s32 $0xFFFFF000  }
0x5f: {  	[spmem:s2] =	stream.indirect.scatter.add.f32 [tilespmem:s1], [sflag:$0xE], $0x20, s25, s20, $0xb8;
	[tilespmem:$0x16D20] =	vst v63  }
0x60: {  	_ =	swait.ge [sflag:s9], $0x1000  }
0x61: {  	[sflag:s9] =	ssyncset.done $0x0  }
0x62: {  	s7 =	simm.s32 $0x2B00;
	[sflag:s9] =	ssyncadd.s32 $0xFFFFF000  }
0x63: {  	[spmem:s2] =	stream.indirect.scatter.add.f32 [tilespmem:s19], [sflag:$0xF], $0x20, s7, s20, $0xb8;
	[tilespmem:$0x16D20] =	vst v63  }
0x64: {  	_ =	swait.ge [sflag:s10], $0x1000  }
0x65: {  	[sflag:s10] =	ssyncset.done $0x0  }
0x66: {  	s16 =	simm.s32 $0x2B80;
	[sflag:s10] =	ssyncadd.s32 $0xFFFFF000  }
0x67: {  	[spmem:s2] =	stream.indirect.scatter.add.f32 [tilespmem:s26], [sflag:$0x10], $0x20, s16, s20, $0xb8;
	[tilespmem:$0x16D20] =	vst v63  }
0x68: {  	_ =	swait.ge [sflag:s11], $0x1000  }
0x69: {  	[sflag:s11] =	ssyncset.done $0x0  }
0x6a: {  	s25 =	simm.s32 $0x400;
	[sflag:s11] =	ssyncadd.s32 $0xFFFFF000  }
0x6b: {  	[tilespmem:s21], [sflag:$0x1] =	stream.indirect.gather [spmem:s3], $0x20, s25, s20, $0xb8;
	[tilespmem:$0x16D20] =	vst v63  }
0x6c: {  	_ =	swait.ge [sflag:s6], $0x1000  }
0x6d: {  	[sflag:s6] =	ssyncset.done $0x0  }
0x6e: {  	s7 =	simm.s32 $0x480;
	[sflag:s6] =	ssyncadd.s32 $0xFFFFF000  }
0x6f: {  	[tilespmem:s22], [sflag:$0x2] =	stream.indirect.gather [spmem:s3], $0x20, s7, s20, $0xb8;
	[tilespmem:$0x16D20] =	vst v63  }
0x70: {  	_ =	swait.ge [sflag:s12], $0x1000  }
0x71: {  	[sflag:s12] =	ssyncset.done $0x0  }
0x72: {  	s16 =	simm.s32 $0x500;
	[sflag:s12] =	ssyncadd.s32 $0xFFFFF000  }
0x73: {  	[tilespmem:s24], [sflag:$0x3] =	stream.indirect.gather [spmem:s3], $0x20, s16, s20, $0xb8;
	[tilespmem:$0x16D20] =	vst v63  }
0x74: {  	_ =	swait.ge [sflag:s13], $0x1000  }
0x75: {  	[sflag:s13] =	ssyncset.done $0x0  }
0x76: {  	s25 =	simm.s32 $0x580;
	[sflag:s13] =	ssyncadd.s32 $0xFFFFF000  }
0x77: {  	[tilespmem:s28], [sflag:$0x4] =	stream.indirect.gather [spmem:s3], $0x20, s25, s20, $0xb8;
	[tilespmem:$0x16D20] =	vst v63  }
0x78: {  	_ =	swait.ge [sflag:s14], $0x1000  }
0x79: {  	[sflag:s14] =	ssyncset.done $0x0  }
0x7a: {  	s7 =	simm.s32 $0x600;
	[sflag:s14] =	ssyncadd.s32 $0xFFFFF000  }
0x7b: {  	[tilespmem:s30], [sflag:$0x5] =	stream.indirect.gather [spmem:s3], $0x20, s7, s20, $0xb8;
	[tilespmem:$0x16D20] =	vst v63  }
0x7c: {  	_ =	swait.ge [sflag:s15], $0x1000  }
0x7d: {  	[sflag:s15] =	ssyncset.done $0x0  }
0x7e: {  	s16 =	simm.s32 $0x680;
	[sflag:s15] =	ssyncadd.s32 $0xFFFFF000  }
0x7f: {  	[tilespmem:s1], [sflag:$0x6] =	stream.indirect.gather [spmem:s3], $0x20, s16, s20, $0xb8;
	[tilespmem:$0x16D20] =	vst v63  }
0x80: {  	_ =	swait.ge [sflag:s17], $0x1000  }
0x81: {  	[sflag:s17] =	ssyncset.done $0x0  }
0x82: {  	s25 =	simm.s32 $0x700;
	[sflag:s17] =	ssyncadd.s32 $0xFFFFF000  }
0x83: {  	[tilespmem:s19], [sflag:$0x7] =	stream.indirect.gather [spmem:s3], $0x20, s25, s20, $0xb8;
	[tilespmem:$0x16D20] =	vst v63  }
0x84: {  	_ =	swait.ge [sflag:s18], $0x1000  }
0x85: {  	[sflag:s18] =	ssyncset.done $0x0  }
0x86: {  	s4 =	simm.s32 $0x1000;
	s16 =	simm.s32 $0x780;
	[sflag:s18] =	ssyncadd.s32 $0xFFFFF000  }
.LBB2_2:
0x87: {  	[tilespmem:s26], [sflag:$0x8] =	stream.indirect.gather [spmem:s3], $0x20, s16, s20, $0xb8;
	[tilespmem:$0x16D20] =	vst v63  }
0x88: {  	s16 =	smov.u32 s4  }
0x89: {  	p1 =	sne.s32 s4, $0x8000;
	s4 =	sadd.s32 $0x1000, s4;
	_ =	swait.ge [sflag:s29], $0x1000  }
0x8a: {  	s16 =	sshra.s32 s16, $0x2;
	[sflag:s29] =	ssyncset.done $0x0  }
0x8b: {  	s7 =	sadd.s32 $0x2800, s16;
	[sflag:s29] =	ssyncadd.s32 $0xFFFFF000  }
0x8c: {  	[spmem:s2] =	stream.indirect.scatter.add.f32 [tilespmem:s21], [sflag:$0x9], $0x20, s7, s20, $0xb8;
	[tilespmem:$0x16D20] =	vst v63  }
0x8d: {  	_ =	swait.ge [sflag:s31], $0x1000  }
0x8e: {  	[sflag:s31] =	ssyncset.done $0x0  }
0x8f: {  	s7 =	sadd.s32 $0x2880, s16;
	[sflag:s31] =	ssyncadd.s32 $0xFFFFF000  }
0x90: {  	[spmem:s2] =	stream.indirect.scatter.add.f32 [tilespmem:s22], [sflag:$0xA], $0x20, s7, s20, $0xb8;
	[tilespmem:$0x16D20] =	vst v63  }
0x91: {  	_ =	swait.ge [sflag:s0], $0x1000  }
0x92: {  	[sflag:s0] =	ssyncset.done $0x0  }
0x93: {  	s7 =	sadd.s32 $0x2900, s16;
	[sflag:s0] =	ssyncadd.s32 $0xFFFFF000  }
0x94: {  	[spmem:s2] =	stream.indirect.scatter.add.f32 [tilespmem:s24], [sflag:$0xB], $0x20, s7, s20, $0xb8;
	[tilespmem:$0x16D20] =	vst v63  }
0x95: {  	_ =	swait.ge [sflag:s23], $0x1000  }
0x96: {  	[sflag:s23] =	ssyncset.done $0x0  }
0x97: {  	s7 =	sadd.s32 $0x2980, s16;
	[sflag:s23] =	ssyncadd.s32 $0xFFFFF000  }
0x98: {  	[spmem:s2] =	stream.indirect.scatter.add.f32 [tilespmem:s28], [sflag:$0xC], $0x20, s7, s20, $0xb8;
	[tilespmem:$0x16D20] =	vst v63  }
0x99: {  	_ =	swait.ge [sflag:s5], $0x1000  }
0x9a: {  	[sflag:s5] =	ssyncset.done $0x0  }
0x9b: {  	s7 =	sadd.s32 $0x2A00, s16;
	[sflag:s5] =	ssyncadd.s32 $0xFFFFF000  }
0x9c: {  	[spmem:s2] =	stream.indirect.scatter.add.f32 [tilespmem:s30], [sflag:$0xD], $0x20, s7, s20, $0xb8;
	[tilespmem:$0x16D20] =	vst v63  }
0x9d: {  	_ =	swait.ge [sflag:s8], $0x1000  }
0x9e: {  	[sflag:s8] =	ssyncset.done $0x0  }
0x9f: {  	s7 =	sadd.s32 $0x2A80, s16;
	[sflag:s8] =	ssyncadd.s32 $0xFFFFF000  }
0xa0: {  	[spmem:s2] =	stream.indirect.scatter.add.f32 [tilespmem:s1], [sflag:$0xE], $0x20, s7, s20, $0xb8;
	[tilespmem:$0x16D20] =	vst v63  }
0xa1: {  	_ =	swait.ge [sflag:s9], $0x1000  }
0xa2: {  	[sflag:s9] =	ssyncset.done $0x0  }
0xa3: {  	s7 =	sadd.s32 $0x2B00, s16;
	[sflag:s9] =	ssyncadd.s32 $0xFFFFF000  }
0xa4: {  	[spmem:s2] =	stream.indirect.scatter.add.f32 [tilespmem:s19], [sflag:$0xF], $0x20, s7, s20, $0xb8;
	[tilespmem:$0x16D20] =	vst v63  }
0xa5: {  	_ =	swait.ge [sflag:s10], $0x1000  }
0xa6: {  	[sflag:s10] =	ssyncset.done $0x0  }
0xa7: {  	s7 =	sadd.s32 $0x2B80, s16;
	[sflag:s10] =	ssyncadd.s32 $0xFFFFF000  }
0xa8: {  	[spmem:s2] =	stream.indirect.scatter.add.f32 [tilespmem:s26], [sflag:$0x10], $0x20, s7, s20, $0xb8;
	[tilespmem:$0x16D20] =	vst v63  }
0xa9: {  	_ =	swait.ge [sflag:s11], $0x1000  }
0xaa: {  	[sflag:s11] =	ssyncset.done $0x0  }
0xab: {  	s7 =	sadd.s32 $0x400, s16;
	[sflag:s11] =	ssyncadd.s32 $0xFFFFF000  }
0xac: {  	[tilespmem:s21], [sflag:$0x1] =	stream.indirect.gather [spmem:s3], $0x20, s7, s20, $0xb8;
	[tilespmem:$0x16D20] =	vst v63  }
0xad: {  	_ =	swait.ge [sflag:s6], $0x1000  }
0xae: {  	[sflag:s6] =	ssyncset.done $0x0  }
0xaf: {  	s7 =	sadd.s32 $0x480, s16;
	[sflag:s6] =	ssyncadd.s32 $0xFFFFF000  }
0xb0: {  	[tilespmem:s22], [sflag:$0x2] =	stream.indirect.gather [spmem:s3], $0x20, s7, s20, $0xb8;
	[tilespmem:$0x16D20] =	vst v63  }
0xb1: {  	_ =	swait.ge [sflag:s12], $0x1000  }
0xb2: {  	[sflag:s12] =	ssyncset.done $0x0  }
0xb3: {  	s7 =	sadd.s32 $0x500, s16;
	[sflag:s12] =	ssyncadd.s32 $0xFFFFF000  }
0xb4: {  	[tilespmem:s24], [sflag:$0x3] =	stream.indirect.gather [spmem:s3], $0x20, s7, s20, $0xb8;
	[tilespmem:$0x16D20] =	vst v63  }
0xb5: {  	_ =	swait.ge [sflag:s13], $0x1000  }
0xb6: {  	[sflag:s13] =	ssyncset.done $0x0  }
0xb7: {  	s7 =	sadd.s32 $0x580, s16;
	[sflag:s13] =	ssyncadd.s32 $0xFFFFF000  }
0xb8: {  	[tilespmem:s28], [sflag:$0x4] =	stream.indirect.gather [spmem:s3], $0x20, s7, s20, $0xb8;
	[tilespmem:$0x16D20] =	vst v63  }
0xb9: {  	_ =	swait.ge [sflag:s14], $0x1000  }
0xba: {  	[sflag:s14] =	ssyncset.done $0x0  }
0xbb: {  	s7 =	sadd.s32 $0x600, s16;
	[sflag:s14] =	ssyncadd.s32 $0xFFFFF000  }
0xbc: {  	[tilespmem:s30], [sflag:$0x5] =	stream.indirect.gather [spmem:s3], $0x20, s7, s20, $0xb8;
	[tilespmem:$0x16D20] =	vst v63  }
0xbd: {  	_ =	swait.ge [sflag:s15], $0x1000  }
0xbe: {  	[sflag:s15] =	ssyncset.done $0x0  }
0xbf: {  	s7 =	sadd.s32 $0x680, s16;
	[sflag:s15] =	ssyncadd.s32 $0xFFFFF000  }
0xc0: {  	[tilespmem:s1], [sflag:$0x6] =	stream.indirect.gather [spmem:s3], $0x20, s7, s20, $0xb8;
	[tilespmem:$0x16D20] =	vst v63  }
0xc1: {  	_ =	swait.ge [sflag:s17], $0x1000  }
0xc2: {  	[sflag:s17] =	ssyncset.done $0x0  }
.Ltmp0:
0xc3: {  	s7 =	sadd.s32 $0x700, s16;
	[sflag:s17] =	ssyncadd.s32 $0xFFFFF000;
	(pc) =	sbr.rel @p1 .LBB2_2-.Ltmp0, $4  }
0xc4: {  	[tilespmem:s19], [sflag:$0x7] =	stream.indirect.gather [spmem:s3], $0x20, s7, s20, $0xb8;
	[tilespmem:$0x16D20] =	vst v63  }
0xc5: {  	_ =	swait.ge [sflag:s18], $0x1000  }
0xc6: {  	[sflag:s18] =	ssyncset.done $0x0  }
0xc7: {  	s16 =	sadd.s32 $0x780, s16;
	[sflag:s18] =	ssyncadd.s32 $0xFFFFF000  }
0xc8: {  	[tilespmem:s26], [sflag:$0x8] =	stream.indirect.gather [spmem:s3], $0x20, s16, s20, $0xb8;
	[tilespmem:$0x16D20] =	vst v63  }
0xc9: {  	_ =	swait.ge [sflag:s29], $0x1000  }
0xca: {  	[sflag:s29] =	ssyncset.done $0x0  }
0xcb: {  	s4 =	simm.s32 $0x4C00;
	[sflag:s29] =	ssyncadd.s32 $0xFFFFF000  }
0xcc: {  	[spmem:s2] =	stream.indirect.scatter.add.f32 [tilespmem:s21], [sflag:$0x9], $0x20, s4, s20, $0xb8;
	[tilespmem:$0x16D20] =	vst v63  }
0xcd: {  	_ =	swait.ge [sflag:s31], $0x1000  }
0xce: {  	[sflag:s31] =	ssyncset.done $0x0  }
0xcf: {  	s25 =	simm.s32 $0x4C80;
	[sflag:s31] =	ssyncadd.s32 $0xFFFFF000  }
0xd0: {  	[spmem:s2] =	stream.indirect.scatter.add.f32 [tilespmem:s22], [sflag:$0xA], $0x20, s25, s20, $0xb8;
	[tilespmem:$0x16D20] =	vst v63  }
0xd1: {  	_ =	swait.ge [sflag:s0], $0x1000  }
0xd2: {  	[sflag:s0] =	ssyncset.done $0x0  }
0xd3: {  	s7 =	simm.s32 $0x4D00;
	[sflag:s0] =	ssyncadd.s32 $0xFFFFF000  }
0xd4: {  	[spmem:s2] =	stream.indirect.scatter.add.f32 [tilespmem:s24], [sflag:$0xB], $0x20, s7, s20, $0xb8;
	[tilespmem:$0x16D20] =	vst v63  }
0xd5: {  	_ =	swait.ge [sflag:s23], $0x1000  }
0xd6: {  	[sflag:s23] =	ssyncset.done $0x0  }
0xd7: {  	s16 =	simm.s32 $0x4D80;
	[sflag:s23] =	ssyncadd.s32 $0xFFFFF000  }
0xd8: {  	[spmem:s2] =	stream.indirect.scatter.add.f32 [tilespmem:s28], [sflag:$0xC], $0x20, s16, s20, $0xb8;
	[tilespmem:$0x16D20] =	vst v63  }
0xd9: {  	_ =	swait.ge [sflag:s5], $0x1000  }
0xda: {  	[sflag:s5] =	ssyncset.done $0x0  }
0xdb: {  	s25 =	simm.s32 $0x4E00;
	[sflag:s5] =	ssyncadd.s32 $0xFFFFF000  }
0xdc: {  	[spmem:s2] =	stream.indirect.scatter.add.f32 [tilespmem:s30], [sflag:$0xD], $0x20, s25, s20, $0xb8;
	[tilespmem:$0x16D20] =	vst v63  }
0xdd: {  	_ =	swait.ge [sflag:s8], $0x1000  }
0xde: {  	[sflag:s8] =	ssyncset.done $0x0  }
0xdf: {  	s7 =	simm.s32 $0x4E80;
	[sflag:s8] =	ssyncadd.s32 $0xFFFFF000  }
0xe0: {  	[spmem:s2] =	stream.indirect.scatter.add.f32 [tilespmem:s1], [sflag:$0xE], $0x20, s7, s20, $0xb8;
	[tilespmem:$0x16D20] =	vst v63  }
0xe1: {  	_ =	swait.ge [sflag:s9], $0x1000  }
0xe2: {  	[sflag:s9] =	ssyncset.done $0x0  }
0xe3: {  	s16 =	simm.s32 $0x4F00;
	[sflag:s9] =	ssyncadd.s32 $0xFFFFF000  }
0xe4: {  	[spmem:s2] =	stream.indirect.scatter.add.f32 [tilespmem:s19], [sflag:$0xF], $0x20, s16, s20, $0xb8;
	[tilespmem:$0x16D20] =	vst v63  }
0xe5: {  	_ =	swait.ge [sflag:s10], $0x1000  }
0xe6: {  	[sflag:s10] =	ssyncset.done $0x0  }
0xe7: {  	s25 =	simm.s32 $0x4F80;
	[sflag:s10] =	ssyncadd.s32 $0xFFFFF000  }
0xe8: {  	[spmem:s2] =	stream.indirect.scatter.add.f32 [tilespmem:s26], [sflag:$0x10], $0x20, s25, s20, $0xb8;
	[tilespmem:$0x16D20] =	vst v63  }
0xe9: {  	_ =	swait.ge [sflag:s11], $0x1000  }
0xea: {  	[sflag:s11] =	ssyncset.done $0x0  }
0xeb: {  	[sflag:s11] =	ssyncadd.s32 $0xFFFFF000  }
0xec: {  	_ =	swait.ge [sflag:s6], $0x1000  }
0xed: {  	[sflag:s6] =	ssyncset.done $0x0  }
0xee: {  	[sflag:s6] =	ssyncadd.s32 $0xFFFFF000  }
0xef: {  	_ =	swait.ge [sflag:s12], $0x1000  }
0xf0: {  	[sflag:s12] =	ssyncset.done $0x0  }
0xf1: {  	[sflag:s12] =	ssyncadd.s32 $0xFFFFF000  }
0xf2: {  	_ =	swait.ge [sflag:s13], $0x1000  }
0xf3: {  	[sflag:s13] =	ssyncset.done $0x0  }
0xf4: {  	[sflag:s13] =	ssyncadd.s32 $0xFFFFF000  }
0xf5: {  	_ =	swait.ge [sflag:s14], $0x1000  }
0xf6: {  	[sflag:s14] =	ssyncset.done $0x0  }
0xf7: {  	[sflag:s14] =	ssyncadd.s32 $0xFFFFF000  }
0xf8: {  	_ =	swait.ge [sflag:s15], $0x1000  }
0xf9: {  	[sflag:s15] =	ssyncset.done $0x0  }
0xfa: {  	[sflag:s15] =	ssyncadd.s32 $0xFFFFF000  }
0xfb: {  	_ =	swait.ge [sflag:s17], $0x1000  }
0xfc: {  	[sflag:s17] =	ssyncset.done $0x0  }
0xfd: {  	[sflag:s17] =	ssyncadd.s32 $0xFFFFF000  }
0xfe: {  	_ =	swait.ge [sflag:s18], $0x1000  }
0xff: {  	[sflag:s18] =	ssyncset.done $0x0  }
0x100: {  	[sflag:s18] =	ssyncadd.s32 $0xFFFFF000  }
0x101: {  	[bflag:$0x0] =	sbarrier.arrive $0xFFFF  }
0x102: {  	s7 =	rddreg [dreg:$0x6]  }
0x103: {  	s4 =	rddreg [dreg:$0xc]  }
0x104: {  	s16 =	rddreg [dreg:$0x11]  }
0x105: {  	[hbm:s4], [sflag:s7] =	dma.local @p0 [spmem:s16], $0x820  }
0x106: {  	s4 =	simm.s32 @p0 $0x11  }
0x107: {  	_ =	swait.ge @p0 [sflag:s4], $0x820  }
0x108: {  	[sflag:s4] =	ssyncset.done @p0 $0x0  }
0x109: {  	[sflag:s4] =	ssyncadd.s32 @p0 $0xFFFFF7E0;
	s4 =	rddreg [dreg:$0x5]  }
0x10a: {  	s16 =	rddreg [dreg:$0xb];
	s4 =	sshrl.u32 @!p0 s4, $0x3  }
0x10b: {  	[hbm:s16], [sflag:s7] =	dma.local @!p0 [spmem:s4], $0x9E0  }
0x10c: {  	s4 =	simm.s32 @!p0 $0x11  }
0x10d: {  	_ =	swait.ge @!p0 [sflag:s4], $0x9E0  }
0x10e: {  	s25 =	rddreg [dreg:$0x12]  }
0x10f: {  	s16 =	rddreg [dreg:$0xd];
	s25 =	sadd.s32 $0x1, s25  }
0x110: {  	p1 =	sne.s32 s25, s16  }
.Ltmp1:
0x111: {  	_ = 	snop;
	(pc) =	sbr.rel @p1 .LBB2_1-.Ltmp1, $3  }
0x112: {  	_ =	sdelay $0x1  }
0x113: {  	[sflag:s4] =	ssyncset.done @!p0 $0x0  }
0x114: {  	[sflag:s4] =	ssyncadd.s32 @!p0 $0xFFFFF620  }
0x115: {  	_ =	sfence.sel $0x180000  }
0x116: {  	[bflag:$0x0] =	sbarrier.arrive $0xFFFF  }
0x117: {  	_ =	strace $0x9000004A  }
0x118: {  	s0 =	stileid.u32;
	[bflag:$0x2] =	sbarrier.arrive $0xFFFF  }
0x119: {  	p0 =	sne.s32 s0, $0x0;
	s0 =	rddreg [dreg:$0x3]  }
0x11a: {  	s0 =	sadd.s32 @!p0 $0x100000, s0  }
0x11b: {  	[sflag:s0] =	ssyncadd.tile.s32 @!p0 $0x1;
	_ =	shalt  }
.Lfunc_end2:
_tile_overlayer_lowered:
.L_overlay_start_2:
0x11c: {  	(tag) =	ssettag $0x2  }
0x11d: {  	s0 =	rddreg [dreg:$0x0];
	s2 =	stileid.u32  }
0x11e: {  	s1 =	rddreg [dreg:$0x1];
	p0 =	sne.s32 s2, $0x0  }
0x11f: {  	s3 =	rddreg [dreg:$0x2];
	[bflag:$0x3] =	sbarrier.arrive $0xFFFF;
	s2 =	simm.s32 @!p0 $0x1C11  }
0x120: {  	[timem:s3], [sflag:s2] =	dma.local @!p0 [hbm:s0], s1  }
0x121: {  	s0 =	simm.s32 @!p0 $0x11  }
0x122: {  	_ =	swait.ge @!p0 [sflag:s0], s1  }
0x123: {  	s1 =	ssub.s32 @!p0 $0x0, s1;
	[sflag:s0] =	ssyncset.done @!p0 $0x0  }
0x124: {  	[sflag:s0] =	ssyncadd.s32 @!p0 s1  }
0x125: {  	[bflag:$0x3] =	sbarrier.arrive $0xFFFF  }
0x126: {  	_ =	shalt  }

// kernel: kernel.14.cloned.1.call-start
scs
__scs_entry_jumppad:
0x0: {  	(pc) =	sbr.rel $0x88, $3  }
0x1: {  	(tag) =	ssettag $0x0;
	lr =	simm.s32 $0x1  }
0x2: {  	[smem:$0x3F93] =	sst lr;
	_ =	strace $0xD0000000  }
0x3: {  	_ = 	snop  }
0x4: {  	_ = 	snop  }
0x5: {  	_ = 	snop  }
0x6: {  	_ = 	snop  }
0x7: {  	_ = 	snop  }
__scs_overlays_trampoline_lowered:
0x8: {  	[smem:$0x3FA2] =	sst s0  }
0x9: {  	[smem:$0x3FA3] =	sst s1  }
0xa: {  	[smem:$0x3FA4] =	sst s2  }
0xb: {  	[smem:$0x3FA5] =	sst s3  }
0xc: {  	[smem:$0x3FA6] =	sst s4  }
0xd: {  	[smem:$0x3FA7] =	sst s5  }
0xe: {  	[smem:$0x3FA8] =	sst s6  }
0xf: {  	[smem:$0x3FA9] =	sst s7  }
0x10: {  	[smem:$0x3FAA] =	sst s8  }
0x11: {  	[smem:$0x3FAB] =	sst s9;
	s0 =	simm.s32 @!p0 $0x0  }
0x12: {  	s1 =	sld [smem:$0x3F91];
	s0 =	simm.s32 @p0 $0x1  }
0x13: {  	[smem:$0x3FAC] =	sst s0;
	s0 =	simm.s32 @!p1 $0x0  }
0x14: {  	s2 =	sld [smem:$0x3F90];
	s0 =	simm.s32 @p1 $0x1  }
0x15: {  	[smem:$0x3FAD] =	sst s0;
	s0 =	simm.s32 @!p2 $0x0  }
0x16: {  	s3 =	sld [smem:$0x3FDB];
	s0 =	simm.s32 @p2 $0x1  }
0x17: {  	s4 =	simm.s32 $0x1BF5;
	[smem:$0x3FAF] =	sst s0  }
0x18: {  	s0 =	sld [smem:$0x3F92];
	_ =	swait.ge [sflag:s4], $0x0  }
0x19: {  	s7 =	sld [smem:$0x3F93]  }
0x1a: {  	s8 =	sadd.s32 $0xFFFFE003, lr  }
0x1b: {  	s9 =	sadd.s32 $0xFFFFFEF7, lr;
	s5 =	simm.s32 $0xFFFFFFFF;
	p2 =	slt.u32 s8, $0xFFFFF086  }
0x1c: {  	p1 =	slt.u32 s9, $0xF7A;
	s5 =	simm.s32 @!p2 $0x0  }
0x1d: {  	s5 =	simm.s32 @p1 $0x1;
	p0 =	seq.s32 s7, s2  }
0x1e: {  	s7 =	smul.u32 @!p0 $0xF7A, s2;
	p2 =	seq.s32 @!p0 s5, $0x0  }
0x1f: {  	s9 =	smul.u32 $0xF7A, s1;
	s8 =	simm.s32 @!p0 $0x1BF5;
	p2 =	por !p2, p0  }
0x20: {  	[sflag:s8] =	ssyncset.s32 @!p0 $0xFFFFF086;
	s6 =	sadd.s32 @!p0 s3, s7;
	s7 =	simm.s32 @!p0 $0x108  }
0x21: {  	s3 =	sadd.s32 s3, s9;
	s6 =	sadd.s32 @!p0 $0x88, s6;
	s7 =	simm.s32 @p2 $0x1082  }
0x22: {  	[simem:s7], [sflag:s8] =	dma.local @!p0 [hbm:s6], $0xF7A  }
0x23: {  	s9 =	sor.u32 $0xD0000000, s2;
	s6 =	simm.s32 $0x108;
	_ =	swait.ge @!p0 [sflag:s8], $0x0  }
0x24: {  	s3 =	sadd.s32 $0x88, s3;
	s6 =	simm.s32 @!p1 $0x1082;
	[sflag:s4] =	ssyncset.s32 $0xFFFFF086  }
0x25: {  	[simem:s6], [sflag:s4] =	dma.local [hbm:s3], $0xF7A  }
0x26: {  	[smem:$0x3F93] =	sst s1;
	(tag) =	ssettag s2;
	_ =	strace s9  }
0x27: {  	s1 =	sld [smem:$0x3FA3]  }
0x28: {  	s2 =	sld [smem:$0x3FA4]  }
0x29: {  	s4 =	sld [smem:$0x3FA6]  }
0x2a: {  	p0 =	seq.s32 s5, $0x0;
	s5 =	sld [smem:$0x3FA7]  }
0x2b: {  	s6 =	sld [smem:$0x3FA8]  }
0x2c: {  	s7 =	sld [smem:$0x3FA9]  }
0x2d: {  	s3 =	simm.s32 $0x108;
	s8 =	sld [smem:$0x3FAA]  }
0x2e: {  	s3 =	simm.s32 @!p0 $0x1082;
	s9 =	sld [smem:$0x3FAB]  }
0x2f: {  	lr =	sadd.s32 s0, s3;
	s0 =	sld [smem:$0x3FA2]  }
0x30: {  	s3 =	sld [smem:$0x3FA5]  }
0x31: {  	[smem:$0x3FAE] =	sst s10  }
0x32: {  	s10 =	sld [smem:$0x3FAC];
	_ =	sdelay $0x3  }
0x33: {  	p0 =	seq.s32 s10, $0x1;
	s10 =	sld [smem:$0x3FAE];
	_ =	sdelay $0x3  }
0x34: {  	[smem:$0x3FAE] =	sst s10  }
0x35: {  	s10 =	sld [smem:$0x3FAD];
	_ =	sdelay $0x3  }
0x36: {  	p1 =	seq.s32 s10, $0x1;
	s10 =	sld [smem:$0x3FAE];
	_ =	sdelay $0x3  }
0x37: {  	[smem:$0x3FAE] =	sst s10  }
0x38: {  	s10 =	sld [smem:$0x3FAF]  }
0x39: {  	_ = 	snop;
	(pc) =	sbr.ind lr, $3  }
0x3a: {  	_ = 	snop  }
0x3b: {  	_ = 	snop  }
0x3c: {  	p2 =	seq.s32 s10, $0x1;
	s10 =	sld [smem:$0x3FAE]  }
0x3d: {  	_ =	shalt  }
0x3e: {  	_ =	shalt  }
0x3f: {  	_ =	shalt  }
0x40: {  	_ =	shalt  }
0x41: {  	_ =	shalt  }
0x42: {  	_ =	shalt  }
0x43: {  	_ =	shalt  }
0x44: {  	_ =	shalt  }
0x45: {  	_ =	shalt  }
0x46: {  	_ =	shalt  }
0x47: {  	_ =	shalt  }
0x48: {  	_ =	shalt  }
0x49: {  	_ =	shalt  }
0x4a: {  	_ =	shalt  }
0x4b: {  	_ =	shalt  }
0x4c: {  	_ =	shalt  }
0x4d: {  	_ =	shalt  }
0x4e: {  	_ =	shalt  }
0x4f: {  	_ =	shalt  }
0x50: {  	_ =	shalt  }
0x51: {  	_ =	shalt  }
0x52: {  	_ =	shalt  }
0x53: {  	_ =	shalt  }
0x54: {  	_ =	shalt  }
0x55: {  	_ =	shalt  }
0x56: {  	_ =	shalt  }
0x57: {  	_ =	shalt  }
0x58: {  	_ =	shalt  }
0x59: {  	_ =	shalt  }
0x5a: {  	_ =	shalt  }
0x5b: {  	_ =	shalt  }
0x5c: {  	_ =	shalt  }
0x5d: {  	_ =	shalt  }
0x5e: {  	_ =	shalt  }
0x5f: {  	_ =	shalt  }
0x60: {  	_ =	shalt  }
0x61: {  	_ =	shalt  }
0x62: {  	_ =	shalt  }
0x63: {  	_ =	shalt  }
0x64: {  	_ =	shalt  }
0x65: {  	_ =	shalt  }
0x66: {  	_ =	shalt  }
0x67: {  	_ =	shalt  }
0x68: {  	_ =	shalt  }
0x69: {  	_ =	shalt  }
0x6a: {  	_ =	shalt  }
0x6b: {  	_ =	shalt  }
0x6c: {  	_ =	shalt  }
0x6d: {  	_ =	shalt  }
0x6e: {  	_ =	shalt  }
0x6f: {  	_ =	shalt  }
0x70: {  	_ =	shalt  }
0x71: {  	_ =	shalt  }
0x72: {  	_ =	shalt  }
0x73: {  	_ =	shalt  }
0x74: {  	_ =	shalt  }
0x75: {  	_ =	shalt  }
0x76: {  	_ =	shalt  }
0x77: {  	_ =	shalt  }
0x78: {  	_ =	shalt  }
0x79: {  	_ =	shalt  }
0x7a: {  	_ =	shalt  }
0x7b: {  	_ =	shalt  }
0x7c: {  	_ =	shalt  }
0x7d: {  	_ =	shalt  }
0x7e: {  	_ =	shalt  }
0x7f: {  	_ =	shalt  }
0x80: {  	_ =	shalt  }
0x81: {  	_ =	shalt  }
0x82: {  	_ =	shalt  }
0x83: {  	_ =	shalt  }
0x84: {  	_ =	shalt  }
0x85: {  	_ =	shalt  }
0x86: {  	_ =	shalt  }
0x87: {  	_ =	shalt  }
.Lfunc_end0:
.L_simem_size_0:
called_computation.2_lowered:
.L_overlay_start_0:
0x88: {  	s2 =	sld [smem:$0x3FD9]  }
0x89: {  	s3 =	sld [smem:$0x3FFE];
	_ =	sdelay $0x1  }
0x8a: {  	s1 =	srdreg.scid  }
0x8b: {  	s0 =	sand.u32 $0x1, s1  }
0x8c: {  	s16 =	sshll.u32 s0, $0xA;
	s2 =	sadd.s32 s3, s2  }
0x8d: {  	s2 =	sadd.s32 s2, s16  }
0x8e: {  	[smem:$0x3FBA] =	sst s2  }
0x8f: {  	_ = 	snop  }
0x90: {  	(tm) =	ssettm $0x1  }
0x91: {  	s17 =	sld [smem:$0x3FFB];
	_ =	sdelay $0x3  }
0x92: {  	_ =	strace s17  }
0x93: {  	s2 =	sld [smem:$0x3FFC];
	_ =	sdelay $0x3  }
0x94: {  	_ =	strace s2  }
0x95: {  	s2 =	sld [smem:$0x3FFD];
	_ =	sdelay $0x3  }
0x96: {  	_ =	strace s2  }
0x97: {  	_ =	strace $0x8FFFFFFF  }
0x98: {  	s18 =	sld [smem:$0x3FDB];
	_ =	sdelay $0x1  }
0x99: {  	s19 =	simm.s32 $_scs_section_size  }
0x9a: {  	s4 =	simm.s32 $_size__tile_overlayer_lowered;
	s5 =	simm.s32 $_tile_overlayer_lowered  }
0x9b: {  	s22 =	simm.s32 $0x1BFF;
	s21 =	sshll.u32 s5, $0x1;
	s2 =	sadd.s32 s19, s18  }
0x9c: {  	s6 =	simm.s32 $0x0;
	s20 =	sshll.u32 s4, $0x1;
	s4 =	sadd.s32 s21, s2  }
0x9d: {  	[timem:s6], [sflag:s22] =	dma.local [hbm:s4], s20  }
0x9e: {  	_ =	swait.ge [sflag:s22], s20  }
0x9f: {  	s3 =	ssub.s32 $0x0, s20;
	[sflag:s22] =	ssyncset.done $0x0  }
0xa0: {  	[sflag:s22] =	ssyncadd.s32 s3;
	_ =	sdelay $0x1  }
0xa1: {  	s23 =	simm.s32 $0x1B8B  }
0xa2: {  	_ =	swait.ge [sflag:s23], $0x1  }
0xa3: {  	[sflag:s23] =	ssyncset.done $0x0  }
0xa4: {  	s25 =	simm.s32 $0x1B8E;
	s24 =	sld [smem:$0x3FFE];
	[sflag:s23] =	ssyncadd.s32 $0xFFFFFFFF  }
0xa5: {  	s26 =	simm.s32 $execute0_lowered;
	[smem:$0x3FD2] =	sst s25  }
0xa6: {  	s4 =	sshll.u32 s26, $0x1;
	_ =	strace $0x8000004C;
	[dreg:$0x1] =	wrdreg $0xFFFFFFFF  }
0xa7: {  	s28 =	simm.s32 $_size_execute0_lowered;
	s2 =	sadd.s32 s2, s4;
	[dreg:$0x0] =	wrdreg $0x0  }
0xa8: {  	s4 =	sshll.u32 s28, $0x1;
	[dreg:$0x2] =	wrdreg s2  }
0xa9: {  	[dreg:$0x3] =	wrdreg s4  }
0xaa: {  	[dreg:$0x4] =	wrdreg $0xC0  }
0xab: {  	_ =	task [dreg:s6], $0x5FFFF  }
0xac: {  	[dreg:$0x1] =	wrdreg $0xFFFFFFFF  }
0xad: {  	[dreg:$0x0] =	wrdreg $0x60  }
0xae: {  	[dreg:$0x2] =	wrdreg s24  }
0xaf: {  	[dreg:$0x3] =	wrdreg $0x11E200  }
0xb0: {  	[dreg:$0x4] =	wrdreg $0xD0000  }
0xb1: {  	[dreg:$0x5] =	wrdreg $0x9  }
0xb2: {  	_ =	task.clear_ibuf [dreg:s6], $0x6FFFF;
	_ =	strace $0x9000004C  }
0xb3: {  	s29 =	simm.s32 $0x9;
	_ =	strace $0x8000004E  }
0xb4: {  	_ =	swait.ge [sflag:s29], $0x1  }
0xb5: {  	[sflag:s29] =	ssyncadd.s32 $0xFFFFFFFF  }
0xb6: {  	_ =	strace $0x9000004E  }
0xb7: {  	_ =	sfence  }
0xb8: {  	s30 =	sld [smem:$0x0];
	_ =	sdelay $0x2  }
0xb9: {  	s31 =	sshll.u32 s1, $0xD;
	s1 =	sshrl.u32 s1, $0x2  }
0xba: {  	s3 =	sand.u32 $0x4000, s31;
	s1 =	sadd.s32 s1, s30  }
0xbb: {  	s0 =	sor.u32 s3, s0;
	s1 =	sshll.u32 s1, $0x11  }
0xbc: {  	s0 =	sor.u32 s1, s0  }
0xbd: {  	s0 =	sadd.s32 $0x8F2B, s0  }
0xbe: {  	[sflag:s0] =	ssyncadd.remote.s32 $0x1  }
0xbf: {  	_ =	sfence.sel $0xFFFF  }
0xc0: {  	[dreg:$0x0] =	wrdreg $0xFFFFFFFF;
	(pc) =	sbr.abs _section_cstart, $3  }
0xc1: {  	[dreg:$0x1] =	wrdreg $0xFFFFFFFF  }
0xc2: {  	_ =	task.clear_ibuf [dreg:s6], $0x2FFFF;
	_ =	strace $0x9FFFFFFF  }
0xc3: {  	(tm) =	ssettm $0x7FFFFFFF  }
tec
execute0_lowered:
.L_overlay_start_1:
0x0: {  	(tag) =	ssettag $0x1  }
0x1: {  	s0 =	srdreg.scid;
	s1 =	rddreg [dreg:$0x0]  }
0x2: {  	s2 =	rddreg [dreg:$0x1];
	s11 =	stileid.u32  }
0x3: {  	s3 =	rddreg [dreg:$0x2];
	s6 =	simm.s32 $0x0;
	s28 =	simm.s32 $0x8000  }
0x4: {  	s30 =	simm.s32 $0x9000;
	s19 =	simm.s32 $0xB000;
	s29 =	simm.s32 $0x1  }
0x5: {  	s31 =	simm.s32 $0x2;
	s13 =	simm.s32 $0xC;
	s14 =	simm.s32 $0xD  }
0x6: {  	s15 =	simm.s32 $0xE;
	s17 =	simm.s32 $0xF;
	s18 =	simm.s32 $0x10  }
0x7: {  	s0 =	sand.u32 $0x1, s0;
	s5 =	smul.u32 $0x4F00, s11;
	[smem:$0x7FF] =	sst s6  }
0x8: {  	s8 =	sadd.s32 $0xBC00, s1;
	s21 =	sadd.s32 $0xC600, s1;
	s22 =	sshll.u32 s11, $0x6  }
0x9: {  	p0 =	seq.s32 s11, $0xF;
	s4 =	sshll.u32 s0, $0x4;
	_ =	strace $0x8000004D  }
0xa: {  	s7 =	ssub.s32 $0x2, s0;
	[dreg:$0x4] =	wrdreg s8;
	s0 =	smul.u32 $0x4E200, s0  }
0xb: {  	s8 =	simm.s32 $0x6;
	s4 =	sor.u32 s11, s4;
	s20 =	sshrl.u32 s5, $0x3  }
0xc: {  	s9 =	sshrl.u32 s7, $0x1;
	s12 =	sadd.s32 s5, s2;
	s10 =	sadd.s32 s5, s3  }
0xd: {  	s11 =	simm.s32 $0x9;
	s4 =	smul.u32 $0x2800, s4;
	s6 =	sadd.s32 s20, s1  }
0xe: {  	s9 =	ssub.s32 s7, s9;
	s7 =	sor.u32 $0x1C11, s22;
	s24 =	sadd.s32 s5, s0  }
0xf: {  	s0 =	sshrl.u32 s0, $0x3;
	[dreg:$0x5] =	wrdreg s12;
	s26 =	sshrl.u32 s12, $0x3  }
0x10: {  	s20 =	simm.s32 $0x80;
	s22 =	simm.s32 $0x6000;
	s5 =	simm.s32 $0x5  }
0x11: {  	s12 =	simm.s32 $0xB;
	s6 =	sadd.s32 $0x1E00, s6;
	s0 =	sadd.s32 s21, s0  }
0x12: {  	s25 =	smax.u32 s9, $0x1;
	[dreg:$0xe] =	wrdreg s26;
	s26 =	simm.s32 $0xC000  }
0x13: {  	s9 =	simm.s32 $0x7;
	[dreg:$0x6] =	wrdreg s7;
	s4 =	sshrl.u32 s4, $0x3  }
0x14: {  	[dreg:$0x7] =	wrdreg s6;
	s6 =	sadd.s32 $0x4A100, s3;
	s0 =	sadd.s32 $0x9420, s0  }
0x15: {  	[dreg:$0xd] =	wrdreg s25;
	s25 =	simm.s32 $0x0;
	s4 =	sadd.s32 s4, s1  }
0x16: {  	s1 =	sadd.s32 $0xB220, s1;
	[dreg:$0xc] =	wrdreg s0;
	s0 =	sadd.s32 $0x4A100, s2  }
0x17: {  	[dreg:$0x8] =	wrdreg s1;
	s23 =	sadd.s32 $0x29000, s4;
	s4 =	sadd.s32 $0x33000, s4  }
0x18: {  	s1 =	sshrl.u32 s24, $0x3;
	s24 =	simm.s32 $0x7000;
	[dreg:$0x9] =	wrdreg s23  }
0x19: {  	s0 =	sshrl.u32 @p0 s0, $0x3;
	[dreg:$0xa] =	wrdreg s4;
	s1 =	sadd.s32 s21, s1  }
0x1a: {  	s21 =	simm.s32 $0x5000;
	[dreg:$0x11] =	wrdreg s0;
	s0 =	simm.s32 $0x3  }
0x1b: {  	s23 =	simm.s32 $0x4;
	[dreg:$0xb] =	wrdreg s1;
	s1 =	sshrl.u32 @p0 s6, $0x3  }
0x1c: {  	s6 =	simm.s32 $0xA;
	[dreg:$0xf] =	wrdreg s1;
	s1 =	sshrl.u32 @!p0 s10, $0x3  }
0x1d: {  	s10 =	simm.s32 $0x8;
	[dreg:$0x10] =	wrdreg s1;
	s1 =	simm.s32 $0xA000  }
.LBB2_1:
0x1e: {  	[dreg:$0x12] =	wrdreg s25  }
0x1f: {  	s4 =	rddreg [dreg:$0x4]  }
0x20: {  	s16 =	rddreg [dreg:$0xe]  }
0x21: {  	[spmem:s16], [sflag:s7] =	dma.local [hbm:s4], $0x9E0  }
0x22: {  	s16 =	simm.s32 $0x11  }
0x23: {  	_ =	swait.ge [sflag:s16], $0x9E0  }
0x24: {  	[sflag:s16] =	ssyncset.done $0x0;
	s4 =	rddreg [dreg:$0x8]  }
0x25: {  	s25 =	rddreg [dreg:$0xf];
	[sflag:s16] =	ssyncadd.s32 $0xFFFFF620  }
0x26: {  	[spmem:s25], [sflag:s7] =	dma.local @p0 [hbm:s4], $0x820  }
0x27: {  	s4 =	simm.s32 @p0 $0x11  }
0x28: {  	_ =	swait.ge @p0 [sflag:s4], $0x820  }
0x29: {  	[sflag:s4] =	ssyncset.done @p0 $0x0;
	s25 =	rddreg [dreg:$0x10]  }
0x2a: {  	[sflag:s4] =	ssyncadd.s32 @p0 $0xFFFFF7E0;
	s4 =	rddreg [dreg:$0x7]  }
0x2b: {  	[spmem:s25], [sflag:s7] =	dma.local @!p0 [hbm:s4], $0x9E0  }
0x2c: {  	s4 =	simm.s32 @!p0 $0x11  }
0x2d: {  	_ =	swait.ge @!p0 [sflag:s4], $0x9E0  }
0x2e: {  	[sflag:s4] =	ssyncset.done @!p0 $0x0  }
0x2f: {  	s25 =	rddreg [dreg:$0x9];
	[sflag:s4] =	ssyncadd.s32 @!p0 $0xFFFFF620;
	s4 =	simm.s32 $0x0  }
0x30: {  	[tilespmem:s4], [sflag:$0x11] =	stream.linear.gather [hbm4b:s25+s4], $0x2800, $0x38;
	[tilespmem:$0x16D20] =	vst v63  }
0x31: {  	_ =	swait.ge [sflag:s16], $0x2800  }
0x32: {  	[sflag:s16] =	ssyncset.done $0x0  }
0x33: {  	s25 =	simm.s32 $0x2800;
	s7 =	rddreg [dreg:$0xa];
	[sflag:s16] =	ssyncadd.s32 $0xFFFFD800  }
0x34: {  	[tilespmem:s25], [sflag:$0x11] =	stream.linear.gather [hbm4b:s7+s4], $0x2800, $0x38;
	[tilespmem:$0x16D20] =	vst v63  }
0x35: {  	_ =	swait.ge [sflag:s16], $0x2800  }
0x36: {  	[sflag:s16] =	ssyncset.done $0x0  }
0x37: {  	[sflag:s16] =	ssyncadd.s32 $0xFFFFD800  }
0x38: {  	[bflag:$0x0] =	sbarrier.arrive $0xFFFF  }
0x39: {  	[tilespmem:s21], [sflag:$0x1] =	stream.indirect.gather [spmem:s3], $0x20, s4, s20, $0xb8;
	[tilespmem:$0x16D20] =	vst v63  }
0x3a: {  	_ = 	snop  }
0x3b: {  	[tilespmem:s22], [sflag:$0x2] =	stream.indirect.gather [spmem:s3], $0x20, s20, s20, $0xb8;
	[tilespmem:$0x16D20] =	vst v63  }
0x3c: {  	s7 =	simm.s32 $0x100  }
0x3d: {  	[tilespmem:s24], [sflag:$0x3] =	stream.indirect.gather [spmem:s3], $0x20, s7, s20, $0xb8;
	[tilespmem:$0x16D20] =	vst v63  }
0x3e: {  	s16 =	simm.s32 $0x180  }
0x3f: {  	[tilespmem:s28], [sflag:$0x4] =	stream.indirect.gather [spmem:s3], $0x20, s16, s20, $0xb8;
	[tilespmem:$0x16D20] =	vst v63  }
0x40: {  	s25 =	simm.s32 $0x200  }
0x41: {  	[tilespmem:s30], [sflag:$0x5] =	stream.indirect.gather [spmem:s3], $0x20, s25, s20, $0xb8;
	[tilespmem:$0x16D20] =	vst v63  }
0x42: {  	s7 =	simm.s32 $0x280  }
0x43: {  	[tilespmem:s1], [sflag:$0x6] =	stream.indirect.gather [spmem:s3], $0x20, s7, s20, $0xb8;
	[tilespmem:$0x16D20] =	vst v63  }
0x44: {  	s16 =	simm.s32 $0x300  }
0x45: {  	[tilespmem:s19], [sflag:$0x7] =	stream.indirect.gather [spmem:s3], $0x20, s16, s20, $0xb8;
	[tilespmem:$0x16D20] =	vst v63  }
0x46: {  	s25 =	simm.s32 $0x380  }
0x47: {  	[tilespmem:s26], [sflag:$0x8] =	stream.indirect.gather [spmem:s3], $0x20, s25, s20, $0xb8;
	[tilespmem:$0x16D20] =	vst v63  }
0x48: {  	_ =	swait.ge [sflag:s29], $0x1000  }
0x49: {  	[sflag:s29] =	ssyncset.done $0x0  }
0x4a: {  	s7 =	simm.s32 $0x2800;
	[sflag:s29] =	ssyncadd.s32 $0xFFFFF000  }
0x4b: {  	[spmem:s2] =	stream.indirect.scatter.add.f32 [tilespmem:s21], [sflag:$0x9], $0x20, s7, s20, $0xb8;
	[tilespmem:$0x16D20] =	vst v63  }
0x4c: {  	_ =	swait.ge [sflag:s31], $0x1000  }
0x4d: {  	[sflag:s31] =	ssyncset.done $0x0  }
0x4e: {  	s16 =	simm.s32 $0x2880;
	[sflag:s31] =	ssyncadd.s32 $0xFFFFF000  }
0x4f: {  	[spmem:s2] =	stream.indirect.scatter.add.f32 [tilespmem:s22], [sflag:$0xA], $0x20, s16, s20, $0xb8;
	[tilespmem:$0x16D20] =	vst v63  }
0x50: {  	_ =	swait.ge [sflag:s0], $0x1000  }
0x51: {  	[sflag:s0] =	ssyncset.done $0x0  }
0x52: {  	s25 =	simm.s32 $0x2900;
	[sflag:s0] =	ssyncadd.s32 $0xFFFFF000  }
0x53: {  	[spmem:s2] =	stream.indirect.scatter.add.f32 [tilespmem:s24], [sflag:$0xB], $0x20, s25, s20, $0xb8;
	[tilespmem:$0x16D20] =	vst v63  }
0x54: {  	_ =	swait.ge [sflag:s23], $0x1000  }
0x55: {  	[sflag:s23] =	ssyncset.done $0x0  }
0x56: {  	s7 =	simm.s32 $0x2980;
	[sflag:s23] =	ssyncadd.s32 $0xFFFFF000  }
0x57: {  	[spmem:s2] =	stream.indirect.scatter.add.f32 [tilespmem:s28], [sflag:$0xC], $0x20, s7, s20, $0xb8;
	[tilespmem:$0x16D20] =	vst v63  }
0x58: {  	_ =	swait.ge [sflag:s5], $0x1000  }
0x59: {  	[sflag:s5] =	ssyncset.done $0x0  }
0x5a: {  	s16 =	simm.s32 $0x2A00;
	[sflag:s5] =	ssyncadd.s32 $0xFFFFF000  }
0x5b: {  	[spmem:s2] =	stream.indirect.scatter.add.f32 [tilespmem:s30], [sflag:$0xD], $0x20, s16, s20, $0xb8;
	[tilespmem:$0x16D20] =	vst v63  }
0x5c: {  	_ =	swait.ge [sflag:s8], $0x1000  }
0x5d: {  	[sflag:s8] =	ssyncset.done $0x0  }
0x5e: {  	s25 =	simm.s32 $0x2A80;
	[sflag:s8] =	ssyncadd.s32 $0xFFFFF000  }
0x5f: {  	[spmem:s2] =	stream.indirect.scatter.add.f32 [tilespmem:s1], [sflag:$0xE], $0x20, s25, s20, $0xb8;
	[tilespmem:$0x16D20] =	vst v63  }
0x60: {  	_ =	swait.ge [sflag:s9], $0x1000  }
0x61: {  	[sflag:s9] =	ssyncset.done $0x0  }
0x62: {  	s7 =	simm.s32 $0x2B00;
	[sflag:s9] =	ssyncadd.s32 $0xFFFFF000  }
0x63: {  	[spmem:s2] =	stream.indirect.scatter.add.f32 [tilespmem:s19], [sflag:$0xF], $0x20, s7, s20, $0xb8;
	[tilespmem:$0x16D20] =	vst v63  }
0x64: {  	_ =	swait.ge [sflag:s10], $0x1000  }
0x65: {  	[sflag:s10] =	ssyncset.done $0x0  }
0x66: {  	s16 =	simm.s32 $0x2B80;
	[sflag:s10] =	ssyncadd.s32 $0xFFFFF000  }
0x67: {  	[spmem:s2] =	stream.indirect.scatter.add.f32 [tilespmem:s26], [sflag:$0x10], $0x20, s16, s20, $0xb8;
	[tilespmem:$0x16D20] =	vst v63  }
0x68: {  	_ =	swait.ge [sflag:s11], $0x1000  }
0x69: {  	[sflag:s11] =	ssyncset.done $0x0  }
0x6a: {  	s25 =	simm.s32 $0x400;
	[sflag:s11] =	ssyncadd.s32 $0xFFFFF000  }
0x6b: {  	[tilespmem:s21], [sflag:$0x1] =	stream.indirect.gather [spmem:s3], $0x20, s25, s20, $0xb8;
	[tilespmem:$0x16D20] =	vst v63  }
0x6c: {  	_ =	swait.ge [sflag:s6], $0x1000  }
0x6d: {  	[sflag:s6] =	ssyncset.done $0x0  }
0x6e: {  	s7 =	simm.s32 $0x480;
	[sflag:s6] =	ssyncadd.s32 $0xFFFFF000  }
0x6f: {  	[tilespmem:s22], [sflag:$0x2] =	stream.indirect.gather [spmem:s3], $0x20, s7, s20, $0xb8;
	[tilespmem:$0x16D20] =	vst v63  }
0x70: {  	_ =	swait.ge [sflag:s12], $0x1000  }
0x71: {  	[sflag:s12] =	ssyncset.done $0x0  }
0x72: {  	s16 =	simm.s32 $0x500;
	[sflag:s12] =	ssyncadd.s32 $0xFFFFF000  }
0x73: {  	[tilespmem:s24], [sflag:$0x3] =	stream.indirect.gather [spmem:s3], $0x20, s16, s20, $0xb8;
	[tilespmem:$0x16D20] =	vst v63  }
0x74: {  	_ =	swait.ge [sflag:s13], $0x1000  }
0x75: {  	[sflag:s13] =	ssyncset.done $0x0  }
0x76: {  	s25 =	simm.s32 $0x580;
	[sflag:s13] =	ssyncadd.s32 $0xFFFFF000  }
0x77: {  	[tilespmem:s28], [sflag:$0x4] =	stream.indirect.gather [spmem:s3], $0x20, s25, s20, $0xb8;
	[tilespmem:$0x16D20] =	vst v63  }
0x78: {  	_ =	swait.ge [sflag:s14], $0x1000  }
0x79: {  	[sflag:s14] =	ssyncset.done $0x0  }
0x7a: {  	s7 =	simm.s32 $0x600;
	[sflag:s14] =	ssyncadd.s32 $0xFFFFF000  }
0x7b: {  	[tilespmem:s30], [sflag:$0x5] =	stream.indirect.gather [spmem:s3], $0x20, s7, s20, $0xb8;
	[tilespmem:$0x16D20] =	vst v63  }
0x7c: {  	_ =	swait.ge [sflag:s15], $0x1000  }
0x7d: {  	[sflag:s15] =	ssyncset.done $0x0  }
0x7e: {  	s16 =	simm.s32 $0x680;
	[sflag:s15] =	ssyncadd.s32 $0xFFFFF000  }
0x7f: {  	[tilespmem:s1], [sflag:$0x6] =	stream.indirect.gather [spmem:s3], $0x20, s16, s20, $0xb8;
	[tilespmem:$0x16D20] =	vst v63  }
0x80: {  	_ =	swait.ge [sflag:s17], $0x1000  }
0x81: {  	[sflag:s17] =	ssyncset.done $0x0  }
0x82: {  	s25 =	simm.s32 $0x700;
	[sflag:s17] =	ssyncadd.s32 $0xFFFFF000  }
0x83: {  	[tilespmem:s19], [sflag:$0x7] =	stream.indirect.gather [spmem:s3], $0x20, s25, s20, $0xb8;
	[tilespmem:$0x16D20] =	vst v63  }
0x84: {  	_ =	swait.ge [sflag:s18], $0x1000  }
0x85: {  	[sflag:s18] =	ssyncset.done $0x0  }
0x86: {  	s4 =	simm.s32 $0x1000;
	s16 =	simm.s32 $0x780;
	[sflag:s18] =	ssyncadd.s32 $0xFFFFF000  }
.LBB2_2:
0x87: {  	[tilespmem:s26], [sflag:$0x8] =	stream.indirect.gather [spmem:s3], $0x20, s16, s20, $0xb8;
	[tilespmem:$0x16D20] =	vst v63  }
0x88: {  	s16 =	smov.u32 s4  }
0x89: {  	p1 =	sne.s32 s4, $0x8000;
	s4 =	sadd.s32 $0x1000, s4;
	_ =	swait.ge [sflag:s29], $0x1000  }
0x8a: {  	s16 =	sshra.s32 s16, $0x2;
	[sflag:s29] =	ssyncset.done $0x0  }
0x8b: {  	s7 =	sadd.s32 $0x2800, s16;
	[sflag:s29] =	ssyncadd.s32 $0xFFFFF000  }
0x8c: {  	[spmem:s2] =	stream.indirect.scatter.add.f32 [tilespmem:s21], [sflag:$0x9], $0x20, s7, s20, $0xb8;
	[tilespmem:$0x16D20] =	vst v63  }
0x8d: {  	_ =	swait.ge [sflag:s31], $0x1000  }
0x8e: {  	[sflag:s31] =	ssyncset.done $0x0  }
0x8f: {  	s7 =	sadd.s32 $0x2880, s16;
	[sflag:s31] =	ssyncadd.s32 $0xFFFFF000  }
0x90: {  	[spmem:s2] =	stream.indirect.scatter.add.f32 [tilespmem:s22], [sflag:$0xA], $0x20, s7, s20, $0xb8;
	[tilespmem:$0x16D20] =	vst v63  }
0x91: {  	_ =	swait.ge [sflag:s0], $0x1000  }
0x92: {  	[sflag:s0] =	ssyncset.done $0x0  }
0x93: {  	s7 =	sadd.s32 $0x2900, s16;
	[sflag:s0] =	ssyncadd.s32 $0xFFFFF000  }
0x94: {  	[spmem:s2] =	stream.indirect.scatter.add.f32 [tilespmem:s24], [sflag:$0xB], $0x20, s7, s20, $0xb8;
	[tilespmem:$0x16D20] =	vst v63  }
0x95: {  	_ =	swait.ge [sflag:s23], $0x1000  }
0x96: {  	[sflag:s23] =	ssyncset.done $0x0  }
0x97: {  	s7 =	sadd.s32 $0x2980, s16;
	[sflag:s23] =	ssyncadd.s32 $0xFFFFF000  }
0x98: {  	[spmem:s2] =	stream.indirect.scatter.add.f32 [tilespmem:s28], [sflag:$0xC], $0x20, s7, s20, $0xb8;
	[tilespmem:$0x16D20] =	vst v63  }
0x99: {  	_ =	swait.ge [sflag:s5], $0x1000  }
0x9a: {  	[sflag:s5] =	ssyncset.done $0x0  }
0x9b: {  	s7 =	sadd.s32 $0x2A00, s16;
	[sflag:s5] =	ssyncadd.s32 $0xFFFFF000  }
0x9c: {  	[spmem:s2] =	stream.indirect.scatter.add.f32 [tilespmem:s30], [sflag:$0xD], $0x20, s7, s20, $0xb8;
	[tilespmem:$0x16D20] =	vst v63  }
0x9d: {  	_ =	swait.ge [sflag:s8], $0x1000  }
0x9e: {  	[sflag:s8] =	ssyncset.done $0x0  }
0x9f: {  	s7 =	sadd.s32 $0x2A80, s16;
	[sflag:s8] =	ssyncadd.s32 $0xFFFFF000  }
0xa0: {  	[spmem:s2] =	stream.indirect.scatter.add.f32 [tilespmem:s1], [sflag:$0xE], $0x20, s7, s20, $0xb8;
	[tilespmem:$0x16D20] =	vst v63  }
0xa1: {  	_ =	swait.ge [sflag:s9], $0x1000  }
0xa2: {  	[sflag:s9] =	ssyncset.done $0x0  }
0xa3: {  	s7 =	sadd.s32 $0x2B00, s16;
	[sflag:s9] =	ssyncadd.s32 $0xFFFFF000  }
0xa4: {  	[spmem:s2] =	stream.indirect.scatter.add.f32 [tilespmem:s19], [sflag:$0xF], $0x20, s7, s20, $0xb8;
	[tilespmem:$0x16D20] =	vst v63  }
0xa5: {  	_ =	swait.ge [sflag:s10], $0x1000  }
0xa6: {  	[sflag:s10] =	ssyncset.done $0x0  }
0xa7: {  	s7 =	sadd.s32 $0x2B80, s16;
	[sflag:s10] =	ssyncadd.s32 $0xFFFFF000  }
0xa8: {  	[spmem:s2] =	stream.indirect.scatter.add.f32 [tilespmem:s26], [sflag:$0x10], $0x20, s7, s20, $0xb8;
	[tilespmem:$0x16D20] =	vst v63  }
0xa9: {  	_ =	swait.ge [sflag:s11], $0x1000  }
0xaa: {  	[sflag:s11] =	ssyncset.done $0x0  }
0xab: {  	s7 =	sadd.s32 $0x400, s16;
	[sflag:s11] =	ssyncadd.s32 $0xFFFFF000  }
0xac: {  	[tilespmem:s21], [sflag:$0x1] =	stream.indirect.gather [spmem:s3], $0x20, s7, s20, $0xb8;
	[tilespmem:$0x16D20] =	vst v63  }
0xad: {  	_ =	swait.ge [sflag:s6], $0x1000  }
0xae: {  	[sflag:s6] =	ssyncset.done $0x0  }
0xaf: {  	s7 =	sadd.s32 $0x480, s16;
	[sflag:s6] =	ssyncadd.s32 $0xFFFFF000  }
0xb0: {  	[tilespmem:s22], [sflag:$0x2] =	stream.indirect.gather [spmem:s3], $0x20, s7, s20, $0xb8;
	[tilespmem:$0x16D20] =	vst v63  }
0xb1: {  	_ =	swait.ge [sflag:s12], $0x1000  }
0xb2: {  	[sflag:s12] =	ssyncset.done $0x0  }
0xb3: {  	s7 =	sadd.s32 $0x500, s16;
	[sflag:s12] =	ssyncadd.s32 $0xFFFFF000  }
0xb4: {  	[tilespmem:s24], [sflag:$0x3] =	stream.indirect.gather [spmem:s3], $0x20, s7, s20, $0xb8;
	[tilespmem:$0x16D20] =	vst v63  }
0xb5: {  	_ =	swait.ge [sflag:s13], $0x1000  }
0xb6: {  	[sflag:s13] =	ssyncset.done $0x0  }
0xb7: {  	s7 =	sadd.s32 $0x580, s16;
	[sflag:s13] =	ssyncadd.s32 $0xFFFFF000  }
0xb8: {  	[tilespmem:s28], [sflag:$0x4] =	stream.indirect.gather [spmem:s3], $0x20, s7, s20, $0xb8;
	[tilespmem:$0x16D20] =	vst v63  }
0xb9: {  	_ =	swait.ge [sflag:s14], $0x1000  }
0xba: {  	[sflag:s14] =	ssyncset.done $0x0  }
0xbb: {  	s7 =	sadd.s32 $0x600, s16;
	[sflag:s14] =	ssyncadd.s32 $0xFFFFF000  }
0xbc: {  	[tilespmem:s30], [sflag:$0x5] =	stream.indirect.gather [spmem:s3], $0x20, s7, s20, $0xb8;
	[tilespmem:$0x16D20] =	vst v63  }
0xbd: {  	_ =	swait.ge [sflag:s15], $0x1000  }
0xbe: {  	[sflag:s15] =	ssyncset.done $0x0  }
0xbf: {  	s7 =	sadd.s32 $0x680, s16;
	[sflag:s15] =	ssyncadd.s32 $0xFFFFF000  }
0xc0: {  	[tilespmem:s1], [sflag:$0x6] =	stream.indirect.gather [spmem:s3], $0x20, s7, s20, $0xb8;
	[tilespmem:$0x16D20] =	vst v63  }
0xc1: {  	_ =	swait.ge [sflag:s17], $0x1000  }
0xc2: {  	[sflag:s17] =	ssyncset.done $0x0  }
.Ltmp0:
0xc3: {  	s7 =	sadd.s32 $0x700, s16;
	[sflag:s17] =	ssyncadd.s32 $0xFFFFF000;
	(pc) =	sbr.rel @p1 .LBB2_2-.Ltmp0, $4  }
0xc4: {  	[tilespmem:s19], [sflag:$0x7] =	stream.indirect.gather [spmem:s3], $0x20, s7, s20, $0xb8;
	[tilespmem:$0x16D20] =	vst v63  }
0xc5: {  	_ =	swait.ge [sflag:s18], $0x1000  }
0xc6: {  	[sflag:s18] =	ssyncset.done $0x0  }
0xc7: {  	s16 =	sadd.s32 $0x780, s16;
	[sflag:s18] =	ssyncadd.s32 $0xFFFFF000  }
0xc8: {  	[tilespmem:s26], [sflag:$0x8] =	stream.indirect.gather [spmem:s3], $0x20, s16, s20, $0xb8;
	[tilespmem:$0x16D20] =	vst v63  }
0xc9: {  	_ =	swait.ge [sflag:s29], $0x1000  }
0xca: {  	[sflag:s29] =	ssyncset.done $0x0  }
0xcb: {  	s4 =	simm.s32 $0x4C00;
	[sflag:s29] =	ssyncadd.s32 $0xFFFFF000  }
0xcc: {  	[spmem:s2] =	stream.indirect.scatter.add.f32 [tilespmem:s21], [sflag:$0x9], $0x20, s4, s20, $0xb8;
	[tilespmem:$0x16D20] =	vst v63  }
0xcd: {  	_ =	swait.ge [sflag:s31], $0x1000  }
0xce: {  	[sflag:s31] =	ssyncset.done $0x0  }
0xcf: {  	s25 =	simm.s32 $0x4C80;
	[sflag:s31] =	ssyncadd.s32 $0xFFFFF000  }
0xd0: {  	[spmem:s2] =	stream.indirect.scatter.add.f32 [tilespmem:s22], [sflag:$0xA], $0x20, s25, s20, $0xb8;
	[tilespmem:$0x16D20] =	vst v63  }
0xd1: {  	_ =	swait.ge [sflag:s0], $0x1000  }
0xd2: {  	[sflag:s0] =	ssyncset.done $0x0  }
0xd3: {  	s7 =	simm.s32 $0x4D00;
	[sflag:s0] =	ssyncadd.s32 $0xFFFFF000  }
0xd4: {  	[spmem:s2] =	stream.indirect.scatter.add.f32 [tilespmem:s24], [sflag:$0xB], $0x20, s7, s20, $0xb8;
	[tilespmem:$0x16D20] =	vst v63  }
0xd5: {  	_ =	swait.ge [sflag:s23], $0x1000  }
0xd6: {  	[sflag:s23] =	ssyncset.done $0x0  }
0xd7: {  	s16 =	simm.s32 $0x4D80;
	[sflag:s23] =	ssyncadd.s32 $0xFFFFF000  }
0xd8: {  	[spmem:s2] =	stream.indirect.scatter.add.f32 [tilespmem:s28], [sflag:$0xC], $0x20, s16, s20, $0xb8;
	[tilespmem:$0x16D20] =	vst v63  }
0xd9: {  	_ =	swait.ge [sflag:s5], $0x1000  }
0xda: {  	[sflag:s5] =	ssyncset.done $0x0  }
0xdb: {  	s25 =	simm.s32 $0x4E00;
	[sflag:s5] =	ssyncadd.s32 $0xFFFFF000  }
0xdc: {  	[spmem:s2] =	stream.indirect.scatter.add.f32 [tilespmem:s30], [sflag:$0xD], $0x20, s25, s20, $0xb8;
	[tilespmem:$0x16D20] =	vst v63  }
0xdd: {  	_ =	swait.ge [sflag:s8], $0x1000  }
0xde: {  	[sflag:s8] =	ssyncset.done $0x0  }
0xdf: {  	s7 =	simm.s32 $0x4E80;
	[sflag:s8] =	ssyncadd.s32 $0xFFFFF000  }
0xe0: {  	[spmem:s2] =	stream.indirect.scatter.add.f32 [tilespmem:s1], [sflag:$0xE], $0x20, s7, s20, $0xb8;
	[tilespmem:$0x16D20] =	vst v63  }
0xe1: {  	_ =	swait.ge [sflag:s9], $0x1000  }
0xe2: {  	[sflag:s9] =	ssyncset.done $0x0  }
0xe3: {  	s16 =	simm.s32 $0x4F00;
	[sflag:s9] =	ssyncadd.s32 $0xFFFFF000  }
0xe4: {  	[spmem:s2] =	stream.indirect.scatter.add.f32 [tilespmem:s19], [sflag:$0xF], $0x20, s16, s20, $0xb8;
	[tilespmem:$0x16D20] =	vst v63  }
0xe5: {  	_ =	swait.ge [sflag:s10], $0x1000  }
0xe6: {  	[sflag:s10] =	ssyncset.done $0x0  }
0xe7: {  	s25 =	simm.s32 $0x4F80;
	[sflag:s10] =	ssyncadd.s32 $0xFFFFF000  }
0xe8: {  	[spmem:s2] =	stream.indirect.scatter.add.f32 [tilespmem:s26], [sflag:$0x10], $0x20, s25, s20, $0xb8;
	[tilespmem:$0x16D20] =	vst v63  }
0xe9: {  	_ =	swait.ge [sflag:s11], $0x1000  }
0xea: {  	[sflag:s11] =	ssyncset.done $0x0  }
0xeb: {  	[sflag:s11] =	ssyncadd.s32 $0xFFFFF000  }
0xec: {  	_ =	swait.ge [sflag:s6], $0x1000  }
0xed: {  	[sflag:s6] =	ssyncset.done $0x0  }
0xee: {  	[sflag:s6] =	ssyncadd.s32 $0xFFFFF000  }
0xef: {  	_ =	swait.ge [sflag:s12], $0x1000  }
0xf0: {  	[sflag:s12] =	ssyncset.done $0x0  }
0xf1: {  	[sflag:s12] =	ssyncadd.s32 $0xFFFFF000  }
0xf2: {  	_ =	swait.ge [sflag:s13], $0x1000  }
0xf3: {  	[sflag:s13] =	ssyncset.done $0x0  }
0xf4: {  	[sflag:s13] =	ssyncadd.s32 $0xFFFFF000  }
0xf5: {  	_ =	swait.ge [sflag:s14], $0x1000  }
0xf6: {  	[sflag:s14] =	ssyncset.done $0x0  }
0xf7: {  	[sflag:s14] =	ssyncadd.s32 $0xFFFFF000  }
0xf8: {  	_ =	swait.ge [sflag:s15], $0x1000  }
0xf9: {  	[sflag:s15] =	ssyncset.done $0x0  }
0xfa: {  	[sflag:s15] =	ssyncadd.s32 $0xFFFFF000  }
0xfb: {  	_ =	swait.ge [sflag:s17], $0x1000  }
0xfc: {  	[sflag:s17] =	ssyncset.done $0x0  }
0xfd: {  	[sflag:s17] =	ssyncadd.s32 $0xFFFFF000  }
0xfe: {  	_ =	swait.ge [sflag:s18], $0x1000  }
0xff: {  	[sflag:s18] =	ssyncset.done $0x0  }
0x100: {  	[sflag:s18] =	ssyncadd.s32 $0xFFFFF000  }
0x101: {  	[bflag:$0x0] =	sbarrier.arrive $0xFFFF  }
0x102: {  	s7 =	rddreg [dreg:$0x6]  }
0x103: {  	s4 =	rddreg [dreg:$0xc]  }
0x104: {  	s16 =	rddreg [dreg:$0x11]  }
0x105: {  	[hbm:s4], [sflag:s7] =	dma.local @p0 [spmem:s16], $0x820  }
0x106: {  	s4 =	simm.s32 @p0 $0x11  }
0x107: {  	_ =	swait.ge @p0 [sflag:s4], $0x820  }
0x108: {  	[sflag:s4] =	ssyncset.done @p0 $0x0  }
0x109: {  	[sflag:s4] =	ssyncadd.s32 @p0 $0xFFFFF7E0;
	s4 =	rddreg [dreg:$0x5]  }
0x10a: {  	s16 =	rddreg [dreg:$0xb];
	s4 =	sshrl.u32 @!p0 s4, $0x3  }
0x10b: {  	[hbm:s16], [sflag:s7] =	dma.local @!p0 [spmem:s4], $0x9E0  }
0x10c: {  	s4 =	simm.s32 @!p0 $0x11  }
0x10d: {  	_ =	swait.ge @!p0 [sflag:s4], $0x9E0  }
0x10e: {  	s25 =	rddreg [dreg:$0x12]  }
0x10f: {  	s16 =	rddreg [dreg:$0xd];
	s25 =	sadd.s32 $0x1, s25  }
0x110: {  	p1 =	sne.s32 s25, s16  }
.Ltmp1:
0x111: {  	_ = 	snop;
	(pc) =	sbr.rel @p1 .LBB2_1-.Ltmp1, $3  }
0x112: {  	_ =	sdelay $0x1  }
0x113: {  	[sflag:s4] =	ssyncset.done @!p0 $0x0  }
0x114: {  	[sflag:s4] =	ssyncadd.s32 @!p0 $0xFFFFF620  }
0x115: {  	_ =	sfence.sel $0x180000  }
0x116: {  	[bflag:$0x0] =	sbarrier.arrive $0xFFFF  }
0x117: {  	_ =	strace $0x9000004D  }
0x118: {  	s0 =	stileid.u32;
	[bflag:$0x2] =	sbarrier.arrive $0xFFFF  }
0x119: {  	p0 =	sne.s32 s0, $0x0;
	s0 =	rddreg [dreg:$0x3]  }
0x11a: {  	s0 =	sadd.s32 @!p0 $0x100000, s0  }
0x11b: {  	[sflag:s0] =	ssyncadd.tile.s32 @!p0 $0x1;
	_ =	shalt  }
.Lfunc_end2:
_tile_overlayer_lowered:
.L_overlay_start_2:
0x11c: {  	(tag) =	ssettag $0x2  }
0x11d: {  	s0 =	rddreg [dreg:$0x0];
	s2 =	stileid.u32  }
0x11e: {  	s1 =	rddreg [dreg:$0x1];
	p0 =	sne.s32 s2, $0x0  }
0x11f: {  	s3 =	rddreg [dreg:$0x2];
	[bflag:$0x3] =	sbarrier.arrive $0xFFFF;
	s2 =	simm.s32 @!p0 $0x1C11  }
0x120: {  	[timem:s3], [sflag:s2] =	dma.local @!p0 [hbm:s0], s1  }
0x121: {  	s0 =	simm.s32 @!p0 $0x11  }
0x122: {  	_ =	swait.ge @!p0 [sflag:s0], s1  }
0x123: {  	s1 =	ssub.s32 @!p0 $0x0, s1;
	[sflag:s0] =	ssyncset.done @!p0 $0x0  }
0x124: {  	[sflag:s0] =	ssyncadd.s32 @!p0 s1  }
0x125: {  	[bflag:$0x3] =	sbarrier.arrive $0xFFFF  }
0x126: {  	_ =	shalt  }

// kernel: kernel.8.cloned.1.call-start
scs
__scs_entry_jumppad:
0x0: {  	(pc) =	sbr.rel $0x88, $3  }
0x1: {  	(tag) =	ssettag $0x0;
	lr =	simm.s32 $0x1  }
0x2: {  	[smem:$0x3F93] =	sst lr;
	_ =	strace $0xD0000000  }
0x3: {  	_ = 	snop  }
0x4: {  	_ = 	snop  }
0x5: {  	_ = 	snop  }
0x6: {  	_ = 	snop  }
0x7: {  	_ = 	snop  }
__scs_overlays_trampoline_lowered:
0x8: {  	[smem:$0x3FA2] =	sst s0  }
0x9: {  	[smem:$0x3FA3] =	sst s1  }
0xa: {  	[smem:$0x3FA4] =	sst s2  }
0xb: {  	[smem:$0x3FA5] =	sst s3  }
0xc: {  	[smem:$0x3FA6] =	sst s4  }
0xd: {  	[smem:$0x3FA7] =	sst s5  }
0xe: {  	[smem:$0x3FA8] =	sst s6  }
0xf: {  	[smem:$0x3FA9] =	sst s7  }
0x10: {  	[smem:$0x3FAA] =	sst s8  }
0x11: {  	[smem:$0x3FAB] =	sst s9;
	s0 =	simm.s32 @!p0 $0x0  }
0x12: {  	s1 =	sld [smem:$0x3F91];
	s0 =	simm.s32 @p0 $0x1  }
0x13: {  	[smem:$0x3FAC] =	sst s0;
	s0 =	simm.s32 @!p1 $0x0  }
0x14: {  	s2 =	sld [smem:$0x3F90];
	s0 =	simm.s32 @p1 $0x1  }
0x15: {  	[smem:$0x3FAD] =	sst s0;
	s0 =	simm.s32 @!p2 $0x0  }
0x16: {  	s3 =	sld [smem:$0x3FDB];
	s0 =	simm.s32 @p2 $0x1  }
0x17: {  	s4 =	simm.s32 $0x1BF5;
	[smem:$0x3FAF] =	sst s0  }
0x18: {  	s0 =	sld [smem:$0x3F92];
	_ =	swait.ge [sflag:s4], $0x0  }
0x19: {  	s7 =	sld [smem:$0x3F93]  }
0x1a: {  	s8 =	sadd.s32 $0xFFFFE003, lr  }
0x1b: {  	s9 =	sadd.s32 $0xFFFFFEF7, lr;
	s5 =	simm.s32 $0xFFFFFFFF;
	p2 =	slt.u32 s8, $0xFFFFF086  }
0x1c: {  	p1 =	slt.u32 s9, $0xF7A;
	s5 =	simm.s32 @!p2 $0x0  }
0x1d: {  	s5 =	simm.s32 @p1 $0x1;
	p0 =	seq.s32 s7, s2  }
0x1e: {  	s7 =	smul.u32 @!p0 $0xF7A, s2;
	p2 =	seq.s32 @!p0 s5, $0x0  }
0x1f: {  	s9 =	smul.u32 $0xF7A, s1;
	s8 =	simm.s32 @!p0 $0x1BF5;
	p2 =	por !p2, p0  }
0x20: {  	[sflag:s8] =	ssyncset.s32 @!p0 $0xFFFFF086;
	s6 =	sadd.s32 @!p0 s3, s7;
	s7 =	simm.s32 @!p0 $0x108  }
0x21: {  	s3 =	sadd.s32 s3, s9;
	s6 =	sadd.s32 @!p0 $0x88, s6;
	s7 =	simm.s32 @p2 $0x1082  }
0x22: {  	[simem:s7], [sflag:s8] =	dma.local @!p0 [hbm:s6], $0xF7A  }
0x23: {  	s9 =	sor.u32 $0xD0000000, s2;
	s6 =	simm.s32 $0x108;
	_ =	swait.ge @!p0 [sflag:s8], $0x0  }
0x24: {  	s3 =	sadd.s32 $0x88, s3;
	s6 =	simm.s32 @!p1 $0x1082;
	[sflag:s4] =	ssyncset.s32 $0xFFFFF086  }
0x25: {  	[simem:s6], [sflag:s4] =	dma.local [hbm:s3], $0xF7A  }
0x26: {  	[smem:$0x3F93] =	sst s1;
	(tag) =	ssettag s2;
	_ =	strace s9  }
0x27: {  	s1 =	sld [smem:$0x3FA3]  }
0x28: {  	s2 =	sld [smem:$0x3FA4]  }
0x29: {  	s4 =	sld [smem:$0x3FA6]  }
0x2a: {  	p0 =	seq.s32 s5, $0x0;
	s5 =	sld [smem:$0x3FA7]  }
0x2b: {  	s6 =	sld [smem:$0x3FA8]  }
0x2c: {  	s7 =	sld [smem:$0x3FA9]  }
0x2d: {  	s3 =	simm.s32 $0x108;
	s8 =	sld [smem:$0x3FAA]  }
0x2e: {  	s3 =	simm.s32 @!p0 $0x1082;
	s9 =	sld [smem:$0x3FAB]  }
0x2f: {  	lr =	sadd.s32 s0, s3;
	s0 =	sld [smem:$0x3FA2]  }
0x30: {  	s3 =	sld [smem:$0x3FA5]  }
0x31: {  	[smem:$0x3FAE] =	sst s10  }
0x32: {  	s10 =	sld [smem:$0x3FAC];
	_ =	sdelay $0x3  }
0x33: {  	p0 =	seq.s32 s10, $0x1;
	s10 =	sld [smem:$0x3FAE];
	_ =	sdelay $0x3  }
0x34: {  	[smem:$0x3FAE] =	sst s10  }
0x35: {  	s10 =	sld [smem:$0x3FAD];
	_ =	sdelay $0x3  }
0x36: {  	p1 =	seq.s32 s10, $0x1;
	s10 =	sld [smem:$0x3FAE];
	_ =	sdelay $0x3  }
0x37: {  	[smem:$0x3FAE] =	sst s10  }
0x38: {  	s10 =	sld [smem:$0x3FAF]  }
0x39: {  	_ = 	snop;
	(pc) =	sbr.ind lr, $3  }
0x3a: {  	_ = 	snop  }
0x3b: {  	_ = 	snop  }
0x3c: {  	p2 =	seq.s32 s10, $0x1;
	s10 =	sld [smem:$0x3FAE]  }
0x3d: {  	_ =	shalt  }
0x3e: {  	_ =	shalt  }
0x3f: {  	_ =	shalt  }
0x40: {  	_ =	shalt  }
0x41: {  	_ =	shalt  }
0x42: {  	_ =	shalt  }
0x43: {  	_ =	shalt  }
0x44: {  	_ =	shalt  }
0x45: {  	_ =	shalt  }
0x46: {  	_ =	shalt  }
0x47: {  	_ =	shalt  }
0x48: {  	_ =	shalt  }
0x49: {  	_ =	shalt  }
0x4a: {  	_ =	shalt  }
0x4b: {  	_ =	shalt  }
0x4c: {  	_ =	shalt  }
0x4d: {  	_ =	shalt  }
0x4e: {  	_ =	shalt  }
0x4f: {  	_ =	shalt  }
0x50: {  	_ =	shalt  }
0x51: {  	_ =	shalt  }
0x52: {  	_ =	shalt  }
0x53: {  	_ =	shalt  }
0x54: {  	_ =	shalt  }
0x55: {  	_ =	shalt  }
0x56: {  	_ =	shalt  }
0x57: {  	_ =	shalt  }
0x58: {  	_ =	shalt  }
0x59: {  	_ =	shalt  }
0x5a: {  	_ =	shalt  }
0x5b: {  	_ =	shalt  }
0x5c: {  	_ =	shalt  }
0x5d: {  	_ =	shalt  }
0x5e: {  	_ =	shalt  }
0x5f: {  	_ =	shalt  }
0x60: {  	_ =	shalt  }
0x61: {  	_ =	shalt  }
0x62: {  	_ =	shalt  }
0x63: {  	_ =	shalt  }
0x64: {  	_ =	shalt  }
0x65: {  	_ =	shalt  }
0x66: {  	_ =	shalt  }
0x67: {  	_ =	shalt  }
0x68: {  	_ =	shalt  }
0x69: {  	_ =	shalt  }
0x6a: {  	_ =	shalt  }
0x6b: {  	_ =	shalt  }
0x6c: {  	_ =	shalt  }
0x6d: {  	_ =	shalt  }
0x6e: {  	_ =	shalt  }
0x6f: {  	_ =	shalt  }
0x70: {  	_ =	shalt  }
0x71: {  	_ =	shalt  }
0x72: {  	_ =	shalt  }
0x73: {  	_ =	shalt  }
0x74: {  	_ =	shalt  }
0x75: {  	_ =	shalt  }
0x76: {  	_ =	shalt  }
0x77: {  	_ =	shalt  }
0x78: {  	_ =	shalt  }
0x79: {  	_ =	shalt  }
0x7a: {  	_ =	shalt  }
0x7b: {  	_ =	shalt  }
0x7c: {  	_ =	shalt  }
0x7d: {  	_ =	shalt  }
0x7e: {  	_ =	shalt  }
0x7f: {  	_ =	shalt  }
0x80: {  	_ =	shalt  }
0x81: {  	_ =	shalt  }
0x82: {  	_ =	shalt  }
0x83: {  	_ =	shalt  }
0x84: {  	_ =	shalt  }
0x85: {  	_ =	shalt  }
0x86: {  	_ =	shalt  }
0x87: {  	_ =	shalt  }
.Lfunc_end0:
.L_simem_size_0:
called_computation_lowered:
.L_overlay_start_0:
0x88: {  	s2 =	sld [smem:$0x3FD9]  }
0x89: {  	s3 =	sld [smem:$0x3FFE];
	_ =	sdelay $0x1  }
0x8a: {  	s1 =	srdreg.scid  }
0x8b: {  	s0 =	sand.u32 $0x1, s1  }
0x8c: {  	s16 =	sshll.u32 s0, $0xA;
	s2 =	sadd.s32 s3, s2  }
0x8d: {  	s2 =	sadd.s32 s2, s16  }
0x8e: {  	[smem:$0x3FBA] =	sst s2  }
0x8f: {  	_ = 	snop  }
0x90: {  	(tm) =	ssettm $0x1  }
0x91: {  	s17 =	sld [smem:$0x3FFB];
	_ =	sdelay $0x3  }
0x92: {  	_ =	strace s17  }
0x93: {  	s2 =	sld [smem:$0x3FFC];
	_ =	sdelay $0x3  }
0x94: {  	_ =	strace s2  }
0x95: {  	s2 =	sld [smem:$0x3FFD];
	_ =	sdelay $0x3  }
0x96: {  	_ =	strace s2  }
0x97: {  	_ =	strace $0x8FFFFFFF  }
0x98: {  	s18 =	sld [smem:$0x3FDB];
	_ =	sdelay $0x1  }
0x99: {  	s19 =	simm.s32 $_scs_section_size  }
0x9a: {  	s4 =	simm.s32 $_size__tile_overlayer_lowered;
	s5 =	simm.s32 $_tile_overlayer_lowered  }
0x9b: {  	s22 =	simm.s32 $0x1BFF;
	s21 =	sshll.u32 s5, $0x1;
	s2 =	sadd.s32 s19, s18  }
0x9c: {  	s6 =	simm.s32 $0x0;
	s20 =	sshll.u32 s4, $0x1;
	s4 =	sadd.s32 s21, s2  }
0x9d: {  	[timem:s6], [sflag:s22] =	dma.local [hbm:s4], s20  }
0x9e: {  	_ =	swait.ge [sflag:s22], s20  }
0x9f: {  	s3 =	ssub.s32 $0x0, s20;
	[sflag:s22] =	ssyncset.done $0x0  }
0xa0: {  	[sflag:s22] =	ssyncadd.s32 s3;
	_ =	sdelay $0x1  }
0xa1: {  	s23 =	simm.s32 $0x1B8B  }
0xa2: {  	_ =	swait.ge [sflag:s23], $0x1  }
0xa3: {  	[sflag:s23] =	ssyncset.done $0x0  }
0xa4: {  	s25 =	simm.s32 $0x1B8E;
	s24 =	sld [smem:$0x3FFE];
	[sflag:s23] =	ssyncadd.s32 $0xFFFFFFFF  }
0xa5: {  	s26 =	simm.s32 $execute0_lowered;
	[smem:$0x3FD2] =	sst s25  }
0xa6: {  	s4 =	sshll.u32 s26, $0x1;
	_ =	strace $0x80000046;
	[dreg:$0x1] =	wrdreg $0xFFFFFFFF  }
0xa7: {  	s28 =	simm.s32 $_size_execute0_lowered;
	s2 =	sadd.s32 s2, s4;
	[dreg:$0x0] =	wrdreg $0x0  }
0xa8: {  	s4 =	sshll.u32 s28, $0x1;
	[dreg:$0x2] =	wrdreg s2  }
0xa9: {  	[dreg:$0x3] =	wrdreg s4  }
0xaa: {  	[dreg:$0x4] =	wrdreg $0xC0  }
0xab: {  	_ =	task [dreg:s6], $0x5FFFF  }
0xac: {  	[dreg:$0x1] =	wrdreg $0xFFFFFFFF  }
0xad: {  	[dreg:$0x0] =	wrdreg $0x60  }
0xae: {  	[dreg:$0x2] =	wrdreg s24  }
0xaf: {  	[dreg:$0x3] =	wrdreg $0x120000  }
0xb0: {  	[dreg:$0x4] =	wrdreg $0x9  }
0xb1: {  	_ =	task.clear_ibuf [dreg:s6], $0x5FFFF;
	_ =	strace $0x90000046  }
0xb2: {  	s29 =	simm.s32 $0x9;
	_ =	strace $0x80000048  }
0xb3: {  	_ =	swait.ge [sflag:s29], $0x1  }
0xb4: {  	[sflag:s29] =	ssyncadd.s32 $0xFFFFFFFF  }
0xb5: {  	_ =	strace $0x90000048  }
0xb6: {  	_ =	sfence  }
0xb7: {  	s30 =	sld [smem:$0x0];
	_ =	sdelay $0x2  }
0xb8: {  	s31 =	sshll.u32 s1, $0xD;
	s1 =	sshrl.u32 s1, $0x2  }
0xb9: {  	s3 =	sand.u32 $0x4000, s31;
	s1 =	sadd.s32 s1, s30  }
0xba: {  	s0 =	sor.u32 s3, s0;
	s1 =	sshll.u32 s1, $0x11  }
0xbb: {  	s0 =	sor.u32 s1, s0  }
0xbc: {  	s0 =	sadd.s32 $0x8F2B, s0  }
0xbd: {  	[sflag:s0] =	ssyncadd.remote.s32 $0x1  }
0xbe: {  	_ =	sfence.sel $0xFFFF  }
0xbf: {  	[dreg:$0x0] =	wrdreg $0xFFFFFFFF;
	(pc) =	sbr.abs _section_cstart, $3  }
0xc0: {  	[dreg:$0x1] =	wrdreg $0xFFFFFFFF  }
0xc1: {  	_ =	task.clear_ibuf [dreg:s6], $0x2FFFF;
	_ =	strace $0x9FFFFFFF  }
0xc2: {  	(tm) =	ssettm $0x7FFFFFFF  }
0xc3: {  	_ =	shalt  }
tec
execute0_lowered:
.L_overlay_start_1:
0x0: {  	(tag) =	ssettag $0x1  }
0x1: {  	s0 =	srdreg.scid;
	s1 =	rddreg [dreg:$0x0]  }
0x2: {  	s7 =	stileid.u32;
	s2 =	rddreg [dreg:$0x1]  }
0x3: {  	s3 =	simm.s32 $0x0;
	s16 =	simm.s32 $0x9;
	s20 =	simm.s32 $0x80  }
0x4: {  	s21 =	simm.s32 $0xA000;
	s22 =	simm.s32 $0xC000;
	s24 =	simm.s32 $0xE000  }
0x5: {  	s28 =	simm.s32 $0x10000;
	s29 =	simm.s32 $0x1;
	s30 =	simm.s32 $0x2  }
0x6: {  	s31 =	simm.s32 $0x3;
	s17 =	simm.s32 $0x6;
	s18 =	simm.s32 $0x7  }
0x7: {  	s19 =	simm.s32 $0x8;
	s23 =	simm.s32 $0x0;
	s0 =	sand.u32 $0x1, s0  }
0x8: {  	s5 =	smul.u32 $0x5000, s7;
	[smem:$0x7FF] =	sst s3;
	s25 =	sadd.s32 $0x3D000, s1  }
0x9: {  	s9 =	smul.u32 $0x9E00, s7;
	s6 =	sshll.u32 s7, $0x6;
	p0 =	seq.s32 s7, $0xF  }
0xa: {  	s4 =	smul.u32 $0x9C400, s0;
	_ =	strace $0x80000047;
	[dreg:$0x3] =	wrdreg s25  }
0xb: {  	s0 =	ssub.s32 $0x2, s0;
	s6 =	sor.u32 $0x1C09, s6;
	s5 =	sshrl.u32 s5, $0x3  }
0xc: {  	s26 =	sshrl.u32 s0, $0x1;
	s13 =	sshrl.u32 s4, $0x3;
	s10 =	sadd.s32 s5, s1  }
0xd: {  	s0 =	ssub.s32 s0, s26;
	s5 =	sadd.s32 s9, s2;
	s4 =	sadd.s32 s9, s4  }
0xe: {  	s11 =	sadd.s32 s13, s1;
	s1 =	sadd.s32 $0x3E400, s1;
	s8 =	sadd.s32 $0x29000, s10  }
0xf: {  	s9 =	sadd.s32 $0x33000, s10;
	s4 =	sshrl.u32 s4, $0x3;
	s14 =	smax.u32 s0, $0x1  }
0x10: {  	s15 =	sshrl.u32 s5, $0x3;
	s0 =	simm.s32 $0x5;
	[dreg:$0x4] =	wrdreg s8  }
0x11: {  	s8 =	sadd.s32 $0x29500, s10;
	s12 =	sadd.s32 s1, s4;
	s1 =	sadd.s32 s1, s13  }
0x12: {  	s10 =	sadd.s32 $0x33500, s10;
	s13 =	sadd.s32 $0x12840, s1;
	s1 =	sadd.s32 $0x94200, s2  }
0x13: {  	s11 =	sadd.s32 $0x1E00, s11;
	s25 =	sshrl.u32 @p0 s1, $0x3;
	s1 =	simm.s32 $0x4  }
.LBB2_1:
0x14: {  	s4 =	rddreg [dreg:$0x3]  }
0x15: {  	[spmem:s15], [sflag:s6] =	dma.local [hbm:s4], $0x13C0  }
0x16: {  	_ =	swait.ge [sflag:s16], $0x13C0  }
0x17: {  	[sflag:s16] =	ssyncset.done $0x0  }
0x18: {  	s26 =	rddreg [dreg:$0x4];
	[sflag:s16] =	ssyncadd.s32 $0xFFFFEC40  }
0x19: {  	[tilespmem:s3], [sflag:$0x9] =	stream.linear.gather [hbm4b:s26+s3], $0x2800, $0x38;
	[tilespmem:$0x1BE00] =	vst v63  }
0x1a: {  	_ =	swait.ge [sflag:s16], $0x2800  }
0x1b: {  	[sflag:s16] =	ssyncset.done $0x0  }
0x1c: {  	s7 =	simm.s32 $0x2800;
	[sflag:s16] =	ssyncadd.s32 $0xFFFFD800  }
0x1d: {  	[tilespmem:s7], [sflag:$0x9] =	stream.linear.gather [hbm4b:s8+s3], $0x2800, $0x38;
	[tilespmem:$0x1BE00] =	vst v63  }
0x1e: {  	_ =	swait.ge [sflag:s16], $0x2800  }
0x1f: {  	[sflag:s16] =	ssyncset.done $0x0  }
0x20: {  	s26 =	simm.s32 $0x5000;
	[sflag:s16] =	ssyncadd.s32 $0xFFFFD800  }
0x21: {  	[tilespmem:s26], [sflag:$0x9] =	stream.linear.gather [hbm4b:s9+s3], $0x2800, $0x38;
	[tilespmem:$0x1BE00] =	vst v63  }
0x22: {  	_ =	swait.ge [sflag:s16], $0x2800  }
0x23: {  	[sflag:s16] =	ssyncset.done $0x0  }
0x24: {  	s7 =	simm.s32 $0x7800;
	[sflag:s16] =	ssyncadd.s32 $0xFFFFD800  }
0x25: {  	[tilespmem:s7], [sflag:$0x9] =	stream.linear.gather [hbm4b:s10+s3], $0x2800, $0x38;
	[tilespmem:$0x1BE00] =	vst v63  }
0x26: {  	_ =	swait.ge [sflag:s16], $0x2800  }
0x27: {  	[sflag:s16] =	ssyncset.done $0x0  }
0x28: {  	[sflag:s16] =	ssyncadd.s32 $0xFFFFD800  }
0x29: {  	[bflag:$0x0] =	sbarrier.arrive $0xFFFF  }
0x2a: {  	[tilespmem:s21], [sflag:$0x1] =	stream.indirect.gather [hbm4b:s11+s20], $0x40, s3, s20, $0xb8;
	[tilespmem:$0x1BE00] =	vst v63  }
0x2b: {  	_ = 	snop  }
0x2c: {  	[tilespmem:s22], [sflag:$0x2] =	stream.indirect.gather [hbm4b:s11+s20], $0x40, s20, s20, $0xb8;
	[tilespmem:$0x1BE00] =	vst v63  }
0x2d: {  	s26 =	simm.s32 $0x100  }
0x2e: {  	[tilespmem:s24], [sflag:$0x3] =	stream.indirect.gather [hbm4b:s11+s20], $0x40, s26, s20, $0xb8;
	[tilespmem:$0x1BE00] =	vst v63  }
0x2f: {  	s7 =	simm.s32 $0x180  }
0x30: {  	[tilespmem:s28], [sflag:$0x4] =	stream.indirect.gather [hbm4b:s11+s20], $0x40, s7, s20, $0xb8;
	[tilespmem:$0x1BE00] =	vst v63  }
0x31: {  	_ =	swait.ge [sflag:s29], $0x2000  }
0x32: {  	[sflag:s29] =	ssyncset.done $0x0  }
0x33: {  	s26 =	simm.s32 $0x5000;
	[sflag:s29] =	ssyncadd.s32 $0xFFFFE000  }
0x34: {  	[spmem:s2] =	stream.indirect.scatter.add.f32 [tilespmem:s21], [sflag:$0x5], $0x40, s26, s20, $0xb8;
	[tilespmem:$0x1BE00] =	vst v63  }
0x35: {  	_ =	swait.ge [sflag:s30], $0x2000  }
0x36: {  	[sflag:s30] =	ssyncset.done $0x0  }
0x37: {  	s7 =	simm.s32 $0x5080;
	[sflag:s30] =	ssyncadd.s32 $0xFFFFE000  }
0x38: {  	[spmem:s2] =	stream.indirect.scatter.add.f32 [tilespmem:s22], [sflag:$0x6], $0x40, s7, s20, $0xb8;
	[tilespmem:$0x1BE00] =	vst v63  }
0x39: {  	_ =	swait.ge [sflag:s31], $0x2000  }
0x3a: {  	[sflag:s31] =	ssyncset.done $0x0  }
0x3b: {  	s26 =	simm.s32 $0x5100;
	[sflag:s31] =	ssyncadd.s32 $0xFFFFE000  }
0x3c: {  	[spmem:s2] =	stream.indirect.scatter.add.f32 [tilespmem:s24], [sflag:$0x7], $0x40, s26, s20, $0xb8;
	[tilespmem:$0x1BE00] =	vst v63  }
0x3d: {  	_ =	swait.ge [sflag:s1], $0x2000  }
0x3e: {  	[sflag:s1] =	ssyncset.done $0x0  }
0x3f: {  	s7 =	simm.s32 $0x5180;
	[sflag:s1] =	ssyncadd.s32 $0xFFFFE000  }
0x40: {  	[spmem:s2] =	stream.indirect.scatter.add.f32 [tilespmem:s28], [sflag:$0x8], $0x40, s7, s20, $0xb8;
	[tilespmem:$0x1BE00] =	vst v63  }
0x41: {  	_ =	swait.ge [sflag:s0], $0x2000  }
0x42: {  	[sflag:s0] =	ssyncset.done $0x0  }
0x43: {  	s26 =	simm.s32 $0x200;
	[sflag:s0] =	ssyncadd.s32 $0xFFFFE000  }
0x44: {  	[tilespmem:s21], [sflag:$0x1] =	stream.indirect.gather [hbm4b:s11+s20], $0x40, s26, s20, $0xb8;
	[tilespmem:$0x1BE00] =	vst v63  }
0x45: {  	_ =	swait.ge [sflag:s17], $0x2000  }
0x46: {  	[sflag:s17] =	ssyncset.done $0x0  }
0x47: {  	s7 =	simm.s32 $0x280;
	[sflag:s17] =	ssyncadd.s32 $0xFFFFE000  }
0x48: {  	[tilespmem:s22], [sflag:$0x2] =	stream.indirect.gather [hbm4b:s11+s20], $0x40, s7, s20, $0xb8;
	[tilespmem:$0x1BE00] =	vst v63  }
0x49: {  	_ =	swait.ge [sflag:s18], $0x2000  }
0x4a: {  	[sflag:s18] =	ssyncset.done $0x0  }
0x4b: {  	s26 =	simm.s32 $0x300;
	[sflag:s18] =	ssyncadd.s32 $0xFFFFE000  }
0x4c: {  	[tilespmem:s24], [sflag:$0x3] =	stream.indirect.gather [hbm4b:s11+s20], $0x40, s26, s20, $0xb8;
	[tilespmem:$0x1BE00] =	vst v63  }
0x4d: {  	_ =	swait.ge [sflag:s19], $0x2000  }
0x4e: {  	[sflag:s19] =	ssyncset.done $0x0  }
0x4f: {  	s4 =	simm.s32 $0x380;
	s26 =	simm.s32 $0x800;
	[sflag:s19] =	ssyncadd.s32 $0xFFFFE000  }
.LBB2_2:
0x50: {  	[tilespmem:s28], [sflag:$0x4] =	stream.indirect.gather [hbm4b:s11+s20], $0x40, s4, s20, $0xb8;
	[tilespmem:$0x1BE00] =	vst v63  }
0x51: {  	s4 =	smov.u32 s26  }
0x52: {  	p1 =	sne.s32 s26, $0x13000;
	s26 =	sadd.s32 $0x800, s26;
	_ =	swait.ge [sflag:s29], $0x2000  }
0x53: {  	s4 =	sshra.s32 s4, $0x2;
	[sflag:s29] =	ssyncset.done $0x0  }
0x54: {  	s7 =	sadd.s32 $0x5000, s4;
	[sflag:s29] =	ssyncadd.s32 $0xFFFFE000  }
0x55: {  	[spmem:s2] =	stream.indirect.scatter.add.f32 [tilespmem:s21], [sflag:$0x5], $0x40, s7, s20, $0xb8;
	[tilespmem:$0x1BE00] =	vst v63  }
0x56: {  	_ =	swait.ge [sflag:s30], $0x2000  }
0x57: {  	[sflag:s30] =	ssyncset.done $0x0  }
0x58: {  	s7 =	sadd.s32 $0x5080, s4;
	[sflag:s30] =	ssyncadd.s32 $0xFFFFE000  }
0x59: {  	[spmem:s2] =	stream.indirect.scatter.add.f32 [tilespmem:s22], [sflag:$0x6], $0x40, s7, s20, $0xb8;
	[tilespmem:$0x1BE00] =	vst v63  }
0x5a: {  	_ =	swait.ge [sflag:s31], $0x2000  }
0x5b: {  	[sflag:s31] =	ssyncset.done $0x0  }
0x5c: {  	s7 =	sadd.s32 $0x5100, s4;
	[sflag:s31] =	ssyncadd.s32 $0xFFFFE000  }
0x5d: {  	[spmem:s2] =	stream.indirect.scatter.add.f32 [tilespmem:s24], [sflag:$0x7], $0x40, s7, s20, $0xb8;
	[tilespmem:$0x1BE00] =	vst v63  }
0x5e: {  	_ =	swait.ge [sflag:s1], $0x2000  }
0x5f: {  	[sflag:s1] =	ssyncset.done $0x0  }
0x60: {  	s7 =	sadd.s32 $0x5180, s4;
	[sflag:s1] =	ssyncadd.s32 $0xFFFFE000  }
0x61: {  	[spmem:s2] =	stream.indirect.scatter.add.f32 [tilespmem:s28], [sflag:$0x8], $0x40, s7, s20, $0xb8;
	[tilespmem:$0x1BE00] =	vst v63  }
0x62: {  	_ =	swait.ge [sflag:s0], $0x2000  }
0x63: {  	[sflag:s0] =	ssyncset.done $0x0  }
0x64: {  	s7 =	sadd.s32 $0x200, s4;
	[sflag:s0] =	ssyncadd.s32 $0xFFFFE000  }
0x65: {  	[tilespmem:s21], [sflag:$0x1] =	stream.indirect.gather [hbm4b:s11+s20], $0x40, s7, s20, $0xb8;
	[tilespmem:$0x1BE00] =	vst v63  }
0x66: {  	_ =	swait.ge [sflag:s17], $0x2000  }
0x67: {  	[sflag:s17] =	ssyncset.done $0x0  }
0x68: {  	s7 =	sadd.s32 $0x280, s4;
	[sflag:s17] =	ssyncadd.s32 $0xFFFFE000  }
0x69: {  	[tilespmem:s22], [sflag:$0x2] =	stream.indirect.gather [hbm4b:s11+s20], $0x40, s7, s20, $0xb8;
	[tilespmem:$0x1BE00] =	vst v63  }
0x6a: {  	_ =	swait.ge [sflag:s18], $0x2000  }
0x6b: {  	[sflag:s18] =	ssyncset.done $0x0  }
.Ltmp0:
0x6c: {  	s7 =	sadd.s32 $0x300, s4;
	[sflag:s18] =	ssyncadd.s32 $0xFFFFE000;
	(pc) =	sbr.rel @p1 .LBB2_2-.Ltmp0, $4  }
0x6d: {  	[tilespmem:s24], [sflag:$0x3] =	stream.indirect.gather [hbm4b:s11+s20], $0x40, s7, s20, $0xb8;
	[tilespmem:$0x1BE00] =	vst v63  }
0x6e: {  	_ =	swait.ge [sflag:s19], $0x2000  }
0x6f: {  	[sflag:s19] =	ssyncset.done $0x0  }
0x70: {  	s4 =	sadd.s32 $0x380, s4;
	[sflag:s19] =	ssyncadd.s32 $0xFFFFE000  }
0x71: {  	[tilespmem:s28], [sflag:$0x4] =	stream.indirect.gather [hbm4b:s11+s20], $0x40, s4, s20, $0xb8;
	[tilespmem:$0x1BE00] =	vst v63  }
0x72: {  	_ =	swait.ge [sflag:s29], $0x2000  }
0x73: {  	[sflag:s29] =	ssyncset.done $0x0  }
0x74: {  	s7 =	simm.s32 $0x9E00;
	[sflag:s29] =	ssyncadd.s32 $0xFFFFE000  }
0x75: {  	[spmem:s2] =	stream.indirect.scatter.add.f32 [tilespmem:s21], [sflag:$0x5], $0x40, s7, s20, $0xb8;
	[tilespmem:$0x1BE00] =	vst v63  }
0x76: {  	_ =	swait.ge [sflag:s30], $0x2000  }
0x77: {  	[sflag:s30] =	ssyncset.done $0x0  }
0x78: {  	s26 =	simm.s32 $0x9E80;
	[sflag:s30] =	ssyncadd.s32 $0xFFFFE000  }
0x79: {  	[spmem:s2] =	stream.indirect.scatter.add.f32 [tilespmem:s22], [sflag:$0x6], $0x40, s26, s20, $0xb8;
	[tilespmem:$0x1BE00] =	vst v63  }
0x7a: {  	_ =	swait.ge [sflag:s31], $0x2000  }
0x7b: {  	[sflag:s31] =	ssyncset.done $0x0  }
0x7c: {  	s7 =	simm.s32 $0x9F00;
	[sflag:s31] =	ssyncadd.s32 $0xFFFFE000  }
0x7d: {  	[spmem:s2] =	stream.indirect.scatter.add.f32 [tilespmem:s24], [sflag:$0x7], $0x40, s7, s20, $0xb8;
	[tilespmem:$0x1BE00] =	vst v63  }
0x7e: {  	_ =	swait.ge [sflag:s1], $0x2000  }
0x7f: {  	[sflag:s1] =	ssyncset.done $0x0  }
0x80: {  	s26 =	simm.s32 $0x9F80;
	[sflag:s1] =	ssyncadd.s32 $0xFFFFE000  }
0x81: {  	[spmem:s2] =	stream.indirect.scatter.add.f32 [tilespmem:s28], [sflag:$0x8], $0x40, s26, s20, $0xb8;
	[tilespmem:$0x1BE00] =	vst v63  }
0x82: {  	_ =	swait.ge [sflag:s0], $0x2000  }
0x83: {  	[sflag:s0] =	ssyncset.done $0x0  }
0x84: {  	[sflag:s0] =	ssyncadd.s32 $0xFFFFE000  }
0x85: {  	_ =	swait.ge [sflag:s17], $0x2000  }
0x86: {  	[sflag:s17] =	ssyncset.done $0x0  }
0x87: {  	[sflag:s17] =	ssyncadd.s32 $0xFFFFE000  }
0x88: {  	_ =	swait.ge [sflag:s18], $0x2000  }
0x89: {  	[sflag:s18] =	ssyncset.done $0x0  }
0x8a: {  	[sflag:s18] =	ssyncadd.s32 $0xFFFFE000  }
0x8b: {  	_ =	swait.ge [sflag:s19], $0x2000  }
0x8c: {  	[sflag:s19] =	ssyncset.done $0x0  }
0x8d: {  	[sflag:s19] =	ssyncadd.s32 $0xFFFFE000  }
0x8e: {  	s4 =	simm.s32 @p0 $0x9;
	[bflag:$0x0] =	sbarrier.arrive $0xFFFF  }
0x8f: {  	[hbm:s13], [sflag:s6] =	dma.local @p0 [spmem:s25], $0x1040  }
0x90: {  	_ =	swait.ge @p0 [sflag:s4], $0x1040  }
0x91: {  	s23 =	sadd.s32 $0x1, s23;
	[sflag:s4] =	ssyncset.done @p0 $0x0  }
0x92: {  	p1 =	sne.s32 s23, s14;
	[sflag:s4] =	ssyncadd.s32 @p0 $0xFFFFEFC0;
	s4 =	sshrl.u32 @!p0 s5, $0x3  }
0x93: {  	[hbm:s12], [sflag:s6] =	dma.local @!p0 [spmem:s4], $0x13C0  }
.Ltmp1:
0x94: {  	_ = 	snop;
	(pc) =	sbr.rel @p1 .LBB2_1-.Ltmp1, $4  }
0x95: {  	s4 =	simm.s32 @!p0 $0x9  }
0x96: {  	_ =	swait.ge @!p0 [sflag:s4], $0x13C0  }
0x97: {  	[sflag:s4] =	ssyncset.done @!p0 $0x0  }
0x98: {  	[sflag:s4] =	ssyncadd.s32 @!p0 $0xFFFFEC40  }
0x99: {  	_ =	sfence.sel $0x180000  }
0x9a: {  	[bflag:$0x0] =	sbarrier.arrive $0xFFFF  }
0x9b: {  	_ =	strace $0x90000047  }
0x9c: {  	s0 =	stileid.u32;
	[bflag:$0x2] =	sbarrier.arrive $0xFFFF  }
0x9d: {  	p0 =	sne.s32 s0, $0x0;
	s0 =	rddreg [dreg:$0x2]  }
0x9e: {  	s0 =	sadd.s32 @!p0 $0x100000, s0  }
0x9f: {  	[sflag:s0] =	ssyncadd.tile.s32 @!p0 $0x1;
	_ =	shalt  }
.Lfunc_end2:
_tile_overlayer_lowered:
.L_overlay_start_2:
0xa0: {  	(tag) =	ssettag $0x2  }
0xa1: {  	s0 =	rddreg [dreg:$0x0];
	s2 =	stileid.u32  }
0xa2: {  	s1 =	rddreg [dreg:$0x1];
	p0 =	sne.s32 s2, $0x0  }
0xa3: {  	s3 =	rddreg [dreg:$0x2];
	[bflag:$0x3] =	sbarrier.arrive $0xFFFF;
	s2 =	simm.s32 @!p0 $0x1C09  }
0xa4: {  	[timem:s3], [sflag:s2] =	dma.local @!p0 [hbm:s0], s1  }
0xa5: {  	s0 =	simm.s32 @!p0 $0x9  }
0xa6: {  	_ =	swait.ge @!p0 [sflag:s0], s1  }
0xa7: {  	s1 =	ssub.s32 @!p0 $0x0, s1;
	[sflag:s0] =	ssyncset.done @!p0 $0x0  }
0xa8: {  	[sflag:s0] =	ssyncadd.s32 @!p0 s1  }
0xa9: {  	[bflag:$0x3] =	sbarrier.arrive $0xFFFF  }
0xaa: {  	_ =	shalt  }

</sc_bundles>
